<compile_context>
chip_gen: v7x
topology: tpu7x:2x2x1
jax: 0.10.2.dev20260603
libtpu: 0.0.44.dev20260713+nightly
codegen_flags: <defaults>
</compile_context>

<pallas_src>
import functools

import jax
import jax.numpy as jnp
from jax import lax
from jax.experimental import pallas as pl
from jax.experimental.pallas import tpu as pltpu
from jax.experimental.pallas import tpu_sc as plsc

N_TOK = 32768
D_EMB = 512
S_DIM = 256

NC = 2
NS = 16
NW = NC * NS

P = 2
N_PIECE = N_TOK // P
B_PER_W = N_PIECE // NW
CHUNK = 64
NCHUNK = B_PER_W // CHUNK
GROUPS = D_EMB // 32

BM = 1024

def _sc_gather_piece(word_chunks, table):
    mesh = plsc.VectorSubcoreMesh(core_axis_name="c", subcore_axis_name="s")

    @functools.partial(
        pl.kernel,
        mesh=mesh,
        out_type=jax.ShapeDtypeStruct((N_PIECE, D_EMB // 2), jnp.int32),
        scratch_types=[
            pltpu.VMEM((NCHUNK, CHUNK), jnp.int32),
            pltpu.VMEM((2, CHUNK, D_EMB), jnp.int32),
            pltpu.VMEM((2, CHUNK, D_EMB // 2), jnp.int32),
            pltpu.SemaphoreType.DMA,
            pltpu.SemaphoreType.DMA,
            pltpu.SemaphoreType.DMA,
            pltpu.SemaphoreType.DMA,
        ],
    )
    def k(idx_hbm, table_hbm, out_hbm, idx_v, bufs_f, bufs_h,
          sem0, sem1, osem0, osem1):
        wid = lax.axis_index("s") * NC + lax.axis_index("c")
        base = wid * B_PER_W
        pltpu.sync_copy(idx_hbm.at[wid], idx_v)
        table_i = table_hbm.bitcast(jnp.int32)
        sems = [sem0, sem1]
        osems = [osem0, osem1]
        cps = [None, None]
        ocps = [None, None]
        cps[0] = pltpu.async_copy(
            table_i.at[idx_v.at[0]], bufs_f.at[0], sems[0])
        for c in range(NCHUNK):
            b = c % 2
            if c + 1 < NCHUNK:
                cps[1 - b] = pltpu.async_copy(
                    table_i.at[idx_v.at[c + 1]],
                    bufs_f.at[1 - b], sems[1 - b])
            cps[b].wait()
            if ocps[b] is not None:
                ocps[b].wait()

            @plsc.parallel_loop(0, CHUNK * GROUPS, unroll=8)
            def _conv(i, _b=b):
                r = i >> 4
                g = i & (GROUPS - 1)
                c0 = g * 32
                ua = bufs_f[_b, r, pl.ds(c0, 16)]
                ub = bufs_f[_b, r, pl.ds(c0 + 16, 16)]
                rnd = jnp.int32(0x8000)
                wa = lax.shift_right_logical(ua + rnd, jnp.int32(16))
                wb = (ub + rnd) & jnp.int32(-65536)
                bufs_h[_b, r, pl.ds(g * 16, 16)] = wa | wb

            ocps[b] = pltpu.async_copy(
                bufs_h.at[b],
                out_hbm.at[pl.ds(base + c * CHUNK, CHUNK)],
                osems[b])
        for b in range(2):
            if ocps[b] is not None:
                ocps[b].wait()

    return k(word_chunks, table)


def _tc_mlp_piece(x, Wlo, Whi, b1, out, piece):
    row0 = piece * N_PIECE

    def body(*refs):
        if len(refs) == 8:
            x_ref, wl_ref, wh_ref, b_ref, _o_in, o_ref, acc_vmem, sem = refs
        else:
            x_ref, wl_ref, wh_ref, b_ref, o_ref, acc_vmem, sem = refs
        j = pl.program_id(0)
        xw = x_ref[...]
        xl = lax.bitcast_convert_type(
            xw << jnp.int32(16), jnp.float32).astype(jnp.bfloat16)
        xh = lax.bitcast_convert_type(
            xw & jnp.int32(-65536), jnp.float32).astype(jnp.bfloat16)
        acc = jnp.dot(xl, wl_ref[...], preferred_element_type=jnp.float32)
        acc += jnp.dot(xh, wh_ref[...], preferred_element_type=jnp.float32)
        acc_vmem[...] = jnp.tanh(acc + b_ref[...])
        cp = pltpu.make_async_copy(
            acc_vmem, o_ref.at[pl.ds(row0 + j * BM, BM)], sem)
        cp.start()
        cp.wait()

    in_specs = [
        pl.BlockSpec((BM, D_EMB // 2), lambda i: (i, 0)),
        pl.BlockSpec((D_EMB // 2, S_DIM), lambda i: (0, 0)),
        pl.BlockSpec((D_EMB // 2, S_DIM), lambda i: (0, 0)),
        pl.BlockSpec((1, S_DIM), lambda i: (0, 0)),
    ]
    operands = [x, Wlo, Whi, b1.reshape(1, S_DIM)]
    aliases = {}
    if out is not None:
        in_specs.append(pl.BlockSpec(memory_space=pl.ANY))
        operands.append(out)
        aliases = {4: 0}

    return pl.pallas_call(
        body,
        grid=(N_PIECE // BM,),
        in_specs=in_specs,
        out_specs=pl.BlockSpec(memory_space=pl.ANY),
        out_shape=jax.ShapeDtypeStruct((N_TOK, S_DIM), jnp.float32),
        scratch_shapes=[
            pltpu.VMEM((BM, S_DIM), jnp.float32),
            pltpu.SemaphoreType.DMA,
        ],
        input_output_aliases=aliases,
    )(*operands)


def kernel(word, word_embeddings, grammar_preterminates, W1, b1):
    del grammar_preterminates
    word_chunks = word.astype(jnp.int32).reshape(P, NW, NCHUNK, CHUNK)
    w4 = W1.reshape(GROUPS, 2, 16, S_DIM)
    Wlo = w4[:, 0].reshape(D_EMB // 2, S_DIM).astype(jnp.bfloat16)
    Whi = w4[:, 1].reshape(D_EMB // 2, S_DIM).astype(jnp.bfloat16)
    gathered = [_sc_gather_piece(word_chunks[p], word_embeddings)
                for p in range(P)]
    out = None
    for p in range(P):
        out = _tc_mlp_piece(gathered[p], Wlo, Whi, b1, out, p)
    return out

# --- scband reference (transcript-rebuilt; emitter-appended) ---
"""Pipeline reference for scband-nn-cyk-model-26671746908679 (READ-ONLY COPY).

The authoritative reference and input builder live on the scoring server;
editing this copy changes nothing except your own understanding.
"""

import jax, jax.numpy as jnp
import numpy as np

V = 100000
T = 64
D_EMB = 512
S_DIM = 256
N_TOK = 32768


def setup_inputs(seed: int = 0) -> dict:
    key = jax.random.key(seed)
    k1, k2, k3, k4 = jax.random.split(key, 4)
    word = jax.random.randint(k1, (N_TOK,), 0, V)
    word_embeddings = jax.random.normal(k2, (V, D_EMB), dtype=jnp.float32)
    grammar_preterminates = jax.random.uniform(k3, (T, V), dtype=jnp.float32)
    W1 = jax.random.normal(k4, (D_EMB, S_DIM), dtype=jnp.float32) * 0.05
    b1 = jnp.zeros((S_DIM,), dtype=jnp.float32)
    return {
        "word": word,
        "word_embeddings": word_embeddings,
        "grammar_preterminates": grammar_preterminates,
        "W1": W1,
        "b1": b1,
    }


def reference(word, word_embeddings, grammar_preterminates, W1, b1):
    # NN_CYK_Model.forward at t=0 (records just reset):
    # get_terminate_parses(w):
    #   - gather preterminal grammar probabilities grammar_preterminates[:, w]  (T per token)
    #   - feature = preterminate_feature_generation_model(word_embeddings[w])
    # With infuse_structure_only=True the feature is shared across all T parses,
    # and the t=0 forward returns the feature of the highest-probability parse,
    # which equals that shared feature. Batched over a ragged token stream.
    emb = jnp.take(word_embeddings, word, axis=0)                     # [N, D_EMB] gather (memory-bound)
    feature = jnp.tanh(emb @ W1 + b1)                                 # [N, S_DIM]
    probs = jnp.take(grammar_preterminates, word, axis=1).T           # [N, T] column gather
    best_idx = jnp.argmax(probs, axis=-1)                             # heapq.nlargest(1, ...) over parses
    del best_idx  # feature is shared across parse candidates at t=0
    return feature

if __name__ == "__main__":
    import jax
    _d = setup_inputs()
    print(jax.jit(kernel)(*tuple(_d.values())))

</pallas_src>

<mosaic_0001>
#map = affine_map<(d0, d1) -> (0, 0, 0)>
#map1 = affine_map<(d0, d1) -> (0, 0)>
module attributes {stable_mosaic.version = 14 : i64} {
  func.func @k(%arg0: i32, %arg1: i32, %arg2: memref<32x8x64xi32, #tpu.memory_space<hbm>>, %arg3: memref<100000x512xf32, #tpu.memory_space<hbm>>, %arg4: memref<16384x256xi32, #tpu.memory_space<hbm>>, %arg5: memref<8x64xi32, #tpu.memory_space<vmem>>, %arg6: memref<2x64x512xi32, #tpu.memory_space<vmem>>, %arg7: memref<2x64x256xi32, #tpu.memory_space<vmem>>, %arg8: memref<!tpu.dma_semaphore, #tpu.memory_space<semaphore_mem>>, %arg9: memref<!tpu.dma_semaphore, #tpu.memory_space<semaphore_mem>>, %arg10: memref<!tpu.dma_semaphore, #tpu.memory_space<semaphore_mem>>, %arg11: memref<!tpu.dma_semaphore, #tpu.memory_space<semaphore_mem>>) attributes {dimension_semantics = [#tpu.dimension_semantics<core_parallel>, #tpu.dimension_semantics<subcore_parallel>], iteration_bounds = array<i64: 2, 16>, scalar_prefetch = 0 : i64, scratch_operands = 7 : i64, tpu.core_type = #tpu.core_type<sc_vector_subcore>, window_params = [{transform_indices = #map}, {transform_indices = #map1}, {transform_indices = #map1}]} {
    %mul3A = arith.constant 2 : i32
    %mul3A_0 = arith.muli %arg1, %mul3A : i32
    %add3A = arith.addi %mul3A_0, %arg0 : i32
    %mul3A_1 = arith.constant 512 : i32
    %mul3A_2 = arith.muli %add3A, %mul3A_1 : i32
    "tpu.region"() ({
      %run_scoped3A = tpu.sem_alloc : memref<!tpu.dma_semaphore, #tpu.memory_space<semaphore_mem>>
      %dma_start3A_456 = arith.constant 0 : i32
      %dma_start3A_457 = arith.constant 0 : i32
      %dma_start3A_458 = tpu.memref_slice %arg2[%add3A, %dma_start3A_456, %dma_start3A_457] : memref<32x8x64xi32, #tpu.memory_space<hbm>> -> memref<1x8x64xi32, #tpu.memory_space<hbm>>
      %dma_start3A_459 = tpu.memref_squeeze %dma_start3A_458 : memref<1x8x64xi32, #tpu.memory_space<hbm>> -> memref<8x64xi32, #tpu.memory_space<hbm>>
      %dma_start3A_460 = arith.constant 0 : i32
      %dma_start3A_461 = arith.constant 0 : i32
      %dma_start3A_462 = tpu.memref_slice %arg2[%add3A, %dma_start3A_460, %dma_start3A_461] : memref<32x8x64xi32, #tpu.memory_space<hbm>> -> memref<1x8x64xi32, #tpu.memory_space<hbm>>
      %dma_start3A_463 = tpu.memref_squeeze %dma_start3A_462 : memref<1x8x64xi32, #tpu.memory_space<hbm>> -> memref<8x64xi32, #tpu.memory_space<hbm>>
      tpu.enqueue_dma source(%dma_start3A_463 : memref<8x64xi32, #tpu.memory_space<hbm>>) target(%arg5 : memref<8x64xi32, #tpu.memory_space<vmem>>) target_semaphore(%run_scoped3A : memref<!tpu.dma_semaphore, #tpu.memory_space<semaphore_mem>>)
      %dma_wait3A_464 = arith.constant 0 : i32
      %dma_wait3A_465 = arith.constant 0 : i32
      %dma_wait3A_466 = tpu.memref_slice %arg2[%add3A, %dma_wait3A_464, %dma_wait3A_465] : memref<32x8x64xi32, #tpu.memory_space<hbm>> -> memref<1x8x64xi32, #tpu.memory_space<hbm>>
      %dma_wait3A_467 = tpu.memref_squeeze %dma_wait3A_466 : memref<1x8x64xi32, #tpu.memory_space<hbm>> -> memref<8x64xi32, #tpu.memory_space<hbm>>
      %dma_wait3A_468 = arith.constant 0 : i32
      %dma_wait3A_469 = arith.constant 0 : i32
      %dma_wait3A_470 = tpu.memref_slice %arg2[%add3A, %dma_wait3A_468, %dma_wait3A_469] : memref<32x8x64xi32, #tpu.memory_space<hbm>> -> memref<1x8x64xi32, #tpu.memory_space<hbm>>
      %dma_wait3A_471 = tpu.memref_squeeze %dma_wait3A_470 : memref<1x8x64xi32, #tpu.memory_space<hbm>> -> memref<8x64xi32, #tpu.memory_space<hbm>>
      tpu.wait_dma2 semaphore(%run_scoped3A : memref<!tpu.dma_semaphore, #tpu.memory_space<semaphore_mem>>) src(%dma_wait3A_471 : memref<8x64xi32, #tpu.memory_space<hbm>>) dst(%arg5 : memref<8x64xi32, #tpu.memory_space<vmem>>)
      tpu.yield
    }) : () -> ()
    %dma_start3A = arith.constant 0 : i32
    %dma_start3A_3 = arith.constant 0 : i32
    %dma_start3A_4 = arith.constant 0 : i32
    %dma_start3A_5 = arith.constant 0 : i32
    %dma_start3A_6 = tpu.memref_slice %arg6[%dma_start3A_3, %dma_start3A_4, %dma_start3A_5] : memref<2x64x512xi32, #tpu.memory_space<vmem>> -> memref<1x64x512xi32, #tpu.memory_space<vmem>>
    %dma_start3A_7 = tpu.memref_squeeze %dma_start3A_6 : memref<1x64x512xi32, #tpu.memory_space<vmem>> -> memref<64x512xi32, #tpu.memory_space<vmem>>
    %dma_start3A_8 = arith.constant 0 : i32
    %dma_start3A_9 = tpu.memref_slice %arg5[%dma_start3A, %dma_start3A_8] : memref<8x64xi32, #tpu.memory_space<vmem>> -> memref<1x64xi32, #tpu.memory_space<vmem>>
    %dma_start3A_10 = tpu.memref_squeeze %dma_start3A_9 : memref<1x64xi32, #tpu.memory_space<vmem>> -> memref<64xi32, #tpu.memory_space<vmem>>
    %dma_start3A_11 = tpu.memref_bitcast %arg3 : memref<100000x512xf32, #tpu.memory_space<hbm>> -> memref<100000x512xi32, #tpu.memory_space<hbm>>
    %dma_start3A_12 = arith.constant 0 : i32
    %dma_start3A_13 = arith.constant 0 : i32
    %dma_start3A_14 = tpu.memref_slice %dma_start3A_11[%dma_start3A_12, %dma_start3A_13] : memref<100000x512xi32, #tpu.memory_space<hbm>> -> memref<100000x512xi32, #tpu.memory_space<hbm>>
    tpu.enqueue_indirect_dma source(%dma_start3A_14 : memref<100000x512xi32, #tpu.memory_space<hbm>>) target(%dma_start3A_7 : memref<64x512xi32, #tpu.memory_space<vmem>>) offsets(%dma_start3A_10 : memref<64xi32, #tpu.memory_space<vmem>>) semaphore(%arg8 : memref<!tpu.dma_semaphore, #tpu.memory_space<semaphore_mem>>)
    %dma_start3A_15 = arith.constant 1 : i32
    %dma_start3A_16 = arith.constant 1 : i32
    %dma_start3A_17 = arith.constant 0 : i32
    %dma_start3A_18 = arith.constant 0 : i32
    %dma_start3A_19 = tpu.memref_slice %arg6[%dma_start3A_16, %dma_start3A_17, %dma_start3A_18] : memref<2x64x512xi32, #tpu.memory_space<vmem>> -> memref<1x64x512xi32, #tpu.memory_space<vmem>>
    %dma_start3A_20 = tpu.memref_squeeze %dma_start3A_19 : memref<1x64x512xi32, #tpu.memory_space<vmem>> -> memref<64x512xi32, #tpu.memory_space<vmem>>
    %dma_start3A_21 = arith.constant 0 : i32
    %dma_start3A_22 = tpu.memref_slice %arg5[%dma_start3A_15, %dma_start3A_21] : memref<8x64xi32, #tpu.memory_space<vmem>> -> memref<1x64xi32, #tpu.memory_space<vmem>>
    %dma_start3A_23 = tpu.memref_squeeze %dma_start3A_22 : memref<1x64xi32, #tpu.memory_space<vmem>> -> memref<64xi32, #tpu.memory_space<vmem>>
    %dma_start3A_24 = tpu.memref_bitcast %arg3 : memref<100000x512xf32, #tpu.memory_space<hbm>> -> memref<100000x512xi32, #tpu.memory_space<hbm>>
    %dma_start3A_25 = arith.constant 0 : i32
    %dma_start3A_26 = arith.constant 0 : i32
    %dma_start3A_27 = tpu.memref_slice %dma_start3A_24[%dma_start3A_25, %dma_start3A_26] : memref<100000x512xi32, #tpu.memory_space<hbm>> -> memref<100000x512xi32, #tpu.memory_space<hbm>>
    tpu.enqueue_indirect_dma source(%dma_start3A_27 : memref<100000x512xi32, #tpu.memory_space<hbm>>) target(%dma_start3A_20 : memref<64x512xi32, #tpu.memory_space<vmem>>) offsets(%dma_start3A_23 : memref<64xi32, #tpu.memory_space<vmem>>) semaphore(%arg9 : memref<!tpu.dma_semaphore, #tpu.memory_space<semaphore_mem>>)
    %dma_wait3A = arith.constant 0 : i32
    %dma_wait3A_28 = arith.constant 0 : i32
    %dma_wait3A_29 = arith.constant 0 : i32
    %dma_wait3A_30 = arith.constant 0 : i32
    %dma_wait3A_31 = tpu.memref_slice %arg6[%dma_wait3A_28, %dma_wait3A_29, %dma_wait3A_30] : memref<2x64x512xi32, #tpu.memory_space<vmem>> -> memref<1x64x512xi32, #tpu.memory_space<vmem>>
    %dma_wait3A_32 = tpu.memref_squeeze %dma_wait3A_31 : memref<1x64x512xi32, #tpu.memory_space<vmem>> -> memref<64x512xi32, #tpu.memory_space<vmem>>
    %dma_wait3A_33 = arith.constant 0 : i32
    %dma_wait3A_34 = tpu.memref_slice %arg5[%dma_wait3A, %dma_wait3A_33] : memref<8x64xi32, #tpu.memory_space<vmem>> -> memref<1x64xi32, #tpu.memory_space<vmem>>
    %dma_wait3A_35 = tpu.memref_squeeze %dma_wait3A_34 : memref<1x64xi32, #tpu.memory_space<vmem>> -> memref<64xi32, #tpu.memory_space<vmem>>
    %dma_wait3A_36 = tpu.memref_bitcast %arg3 : memref<100000x512xf32, #tpu.memory_space<hbm>> -> memref<100000x512xi32, #tpu.memory_space<hbm>>
    %dma_wait3A_37 = arith.constant 0 : i32
    %dma_wait3A_38 = arith.constant 0 : i32
    %dma_wait3A_39 = tpu.memref_slice %dma_wait3A_36[%dma_wait3A_37, %dma_wait3A_38] : memref<100000x512xi32, #tpu.memory_space<hbm>> -> memref<100000x512xi32, #tpu.memory_space<hbm>>
    tpu.wait_indirect_dma semaphore(%arg8 : memref<!tpu.dma_semaphore, #tpu.memory_space<semaphore_mem>>) src(%dma_wait3A_39 : memref<100000x512xi32, #tpu.memory_space<hbm>>) dst(%dma_wait3A_32 : memref<64x512xi32, #tpu.memory_space<vmem>>)
    %parallel_loop3A = arith.constant 0 : i32
    %parallel_loop3A_40 = arith.constant 1024 : i32
    %parallel_loop3A_41 = arith.constant 1 : i32
    scf.for %parallel_loop3A_456 = %parallel_loop3A to %parallel_loop3A_40 step %parallel_loop3A_41  : i32 {
      %parallel_loop3A_457 = arith.constant 4 : i32
      %parallel_loop3A_458 = arith.shrsi %parallel_loop3A_456, %parallel_loop3A_457 : i32
      %parallel_loop3A_459 = arith.constant 15 : i32
      %parallel_loop3A_460 = arith.andi %parallel_loop3A_456, %parallel_loop3A_459 : i32
      %parallel_loop3A_461 = arith.constant 32 : i32
      %parallel_loop3A_462 = arith.muli %parallel_loop3A_460, %parallel_loop3A_461 : i32
      %parallel_loop3A_463 = arith.constant 0 : i32
      %parallel_loop3A_464 = arith.index_cast %parallel_loop3A_463 : i32 to index
      %parallel_loop3A_465 = arith.index_cast %parallel_loop3A_458 : i32 to index
      %parallel_loop3A_466 = arith.index_cast %parallel_loop3A_462 : i32 to index
      %parallel_loop3A_467 = tpu.vector_load %arg6[%parallel_loop3A_464, %parallel_loop3A_465, %parallel_loop3A_466] {strides = array<i32>} : memref<2x64x512xi32, #tpu.memory_space<vmem>>, vector<1x1x16xi32>,
      %parallel_loop3A_468 = vector.shape_cast %parallel_loop3A_467 : vector<1x1x16xi32> to vector<16xi32>
      %parallel_loop3A_469 = arith.constant 16 : i32
      %parallel_loop3A_470 = arith.addi %parallel_loop3A_462, %parallel_loop3A_469 : i32
      %parallel_loop3A_471 = arith.constant 0 : i32
      %parallel_loop3A_472 = arith.index_cast %parallel_loop3A_471 : i32 to index
      %parallel_loop3A_473 = arith.index_cast %parallel_loop3A_458 : i32 to index
      %parallel_loop3A_474 = arith.index_cast %parallel_loop3A_470 : i32 to index
      %parallel_loop3A_475 = tpu.vector_load %arg6[%parallel_loop3A_472, %parallel_loop3A_473, %parallel_loop3A_474] {strides = array<i32>} : memref<2x64x512xi32, #tpu.memory_space<vmem>>, vector<1x1x16xi32>,
      %parallel_loop3A_476 = vector.shape_cast %parallel_loop3A_475 : vector<1x1x16xi32> to vector<16xi32>
      %parallel_loop3A_477 = arith.constant 32768 : i32
      %parallel_loop3A_478 = vector.broadcast %parallel_loop3A_477 : i32 to vector<16xi32>
      %parallel_loop3A_479 = arith.addi %parallel_loop3A_468, %parallel_loop3A_478 : vector<16xi32>
      %parallel_loop3A_480 = arith.constant 16 : i32
      %parallel_loop3A_481 = vector.broadcast %parallel_loop3A_480 : i32 to vector<16xi32>
      %parallel_loop3A_482 = arith.shrui %parallel_loop3A_479, %parallel_loop3A_481 : vector<16xi32>
      %parallel_loop3A_483 = arith.constant 32768 : i32
      %parallel_loop3A_484 = vector.broadcast %parallel_loop3A_483 : i32 to vector<16xi32>
      %parallel_loop3A_485 = arith.addi %parallel_loop3A_476, %parallel_loop3A_484 : vector<16xi32>
      %parallel_loop3A_486 = arith.constant -65536 : i32
      %parallel_loop3A_487 = vector.broadcast %parallel_loop3A_486 : i32 to vector<16xi32>
      %parallel_loop3A_488 = arith.andi %parallel_loop3A_485, %parallel_loop3A_487 : vector<16xi32>
      %parallel_loop3A_489 = arith.ori %parallel_loop3A_482, %parallel_loop3A_488 : vector<16xi32>
      %parallel_loop3A_490 = arith.constant 16 : i32
      %parallel_loop3A_491 = arith.muli %parallel_loop3A_460, %parallel_loop3A_490 : i32
      %parallel_loop3A_492 = arith.constant 0 : i32
      %parallel_loop3A_493 = arith.index_cast %parallel_loop3A_492 : i32 to index
      %parallel_loop3A_494 = arith.index_cast %parallel_loop3A_458 : i32 to index
      %parallel_loop3A_495 = arith.index_cast %parallel_loop3A_491 : i32 to index
      %parallel_loop3A_496 = tpu.vector_load %arg7[%parallel_loop3A_493, %parallel_loop3A_494, %parallel_loop3A_495] {strides = array<i32>} : memref<2x64x256xi32, #tpu.memory_space<vmem>>, vector<1x1x16xi32>,
      %parallel_loop3A_497 = vector.shape_cast %parallel_loop3A_496 : vector<1x1x16xi32> to vector<16xi32>
      %parallel_loop3A_498 = vector.shape_cast %parallel_loop3A_489 : vector<16xi32> to vector<1x1x16xi32>
      tpu.vector_store %arg7[%parallel_loop3A_493, %parallel_loop3A_494, %parallel_loop3A_495], %parallel_loop3A_498 {strides = array<i32>} : memref<2x64x256xi32, #tpu.memory_space<vmem>>, vector<1x1x16xi32>,
    } {sc.loop_unroll_factor = 8 : i64, sc.parallel_access}
    %add3A_42 = arith.constant 0 : i32
    %add3A_43 = arith.addi %mul3A_2, %add3A_42 : i32
    %dma_start3A_44 = arith.constant 0 : i32
    %dma_start3A_45 = arith.constant 0 : i32
    %dma_start3A_46 = arith.constant 0 : i32
    %dma_start3A_47 = tpu.memref_slice %arg7[%dma_start3A_44, %dma_start3A_45, %dma_start3A_46] : memref<2x64x256xi32, #tpu.memory_space<vmem>> -> memref<1x64x256xi32, #tpu.memory_space<vmem>>
    %dma_start3A_48 = tpu.memref_squeeze %dma_start3A_47 : memref<1x64x256xi32, #tpu.memory_space<vmem>> -> memref<64x256xi32, #tpu.memory_space<vmem>>
    %dma_start3A_49 = arith.constant 0 : i32
    %dma_start3A_50 = tpu.memref_slice %arg4[%add3A_43, %dma_start3A_49] : memref<16384x256xi32, #tpu.memory_space<hbm>> -> memref<64x256xi32, #tpu.memory_space<hbm>>
    %dma_start3A_51 = arith.constant 0 : i32
    %dma_start3A_52 = tpu.memref_slice %arg4[%add3A_43, %dma_start3A_51] : memref<16384x256xi32, #tpu.memory_space<hbm>> -> memref<64x256xi32, #tpu.memory_space<hbm>>
    %dma_start3A_53 = arith.constant 0 : i32
    %dma_start3A_54 = arith.constant 0 : i32
    %dma_start3A_55 = tpu.memref_slice %arg7[%dma_start3A_44, %dma_start3A_53, %dma_start3A_54] : memref<2x64x256xi32, #tpu.memory_space<vmem>> -> memref<1x64x256xi32, #tpu.memory_space<vmem>>
    %dma_start3A_56 = tpu.memref_squeeze %dma_start3A_55 : memref<1x64x256xi32, #tpu.memory_space<vmem>> -> memref<64x256xi32, #tpu.memory_space<vmem>>
    tpu.enqueue_dma source(%dma_start3A_56 : memref<64x256xi32, #tpu.memory_space<vmem>>) target(%dma_start3A_52 : memref<64x256xi32, #tpu.memory_space<hbm>>) target_semaphore(%arg10 : memref<!tpu.dma_semaphore, #tpu.memory_space<semaphore_mem>>)
    %dma_start3A_57 = arith.constant 2 : i32
    %dma_start3A_58 = arith.constant 0 : i32
    %dma_start3A_59 = arith.constant 0 : i32
    %dma_start3A_60 = arith.constant 0 : i32
    %dma_start3A_61 = tpu.memref_slice %arg6[%dma_start3A_58, %dma_start3A_59, %dma_start3A_60] : memref<2x64x512xi32, #tpu.memory_space<vmem>> -> memref<1x64x512xi32, #tpu.memory_space<vmem>>
    %dma_start3A_62 = tpu.memref_squeeze %dma_start3A_61 : memref<1x64x512xi32, #tpu.memory_space<vmem>> -> memref<64x512xi32, #tpu.memory_space<vmem>>
    %dma_start3A_63 = arith.constant 0 : i32
    %dma_start3A_64 = tpu.memref_slice %arg5[%dma_start3A_57, %dma_start3A_63] : memref<8x64xi32, #tpu.memory_space<vmem>> -> memref<1x64xi32, #tpu.memory_space<vmem>>
    %dma_start3A_65 = tpu.memref_squeeze %dma_start3A_64 : memref<1x64xi32, #tpu.memory_space<vmem>> -> memref<64xi32, #tpu.memory_space<vmem>>
    %dma_start3A_66 = tpu.memref_bitcast %arg3 : memref<100000x512xf32, #tpu.memory_space<hbm>> -> memref<100000x512xi32, #tpu.memory_space<hbm>>
    %dma_start3A_67 = arith.constant 0 : i32
    %dma_start3A_68 = arith.constant 0 : i32
    %dma_start3A_69 = tpu.memref_slice %dma_start3A_66[%dma_start3A_67, %dma_start3A_68] : memref<100000x512xi32, #tpu.memory_space<hbm>> -> memref<100000x512xi32, #tpu.memory_space<hbm>>
    tpu.enqueue_indirect_dma source(%dma_start3A_69 : memref<100000x512xi32, #tpu.memory_space<hbm>>) target(%dma_start3A_62 : memref<64x512xi32, #tpu.memory_space<vmem>>) offsets(%dma_start3A_65 : memref<64xi32, #tpu.memory_space<vmem>>) semaphore(%arg8 : memref<!tpu.dma_semaphore, #tpu.memory_space<semaphore_mem>>)
    %dma_wait3A_70 = arith.constant 1 : i32
    %dma_wait3A_71 = arith.constant 1 : i32
    %dma_wait3A_72 = arith.constant 0 : i32
    %dma_wait3A_73 = arith.constant 0 : i32
    %dma_wait3A_74 = tpu.memref_slice %arg6[%dma_wait3A_71, %dma_wait3A_72, %dma_wait3A_73] : memref<2x64x512xi32, #tpu.memory_space<vmem>> -> memref<1x64x512xi32, #tpu.memory_space<vmem>>
    %dma_wait3A_75 = tpu.memref_squeeze %dma_wait3A_74 : memref<1x64x512xi32, #tpu.memory_space<vmem>> -> memref<64x512xi32, #tpu.memory_space<vmem>>
    %dma_wait3A_76 = arith.constant 0 : i32
    %dma_wait3A_77 = tpu.memref_slice %arg5[%dma_wait3A_70, %dma_wait3A_76] : memref<8x64xi32, #tpu.memory_space<vmem>> -> memref<1x64xi32, #tpu.memory_space<vmem>>
    %dma_wait3A_78 = tpu.memref_squeeze %dma_wait3A_77 : memref<1x64xi32, #tpu.memory_space<vmem>> -> memref<64xi32, #tpu.memory_space<vmem>>
    %dma_wait3A_79 = tpu.memref_bitcast %arg3 : memref<100000x512xf32, #tpu.memory_space<hbm>> -> memref<100000x512xi32, #tpu.memory_space<hbm>>
    %dma_wait3A_80 = arith.constant 0 : i32
    %dma_wait3A_81 = arith.constant 0 : i32
    %dma_wait3A_82 = tpu.memref_slice %dma_wait3A_79[%dma_wait3A_80, %dma_wait3A_81] : memref<100000x512xi32, #tpu.memory_space<hbm>> -> memref<100000x512xi32, #tpu.memory_space<hbm>>
    tpu.wait_indirect_dma semaphore(%arg9 : memref<!tpu.dma_semaphore, #tpu.memory_space<semaphore_mem>>) src(%dma_wait3A_82 : memref<100000x512xi32, #tpu.memory_space<hbm>>) dst(%dma_wait3A_75 : memref<64x512xi32, #tpu.memory_space<vmem>>)
    %parallel_loop3A_83 = arith.constant 0 : i32
    %parallel_loop3A_84 = arith.constant 1024 : i32
    %parallel_loop3A_85 = arith.constant 1 : i32
    scf.for %parallel_loop3A_456 = %parallel_loop3A_83 to %parallel_loop3A_84 step %parallel_loop3A_85  : i32 {
      %parallel_loop3A_457 = arith.constant 4 : i32
      %parallel_loop3A_458 = arith.shrsi %parallel_loop3A_456, %parallel_loop3A_457 : i32
      %parallel_loop3A_459 = arith.constant 15 : i32
      %parallel_loop3A_460 = arith.andi %parallel_loop3A_456, %parallel_loop3A_459 : i32
      %parallel_loop3A_461 = arith.constant 32 : i32
      %parallel_loop3A_462 = arith.muli %parallel_loop3A_460, %parallel_loop3A_461 : i32
      %parallel_loop3A_463 = arith.constant 1 : i32
      %parallel_loop3A_464 = arith.index_cast %parallel_loop3A_463 : i32 to index
      %parallel_loop3A_465 = arith.index_cast %parallel_loop3A_458 : i32 to index
      %parallel_loop3A_466 = arith.index_cast %parallel_loop3A_462 : i32 to index
      %parallel_loop3A_467 = tpu.vector_load %arg6[%parallel_loop3A_464, %parallel_loop3A_465, %parallel_loop3A_466] {strides = array<i32>} : memref<2x64x512xi32, #tpu.memory_space<vmem>>, vector<1x1x16xi32>,
      %parallel_loop3A_468 = vector.shape_cast %parallel_loop3A_467 : vector<1x1x16xi32> to vector<16xi32>
      %parallel_loop3A_469 = arith.constant 16 : i32
      %parallel_loop3A_470 = arith.addi %parallel_loop3A_462, %parallel_loop3A_469 : i32
      %parallel_loop3A_471 = arith.constant 1 : i32
      %parallel_loop3A_472 = arith.index_cast %parallel_loop3A_471 : i32 to index
      %parallel_loop3A_473 = arith.index_cast %parallel_loop3A_458 : i32 to index
      %parallel_loop3A_474 = arith.index_cast %parallel_loop3A_470 : i32 to index
      %parallel_loop3A_475 = tpu.vector_load %arg6[%parallel_loop3A_472, %parallel_loop3A_473, %parallel_loop3A_474] {strides = array<i32>} : memref<2x64x512xi32, #tpu.memory_space<vmem>>, vector<1x1x16xi32>,
      %parallel_loop3A_476 = vector.shape_cast %parallel_loop3A_475 : vector<1x1x16xi32> to vector<16xi32>
      %parallel_loop3A_477 = arith.constant 32768 : i32
      %parallel_loop3A_478 = vector.broadcast %parallel_loop3A_477 : i32 to vector<16xi32>
      %parallel_loop3A_479 = arith.addi %parallel_loop3A_468, %parallel_loop3A_478 : vector<16xi32>
      %parallel_loop3A_480 = arith.constant 16 : i32
      %parallel_loop3A_481 = vector.broadcast %parallel_loop3A_480 : i32 to vector<16xi32>
      %parallel_loop3A_482 = arith.shrui %parallel_loop3A_479, %parallel_loop3A_481 : vector<16xi32>
      %parallel_loop3A_483 = arith.constant 32768 : i32
      %parallel_loop3A_484 = vector.broadcast %parallel_loop3A_483 : i32 to vector<16xi32>
      %parallel_loop3A_485 = arith.addi %parallel_loop3A_476, %parallel_loop3A_484 : vector<16xi32>
      %parallel_loop3A_486 = arith.constant -65536 : i32
      %parallel_loop3A_487 = vector.broadcast %parallel_loop3A_486 : i32 to vector<16xi32>
      %parallel_loop3A_488 = arith.andi %parallel_loop3A_485, %parallel_loop3A_487 : vector<16xi32>
      %parallel_loop3A_489 = arith.ori %parallel_loop3A_482, %parallel_loop3A_488 : vector<16xi32>
      %parallel_loop3A_490 = arith.constant 16 : i32
      %parallel_loop3A_491 = arith.muli %parallel_loop3A_460, %parallel_loop3A_490 : i32
      %parallel_loop3A_492 = arith.constant 1 : i32
      %parallel_loop3A_493 = arith.index_cast %parallel_loop3A_492 : i32 to index
      %parallel_loop3A_494 = arith.index_cast %parallel_loop3A_458 : i32 to index
      %parallel_loop3A_495 = arith.index_cast %parallel_loop3A_491 : i32 to index
      %parallel_loop3A_496 = tpu.vector_load %arg7[%parallel_loop3A_493, %parallel_loop3A_494, %parallel_loop3A_495] {strides = array<i32>} : memref<2x64x256xi32, #tpu.memory_space<vmem>>, vector<1x1x16xi32>,
      %parallel_loop3A_497 = vector.shape_cast %parallel_loop3A_496 : vector<1x1x16xi32> to vector<16xi32>
      %parallel_loop3A_498 = vector.shape_cast %parallel_loop3A_489 : vector<16xi32> to vector<1x1x16xi32>
      tpu.vector_store %arg7[%parallel_loop3A_493, %parallel_loop3A_494, %parallel_loop3A_495], %parallel_loop3A_498 {strides = array<i32>} : memref<2x64x256xi32, #tpu.memory_space<vmem>>, vector<1x1x16xi32>,
    } {sc.loop_unroll_factor = 8 : i64, sc.parallel_access}
    %add3A_86 = arith.constant 64 : i32
    %add3A_87 = arith.addi %mul3A_2, %add3A_86 : i32
    %dma_start3A_88 = arith.constant 1 : i32
    %dma_start3A_89 = arith.constant 0 : i32
    %dma_start3A_90 = arith.constant 0 : i32
    %dma_start3A_91 = tpu.memref_slice %arg7[%dma_start3A_88, %dma_start3A_89, %dma_start3A_90] : memref<2x64x256xi32, #tpu.memory_space<vmem>> -> memref<1x64x256xi32, #tpu.memory_space<vmem>>
    %dma_start3A_92 = tpu.memref_squeeze %dma_start3A_91 : memref<1x64x256xi32, #tpu.memory_space<vmem>> -> memref<64x256xi32, #tpu.memory_space<vmem>>
    %dma_start3A_93 = arith.constant 0 : i32
    %dma_start3A_94 = tpu.memref_slice %arg4[%add3A_87, %dma_start3A_93] : memref<16384x256xi32, #tpu.memory_space<hbm>> -> memref<64x256xi32, #tpu.memory_space<hbm>>
    %dma_start3A_95 = arith.constant 0 : i32
    %dma_start3A_96 = tpu.memref_slice %arg4[%add3A_87, %dma_start3A_95] : memref<16384x256xi32, #tpu.memory_space<hbm>> -> memref<64x256xi32, #tpu.memory_space<hbm>>
    %dma_start3A_97 = arith.constant 0 : i32
    %dma_start3A_98 = arith.constant 0 : i32
    %dma_start3A_99 = tpu.memref_slice %arg7[%dma_start3A_88, %dma_start3A_97, %dma_start3A_98] : memref<2x64x256xi32, #tpu.memory_space<vmem>> -> memref<1x64x256xi32, #tpu.memory_space<vmem>>
    %dma_start3A_100 = tpu.memref_squeeze %dma_start3A_99 : memref<1x64x256xi32, #tpu.memory_space<vmem>> -> memref<64x256xi32, #tpu.memory_space<vmem>>
    tpu.enqueue_dma source(%dma_start3A_100 : memref<64x256xi32, #tpu.memory_space<vmem>>) target(%dma_start3A_96 : memref<64x256xi32, #tpu.memory_space<hbm>>) target_semaphore(%arg11 : memref<!tpu.dma_semaphore, #tpu.memory_space<semaphore_mem>>)
    %dma_start3A_101 = arith.constant 3 : i32
    %dma_start3A_102 = arith.constant 1 : i32
    %dma_start3A_103 = arith.constant 0 : i32
    %dma_start3A_104 = arith.constant 0 : i32
    %dma_start3A_105 = tpu.memref_slice %arg6[%dma_start3A_102, %dma_start3A_103, %dma_start3A_104] : memref<2x64x512xi32, #tpu.memory_space<vmem>> -> memref<1x64x512xi32, #tpu.memory_space<vmem>>
    %dma_start3A_106 = tpu.memref_squeeze %dma_start3A_105 : memref<1x64x512xi32, #tpu.memory_space<vmem>> -> memref<64x512xi32, #tpu.memory_space<vmem>>
    %dma_start3A_107 = arith.constant 0 : i32
    %dma_start3A_108 = tpu.memref_slice %arg5[%dma_start3A_101, %dma_start3A_107] : memref<8x64xi32, #tpu.memory_space<vmem>> -> memref<1x64xi32, #tpu.memory_space<vmem>>
    %dma_start3A_109 = tpu.memref_squeeze %dma_start3A_108 : memref<1x64xi32, #tpu.memory_space<vmem>> -> memref<64xi32, #tpu.memory_space<vmem>>
    %dma_start3A_110 = tpu.memref_bitcast %arg3 : memref<100000x512xf32, #tpu.memory_space<hbm>> -> memref<100000x512xi32, #tpu.memory_space<hbm>>
    %dma_start3A_111 = arith.constant 0 : i32
    %dma_start3A_112 = arith.constant 0 : i32
    %dma_start3A_113 = tpu.memref_slice %dma_start3A_110[%dma_start3A_111, %dma_start3A_112] : memref<100000x512xi32, #tpu.memory_space<hbm>> -> memref<100000x512xi32, #tpu.memory_space<hbm>>
    tpu.enqueue_indirect_dma source(%dma_start3A_113 : memref<100000x512xi32, #tpu.memory_space<hbm>>) target(%dma_start3A_106 : memref<64x512xi32, #tpu.memory_space<vmem>>) offsets(%dma_start3A_109 : memref<64xi32, #tpu.memory_space<vmem>>) semaphore(%arg9 : memref<!tpu.dma_semaphore, #tpu.memory_space<semaphore_mem>>)
    %dma_wait3A_114 = arith.constant 2 : i32
    %dma_wait3A_115 = arith.constant 0 : i32
    %dma_wait3A_116 = arith.constant 0 : i32
    %dma_wait3A_117 = arith.constant 0 : i32
    %dma_wait3A_118 = tpu.memref_slice %arg6[%dma_wait3A_115, %dma_wait3A_116, %dma_wait3A_117] : memref<2x64x512xi32, #tpu.memory_space<vmem>> -> memref<1x64x512xi32, #tpu.memory_space<vmem>>
    %dma_wait3A_119 = tpu.memref_squeeze %dma_wait3A_118 : memref<1x64x512xi32, #tpu.memory_space<vmem>> -> memref<64x512xi32, #tpu.memory_space<vmem>>
    %dma_wait3A_120 = arith.constant 0 : i32
    %dma_wait3A_121 = tpu.memref_slice %arg5[%dma_wait3A_114, %dma_wait3A_120] : memref<8x64xi32, #tpu.memory_space<vmem>> -> memref<1x64xi32, #tpu.memory_space<vmem>>
    %dma_wait3A_122 = tpu.memref_squeeze %dma_wait3A_121 : memref<1x64xi32, #tpu.memory_space<vmem>> -> memref<64xi32, #tpu.memory_space<vmem>>
    %dma_wait3A_123 = tpu.memref_bitcast %arg3 : memref<100000x512xf32, #tpu.memory_space<hbm>> -> memref<100000x512xi32, #tpu.memory_space<hbm>>
    %dma_wait3A_124 = arith.constant 0 : i32
    %dma_wait3A_125 = arith.constant 0 : i32
    %dma_wait3A_126 = tpu.memref_slice %dma_wait3A_123[%dma_wait3A_124, %dma_wait3A_125] : memref<100000x512xi32, #tpu.memory_space<hbm>> -> memref<100000x512xi32, #tpu.memory_space<hbm>>
    tpu.wait_indirect_dma semaphore(%arg8 : memref<!tpu.dma_semaphore, #tpu.memory_space<semaphore_mem>>) src(%dma_wait3A_126 : memref<100000x512xi32, #tpu.memory_space<hbm>>) dst(%dma_wait3A_119 : memref<64x512xi32, #tpu.memory_space<vmem>>)
    %dma_wait3A_127 = arith.constant 0 : i32
    %dma_wait3A_128 = arith.constant 0 : i32
    %dma_wait3A_129 = arith.constant 0 : i32
    %dma_wait3A_130 = tpu.memref_slice %arg7[%dma_wait3A_127, %dma_wait3A_128, %dma_wait3A_129] : memref<2x64x256xi32, #tpu.memory_space<vmem>> -> memref<1x64x256xi32, #tpu.memory_space<vmem>>
    %dma_wait3A_131 = tpu.memref_squeeze %dma_wait3A_130 : memref<1x64x256xi32, #tpu.memory_space<vmem>> -> memref<64x256xi32, #tpu.memory_space<vmem>>
    %dma_wait3A_132 = arith.constant 0 : i32
    %dma_wait3A_133 = tpu.memref_slice %arg4[%add3A_43, %dma_wait3A_132] : memref<16384x256xi32, #tpu.memory_space<hbm>> -> memref<64x256xi32, #tpu.memory_space<hbm>>
    %dma_wait3A_134 = arith.constant 0 : i32
    %dma_wait3A_135 = tpu.memref_slice %arg4[%add3A_43, %dma_wait3A_134] : memref<16384x256xi32, #tpu.memory_space<hbm>> -> memref<64x256xi32, #tpu.memory_space<hbm>>
    %dma_wait3A_136 = arith.constant 0 : i32
    %dma_wait3A_137 = arith.constant 0 : i32
    %dma_wait3A_138 = tpu.memref_slice %arg7[%dma_wait3A_127, %dma_wait3A_136, %dma_wait3A_137] : memref<2x64x256xi32, #tpu.memory_space<vmem>> -> memref<1x64x256xi32, #tpu.memory_space<vmem>>
    %dma_wait3A_139 = tpu.memref_squeeze %dma_wait3A_138 : memref<1x64x256xi32, #tpu.memory_space<vmem>> -> memref<64x256xi32, #tpu.memory_space<vmem>>
    tpu.wait_dma2 semaphore(%arg10 : memref<!tpu.dma_semaphore, #tpu.memory_space<semaphore_mem>>) src(%dma_wait3A_139 : memref<64x256xi32, #tpu.memory_space<vmem>>) dst(%dma_wait3A_135 : memref<64x256xi32, #tpu.memory_space<hbm>>)
    %parallel_loop3A_140 = arith.constant 0 : i32
    %parallel_loop3A_141 = arith.constant 1024 : i32
    %parallel_loop3A_142 = arith.constant 1 : i32
    scf.for %parallel_loop3A_456 = %parallel_loop3A_140 to %parallel_loop3A_141 step %parallel_loop3A_142  : i32 {
      %parallel_loop3A_457 = arith.constant 4 : i32
      %parallel_loop3A_458 = arith.shrsi %parallel_loop3A_456, %parallel_loop3A_457 : i32
      %parallel_loop3A_459 = arith.constant 15 : i32
      %parallel_loop3A_460 = arith.andi %parallel_loop3A_456, %parallel_loop3A_459 : i32
      %parallel_loop3A_461 = arith.constant 32 : i32
      %parallel_loop3A_462 = arith.muli %parallel_loop3A_460, %parallel_loop3A_461 : i32
      %parallel_loop3A_463 = arith.constant 0 : i32
      %parallel_loop3A_464 = arith.index_cast %parallel_loop3A_463 : i32 to index
      %parallel_loop3A_465 = arith.index_cast %parallel_loop3A_458 : i32 to index
      %parallel_loop3A_466 = arith.index_cast %parallel_loop3A_462 : i32 to index
      %parallel_loop3A_467 = tpu.vector_load %arg6[%parallel_loop3A_464, %parallel_loop3A_465, %parallel_loop3A_466] {strides = array<i32>} : memref<2x64x512xi32, #tpu.memory_space<vmem>>, vector<1x1x16xi32>,
      %parallel_loop3A_468 = vector.shape_cast %parallel_loop3A_467 : vector<1x1x16xi32> to vector<16xi32>
      %parallel_loop3A_469 = arith.constant 16 : i32
      %parallel_loop3A_470 = arith.addi %parallel_loop3A_462, %parallel_loop3A_469 : i32
      %parallel_loop3A_471 = arith.constant 0 : i32
      %parallel_loop3A_472 = arith.index_cast %parallel_loop3A_471 : i32 to index
      %parallel_loop3A_473 = arith.index_cast %parallel_loop3A_458 : i32 to index
      %parallel_loop3A_474 = arith.index_cast %parallel_loop3A_470 : i32 to index
      %parallel_loop3A_475 = tpu.vector_load %arg6[%parallel_loop3A_472, %parallel_loop3A_473, %parallel_loop3A_474] {strides = array<i32>} : memref<2x64x512xi32, #tpu.memory_space<vmem>>, vector<1x1x16xi32>,
      %parallel_loop3A_476 = vector.shape_cast %parallel_loop3A_475 : vector<1x1x16xi32> to vector<16xi32>
      %parallel_loop3A_477 = arith.constant 32768 : i32
      %parallel_loop3A_478 = vector.broadcast %parallel_loop3A_477 : i32 to vector<16xi32>
      %parallel_loop3A_479 = arith.addi %parallel_loop3A_468, %parallel_loop3A_478 : vector<16xi32>
      %parallel_loop3A_480 = arith.constant 16 : i32
      %parallel_loop3A_481 = vector.broadcast %parallel_loop3A_480 : i32 to vector<16xi32>
      %parallel_loop3A_482 = arith.shrui %parallel_loop3A_479, %parallel_loop3A_481 : vector<16xi32>
      %parallel_loop3A_483 = arith.constant 32768 : i32
      %parallel_loop3A_484 = vector.broadcast %parallel_loop3A_483 : i32 to vector<16xi32>
      %parallel_loop3A_485 = arith.addi %parallel_loop3A_476, %parallel_loop3A_484 : vector<16xi32>
      %parallel_loop3A_486 = arith.constant -65536 : i32
      %parallel_loop3A_487 = vector.broadcast %parallel_loop3A_486 : i32 to vector<16xi32>
      %parallel_loop3A_488 = arith.andi %parallel_loop3A_485, %parallel_loop3A_487 : vector<16xi32>
      %parallel_loop3A_489 = arith.ori %parallel_loop3A_482, %parallel_loop3A_488 : vector<16xi32>
      %parallel_loop3A_490 = arith.constant 16 : i32
      %parallel_loop3A_491 = arith.muli %parallel_loop3A_460, %parallel_loop3A_490 : i32
      %parallel_loop3A_492 = arith.constant 0 : i32
      %parallel_loop3A_493 = arith.index_cast %parallel_loop3A_492 : i32 to index
      %parallel_loop3A_494 = arith.index_cast %parallel_loop3A_458 : i32 to index
      %parallel_loop3A_495 = arith.index_cast %parallel_loop3A_491 : i32 to index
      %parallel_loop3A_496 = tpu.vector_load %arg7[%parallel_loop3A_493, %parallel_loop3A_494, %parallel_loop3A_495] {strides = array<i32>} : memref<2x64x256xi32, #tpu.memory_space<vmem>>, vector<1x1x16xi32>,
      %parallel_loop3A_497 = vector.shape_cast %parallel_loop3A_496 : vector<1x1x16xi32> to vector<16xi32>
      %parallel_loop3A_498 = vector.shape_cast %parallel_loop3A_489 : vector<16xi32> to vector<1x1x16xi32>
      tpu.vector_store %arg7[%parallel_loop3A_493, %parallel_loop3A_494, %parallel_loop3A_495], %parallel_loop3A_498 {strides = array<i32>} : memref<2x64x256xi32, #tpu.memory_space<vmem>>, vector<1x1x16xi32>,
    } {sc.loop_unroll_factor = 8 : i64, sc.parallel_access}
    %add3A_143 = arith.constant 128 : i32
    %add3A_144 = arith.addi %mul3A_2, %add3A_143 : i32
    %dma_start3A_145 = arith.constant 0 : i32
    %dma_start3A_146 = arith.constant 0 : i32
    %dma_start3A_147 = arith.constant 0 : i32
    %dma_start3A_148 = tpu.memref_slice %arg7[%dma_start3A_145, %dma_start3A_146, %dma_start3A_147] : memref<2x64x256xi32, #tpu.memory_space<vmem>> -> memref<1x64x256xi32, #tpu.memory_space<vmem>>
    %dma_start3A_149 = tpu.memref_squeeze %dma_start3A_148 : memref<1x64x256xi32, #tpu.memory_space<vmem>> -> memref<64x256xi32, #tpu.memory_space<vmem>>
    %dma_start3A_150 = arith.constant 0 : i32
    %dma_start3A_151 = tpu.memref_slice %arg4[%add3A_144, %dma_start3A_150] : memref<16384x256xi32, #tpu.memory_space<hbm>> -> memref<64x256xi32, #tpu.memory_space<hbm>>
    %dma_start3A_152 = arith.constant 0 : i32
    %dma_start3A_153 = tpu.memref_slice %arg4[%add3A_144, %dma_start3A_152] : memref<16384x256xi32, #tpu.memory_space<hbm>> -> memref<64x256xi32, #tpu.memory_space<hbm>>
    %dma_start3A_154 = arith.constant 0 : i32
    %dma_start3A_155 = arith.constant 0 : i32
    %dma_start3A_156 = tpu.memref_slice %arg7[%dma_start3A_145, %dma_start3A_154, %dma_start3A_155] : memref<2x64x256xi32, #tpu.memory_space<vmem>> -> memref<1x64x256xi32, #tpu.memory_space<vmem>>
    %dma_start3A_157 = tpu.memref_squeeze %dma_start3A_156 : memref<1x64x256xi32, #tpu.memory_space<vmem>> -> memref<64x256xi32, #tpu.memory_space<vmem>>
    tpu.enqueue_dma source(%dma_start3A_157 : memref<64x256xi32, #tpu.memory_space<vmem>>) target(%dma_start3A_153 : memref<64x256xi32, #tpu.memory_space<hbm>>) target_semaphore(%arg10 : memref<!tpu.dma_semaphore, #tpu.memory_space<semaphore_mem>>)
    %dma_start3A_158 = arith.constant 4 : i32
    %dma_start3A_159 = arith.constant 0 : i32
    %dma_start3A_160 = arith.constant 0 : i32
    %dma_start3A_161 = arith.constant 0 : i32
    %dma_start3A_162 = tpu.memref_slice %arg6[%dma_start3A_159, %dma_start3A_160, %dma_start3A_161] : memref<2x64x512xi32, #tpu.memory_space<vmem>> -> memref<1x64x512xi32, #tpu.memory_space<vmem>>
    %dma_start3A_163 = tpu.memref_squeeze %dma_start3A_162 : memref<1x64x512xi32, #tpu.memory_space<vmem>> -> memref<64x512xi32, #tpu.memory_space<vmem>>
    %dma_start3A_164 = arith.constant 0 : i32
    %dma_start3A_165 = tpu.memref_slice %arg5[%dma_start3A_158, %dma_start3A_164] : memref<8x64xi32, #tpu.memory_space<vmem>> -> memref<1x64xi32, #tpu.memory_space<vmem>>
    %dma_start3A_166 = tpu.memref_squeeze %dma_start3A_165 : memref<1x64xi32, #tpu.memory_space<vmem>> -> memref<64xi32, #tpu.memory_space<vmem>>
    %dma_start3A_167 = tpu.memref_bitcast %arg3 : memref<100000x512xf32, #tpu.memory_space<hbm>> -> memref<100000x512xi32, #tpu.memory_space<hbm>>
    %dma_start3A_168 = arith.constant 0 : i32
    %dma_start3A_169 = arith.constant 0 : i32
    %dma_start3A_170 = tpu.memref_slice %dma_start3A_167[%dma_start3A_168, %dma_start3A_169] : memref<100000x512xi32, #tpu.memory_space<hbm>> -> memref<100000x512xi32, #tpu.memory_space<hbm>>
    tpu.enqueue_indirect_dma source(%dma_start3A_170 : memref<100000x512xi32, #tpu.memory_space<hbm>>) target(%dma_start3A_163 : memref<64x512xi32, #tpu.memory_space<vmem>>) offsets(%dma_start3A_166 : memref<64xi32, #tpu.memory_space<vmem>>) semaphore(%arg8 : memref<!tpu.dma_semaphore, #tpu.memory_space<semaphore_mem>>)
    %dma_wait3A_171 = arith.constant 3 : i32
    %dma_wait3A_172 = arith.constant 1 : i32
    %dma_wait3A_173 = arith.constant 0 : i32
    %dma_wait3A_174 = arith.constant 0 : i32
    %dma_wait3A_175 = tpu.memref_slice %arg6[%dma_wait3A_172, %dma_wait3A_173, %dma_wait3A_174] : memref<2x64x512xi32, #tpu.memory_space<vmem>> -> memref<1x64x512xi32, #tpu.memory_space<vmem>>
    %dma_wait3A_176 = tpu.memref_squeeze %dma_wait3A_175 : memref<1x64x512xi32, #tpu.memory_space<vmem>> -> memref<64x512xi32, #tpu.memory_space<vmem>>
    %dma_wait3A_177 = arith.constant 0 : i32
    %dma_wait3A_178 = tpu.memref_slice %arg5[%dma_wait3A_171, %dma_wait3A_177] : memref<8x64xi32, #tpu.memory_space<vmem>> -> memref<1x64xi32, #tpu.memory_space<vmem>>
    %dma_wait3A_179 = tpu.memref_squeeze %dma_wait3A_178 : memref<1x64xi32, #tpu.memory_space<vmem>> -> memref<64xi32, #tpu.memory_space<vmem>>
    %dma_wait3A_180 = tpu.memref_bitcast %arg3 : memref<100000x512xf32, #tpu.memory_space<hbm>> -> memref<100000x512xi32, #tpu.memory_space<hbm>>
    %dma_wait3A_181 = arith.constant 0 : i32
    %dma_wait3A_182 = arith.constant 0 : i32
    %dma_wait3A_183 = tpu.memref_slice %dma_wait3A_180[%dma_wait3A_181, %dma_wait3A_182] : memref<100000x512xi32, #tpu.memory_space<hbm>> -> memref<100000x512xi32, #tpu.memory_space<hbm>>
    tpu.wait_indirect_dma semaphore(%arg9 : memref<!tpu.dma_semaphore, #tpu.memory_space<semaphore_mem>>) src(%dma_wait3A_183 : memref<100000x512xi32, #tpu.memory_space<hbm>>) dst(%dma_wait3A_176 : memref<64x512xi32, #tpu.memory_space<vmem>>)
    %dma_wait3A_184 = arith.constant 1 : i32
    %dma_wait3A_185 = arith.constant 0 : i32
    %dma_wait3A_186 = arith.constant 0 : i32
    %dma_wait3A_187 = tpu.memref_slice %arg7[%dma_wait3A_184, %dma_wait3A_185, %dma_wait3A_186] : memref<2x64x256xi32, #tpu.memory_space<vmem>> -> memref<1x64x256xi32, #tpu.memory_space<vmem>>
    %dma_wait3A_188 = tpu.memref_squeeze %dma_wait3A_187 : memref<1x64x256xi32, #tpu.memory_space<vmem>> -> memref<64x256xi32, #tpu.memory_space<vmem>>
    %dma_wait3A_189 = arith.constant 0 : i32
    %dma_wait3A_190 = tpu.memref_slice %arg4[%add3A_87, %dma_wait3A_189] : memref<16384x256xi32, #tpu.memory_space<hbm>> -> memref<64x256xi32, #tpu.memory_space<hbm>>
    %dma_wait3A_191 = arith.constant 0 : i32
    %dma_wait3A_192 = tpu.memref_slice %arg4[%add3A_87, %dma_wait3A_191] : memref<16384x256xi32, #tpu.memory_space<hbm>> -> memref<64x256xi32, #tpu.memory_space<hbm>>
    %dma_wait3A_193 = arith.constant 0 : i32
    %dma_wait3A_194 = arith.constant 0 : i32
    %dma_wait3A_195 = tpu.memref_slice %arg7[%dma_wait3A_184, %dma_wait3A_193, %dma_wait3A_194] : memref<2x64x256xi32, #tpu.memory_space<vmem>> -> memref<1x64x256xi32, #tpu.memory_space<vmem>>
    %dma_wait3A_196 = tpu.memref_squeeze %dma_wait3A_195 : memref<1x64x256xi32, #tpu.memory_space<vmem>> -> memref<64x256xi32, #tpu.memory_space<vmem>>
    tpu.wait_dma2 semaphore(%arg11 : memref<!tpu.dma_semaphore, #tpu.memory_space<semaphore_mem>>) src(%dma_wait3A_196 : memref<64x256xi32, #tpu.memory_space<vmem>>) dst(%dma_wait3A_192 : memref<64x256xi32, #tpu.memory_space<hbm>>)
    %parallel_loop3A_197 = arith.constant 0 : i32
    %parallel_loop3A_198 = arith.constant 1024 : i32
    %parallel_loop3A_199 = arith.constant 1 : i32
    scf.for %parallel_loop3A_456 = %parallel_loop3A_197 to %parallel_loop3A_198 step %parallel_loop3A_199  : i32 {
      %parallel_loop3A_457 = arith.constant 4 : i32
      %parallel_loop3A_458 = arith.shrsi %parallel_loop3A_456, %parallel_loop3A_457 : i32
      %parallel_loop3A_459 = arith.constant 15 : i32
      %parallel_loop3A_460 = arith.andi %parallel_loop3A_456, %parallel_loop3A_459 : i32
      %parallel_loop3A_461 = arith.constant 32 : i32
      %parallel_loop3A_462 = arith.muli %parallel_loop3A_460, %parallel_loop3A_461 : i32
      %parallel_loop3A_463 = arith.constant 1 : i32
      %parallel_loop3A_464 = arith.index_cast %parallel_loop3A_463 : i32 to index
      %parallel_loop3A_465 = arith.index_cast %parallel_loop3A_458 : i32 to index
      %parallel_loop3A_466 = arith.index_cast %parallel_loop3A_462 : i32 to index
      %parallel_loop3A_467 = tpu.vector_load %arg6[%parallel_loop3A_464, %parallel_loop3A_465, %parallel_loop3A_466] {strides = array<i32>} : memref<2x64x512xi32, #tpu.memory_space<vmem>>, vector<1x1x16xi32>,
      %parallel_loop3A_468 = vector.shape_cast %parallel_loop3A_467 : vector<1x1x16xi32> to vector<16xi32>
      %parallel_loop3A_469 = arith.constant 16 : i32
      %parallel_loop3A_470 = arith.addi %parallel_loop3A_462, %parallel_loop3A_469 : i32
      %parallel_loop3A_471 = arith.constant 1 : i32
      %parallel_loop3A_472 = arith.index_cast %parallel_loop3A_471 : i32 to index
      %parallel_loop3A_473 = arith.index_cast %parallel_loop3A_458 : i32 to index
      %parallel_loop3A_474 = arith.index_cast %parallel_loop3A_470 : i32 to index
      %parallel_loop3A_475 = tpu.vector_load %arg6[%parallel_loop3A_472, %parallel_loop3A_473, %parallel_loop3A_474] {strides = array<i32>} : memref<2x64x512xi32, #tpu.memory_space<vmem>>, vector<1x1x16xi32>,
      %parallel_loop3A_476 = vector.shape_cast %parallel_loop3A_475 : vector<1x1x16xi32> to vector<16xi32>
      %parallel_loop3A_477 = arith.constant 32768 : i32
      %parallel_loop3A_478 = vector.broadcast %parallel_loop3A_477 : i32 to vector<16xi32>
      %parallel_loop3A_479 = arith.addi %parallel_loop3A_468, %parallel_loop3A_478 : vector<16xi32>
      %parallel_loop3A_480 = arith.constant 16 : i32
      %parallel_loop3A_481 = vector.broadcast %parallel_loop3A_480 : i32 to vector<16xi32>
      %parallel_loop3A_482 = arith.shrui %parallel_loop3A_479, %parallel_loop3A_481 : vector<16xi32>
      %parallel_loop3A_483 = arith.constant 32768 : i32
      %parallel_loop3A_484 = vector.broadcast %parallel_loop3A_483 : i32 to vector<16xi32>
      %parallel_loop3A_485 = arith.addi %parallel_loop3A_476, %parallel_loop3A_484 : vector<16xi32>
      %parallel_loop3A_486 = arith.constant -65536 : i32
      %parallel_loop3A_487 = vector.broadcast %parallel_loop3A_486 : i32 to vector<16xi32>
      %parallel_loop3A_488 = arith.andi %parallel_loop3A_485, %parallel_loop3A_487 : vector<16xi32>
      %parallel_loop3A_489 = arith.ori %parallel_loop3A_482, %parallel_loop3A_488 : vector<16xi32>
      %parallel_loop3A_490 = arith.constant 16 : i32
      %parallel_loop3A_491 = arith.muli %parallel_loop3A_460, %parallel_loop3A_490 : i32
      %parallel_loop3A_492 = arith.constant 1 : i32
      %parallel_loop3A_493 = arith.index_cast %parallel_loop3A_492 : i32 to index
      %parallel_loop3A_494 = arith.index_cast %parallel_loop3A_458 : i32 to index
      %parallel_loop3A_495 = arith.index_cast %parallel_loop3A_491 : i32 to index
      %parallel_loop3A_496 = tpu.vector_load %arg7[%parallel_loop3A_493, %parallel_loop3A_494, %parallel_loop3A_495] {strides = array<i32>} : memref<2x64x256xi32, #tpu.memory_space<vmem>>, vector<1x1x16xi32>,
      %parallel_loop3A_497 = vector.shape_cast %parallel_loop3A_496 : vector<1x1x16xi32> to vector<16xi32>
      %parallel_loop3A_498 = vector.shape_cast %parallel_loop3A_489 : vector<16xi32> to vector<1x1x16xi32>
      tpu.vector_store %arg7[%parallel_loop3A_493, %parallel_loop3A_494, %parallel_loop3A_495], %parallel_loop3A_498 {strides = array<i32>} : memref<2x64x256xi32, #tpu.memory_space<vmem>>, vector<1x1x16xi32>,
    } {sc.loop_unroll_factor = 8 : i64, sc.parallel_access}
    %add3A_200 = arith.constant 192 : i32
    %add3A_201 = arith.addi %mul3A_2, %add3A_200 : i32
    %dma_start3A_202 = arith.constant 1 : i32
    %dma_start3A_203 = arith.constant 0 : i32
    %dma_start3A_204 = arith.constant 0 : i32
    %dma_start3A_205 = tpu.memref_slice %arg7[%dma_start3A_202, %dma_start3A_203, %dma_start3A_204] : memref<2x64x256xi32, #tpu.memory_space<vmem>> -> memref<1x64x256xi32, #tpu.memory_space<vmem>>
    %dma_start3A_206 = tpu.memref_squeeze %dma_start3A_205 : memref<1x64x256xi32, #tpu.memory_space<vmem>> -> memref<64x256xi32, #tpu.memory_space<vmem>>
    %dma_start3A_207 = arith.constant 0 : i32
    %dma_start3A_208 = tpu.memref_slice %arg4[%add3A_201, %dma_start3A_207] : memref<16384x256xi32, #tpu.memory_space<hbm>> -> memref<64x256xi32, #tpu.memory_space<hbm>>
    %dma_start3A_209 = arith.constant 0 : i32
    %dma_start3A_210 = tpu.memref_slice %arg4[%add3A_201, %dma_start3A_209] : memref<16384x256xi32, #tpu.memory_space<hbm>> -> memref<64x256xi32, #tpu.memory_space<hbm>>
    %dma_start3A_211 = arith.constant 0 : i32
    %dma_start3A_212 = arith.constant 0 : i32
    %dma_start3A_213 = tpu.memref_slice %arg7[%dma_start3A_202, %dma_start3A_211, %dma_start3A_212] : memref<2x64x256xi32, #tpu.memory_space<vmem>> -> memref<1x64x256xi32, #tpu.memory_space<vmem>>
    %dma_start3A_214 = tpu.memref_squeeze %dma_start3A_213 : memref<1x64x256xi32, #tpu.memory_space<vmem>> -> memref<64x256xi32, #tpu.memory_space<vmem>>
    tpu.enqueue_dma source(%dma_start3A_214 : memref<64x256xi32, #tpu.memory_space<vmem>>) target(%dma_start3A_210 : memref<64x256xi32, #tpu.memory_space<hbm>>) target_semaphore(%arg11 : memref<!tpu.dma_semaphore, #tpu.memory_space<semaphore_mem>>)
    %dma_start3A_215 = arith.constant 5 : i32
    %dma_start3A_216 = arith.constant 1 : i32
    %dma_start3A_217 = arith.constant 0 : i32
    %dma_start3A_218 = arith.constant 0 : i32
    %dma_start3A_219 = tpu.memref_slice %arg6[%dma_start3A_216, %dma_start3A_217, %dma_start3A_218] : memref<2x64x512xi32, #tpu.memory_space<vmem>> -> memref<1x64x512xi32, #tpu.memory_space<vmem>>
    %dma_start3A_220 = tpu.memref_squeeze %dma_start3A_219 : memref<1x64x512xi32, #tpu.memory_space<vmem>> -> memref<64x512xi32, #tpu.memory_space<vmem>>
    %dma_start3A_221 = arith.constant 0 : i32
    %dma_start3A_222 = tpu.memref_slice %arg5[%dma_start3A_215, %dma_start3A_221] : memref<8x64xi32, #tpu.memory_space<vmem>> -> memref<1x64xi32, #tpu.memory_space<vmem>>
    %dma_start3A_223 = tpu.memref_squeeze %dma_start3A_222 : memref<1x64xi32, #tpu.memory_space<vmem>> -> memref<64xi32, #tpu.memory_space<vmem>>
    %dma_start3A_224 = tpu.memref_bitcast %arg3 : memref<100000x512xf32, #tpu.memory_space<hbm>> -> memref<100000x512xi32, #tpu.memory_space<hbm>>
    %dma_start3A_225 = arith.constant 0 : i32
    %dma_start3A_226 = arith.constant 0 : i32
    %dma_start3A_227 = tpu.memref_slice %dma_start3A_224[%dma_start3A_225, %dma_start3A_226] : memref<100000x512xi32, #tpu.memory_space<hbm>> -> memref<100000x512xi32, #tpu.memory_space<hbm>>
    tpu.enqueue_indirect_dma source(%dma_start3A_227 : memref<100000x512xi32, #tpu.memory_space<hbm>>) target(%dma_start3A_220 : memref<64x512xi32, #tpu.memory_space<vmem>>) offsets(%dma_start3A_223 : memref<64xi32, #tpu.memory_space<vmem>>) semaphore(%arg9 : memref<!tpu.dma_semaphore, #tpu.memory_space<semaphore_mem>>)
    %dma_wait3A_228 = arith.constant 4 : i32
    %dma_wait3A_229 = arith.constant 0 : i32
    %dma_wait3A_230 = arith.constant 0 : i32
    %dma_wait3A_231 = arith.constant 0 : i32
    %dma_wait3A_232 = tpu.memref_slice %arg6[%dma_wait3A_229, %dma_wait3A_230, %dma_wait3A_231] : memref<2x64x512xi32, #tpu.memory_space<vmem>> -> memref<1x64x512xi32, #tpu.memory_space<vmem>>
    %dma_wait3A_233 = tpu.memref_squeeze %dma_wait3A_232 : memref<1x64x512xi32, #tpu.memory_space<vmem>> -> memref<64x512xi32, #tpu.memory_space<vmem>>
    %dma_wait3A_234 = arith.constant 0 : i32
    %dma_wait3A_235 = tpu.memref_slice %arg5[%dma_wait3A_228, %dma_wait3A_234] : memref<8x64xi32, #tpu.memory_space<vmem>> -> memref<1x64xi32, #tpu.memory_space<vmem>>
    %dma_wait3A_236 = tpu.memref_squeeze %dma_wait3A_235 : memref<1x64xi32, #tpu.memory_space<vmem>> -> memref<64xi32, #tpu.memory_space<vmem>>
    %dma_wait3A_237 = tpu.memref_bitcast %arg3 : memref<100000x512xf32, #tpu.memory_space<hbm>> -> memref<100000x512xi32, #tpu.memory_space<hbm>>
    %dma_wait3A_238 = arith.constant 0 : i32
    %dma_wait3A_239 = arith.constant 0 : i32
    %dma_wait3A_240 = tpu.memref_slice %dma_wait3A_237[%dma_wait3A_238, %dma_wait3A_239] : memref<100000x512xi32, #tpu.memory_space<hbm>> -> memref<100000x512xi32, #tpu.memory_space<hbm>>
    tpu.wait_indirect_dma semaphore(%arg8 : memref<!tpu.dma_semaphore, #tpu.memory_space<semaphore_mem>>) src(%dma_wait3A_240 : memref<100000x512xi32, #tpu.memory_space<hbm>>) dst(%dma_wait3A_233 : memref<64x512xi32, #tpu.memory_space<vmem>>)
    %dma_wait3A_241 = arith.constant 0 : i32
    %dma_wait3A_242 = arith.constant 0 : i32
    %dma_wait3A_243 = arith.constant 0 : i32
    %dma_wait3A_244 = tpu.memref_slice %arg7[%dma_wait3A_241, %dma_wait3A_242, %dma_wait3A_243] : memref<2x64x256xi32, #tpu.memory_space<vmem>> -> memref<1x64x256xi32, #tpu.memory_space<vmem>>
    %dma_wait3A_245 = tpu.memref_squeeze %dma_wait3A_244 : memref<1x64x256xi32, #tpu.memory_space<vmem>> -> memref<64x256xi32, #tpu.memory_space<vmem>>
    %dma_wait3A_246 = arith.constant 0 : i32
    %dma_wait3A_247 = tpu.memref_slice %arg4[%add3A_144, %dma_wait3A_246] : memref<16384x256xi32, #tpu.memory_space<hbm>> -> memref<64x256xi32, #tpu.memory_space<hbm>>
    %dma_wait3A_248 = arith.constant 0 : i32
    %dma_wait3A_249 = tpu.memref_slice %arg4[%add3A_144, %dma_wait3A_248] : memref<16384x256xi32, #tpu.memory_space<hbm>> -> memref<64x256xi32, #tpu.memory_space<hbm>>
    %dma_wait3A_250 = arith.constant 0 : i32
    %dma_wait3A_251 = arith.constant 0 : i32
    %dma_wait3A_252 = tpu.memref_slice %arg7[%dma_wait3A_241, %dma_wait3A_250, %dma_wait3A_251] : memref<2x64x256xi32, #tpu.memory_space<vmem>> -> memref<1x64x256xi32, #tpu.memory_space<vmem>>
    %dma_wait3A_253 = tpu.memref_squeeze %dma_wait3A_252 : memref<1x64x256xi32, #tpu.memory_space<vmem>> -> memref<64x256xi32, #tpu.memory_space<vmem>>
    tpu.wait_dma2 semaphore(%arg10 : memref<!tpu.dma_semaphore, #tpu.memory_space<semaphore_mem>>) src(%dma_wait3A_253 : memref<64x256xi32, #tpu.memory_space<vmem>>) dst(%dma_wait3A_249 : memref<64x256xi32, #tpu.memory_space<hbm>>)
    %parallel_loop3A_254 = arith.constant 0 : i32
    %parallel_loop3A_255 = arith.constant 1024 : i32
    %parallel_loop3A_256 = arith.constant 1 : i32
    scf.for %parallel_loop3A_456 = %parallel_loop3A_254 to %parallel_loop3A_255 step %parallel_loop3A_256  : i32 {
      %parallel_loop3A_457 = arith.constant 4 : i32
      %parallel_loop3A_458 = arith.shrsi %parallel_loop3A_456, %parallel_loop3A_457 : i32
      %parallel_loop3A_459 = arith.constant 15 : i32
      %parallel_loop3A_460 = arith.andi %parallel_loop3A_456, %parallel_loop3A_459 : i32
      %parallel_loop3A_461 = arith.constant 32 : i32
      %parallel_loop3A_462 = arith.muli %parallel_loop3A_460, %parallel_loop3A_461 : i32
      %parallel_loop3A_463 = arith.constant 0 : i32
      %parallel_loop3A_464 = arith.index_cast %parallel_loop3A_463 : i32 to index
      %parallel_loop3A_465 = arith.index_cast %parallel_loop3A_458 : i32 to index
      %parallel_loop3A_466 = arith.index_cast %parallel_loop3A_462 : i32 to index
      %parallel_loop3A_467 = tpu.vector_load %arg6[%parallel_loop3A_464, %parallel_loop3A_465, %parallel_loop3A_466] {strides = array<i32>} : memref<2x64x512xi32, #tpu.memory_space<vmem>>, vector<1x1x16xi32>,
      %parallel_loop3A_468 = vector.shape_cast %parallel_loop3A_467 : vector<1x1x16xi32> to vector<16xi32>
      %parallel_loop3A_469 = arith.constant 16 : i32
      %parallel_loop3A_470 = arith.addi %parallel_loop3A_462, %parallel_loop3A_469 : i32
      %parallel_loop3A_471 = arith.constant 0 : i32
      %parallel_loop3A_472 = arith.index_cast %parallel_loop3A_471 : i32 to index
      %parallel_loop3A_473 = arith.index_cast %parallel_loop3A_458 : i32 to index
      %parallel_loop3A_474 = arith.index_cast %parallel_loop3A_470 : i32 to index
      %parallel_loop3A_475 = tpu.vector_load %arg6[%parallel_loop3A_472, %parallel_loop3A_473, %parallel_loop3A_474] {strides = array<i32>} : memref<2x64x512xi32, #tpu.memory_space<vmem>>, vector<1x1x16xi32>,
      %parallel_loop3A_476 = vector.shape_cast %parallel_loop3A_475 : vector<1x1x16xi32> to vector<16xi32>
      %parallel_loop3A_477 = arith.constant 32768 : i32
      %parallel_loop3A_478 = vector.broadcast %parallel_loop3A_477 : i32 to vector<16xi32>
      %parallel_loop3A_479 = arith.addi %parallel_loop3A_468, %parallel_loop3A_478 : vector<16xi32>
      %parallel_loop3A_480 = arith.constant 16 : i32
      %parallel_loop3A_481 = vector.broadcast %parallel_loop3A_480 : i32 to vector<16xi32>
      %parallel_loop3A_482 = arith.shrui %parallel_loop3A_479, %parallel_loop3A_481 : vector<16xi32>
      %parallel_loop3A_483 = arith.constant 32768 : i32
      %parallel_loop3A_484 = vector.broadcast %parallel_loop3A_483 : i32 to vector<16xi32>
      %parallel_loop3A_485 = arith.addi %parallel_loop3A_476, %parallel_loop3A_484 : vector<16xi32>
      %parallel_loop3A_486 = arith.constant -65536 : i32
      %parallel_loop3A_487 = vector.broadcast %parallel_loop3A_486 : i32 to vector<16xi32>
      %parallel_loop3A_488 = arith.andi %parallel_loop3A_485, %parallel_loop3A_487 : vector<16xi32>
      %parallel_loop3A_489 = arith.ori %parallel_loop3A_482, %parallel_loop3A_488 : vector<16xi32>
      %parallel_loop3A_490 = arith.constant 16 : i32
      %parallel_loop3A_491 = arith.muli %parallel_loop3A_460, %parallel_loop3A_490 : i32
      %parallel_loop3A_492 = arith.constant 0 : i32
      %parallel_loop3A_493 = arith.index_cast %parallel_loop3A_492 : i32 to index
      %parallel_loop3A_494 = arith.index_cast %parallel_loop3A_458 : i32 to index
      %parallel_loop3A_495 = arith.index_cast %parallel_loop3A_491 : i32 to index
      %parallel_loop3A_496 = tpu.vector_load %arg7[%parallel_loop3A_493, %parallel_loop3A_494, %parallel_loop3A_495] {strides = array<i32>} : memref<2x64x256xi32, #tpu.memory_space<vmem>>, vector<1x1x16xi32>,
      %parallel_loop3A_497 = vector.shape_cast %parallel_loop3A_496 : vector<1x1x16xi32> to vector<16xi32>
      %parallel_loop3A_498 = vector.shape_cast %parallel_loop3A_489 : vector<16xi32> to vector<1x1x16xi32>
      tpu.vector_store %arg7[%parallel_loop3A_493, %parallel_loop3A_494, %parallel_loop3A_495], %parallel_loop3A_498 {strides = array<i32>} : memref<2x64x256xi32, #tpu.memory_space<vmem>>, vector<1x1x16xi32>,
    } {sc.loop_unroll_factor = 8 : i64, sc.parallel_access}
    %add3A_257 = arith.constant 256 : i32
    %add3A_258 = arith.addi %mul3A_2, %add3A_257 : i32
    %dma_start3A_259 = arith.constant 0 : i32
    %dma_start3A_260 = arith.constant 0 : i32
    %dma_start3A_261 = arith.constant 0 : i32
    %dma_start3A_262 = tpu.memref_slice %arg7[%dma_start3A_259, %dma_start3A_260, %dma_start3A_261] : memref<2x64x256xi32, #tpu.memory_space<vmem>> -> memref<1x64x256xi32, #tpu.memory_space<vmem>>
    %dma_start3A_263 = tpu.memref_squeeze %dma_start3A_262 : memref<1x64x256xi32, #tpu.memory_space<vmem>> -> memref<64x256xi32, #tpu.memory_space<vmem>>
    %dma_start3A_264 = arith.constant 0 : i32
    %dma_start3A_265 = tpu.memref_slice %arg4[%add3A_258, %dma_start3A_264] : memref<16384x256xi32, #tpu.memory_space<hbm>> -> memref<64x256xi32, #tpu.memory_space<hbm>>
    %dma_start3A_266 = arith.constant 0 : i32
    %dma_start3A_267 = tpu.memref_slice %arg4[%add3A_258, %dma_start3A_266] : memref<16384x256xi32, #tpu.memory_space<hbm>> -> memref<64x256xi32, #tpu.memory_space<hbm>>
    %dma_start3A_268 = arith.constant 0 : i32
    %dma_start3A_269 = arith.constant 0 : i32
    %dma_start3A_270 = tpu.memref_slice %arg7[%dma_start3A_259, %dma_start3A_268, %dma_start3A_269] : memref<2x64x256xi32, #tpu.memory_space<vmem>> -> memref<1x64x256xi32, #tpu.memory_space<vmem>>
    %dma_start3A_271 = tpu.memref_squeeze %dma_start3A_270 : memref<1x64x256xi32, #tpu.memory_space<vmem>> -> memref<64x256xi32, #tpu.memory_space<vmem>>
    tpu.enqueue_dma source(%dma_start3A_271 : memref<64x256xi32, #tpu.memory_space<vmem>>) target(%dma_start3A_267 : memref<64x256xi32, #tpu.memory_space<hbm>>) target_semaphore(%arg10 : memref<!tpu.dma_semaphore, #tpu.memory_space<semaphore_mem>>)
    %dma_start3A_272 = arith.constant 6 : i32
    %dma_start3A_273 = arith.constant 0 : i32
    %dma_start3A_274 = arith.constant 0 : i32
    %dma_start3A_275 = arith.constant 0 : i32
    %dma_start3A_276 = tpu.memref_slice %arg6[%dma_start3A_273, %dma_start3A_274, %dma_start3A_275] : memref<2x64x512xi32, #tpu.memory_space<vmem>> -> memref<1x64x512xi32, #tpu.memory_space<vmem>>
    %dma_start3A_277 = tpu.memref_squeeze %dma_start3A_276 : memref<1x64x512xi32, #tpu.memory_space<vmem>> -> memref<64x512xi32, #tpu.memory_space<vmem>>
    %dma_start3A_278 = arith.constant 0 : i32
    %dma_start3A_279 = tpu.memref_slice %arg5[%dma_start3A_272, %dma_start3A_278] : memref<8x64xi32, #tpu.memory_space<vmem>> -> memref<1x64xi32, #tpu.memory_space<vmem>>
    %dma_start3A_280 = tpu.memref_squeeze %dma_start3A_279 : memref<1x64xi32, #tpu.memory_space<vmem>> -> memref<64xi32, #tpu.memory_space<vmem>>
    %dma_start3A_281 = tpu.memref_bitcast %arg3 : memref<100000x512xf32, #tpu.memory_space<hbm>> -> memref<100000x512xi32, #tpu.memory_space<hbm>>
    %dma_start3A_282 = arith.constant 0 : i32
    %dma_start3A_283 = arith.constant 0 : i32
    %dma_start3A_284 = tpu.memref_slice %dma_start3A_281[%dma_start3A_282, %dma_start3A_283] : memref<100000x512xi32, #tpu.memory_space<hbm>> -> memref<100000x512xi32, #tpu.memory_space<hbm>>
    tpu.enqueue_indirect_dma source(%dma_start3A_284 : memref<100000x512xi32, #tpu.memory_space<hbm>>) target(%dma_start3A_277 : memref<64x512xi32, #tpu.memory_space<vmem>>) offsets(%dma_start3A_280 : memref<64xi32, #tpu.memory_space<vmem>>) semaphore(%arg8 : memref<!tpu.dma_semaphore, #tpu.memory_space<semaphore_mem>>)
    %dma_wait3A_285 = arith.constant 5 : i32
    %dma_wait3A_286 = arith.constant 1 : i32
    %dma_wait3A_287 = arith.constant 0 : i32
    %dma_wait3A_288 = arith.constant 0 : i32
    %dma_wait3A_289 = tpu.memref_slice %arg6[%dma_wait3A_286, %dma_wait3A_287, %dma_wait3A_288] : memref<2x64x512xi32, #tpu.memory_space<vmem>> -> memref<1x64x512xi32, #tpu.memory_space<vmem>>
    %dma_wait3A_290 = tpu.memref_squeeze %dma_wait3A_289 : memref<1x64x512xi32, #tpu.memory_space<vmem>> -> memref<64x512xi32, #tpu.memory_space<vmem>>
    %dma_wait3A_291 = arith.constant 0 : i32
    %dma_wait3A_292 = tpu.memref_slice %arg5[%dma_wait3A_285, %dma_wait3A_291] : memref<8x64xi32, #tpu.memory_space<vmem>> -> memref<1x64xi32, #tpu.memory_space<vmem>>
    %dma_wait3A_293 = tpu.memref_squeeze %dma_wait3A_292 : memref<1x64xi32, #tpu.memory_space<vmem>> -> memref<64xi32, #tpu.memory_space<vmem>>
    %dma_wait3A_294 = tpu.memref_bitcast %arg3 : memref<100000x512xf32, #tpu.memory_space<hbm>> -> memref<100000x512xi32, #tpu.memory_space<hbm>>
    %dma_wait3A_295 = arith.constant 0 : i32
    %dma_wait3A_296 = arith.constant 0 : i32
    %dma_wait3A_297 = tpu.memref_slice %dma_wait3A_294[%dma_wait3A_295, %dma_wait3A_296] : memref<100000x512xi32, #tpu.memory_space<hbm>> -> memref<100000x512xi32, #tpu.memory_space<hbm>>
    tpu.wait_indirect_dma semaphore(%arg9 : memref<!tpu.dma_semaphore, #tpu.memory_space<semaphore_mem>>) src(%dma_wait3A_297 : memref<100000x512xi32, #tpu.memory_space<hbm>>) dst(%dma_wait3A_290 : memref<64x512xi32, #tpu.memory_space<vmem>>)
    %dma_wait3A_298 = arith.constant 1 : i32
    %dma_wait3A_299 = arith.constant 0 : i32
    %dma_wait3A_300 = arith.constant 0 : i32
    %dma_wait3A_301 = tpu.memref_slice %arg7[%dma_wait3A_298, %dma_wait3A_299, %dma_wait3A_300] : memref<2x64x256xi32, #tpu.memory_space<vmem>> -> memref<1x64x256xi32, #tpu.memory_space<vmem>>
    %dma_wait3A_302 = tpu.memref_squeeze %dma_wait3A_301 : memref<1x64x256xi32, #tpu.memory_space<vmem>> -> memref<64x256xi32, #tpu.memory_space<vmem>>
    %dma_wait3A_303 = arith.constant 0 : i32
    %dma_wait3A_304 = tpu.memref_slice %arg4[%add3A_201, %dma_wait3A_303] : memref<16384x256xi32, #tpu.memory_space<hbm>> -> memref<64x256xi32, #tpu.memory_space<hbm>>
    %dma_wait3A_305 = arith.constant 0 : i32
    %dma_wait3A_306 = tpu.memref_slice %arg4[%add3A_201, %dma_wait3A_305] : memref<16384x256xi32, #tpu.memory_space<hbm>> -> memref<64x256xi32, #tpu.memory_space<hbm>>
    %dma_wait3A_307 = arith.constant 0 : i32
    %dma_wait3A_308 = arith.constant 0 : i32
    %dma_wait3A_309 = tpu.memref_slice %arg7[%dma_wait3A_298, %dma_wait3A_307, %dma_wait3A_308] : memref<2x64x256xi32, #tpu.memory_space<vmem>> -> memref<1x64x256xi32, #tpu.memory_space<vmem>>
    %dma_wait3A_310 = tpu.memref_squeeze %dma_wait3A_309 : memref<1x64x256xi32, #tpu.memory_space<vmem>> -> memref<64x256xi32, #tpu.memory_space<vmem>>
    tpu.wait_dma2 semaphore(%arg11 : memref<!tpu.dma_semaphore, #tpu.memory_space<semaphore_mem>>) src(%dma_wait3A_310 : memref<64x256xi32, #tpu.memory_space<vmem>>) dst(%dma_wait3A_306 : memref<64x256xi32, #tpu.memory_space<hbm>>)
    %parallel_loop3A_311 = arith.constant 0 : i32
    %parallel_loop3A_312 = arith.constant 1024 : i32
    %parallel_loop3A_313 = arith.constant 1 : i32
    scf.for %parallel_loop3A_456 = %parallel_loop3A_311 to %parallel_loop3A_312 step %parallel_loop3A_313  : i32 {
      %parallel_loop3A_457 = arith.constant 4 : i32
      %parallel_loop3A_458 = arith.shrsi %parallel_loop3A_456, %parallel_loop3A_457 : i32
      %parallel_loop3A_459 = arith.constant 15 : i32
      %parallel_loop3A_460 = arith.andi %parallel_loop3A_456, %parallel_loop3A_459 : i32
      %parallel_loop3A_461 = arith.constant 32 : i32
      %parallel_loop3A_462 = arith.muli %parallel_loop3A_460, %parallel_loop3A_461 : i32
      %parallel_loop3A_463 = arith.constant 1 : i32
      %parallel_loop3A_464 = arith.index_cast %parallel_loop3A_463 : i32 to index
      %parallel_loop3A_465 = arith.index_cast %parallel_loop3A_458 : i32 to index
      %parallel_loop3A_466 = arith.index_cast %parallel_loop3A_462 : i32 to index
      %parallel_loop3A_467 = tpu.vector_load %arg6[%parallel_loop3A_464, %parallel_loop3A_465, %parallel_loop3A_466] {strides = array<i32>} : memref<2x64x512xi32, #tpu.memory_space<vmem>>, vector<1x1x16xi32>,
      %parallel_loop3A_468 = vector.shape_cast %parallel_loop3A_467 : vector<1x1x16xi32> to vector<16xi32>
      %parallel_loop3A_469 = arith.constant 16 : i32
      %parallel_loop3A_470 = arith.addi %parallel_loop3A_462, %parallel_loop3A_469 : i32
      %parallel_loop3A_471 = arith.constant 1 : i32
      %parallel_loop3A_472 = arith.index_cast %parallel_loop3A_471 : i32 to index
      %parallel_loop3A_473 = arith.index_cast %parallel_loop3A_458 : i32 to index
      %parallel_loop3A_474 = arith.index_cast %parallel_loop3A_470 : i32 to index
      %parallel_loop3A_475 = tpu.vector_load %arg6[%parallel_loop3A_472, %parallel_loop3A_473, %parallel_loop3A_474] {strides = array<i32>} : memref<2x64x512xi32, #tpu.memory_space<vmem>>, vector<1x1x16xi32>,
      %parallel_loop3A_476 = vector.shape_cast %parallel_loop3A_475 : vector<1x1x16xi32> to vector<16xi32>
      %parallel_loop3A_477 = arith.constant 32768 : i32
      %parallel_loop3A_478 = vector.broadcast %parallel_loop3A_477 : i32 to vector<16xi32>
      %parallel_loop3A_479 = arith.addi %parallel_loop3A_468, %parallel_loop3A_478 : vector<16xi32>
      %parallel_loop3A_480 = arith.constant 16 : i32
      %parallel_loop3A_481 = vector.broadcast %parallel_loop3A_480 : i32 to vector<16xi32>
      %parallel_loop3A_482 = arith.shrui %parallel_loop3A_479, %parallel_loop3A_481 : vector<16xi32>
      %parallel_loop3A_483 = arith.constant 32768 : i32
      %parallel_loop3A_484 = vector.broadcast %parallel_loop3A_483 : i32 to vector<16xi32>
      %parallel_loop3A_485 = arith.addi %parallel_loop3A_476, %parallel_loop3A_484 : vector<16xi32>
      %parallel_loop3A_486 = arith.constant -65536 : i32
      %parallel_loop3A_487 = vector.broadcast %parallel_loop3A_486 : i32 to vector<16xi32>
      %parallel_loop3A_488 = arith.andi %parallel_loop3A_485, %parallel_loop3A_487 : vector<16xi32>
      %parallel_loop3A_489 = arith.ori %parallel_loop3A_482, %parallel_loop3A_488 : vector<16xi32>
      %parallel_loop3A_490 = arith.constant 16 : i32
      %parallel_loop3A_491 = arith.muli %parallel_loop3A_460, %parallel_loop3A_490 : i32
      %parallel_loop3A_492 = arith.constant 1 : i32
      %parallel_loop3A_493 = arith.index_cast %parallel_loop3A_492 : i32 to index
      %parallel_loop3A_494 = arith.index_cast %parallel_loop3A_458 : i32 to index
      %parallel_loop3A_495 = arith.index_cast %parallel_loop3A_491 : i32 to index
      %parallel_loop3A_496 = tpu.vector_load %arg7[%parallel_loop3A_493, %parallel_loop3A_494, %parallel_loop3A_495] {strides = array<i32>} : memref<2x64x256xi32, #tpu.memory_space<vmem>>, vector<1x1x16xi32>,
      %parallel_loop3A_497 = vector.shape_cast %parallel_loop3A_496 : vector<1x1x16xi32> to vector<16xi32>
      %parallel_loop3A_498 = vector.shape_cast %parallel_loop3A_489 : vector<16xi32> to vector<1x1x16xi32>
      tpu.vector_store %arg7[%parallel_loop3A_493, %parallel_loop3A_494, %parallel_loop3A_495], %parallel_loop3A_498 {strides = array<i32>} : memref<2x64x256xi32, #tpu.memory_space<vmem>>, vector<1x1x16xi32>,
    } {sc.loop_unroll_factor = 8 : i64, sc.parallel_access}
    %add3A_314 = arith.constant 320 : i32
    %add3A_315 = arith.addi %mul3A_2, %add3A_314 : i32
    %dma_start3A_316 = arith.constant 1 : i32
    %dma_start3A_317 = arith.constant 0 : i32
    %dma_start3A_318 = arith.constant 0 : i32
    %dma_start3A_319 = tpu.memref_slice %arg7[%dma_start3A_316, %dma_start3A_317, %dma_start3A_318] : memref<2x64x256xi32, #tpu.memory_space<vmem>> -> memref<1x64x256xi32, #tpu.memory_space<vmem>>
    %dma_start3A_320 = tpu.memref_squeeze %dma_start3A_319 : memref<1x64x256xi32, #tpu.memory_space<vmem>> -> memref<64x256xi32, #tpu.memory_space<vmem>>
    %dma_start3A_321 = arith.constant 0 : i32
    %dma_start3A_322 = tpu.memref_slice %arg4[%add3A_315, %dma_start3A_321] : memref<16384x256xi32, #tpu.memory_space<hbm>> -> memref<64x256xi32, #tpu.memory_space<hbm>>
    %dma_start3A_323 = arith.constant 0 : i32
    %dma_start3A_324 = tpu.memref_slice %arg4[%add3A_315, %dma_start3A_323] : memref<16384x256xi32, #tpu.memory_space<hbm>> -> memref<64x256xi32, #tpu.memory_space<hbm>>
    %dma_start3A_325 = arith.constant 0 : i32
    %dma_start3A_326 = arith.constant 0 : i32
    %dma_start3A_327 = tpu.memref_slice %arg7[%dma_start3A_316, %dma_start3A_325, %dma_start3A_326] : memref<2x64x256xi32, #tpu.memory_space<vmem>> -> memref<1x64x256xi32, #tpu.memory_space<vmem>>
    %dma_start3A_328 = tpu.memref_squeeze %dma_start3A_327 : memref<1x64x256xi32, #tpu.memory_space<vmem>> -> memref<64x256xi32, #tpu.memory_space<vmem>>
    tpu.enqueue_dma source(%dma_start3A_328 : memref<64x256xi32, #tpu.memory_space<vmem>>) target(%dma_start3A_324 : memref<64x256xi32, #tpu.memory_space<hbm>>) target_semaphore(%arg11 : memref<!tpu.dma_semaphore, #tpu.memory_space<semaphore_mem>>)
    %dma_start3A_329 = arith.constant 7 : i32
    %dma_start3A_330 = arith.constant 1 : i32
    %dma_start3A_331 = arith.constant 0 : i32
    %dma_start3A_332 = arith.constant 0 : i32
    %dma_start3A_333 = tpu.memref_slice %arg6[%dma_start3A_330, %dma_start3A_331, %dma_start3A_332] : memref<2x64x512xi32, #tpu.memory_space<vmem>> -> memref<1x64x512xi32, #tpu.memory_space<vmem>>
    %dma_start3A_334 = tpu.memref_squeeze %dma_start3A_333 : memref<1x64x512xi32, #tpu.memory_space<vmem>> -> memref<64x512xi32, #tpu.memory_space<vmem>>
    %dma_start3A_335 = arith.constant 0 : i32
    %dma_start3A_336 = tpu.memref_slice %arg5[%dma_start3A_329, %dma_start3A_335] : memref<8x64xi32, #tpu.memory_space<vmem>> -> memref<1x64xi32, #tpu.memory_space<vmem>>
    %dma_start3A_337 = tpu.memref_squeeze %dma_start3A_336 : memref<1x64xi32, #tpu.memory_space<vmem>> -> memref<64xi32, #tpu.memory_space<vmem>>
    %dma_start3A_338 = tpu.memref_bitcast %arg3 : memref<100000x512xf32, #tpu.memory_space<hbm>> -> memref<100000x512xi32, #tpu.memory_space<hbm>>
    %dma_start3A_339 = arith.constant 0 : i32
    %dma_start3A_340 = arith.constant 0 : i32
    %dma_start3A_341 = tpu.memref_slice %dma_start3A_338[%dma_start3A_339, %dma_start3A_340] : memref<100000x512xi32, #tpu.memory_space<hbm>> -> memref<100000x512xi32, #tpu.memory_space<hbm>>
    tpu.enqueue_indirect_dma source(%dma_start3A_341 : memref<100000x512xi32, #tpu.memory_space<hbm>>) target(%dma_start3A_334 : memref<64x512xi32, #tpu.memory_space<vmem>>) offsets(%dma_start3A_337 : memref<64xi32, #tpu.memory_space<vmem>>) semaphore(%arg9 : memref<!tpu.dma_semaphore, #tpu.memory_space<semaphore_mem>>)
    %dma_wait3A_342 = arith.constant 6 : i32
    %dma_wait3A_343 = arith.constant 0 : i32
    %dma_wait3A_344 = arith.constant 0 : i32
    %dma_wait3A_345 = arith.constant 0 : i32
    %dma_wait3A_346 = tpu.memref_slice %arg6[%dma_wait3A_343, %dma_wait3A_344, %dma_wait3A_345] : memref<2x64x512xi32, #tpu.memory_space<vmem>> -> memref<1x64x512xi32, #tpu.memory_space<vmem>>
    %dma_wait3A_347 = tpu.memref_squeeze %dma_wait3A_346 : memref<1x64x512xi32, #tpu.memory_space<vmem>> -> memref<64x512xi32, #tpu.memory_space<vmem>>
    %dma_wait3A_348 = arith.constant 0 : i32
    %dma_wait3A_349 = tpu.memref_slice %arg5[%dma_wait3A_342, %dma_wait3A_348] : memref<8x64xi32, #tpu.memory_space<vmem>> -> memref<1x64xi32, #tpu.memory_space<vmem>>
    %dma_wait3A_350 = tpu.memref_squeeze %dma_wait3A_349 : memref<1x64xi32, #tpu.memory_space<vmem>> -> memref<64xi32, #tpu.memory_space<vmem>>
    %dma_wait3A_351 = tpu.memref_bitcast %arg3 : memref<100000x512xf32, #tpu.memory_space<hbm>> -> memref<100000x512xi32, #tpu.memory_space<hbm>>
    %dma_wait3A_352 = arith.constant 0 : i32
    %dma_wait3A_353 = arith.constant 0 : i32
    %dma_wait3A_354 = tpu.memref_slice %dma_wait3A_351[%dma_wait3A_352, %dma_wait3A_353] : memref<100000x512xi32, #tpu.memory_space<hbm>> -> memref<100000x512xi32, #tpu.memory_space<hbm>>
    tpu.wait_indirect_dma semaphore(%arg8 : memref<!tpu.dma_semaphore, #tpu.memory_space<semaphore_mem>>) src(%dma_wait3A_354 : memref<100000x512xi32, #tpu.memory_space<hbm>>) dst(%dma_wait3A_347 : memref<64x512xi32, #tpu.memory_space<vmem>>)
    %dma_wait3A_355 = arith.constant 0 : i32
    %dma_wait3A_356 = arith.constant 0 : i32
    %dma_wait3A_357 = arith.constant 0 : i32
    %dma_wait3A_358 = tpu.memref_slice %arg7[%dma_wait3A_355, %dma_wait3A_356, %dma_wait3A_357] : memref<2x64x256xi32, #tpu.memory_space<vmem>> -> memref<1x64x256xi32, #tpu.memory_space<vmem>>
    %dma_wait3A_359 = tpu.memref_squeeze %dma_wait3A_358 : memref<1x64x256xi32, #tpu.memory_space<vmem>> -> memref<64x256xi32, #tpu.memory_space<vmem>>
    %dma_wait3A_360 = arith.constant 0 : i32
    %dma_wait3A_361 = tpu.memref_slice %arg4[%add3A_258, %dma_wait3A_360] : memref<16384x256xi32, #tpu.memory_space<hbm>> -> memref<64x256xi32, #tpu.memory_space<hbm>>
    %dma_wait3A_362 = arith.constant 0 : i32
    %dma_wait3A_363 = tpu.memref_slice %arg4[%add3A_258, %dma_wait3A_362] : memref<16384x256xi32, #tpu.memory_space<hbm>> -> memref<64x256xi32, #tpu.memory_space<hbm>>
    %dma_wait3A_364 = arith.constant 0 : i32
    %dma_wait3A_365 = arith.constant 0 : i32
    %dma_wait3A_366 = tpu.memref_slice %arg7[%dma_wait3A_355, %dma_wait3A_364, %dma_wait3A_365] : memref<2x64x256xi32, #tpu.memory_space<vmem>> -> memref<1x64x256xi32, #tpu.memory_space<vmem>>
    %dma_wait3A_367 = tpu.memref_squeeze %dma_wait3A_366 : memref<1x64x256xi32, #tpu.memory_space<vmem>> -> memref<64x256xi32, #tpu.memory_space<vmem>>
    tpu.wait_dma2 semaphore(%arg10 : memref<!tpu.dma_semaphore, #tpu.memory_space<semaphore_mem>>) src(%dma_wait3A_367 : memref<64x256xi32, #tpu.memory_space<vmem>>) dst(%dma_wait3A_363 : memref<64x256xi32, #tpu.memory_space<hbm>>)
    %parallel_loop3A_368 = arith.constant 0 : i32
    %parallel_loop3A_369 = arith.constant 1024 : i32
    %parallel_loop3A_370 = arith.constant 1 : i32
    scf.for %parallel_loop3A_456 = %parallel_loop3A_368 to %parallel_loop3A_369 step %parallel_loop3A_370  : i32 {
      %parallel_loop3A_457 = arith.constant 4 : i32
      %parallel_loop3A_458 = arith.shrsi %parallel_loop3A_456, %parallel_loop3A_457 : i32
      %parallel_loop3A_459 = arith.constant 15 : i32
      %parallel_loop3A_460 = arith.andi %parallel_loop3A_456, %parallel_loop3A_459 : i32
      %parallel_loop3A_461 = arith.constant 32 : i32
      %parallel_loop3A_462 = arith.muli %parallel_loop3A_460, %parallel_loop3A_461 : i32
      %parallel_loop3A_463 = arith.constant 0 : i32
      %parallel_loop3A_464 = arith.index_cast %parallel_loop3A_463 : i32 to index
      %parallel_loop3A_465 = arith.index_cast %parallel_loop3A_458 : i32 to index
      %parallel_loop3A_466 = arith.index_cast %parallel_loop3A_462 : i32 to index
      %parallel_loop3A_467 = tpu.vector_load %arg6[%parallel_loop3A_464, %parallel_loop3A_465, %parallel_loop3A_466] {strides = array<i32>} : memref<2x64x512xi32, #tpu.memory_space<vmem>>, vector<1x1x16xi32>,
      %parallel_loop3A_468 = vector.shape_cast %parallel_loop3A_467 : vector<1x1x16xi32> to vector<16xi32>
      %parallel_loop3A_469 = arith.constant 16 : i32
      %parallel_loop3A_470 = arith.addi %parallel_loop3A_462, %parallel_loop3A_469 : i32
      %parallel_loop3A_471 = arith.constant 0 : i32
      %parallel_loop3A_472 = arith.index_cast %parallel_loop3A_471 : i32 to index
      %parallel_loop3A_473 = arith.index_cast %parallel_loop3A_458 : i32 to index
      %parallel_loop3A_474 = arith.index_cast %parallel_loop3A_470 : i32 to index
      %parallel_loop3A_475 = tpu.vector_load %arg6[%parallel_loop3A_472, %parallel_loop3A_473, %parallel_loop3A_474] {strides = array<i32>} : memref<2x64x512xi32, #tpu.memory_space<vmem>>, vector<1x1x16xi32>,
      %parallel_loop3A_476 = vector.shape_cast %parallel_loop3A_475 : vector<1x1x16xi32> to vector<16xi32>
      %parallel_loop3A_477 = arith.constant 32768 : i32
      %parallel_loop3A_478 = vector.broadcast %parallel_loop3A_477 : i32 to vector<16xi32>
      %parallel_loop3A_479 = arith.addi %parallel_loop3A_468, %parallel_loop3A_478 : vector<16xi32>
      %parallel_loop3A_480 = arith.constant 16 : i32
      %parallel_loop3A_481 = vector.broadcast %parallel_loop3A_480 : i32 to vector<16xi32>
      %parallel_loop3A_482 = arith.shrui %parallel_loop3A_479, %parallel_loop3A_481 : vector<16xi32>
      %parallel_loop3A_483 = arith.constant 32768 : i32
      %parallel_loop3A_484 = vector.broadcast %parallel_loop3A_483 : i32 to vector<16xi32>
      %parallel_loop3A_485 = arith.addi %parallel_loop3A_476, %parallel_loop3A_484 : vector<16xi32>
      %parallel_loop3A_486 = arith.constant -65536 : i32
      %parallel_loop3A_487 = vector.broadcast %parallel_loop3A_486 : i32 to vector<16xi32>
      %parallel_loop3A_488 = arith.andi %parallel_loop3A_485, %parallel_loop3A_487 : vector<16xi32>
      %parallel_loop3A_489 = arith.ori %parallel_loop3A_482, %parallel_loop3A_488 : vector<16xi32>
      %parallel_loop3A_490 = arith.constant 16 : i32
      %parallel_loop3A_491 = arith.muli %parallel_loop3A_460, %parallel_loop3A_490 : i32
      %parallel_loop3A_492 = arith.constant 0 : i32
      %parallel_loop3A_493 = arith.index_cast %parallel_loop3A_492 : i32 to index
      %parallel_loop3A_494 = arith.index_cast %parallel_loop3A_458 : i32 to index
      %parallel_loop3A_495 = arith.index_cast %parallel_loop3A_491 : i32 to index
      %parallel_loop3A_496 = tpu.vector_load %arg7[%parallel_loop3A_493, %parallel_loop3A_494, %parallel_loop3A_495] {strides = array<i32>} : memref<2x64x256xi32, #tpu.memory_space<vmem>>, vector<1x1x16xi32>,
      %parallel_loop3A_497 = vector.shape_cast %parallel_loop3A_496 : vector<1x1x16xi32> to vector<16xi32>
      %parallel_loop3A_498 = vector.shape_cast %parallel_loop3A_489 : vector<16xi32> to vector<1x1x16xi32>
      tpu.vector_store %arg7[%parallel_loop3A_493, %parallel_loop3A_494, %parallel_loop3A_495], %parallel_loop3A_498 {strides = array<i32>} : memref<2x64x256xi32, #tpu.memory_space<vmem>>, vector<1x1x16xi32>,
    } {sc.loop_unroll_factor = 8 : i64, sc.parallel_access}
    %add3A_371 = arith.constant 384 : i32
    %add3A_372 = arith.addi %mul3A_2, %add3A_371 : i32
    %dma_start3A_373 = arith.constant 0 : i32
    %dma_start3A_374 = arith.constant 0 : i32
    %dma_start3A_375 = arith.constant 0 : i32
    %dma_start3A_376 = tpu.memref_slice %arg7[%dma_start3A_373, %dma_start3A_374, %dma_start3A_375] : memref<2x64x256xi32, #tpu.memory_space<vmem>> -> memref<1x64x256xi32, #tpu.memory_space<vmem>>
    %dma_start3A_377 = tpu.memref_squeeze %dma_start3A_376 : memref<1x64x256xi32, #tpu.memory_space<vmem>> -> memref<64x256xi32, #tpu.memory_space<vmem>>
    %dma_start3A_378 = arith.constant 0 : i32
    %dma_start3A_379 = tpu.memref_slice %arg4[%add3A_372, %dma_start3A_378] : memref<16384x256xi32, #tpu.memory_space<hbm>> -> memref<64x256xi32, #tpu.memory_space<hbm>>
    %dma_start3A_380 = arith.constant 0 : i32
    %dma_start3A_381 = tpu.memref_slice %arg4[%add3A_372, %dma_start3A_380] : memref<16384x256xi32, #tpu.memory_space<hbm>> -> memref<64x256xi32, #tpu.memory_space<hbm>>
    %dma_start3A_382 = arith.constant 0 : i32
    %dma_start3A_383 = arith.constant 0 : i32
    %dma_start3A_384 = tpu.memref_slice %arg7[%dma_start3A_373, %dma_start3A_382, %dma_start3A_383] : memref<2x64x256xi32, #tpu.memory_space<vmem>> -> memref<1x64x256xi32, #tpu.memory_space<vmem>>
    %dma_start3A_385 = tpu.memref_squeeze %dma_start3A_384 : memref<1x64x256xi32, #tpu.memory_space<vmem>> -> memref<64x256xi32, #tpu.memory_space<vmem>>
    tpu.enqueue_dma source(%dma_start3A_385 : memref<64x256xi32, #tpu.memory_space<vmem>>) target(%dma_start3A_381 : memref<64x256xi32, #tpu.memory_space<hbm>>) target_semaphore(%arg10 : memref<!tpu.dma_semaphore, #tpu.memory_space<semaphore_mem>>)
    %dma_wait3A_386 = arith.constant 7 : i32
    %dma_wait3A_387 = arith.constant 1 : i32
    %dma_wait3A_388 = arith.constant 0 : i32
    %dma_wait3A_389 = arith.constant 0 : i32
    %dma_wait3A_390 = tpu.memref_slice %arg6[%dma_wait3A_387, %dma_wait3A_388, %dma_wait3A_389] : memref<2x64x512xi32, #tpu.memory_space<vmem>> -> memref<1x64x512xi32, #tpu.memory_space<vmem>>
    %dma_wait3A_391 = tpu.memref_squeeze %dma_wait3A_390 : memref<1x64x512xi32, #tpu.memory_space<vmem>> -> memref<64x512xi32, #tpu.memory_space<vmem>>
    %dma_wait3A_392 = arith.constant 0 : i32
    %dma_wait3A_393 = tpu.memref_slice %arg5[%dma_wait3A_386, %dma_wait3A_392] : memref<8x64xi32, #tpu.memory_space<vmem>> -> memref<1x64xi32, #tpu.memory_space<vmem>>
    %dma_wait3A_394 = tpu.memref_squeeze %dma_wait3A_393 : memref<1x64xi32, #tpu.memory_space<vmem>> -> memref<64xi32, #tpu.memory_space<vmem>>
    %dma_wait3A_395 = tpu.memref_bitcast %arg3 : memref<100000x512xf32, #tpu.memory_space<hbm>> -> memref<100000x512xi32, #tpu.memory_space<hbm>>
    %dma_wait3A_396 = arith.constant 0 : i32
    %dma_wait3A_397 = arith.constant 0 : i32
    %dma_wait3A_398 = tpu.memref_slice %dma_wait3A_395[%dma_wait3A_396, %dma_wait3A_397] : memref<100000x512xi32, #tpu.memory_space<hbm>> -> memref<100000x512xi32, #tpu.memory_space<hbm>>
    tpu.wait_indirect_dma semaphore(%arg9 : memref<!tpu.dma_semaphore, #tpu.memory_space<semaphore_mem>>) src(%dma_wait3A_398 : memref<100000x512xi32, #tpu.memory_space<hbm>>) dst(%dma_wait3A_391 : memref<64x512xi32, #tpu.memory_space<vmem>>)
    %dma_wait3A_399 = arith.constant 1 : i32
    %dma_wait3A_400 = arith.constant 0 : i32
    %dma_wait3A_401 = arith.constant 0 : i32
    %dma_wait3A_402 = tpu.memref_slice %arg7[%dma_wait3A_399, %dma_wait3A_400, %dma_wait3A_401] : memref<2x64x256xi32, #tpu.memory_space<vmem>> -> memref<1x64x256xi32, #tpu.memory_space<vmem>>
    %dma_wait3A_403 = tpu.memref_squeeze %dma_wait3A_402 : memref<1x64x256xi32, #tpu.memory_space<vmem>> -> memref<64x256xi32, #tpu.memory_space<vmem>>
    %dma_wait3A_404 = arith.constant 0 : i32
    %dma_wait3A_405 = tpu.memref_slice %arg4[%add3A_315, %dma_wait3A_404] : memref<16384x256xi32, #tpu.memory_space<hbm>> -> memref<64x256xi32, #tpu.memory_space<hbm>>
    %dma_wait3A_406 = arith.constant 0 : i32
    %dma_wait3A_407 = tpu.memref_slice %arg4[%add3A_315, %dma_wait3A_406] : memref<16384x256xi32, #tpu.memory_space<hbm>> -> memref<64x256xi32, #tpu.memory_space<hbm>>
    %dma_wait3A_408 = arith.constant 0 : i32
    %dma_wait3A_409 = arith.constant 0 : i32
    %dma_wait3A_410 = tpu.memref_slice %arg7[%dma_wait3A_399, %dma_wait3A_408, %dma_wait3A_409] : memref<2x64x256xi32, #tpu.memory_space<vmem>> -> memref<1x64x256xi32, #tpu.memory_space<vmem>>
    %dma_wait3A_411 = tpu.memref_squeeze %dma_wait3A_410 : memref<1x64x256xi32, #tpu.memory_space<vmem>> -> memref<64x256xi32, #tpu.memory_space<vmem>>
    tpu.wait_dma2 semaphore(%arg11 : memref<!tpu.dma_semaphore, #tpu.memory_space<semaphore_mem>>) src(%dma_wait3A_411 : memref<64x256xi32, #tpu.memory_space<vmem>>) dst(%dma_wait3A_407 : memref<64x256xi32, #tpu.memory_space<hbm>>)
    %parallel_loop3A_412 = arith.constant 0 : i32
    %parallel_loop3A_413 = arith.constant 1024 : i32
    %parallel_loop3A_414 = arith.constant 1 : i32
    scf.for %parallel_loop3A_456 = %parallel_loop3A_412 to %parallel_loop3A_413 step %parallel_loop3A_414  : i32 {
      %parallel_loop3A_457 = arith.constant 4 : i32
      %parallel_loop3A_458 = arith.shrsi %parallel_loop3A_456, %parallel_loop3A_457 : i32
      %parallel_loop3A_459 = arith.constant 15 : i32
      %parallel_loop3A_460 = arith.andi %parallel_loop3A_456, %parallel_loop3A_459 : i32
      %parallel_loop3A_461 = arith.constant 32 : i32
      %parallel_loop3A_462 = arith.muli %parallel_loop3A_460, %parallel_loop3A_461 : i32
      %parallel_loop3A_463 = arith.constant 1 : i32
      %parallel_loop3A_464 = arith.index_cast %parallel_loop3A_463 : i32 to index
      %parallel_loop3A_465 = arith.index_cast %parallel_loop3A_458 : i32 to index
      %parallel_loop3A_466 = arith.index_cast %parallel_loop3A_462 : i32 to index
      %parallel_loop3A_467 = tpu.vector_load %arg6[%parallel_loop3A_464, %parallel_loop3A_465, %parallel_loop3A_466] {strides = array<i32>} : memref<2x64x512xi32, #tpu.memory_space<vmem>>, vector<1x1x16xi32>,
      %parallel_loop3A_468 = vector.shape_cast %parallel_loop3A_467 : vector<1x1x16xi32> to vector<16xi32>
      %parallel_loop3A_469 = arith.constant 16 : i32
      %parallel_loop3A_470 = arith.addi %parallel_loop3A_462, %parallel_loop3A_469 : i32
      %parallel_loop3A_471 = arith.constant 1 : i32
      %parallel_loop3A_472 = arith.index_cast %parallel_loop3A_471 : i32 to index
      %parallel_loop3A_473 = arith.index_cast %parallel_loop3A_458 : i32 to index
      %parallel_loop3A_474 = arith.index_cast %parallel_loop3A_470 : i32 to index
      %parallel_loop3A_475 = tpu.vector_load %arg6[%parallel_loop3A_472, %parallel_loop3A_473, %parallel_loop3A_474] {strides = array<i32>} : memref<2x64x512xi32, #tpu.memory_space<vmem>>, vector<1x1x16xi32>,
      %parallel_loop3A_476 = vector.shape_cast %parallel_loop3A_475 : vector<1x1x16xi32> to vector<16xi32>
      %parallel_loop3A_477 = arith.constant 32768 : i32
      %parallel_loop3A_478 = vector.broadcast %parallel_loop3A_477 : i32 to vector<16xi32>
      %parallel_loop3A_479 = arith.addi %parallel_loop3A_468, %parallel_loop3A_478 : vector<16xi32>
      %parallel_loop3A_480 = arith.constant 16 : i32
      %parallel_loop3A_481 = vector.broadcast %parallel_loop3A_480 : i32 to vector<16xi32>
      %parallel_loop3A_482 = arith.shrui %parallel_loop3A_479, %parallel_loop3A_481 : vector<16xi32>
      %parallel_loop3A_483 = arith.constant 32768 : i32
      %parallel_loop3A_484 = vector.broadcast %parallel_loop3A_483 : i32 to vector<16xi32>
      %parallel_loop3A_485 = arith.addi %parallel_loop3A_476, %parallel_loop3A_484 : vector<16xi32>
      %parallel_loop3A_486 = arith.constant -65536 : i32
      %parallel_loop3A_487 = vector.broadcast %parallel_loop3A_486 : i32 to vector<16xi32>
      %parallel_loop3A_488 = arith.andi %parallel_loop3A_485, %parallel_loop3A_487 : vector<16xi32>
      %parallel_loop3A_489 = arith.ori %parallel_loop3A_482, %parallel_loop3A_488 : vector<16xi32>
      %parallel_loop3A_490 = arith.constant 16 : i32
      %parallel_loop3A_491 = arith.muli %parallel_loop3A_460, %parallel_loop3A_490 : i32
      %parallel_loop3A_492 = arith.constant 1 : i32
      %parallel_loop3A_493 = arith.index_cast %parallel_loop3A_492 : i32 to index
      %parallel_loop3A_494 = arith.index_cast %parallel_loop3A_458 : i32 to index
      %parallel_loop3A_495 = arith.index_cast %parallel_loop3A_491 : i32 to index
      %parallel_loop3A_496 = tpu.vector_load %arg7[%parallel_loop3A_493, %parallel_loop3A_494, %parallel_loop3A_495] {strides = array<i32>} : memref<2x64x256xi32, #tpu.memory_space<vmem>>, vector<1x1x16xi32>,
      %parallel_loop3A_497 = vector.shape_cast %parallel_loop3A_496 : vector<1x1x16xi32> to vector<16xi32>
      %parallel_loop3A_498 = vector.shape_cast %parallel_loop3A_489 : vector<16xi32> to vector<1x1x16xi32>
      tpu.vector_store %arg7[%parallel_loop3A_493, %parallel_loop3A_494, %parallel_loop3A_495], %parallel_loop3A_498 {strides = array<i32>} : memref<2x64x256xi32, #tpu.memory_space<vmem>>, vector<1x1x16xi32>,
    } {sc.loop_unroll_factor = 8 : i64, sc.parallel_access}
    %add3A_415 = arith.constant 448 : i32
    %add3A_416 = arith.addi %mul3A_2, %add3A_415 : i32
    %dma_start3A_417 = arith.constant 1 : i32
    %dma_start3A_418 = arith.constant 0 : i32
    %dma_start3A_419 = arith.constant 0 : i32
    %dma_start3A_420 = tpu.memref_slice %arg7[%dma_start3A_417, %dma_start3A_418, %dma_start3A_419] : memref<2x64x256xi32, #tpu.memory_space<vmem>> -> memref<1x64x256xi32, #tpu.memory_space<vmem>>
    %dma_start3A_421 = tpu.memref_squeeze %dma_start3A_420 : memref<1x64x256xi32, #tpu.memory_space<vmem>> -> memref<64x256xi32, #tpu.memory_space<vmem>>
    %dma_start3A_422 = arith.constant 0 : i32
    %dma_start3A_423 = tpu.memref_slice %arg4[%add3A_416, %dma_start3A_422] : memref<16384x256xi32, #tpu.memory_space<hbm>> -> memref<64x256xi32, #tpu.memory_space<hbm>>
    %dma_start3A_424 = arith.constant 0 : i32
    %dma_start3A_425 = tpu.memref_slice %arg4[%add3A_416, %dma_start3A_424] : memref<16384x256xi32, #tpu.memory_space<hbm>> -> memref<64x256xi32, #tpu.memory_space<hbm>>
    %dma_start3A_426 = arith.constant 0 : i32
    %dma_start3A_427 = arith.constant 0 : i32
    %dma_start3A_428 = tpu.memref_slice %arg7[%dma_start3A_417, %dma_start3A_426, %dma_start3A_427] : memref<2x64x256xi32, #tpu.memory_space<vmem>> -> memref<1x64x256xi32, #tpu.memory_space<vmem>>
    %dma_start3A_429 = tpu.memref_squeeze %dma_start3A_428 : memref<1x64x256xi32, #tpu.memory_space<vmem>> -> memref<64x256xi32, #tpu.memory_space<vmem>>
    tpu.enqueue_dma source(%dma_start3A_429 : memref<64x256xi32, #tpu.memory_space<vmem>>) target(%dma_start3A_425 : memref<64x256xi32, #tpu.memory_space<hbm>>) target_semaphore(%arg11 : memref<!tpu.dma_semaphore, #tpu.memory_space<semaphore_mem>>)
    %dma_wait3A_430 = arith.constant 0 : i32
    %dma_wait3A_431 = arith.constant 0 : i32
    %dma_wait3A_432 = arith.constant 0 : i32
    %dma_wait3A_433 = tpu.memref_slice %arg7[%dma_wait3A_430, %dma_wait3A_431, %dma_wait3A_432] : memref<2x64x256xi32, #tpu.memory_space<vmem>> -> memref<1x64x256xi32, #tpu.memory_space<vmem>>
    %dma_wait3A_434 = tpu.memref_squeeze %dma_wait3A_433 : memref<1x64x256xi32, #tpu.memory_space<vmem>> -> memref<64x256xi32, #tpu.memory_space<vmem>>
    %dma_wait3A_435 = arith.constant 0 : i32
    %dma_wait3A_436 = tpu.memref_slice %arg4[%add3A_372, %dma_wait3A_435] : memref<16384x256xi32, #tpu.memory_space<hbm>> -> memref<64x256xi32, #tpu.memory_space<hbm>>
    %dma_wait3A_437 = arith.constant 0 : i32
    %dma_wait3A_438 = tpu.memref_slice %arg4[%add3A_372, %dma_wait3A_437] : memref<16384x256xi32, #tpu.memory_space<hbm>> -> memref<64x256xi32, #tpu.memory_space<hbm>>
    %dma_wait3A_439 = arith.constant 0 : i32
    %dma_wait3A_440 = arith.constant 0 : i32
    %dma_wait3A_441 = tpu.memref_slice %arg7[%dma_wait3A_430, %dma_wait3A_439, %dma_wait3A_440] : memref<2x64x256xi32, #tpu.memory_space<vmem>> -> memref<1x64x256xi32, #tpu.memory_space<vmem>>
    %dma_wait3A_442 = tpu.memref_squeeze %dma_wait3A_441 : memref<1x64x256xi32, #tpu.memory_space<vmem>> -> memref<64x256xi32, #tpu.memory_space<vmem>>
    tpu.wait_dma2 semaphore(%arg10 : memref<!tpu.dma_semaphore, #tpu.memory_space<semaphore_mem>>) src(%dma_wait3A_442 : memref<64x256xi32, #tpu.memory_space<vmem>>) dst(%dma_wait3A_438 : memref<64x256xi32, #tpu.memory_space<hbm>>)
    %dma_wait3A_443 = arith.constant 1 : i32
    %dma_wait3A_444 = arith.constant 0 : i32
    %dma_wait3A_445 = arith.constant 0 : i32
    %dma_wait3A_446 = tpu.memref_slice %arg7[%dma_wait3A_443, %dma_wait3A_444, %dma_wait3A_445] : memref<2x64x256xi32, #tpu.memory_space<vmem>> -> memref<1x64x256xi32, #tpu.memory_space<vmem>>
    %dma_wait3A_447 = tpu.memref_squeeze %dma_wait3A_446 : memref<1x64x256xi32, #tpu.memory_space<vmem>> -> memref<64x256xi32, #tpu.memory_space<vmem>>
    %dma_wait3A_448 = arith.constant 0 : i32
    %dma_wait3A_449 = tpu.memref_slice %arg4[%add3A_416, %dma_wait3A_448] : memref<16384x256xi32, #tpu.memory_space<hbm>> -> memref<64x256xi32, #tpu.memory_space<hbm>>
    %dma_wait3A_450 = arith.constant 0 : i32
    %dma_wait3A_451 = tpu.memref_slice %arg4[%add3A_416, %dma_wait3A_450] : memref<16384x256xi32, #tpu.memory_space<hbm>> -> memref<64x256xi32, #tpu.memory_space<hbm>>
    %dma_wait3A_452 = arith.constant 0 : i32
    %dma_wait3A_453 = arith.constant 0 : i32
    %dma_wait3A_454 = tpu.memref_slice %arg7[%dma_wait3A_443, %dma_wait3A_452, %dma_wait3A_453] : memref<2x64x256xi32, #tpu.memory_space<vmem>> -> memref<1x64x256xi32, #tpu.memory_space<vmem>>
    %dma_wait3A_455 = tpu.memref_squeeze %dma_wait3A_454 : memref<1x64x256xi32, #tpu.memory_space<vmem>> -> memref<64x256xi32, #tpu.memory_space<vmem>>
    tpu.wait_dma2 semaphore(%arg11 : memref<!tpu.dma_semaphore, #tpu.memory_space<semaphore_mem>>) src(%dma_wait3A_455 : memref<64x256xi32, #tpu.memory_space<vmem>>) dst(%dma_wait3A_451 : memref<64x256xi32, #tpu.memory_space<hbm>>)
    return
  }
}

#map = affine_map<(d0, d1) -> (0, 0, 0)>
#map1 = affine_map<(d0, d1) -> (0, 0)>
module attributes {stable_mosaic.version = 14 : i64} {
  func.func @k(%arg0: i32, %arg1: i32, %arg2: memref<32x8x64xi32, #tpu.memory_space<hbm>>, %arg3: memref<100000x512xf32, #tpu.memory_space<hbm>>, %arg4: memref<16384x256xi32, #tpu.memory_space<hbm>>, %arg5: memref<8x64xi32, #tpu.memory_space<vmem>>, %arg6: memref<2x64x512xi32, #tpu.memory_space<vmem>>, %arg7: memref<2x64x256xi32, #tpu.memory_space<vmem>>, %arg8: memref<!tpu.dma_semaphore, #tpu.memory_space<semaphore_mem>>, %arg9: memref<!tpu.dma_semaphore, #tpu.memory_space<semaphore_mem>>, %arg10: memref<!tpu.dma_semaphore, #tpu.memory_space<semaphore_mem>>, %arg11: memref<!tpu.dma_semaphore, #tpu.memory_space<semaphore_mem>>) attributes {dimension_semantics = [#tpu.dimension_semantics<core_parallel>, #tpu.dimension_semantics<subcore_parallel>], iteration_bounds = array<i64: 2, 16>, scalar_prefetch = 0 : i64, scratch_operands = 7 : i64, tpu.core_type = #tpu.core_type<sc_vector_subcore>, window_params = [{transform_indices = #map}, {transform_indices = #map1}, {transform_indices = #map1}]} {
    %mul3A = arith.constant 2 : i32
    %mul3A_0 = arith.muli %arg1, %mul3A : i32
    %add3A = arith.addi %mul3A_0, %arg0 : i32
    %mul3A_1 = arith.constant 512 : i32
    %mul3A_2 = arith.muli %add3A, %mul3A_1 : i32
    "tpu.region"() ({
      %run_scoped3A = tpu.sem_alloc : memref<!tpu.dma_semaphore, #tpu.memory_space<semaphore_mem>>
      %dma_start3A_456 = arith.constant 0 : i32
      %dma_start3A_457 = arith.constant 0 : i32
      %dma_start3A_458 = tpu.memref_slice %arg2[%add3A, %dma_start3A_456, %dma_start3A_457] : memref<32x8x64xi32, #tpu.memory_space<hbm>> -> memref<1x8x64xi32, #tpu.memory_space<hbm>>
      %dma_start3A_459 = tpu.memref_squeeze %dma_start3A_458 : memref<1x8x64xi32, #tpu.memory_space<hbm>> -> memref<8x64xi32, #tpu.memory_space<hbm>>
      %dma_start3A_460 = arith.constant 0 : i32
      %dma_start3A_461 = arith.constant 0 : i32
      %dma_start3A_462 = tpu.memref_slice %arg2[%add3A, %dma_start3A_460, %dma_start3A_461] : memref<32x8x64xi32, #tpu.memory_space<hbm>> -> memref<1x8x64xi32, #tpu.memory_space<hbm>>
      %dma_start3A_463 = tpu.memref_squeeze %dma_start3A_462 : memref<1x8x64xi32, #tpu.memory_space<hbm>> -> memref<8x64xi32, #tpu.memory_space<hbm>>
      tpu.enqueue_dma source(%dma_start3A_463 : memref<8x64xi32, #tpu.memory_space<hbm>>) target(%arg5 : memref<8x64xi32, #tpu.memory_space<vmem>>) target_semaphore(%run_scoped3A : memref<!tpu.dma_semaphore, #tpu.memory_space<semaphore_mem>>)
      %dma_wait3A_464 = arith.constant 0 : i32
      %dma_wait3A_465 = arith.constant 0 : i32
      %dma_wait3A_466 = tpu.memref_slice %arg2[%add3A, %dma_wait3A_464, %dma_wait3A_465] : memref<32x8x64xi32, #tpu.memory_space<hbm>> -> memref<1x8x64xi32, #tpu.memory_space<hbm>>
      %dma_wait3A_467 = tpu.memref_squeeze %dma_wait3A_466 : memref<1x8x64xi32, #tpu.memory_space<hbm>> -> memref<8x64xi32, #tpu.memory_space<hbm>>
      %dma_wait3A_468 = arith.constant 0 : i32
      %dma_wait3A_469 = arith.constant 0 : i32
      %dma_wait3A_470 = tpu.memref_slice %arg2[%add3A, %dma_wait3A_468, %dma_wait3A_469] : memref<32x8x64xi32, #tpu.memory_space<hbm>> -> memref<1x8x64xi32, #tpu.memory_space<hbm>>
      %dma_wait3A_471 = tpu.memref_squeeze %dma_wait3A_470 : memref<1x8x64xi32, #tpu.memory_space<hbm>> -> memref<8x64xi32, #tpu.memory_space<hbm>>
      tpu.wait_dma2 semaphore(%run_scoped3A : memref<!tpu.dma_semaphore, #tpu.memory_space<semaphore_mem>>) src(%dma_wait3A_471 : memref<8x64xi32, #tpu.memory_space<hbm>>) dst(%arg5 : memref<8x64xi32, #tpu.memory_space<vmem>>)
      tpu.yield
    }) : () -> ()
    %dma_start3A = arith.constant 0 : i32
    %dma_start3A_3 = arith.constant 0 : i32
    %dma_start3A_4 = arith.constant 0 : i32
    %dma_start3A_5 = arith.constant 0 : i32
    %dma_start3A_6 = tpu.memref_slice %arg6[%dma_start3A_3, %dma_start3A_4, %dma_start3A_5] : memref<2x64x512xi32, #tpu.memory_space<vmem>> -> memref<1x64x512xi32, #tpu.memory_space<vmem>>
    %dma_start3A_7 = tpu.memref_squeeze %dma_start3A_6 : memref<1x64x512xi32, #tpu.memory_space<vmem>> -> memref<64x512xi32, #tpu.memory_space<vmem>>
    %dma_start3A_8 = arith.constant 0 : i32
    %dma_start3A_9 = tpu.memref_slice %arg5[%dma_start3A, %dma_start3A_8] : memref<8x64xi32, #tpu.memory_space<vmem>> -> memref<1x64xi32, #tpu.memory_space<vmem>>
    %dma_start3A_10 = tpu.memref_squeeze %dma_start3A_9 : memref<1x64xi32, #tpu.memory_space<vmem>> -> memref<64xi32, #tpu.memory_space<vmem>>
    %dma_start3A_11 = tpu.memref_bitcast %arg3 : memref<100000x512xf32, #tpu.memory_space<hbm>> -> memref<100000x512xi32, #tpu.memory_space<hbm>>
    %dma_start3A_12 = arith.constant 0 : i32
    %dma_start3A_13 = arith.constant 0 : i32
    %dma_start3A_14 = tpu.memref_slice %dma_start3A_11[%dma_start3A_12, %dma_start3A_13] : memref<100000x512xi32, #tpu.memory_space<hbm>> -> memref<100000x512xi32, #tpu.memory_space<hbm>>
    tpu.enqueue_indirect_dma source(%dma_start3A_14 : memref<100000x512xi32, #tpu.memory_space<hbm>>) target(%dma_start3A_7 : memref<64x512xi32, #tpu.memory_space<vmem>>) offsets(%dma_start3A_10 : memref<64xi32, #tpu.memory_space<vmem>>) semaphore(%arg8 : memref<!tpu.dma_semaphore, #tpu.memory_space<semaphore_mem>>)
    %dma_start3A_15 = arith.constant 1 : i32
    %dma_start3A_16 = arith.constant 1 : i32
    %dma_start3A_17 = arith.constant 0 : i32
    %dma_start3A_18 = arith.constant 0 : i32
    %dma_start3A_19 = tpu.memref_slice %arg6[%dma_start3A_16, %dma_start3A_17, %dma_start3A_18] : memref<2x64x512xi32, #tpu.memory_space<vmem>> -> memref<1x64x512xi32, #tpu.memory_space<vmem>>
    %dma_start3A_20 = tpu.memref_squeeze %dma_start3A_19 : memref<1x64x512xi32, #tpu.memory_space<vmem>> -> memref<64x512xi32, #tpu.memory_space<vmem>>
    %dma_start3A_21 = arith.constant 0 : i32
    %dma_start3A_22 = tpu.memref_slice %arg5[%dma_start3A_15, %dma_start3A_21] : memref<8x64xi32, #tpu.memory_space<vmem>> -> memref<1x64xi32, #tpu.memory_space<vmem>>
    %dma_start3A_23 = tpu.memref_squeeze %dma_start3A_22 : memref<1x64xi32, #tpu.memory_space<vmem>> -> memref<64xi32, #tpu.memory_space<vmem>>
    %dma_start3A_24 = tpu.memref_bitcast %arg3 : memref<100000x512xf32, #tpu.memory_space<hbm>> -> memref<100000x512xi32, #tpu.memory_space<hbm>>
    %dma_start3A_25 = arith.constant 0 : i32
    %dma_start3A_26 = arith.constant 0 : i32
    %dma_start3A_27 = tpu.memref_slice %dma_start3A_24[%dma_start3A_25, %dma_start3A_26] : memref<100000x512xi32, #tpu.memory_space<hbm>> -> memref<100000x512xi32, #tpu.memory_space<hbm>>
    tpu.enqueue_indirect_dma source(%dma_start3A_27 : memref<100000x512xi32, #tpu.memory_space<hbm>>) target(%dma_start3A_20 : memref<64x512xi32, #tpu.memory_space<vmem>>) offsets(%dma_start3A_23 : memref<64xi32, #tpu.memory_space<vmem>>) semaphore(%arg9 : memref<!tpu.dma_semaphore, #tpu.memory_space<semaphore_mem>>)
    %dma_wait3A = arith.constant 0 : i32
    %dma_wait3A_28 = arith.constant 0 : i32
    %dma_wait3A_29 = arith.constant 0 : i32
    %dma_wait3A_30 = arith.constant 0 : i32
    %dma_wait3A_31 = tpu.memref_slice %arg6[%dma_wait3A_28, %dma_wait3A_29, %dma_wait3A_30] : memref<2x64x512xi32, #tpu.memory_space<vmem>> -> memref<1x64x512xi32, #tpu.memory_space<vmem>>
    %dma_wait3A_32 = tpu.memref_squeeze %dma_wait3A_31 : memref<1x64x512xi32, #tpu.memory_space<vmem>> -> memref<64x512xi32, #tpu.memory_space<vmem>>
    %dma_wait3A_33 = arith.constant 0 : i32
    %dma_wait3A_34 = tpu.memref_slice %arg5[%dma_wait3A, %dma_wait3A_33] : memref<8x64xi32, #tpu.memory_space<vmem>> -> memref<1x64xi32, #tpu.memory_space<vmem>>
    %dma_wait3A_35 = tpu.memref_squeeze %dma_wait3A_34 : memref<1x64xi32, #tpu.memory_space<vmem>> -> memref<64xi32, #tpu.memory_space<vmem>>
    %dma_wait3A_36 = tpu.memref_bitcast %arg3 : memref<100000x512xf32, #tpu.memory_space<hbm>> -> memref<100000x512xi32, #tpu.memory_space<hbm>>
    %dma_wait3A_37 = arith.constant 0 : i32
    %dma_wait3A_38 = arith.constant 0 : i32
    %dma_wait3A_39 = tpu.memref_slice %dma_wait3A_36[%dma_wait3A_37, %dma_wait3A_38] : memref<100000x512xi32, #tpu.memory_space<hbm>> -> memref<100000x512xi32, #tpu.memory_space<hbm>>
    tpu.wait_indirect_dma semaphore(%arg8 : memref<!tpu.dma_semaphore, #tpu.memory_space<semaphore_mem>>) src(%dma_wait3A_39 : memref<100000x512xi32, #tpu.memory_space<hbm>>) dst(%dma_wait3A_32 : memref<64x512xi32, #tpu.memory_space<vmem>>)
    %parallel_loop3A = arith.constant 0 : i32
    %parallel_loop3A_40 = arith.constant 1024 : i32
    %parallel_loop3A_41 = arith.constant 1 : i32
    scf.for %parallel_loop3A_456 = %parallel_loop3A to %parallel_loop3A_40 step %parallel_loop3A_41  : i32 {
      %parallel_loop3A_457 = arith.constant 4 : i32
      %parallel_loop3A_458 = arith.shrsi %parallel_loop3A_456, %parallel_loop3A_457 : i32
      %parallel_loop3A_459 = arith.constant 15 : i32
      %parallel_loop3A_460 = arith.andi %parallel_loop3A_456, %parallel_loop3A_459 : i32
      %parallel_loop3A_461 = arith.constant 32 : i32
      %parallel_loop3A_462 = arith.muli %parallel_loop3A_460, %parallel_loop3A_461 : i32
      %parallel_loop3A_463 = arith.constant 0 : i32
      %parallel_loop3A_464 = arith.index_cast %parallel_loop3A_463 : i32 to index
      %parallel_loop3A_465 = arith.index_cast %parallel_loop3A_458 : i32 to index
      %parallel_loop3A_466 = arith.index_cast %parallel_loop3A_462 : i32 to index
      %parallel_loop3A_467 = tpu.vector_load %arg6[%parallel_loop3A_464, %parallel_loop3A_465, %parallel_loop3A_466] {strides = array<i32>} : memref<2x64x512xi32, #tpu.memory_space<vmem>>, vector<1x1x16xi32>,
      %parallel_loop3A_468 = vector.shape_cast %parallel_loop3A_467 : vector<1x1x16xi32> to vector<16xi32>
      %parallel_loop3A_469 = arith.constant 16 : i32
      %parallel_loop3A_470 = arith.addi %parallel_loop3A_462, %parallel_loop3A_469 : i32
      %parallel_loop3A_471 = arith.constant 0 : i32
      %parallel_loop3A_472 = arith.index_cast %parallel_loop3A_471 : i32 to index
      %parallel_loop3A_473 = arith.index_cast %parallel_loop3A_458 : i32 to index
      %parallel_loop3A_474 = arith.index_cast %parallel_loop3A_470 : i32 to index
      %parallel_loop3A_475 = tpu.vector_load %arg6[%parallel_loop3A_472, %parallel_loop3A_473, %parallel_loop3A_474] {strides = array<i32>} : memref<2x64x512xi32, #tpu.memory_space<vmem>>, vector<1x1x16xi32>,
      %parallel_loop3A_476 = vector.shape_cast %parallel_loop3A_475 : vector<1x1x16xi32> to vector<16xi32>
      %parallel_loop3A_477 = arith.constant 32768 : i32
      %parallel_loop3A_478 = vector.broadcast %parallel_loop3A_477 : i32 to vector<16xi32>
      %parallel_loop3A_479 = arith.addi %parallel_loop3A_468, %parallel_loop3A_478 : vector<16xi32>
      %parallel_loop3A_480 = arith.constant 16 : i32
      %parallel_loop3A_481 = vector.broadcast %parallel_loop3A_480 : i32 to vector<16xi32>
      %parallel_loop3A_482 = arith.shrui %parallel_loop3A_479, %parallel_loop3A_481 : vector<16xi32>
      %parallel_loop3A_483 = arith.constant 32768 : i32
      %parallel_loop3A_484 = vector.broadcast %parallel_loop3A_483 : i32 to vector<16xi32>
      %parallel_loop3A_485 = arith.addi %parallel_loop3A_476, %parallel_loop3A_484 : vector<16xi32>
      %parallel_loop3A_486 = arith.constant -65536 : i32
      %parallel_loop3A_487 = vector.broadcast %parallel_loop3A_486 : i32 to vector<16xi32>
      %parallel_loop3A_488 = arith.andi %parallel_loop3A_485, %parallel_loop3A_487 : vector<16xi32>
      %parallel_loop3A_489 = arith.ori %parallel_loop3A_482, %parallel_loop3A_488 : vector<16xi32>
      %parallel_loop3A_490 = arith.constant 16 : i32
      %parallel_loop3A_491 = arith.muli %parallel_loop3A_460, %parallel_loop3A_490 : i32
      %parallel_loop3A_492 = arith.constant 0 : i32
      %parallel_loop3A_493 = arith.index_cast %parallel_loop3A_492 : i32 to index
      %parallel_loop3A_494 = arith.index_cast %parallel_loop3A_458 : i32 to index
      %parallel_loop3A_495 = arith.index_cast %parallel_loop3A_491 : i32 to index
      %parallel_loop3A_496 = tpu.vector_load %arg7[%parallel_loop3A_493, %parallel_loop3A_494, %parallel_loop3A_495] {strides = array<i32>} : memref<2x64x256xi32, #tpu.memory_space<vmem>>, vector<1x1x16xi32>,
      %parallel_loop3A_497 = vector.shape_cast %parallel_loop3A_496 : vector<1x1x16xi32> to vector<16xi32>
      %parallel_loop3A_498 = vector.shape_cast %parallel_loop3A_489 : vector<16xi32> to vector<1x1x16xi32>
      tpu.vector_store %arg7[%parallel_loop3A_493, %parallel_loop3A_494, %parallel_loop3A_495], %parallel_loop3A_498 {strides = array<i32>} : memref<2x64x256xi32, #tpu.memory_space<vmem>>, vector<1x1x16xi32>,
    } {sc.loop_unroll_factor = 8 : i64, sc.parallel_access}
    %add3A_42 = arith.constant 0 : i32
    %add3A_43 = arith.addi %mul3A_2, %add3A_42 : i32
    %dma_start3A_44 = arith.constant 0 : i32
    %dma_start3A_45 = arith.constant 0 : i32
    %dma_start3A_46 = arith.constant 0 : i32
    %dma_start3A_47 = tpu.memref_slice %arg7[%dma_start3A_44, %dma_start3A_45, %dma_start3A_46] : memref<2x64x256xi32, #tpu.memory_space<vmem>> -> memref<1x64x256xi32, #tpu.memory_space<vmem>>
    %dma_start3A_48 = tpu.memref_squeeze %dma_start3A_47 : memref<1x64x256xi32, #tpu.memory_space<vmem>> -> memref<64x256xi32, #tpu.memory_space<vmem>>
    %dma_start3A_49 = arith.constant 0 : i32
    %dma_start3A_50 = tpu.memref_slice %arg4[%add3A_43, %dma_start3A_49] : memref<16384x256xi32, #tpu.memory_space<hbm>> -> memref<64x256xi32, #tpu.memory_space<hbm>>
    %dma_start3A_51 = arith.constant 0 : i32
    %dma_start3A_52 = tpu.memref_slice %arg4[%add3A_43, %dma_start3A_51] : memref<16384x256xi32, #tpu.memory_space<hbm>> -> memref<64x256xi32, #tpu.memory_space<hbm>>
    %dma_start3A_53 = arith.constant 0 : i32
    %dma_start3A_54 = arith.constant 0 : i32
    %dma_start3A_55 = tpu.memref_slice %arg7[%dma_start3A_44, %dma_start3A_53, %dma_start3A_54] : memref<2x64x256xi32, #tpu.memory_space<vmem>> -> memref<1x64x256xi32, #tpu.memory_space<vmem>>
    %dma_start3A_56 = tpu.memref_squeeze %dma_start3A_55 : memref<1x64x256xi32, #tpu.memory_space<vmem>> -> memref<64x256xi32, #tpu.memory_space<vmem>>
    tpu.enqueue_dma source(%dma_start3A_56 : memref<64x256xi32, #tpu.memory_space<vmem>>) target(%dma_start3A_52 : memref<64x256xi32, #tpu.memory_space<hbm>>) target_semaphore(%arg10 : memref<!tpu.dma_semaphore, #tpu.memory_space<semaphore_mem>>)
    %dma_start3A_57 = arith.constant 2 : i32
    %dma_start3A_58 = arith.constant 0 : i32
    %dma_start3A_59 = arith.constant 0 : i32
    %dma_start3A_60 = arith.constant 0 : i32
    %dma_start3A_61 = tpu.memref_slice %arg6[%dma_start3A_58, %dma_start3A_59, %dma_start3A_60] : memref<2x64x512xi32, #tpu.memory_space<vmem>> -> memref<1x64x512xi32, #tpu.memory_space<vmem>>
    %dma_start3A_62 = tpu.memref_squeeze %dma_start3A_61 : memref<1x64x512xi32, #tpu.memory_space<vmem>> -> memref<64x512xi32, #tpu.memory_space<vmem>>
    %dma_start3A_63 = arith.constant 0 : i32
    %dma_start3A_64 = tpu.memref_slice %arg5[%dma_start3A_57, %dma_start3A_63] : memref<8x64xi32, #tpu.memory_space<vmem>> -> memref<1x64xi32, #tpu.memory_space<vmem>>
    %dma_start3A_65 = tpu.memref_squeeze %dma_start3A_64 : memref<1x64xi32, #tpu.memory_space<vmem>> -> memref<64xi32, #tpu.memory_space<vmem>>
    %dma_start3A_66 = tpu.memref_bitcast %arg3 : memref<100000x512xf32, #tpu.memory_space<hbm>> -> memref<100000x512xi32, #tpu.memory_space<hbm>>
    %dma_start3A_67 = arith.constant 0 : i32
    %dma_start3A_68 = arith.constant 0 : i32
    %dma_start3A_69 = tpu.memref_slice %dma_start3A_66[%dma_start3A_67, %dma_start3A_68] : memref<100000x512xi32, #tpu.memory_space<hbm>> -> memref<100000x512xi32, #tpu.memory_space<hbm>>
    tpu.enqueue_indirect_dma source(%dma_start3A_69 : memref<100000x512xi32, #tpu.memory_space<hbm>>) target(%dma_start3A_62 : memref<64x512xi32, #tpu.memory_space<vmem>>) offsets(%dma_start3A_65 : memref<64xi32, #tpu.memory_space<vmem>>) semaphore(%arg8 : memref<!tpu.dma_semaphore, #tpu.memory_space<semaphore_mem>>)
    %dma_wait3A_70 = arith.constant 1 : i32
    %dma_wait3A_71 = arith.constant 1 : i32
    %dma_wait3A_72 = arith.constant 0 : i32
    %dma_wait3A_73 = arith.constant 0 : i32
    %dma_wait3A_74 = tpu.memref_slice %arg6[%dma_wait3A_71, %dma_wait3A_72, %dma_wait3A_73] : memref<2x64x512xi32, #tpu.memory_space<vmem>> -> memref<1x64x512xi32, #tpu.memory_space<vmem>>
    %dma_wait3A_75 = tpu.memref_squeeze %dma_wait3A_74 : memref<1x64x512xi32, #tpu.memory_space<vmem>> -> memref<64x512xi32, #tpu.memory_space<vmem>>
    %dma_wait3A_76 = arith.constant 0 : i32
    %dma_wait3A_77 = tpu.memref_slice %arg5[%dma_wait3A_70, %dma_wait3A_76] : memref<8x64xi32, #tpu.memory_space<vmem>> -> memref<1x64xi32, #tpu.memory_space<vmem>>
    %dma_wait3A_78 = tpu.memref_squeeze %dma_wait3A_77 : memref<1x64xi32, #tpu.memory_space<vmem>> -> memref<64xi32, #tpu.memory_space<vmem>>
    %dma_wait3A_79 = tpu.memref_bitcast %arg3 : memref<100000x512xf32, #tpu.memory_space<hbm>> -> memref<100000x512xi32, #tpu.memory_space<hbm>>
    %dma_wait3A_80 = arith.constant 0 : i32
    %dma_wait3A_81 = arith.constant 0 : i32
    %dma_wait3A_82 = tpu.memref_slice %dma_wait3A_79[%dma_wait3A_80, %dma_wait3A_81] : memref<100000x512xi32, #tpu.memory_space<hbm>> -> memref<100000x512xi32, #tpu.memory_space<hbm>>
    tpu.wait_indirect_dma semaphore(%arg9 : memref<!tpu.dma_semaphore, #tpu.memory_space<semaphore_mem>>) src(%dma_wait3A_82 : memref<100000x512xi32, #tpu.memory_space<hbm>>) dst(%dma_wait3A_75 : memref<64x512xi32, #tpu.memory_space<vmem>>)
    %parallel_loop3A_83 = arith.constant 0 : i32
    %parallel_loop3A_84 = arith.constant 1024 : i32
    %parallel_loop3A_85 = arith.constant 1 : i32
    scf.for %parallel_loop3A_456 = %parallel_loop3A_83 to %parallel_loop3A_84 step %parallel_loop3A_85  : i32 {
      %parallel_loop3A_457 = arith.constant 4 : i32
      %parallel_loop3A_458 = arith.shrsi %parallel_loop3A_456, %parallel_loop3A_457 : i32
      %parallel_loop3A_459 = arith.constant 15 : i32
      %parallel_loop3A_460 = arith.andi %parallel_loop3A_456, %parallel_loop3A_459 : i32
      %parallel_loop3A_461 = arith.constant 32 : i32
      %parallel_loop3A_462 = arith.muli %parallel_loop3A_460, %parallel_loop3A_461 : i32
      %parallel_loop3A_463 = arith.constant 1 : i32
      %parallel_loop3A_464 = arith.index_cast %parallel_loop3A_463 : i32 to index
      %parallel_loop3A_465 = arith.index_cast %parallel_loop3A_458 : i32 to index
      %parallel_loop3A_466 = arith.index_cast %parallel_loop3A_462 : i32 to index
      %parallel_loop3A_467 = tpu.vector_load %arg6[%parallel_loop3A_464, %parallel_loop3A_465, %parallel_loop3A_466] {strides = array<i32>} : memref<2x64x512xi32, #tpu.memory_space<vmem>>, vector<1x1x16xi32>,
      %parallel_loop3A_468 = vector.shape_cast %parallel_loop3A_467 : vector<1x1x16xi32> to vector<16xi32>
      %parallel_loop3A_469 = arith.constant 16 : i32
      %parallel_loop3A_470 = arith.addi %parallel_loop3A_462, %parallel_loop3A_469 : i32
      %parallel_loop3A_471 = arith.constant 1 : i32
      %parallel_loop3A_472 = arith.index_cast %parallel_loop3A_471 : i32 to index
      %parallel_loop3A_473 = arith.index_cast %parallel_loop3A_458 : i32 to index
      %parallel_loop3A_474 = arith.index_cast %parallel_loop3A_470 : i32 to index
      %parallel_loop3A_475 = tpu.vector_load %arg6[%parallel_loop3A_472, %parallel_loop3A_473, %parallel_loop3A_474] {strides = array<i32>} : memref<2x64x512xi32, #tpu.memory_space<vmem>>, vector<1x1x16xi32>,
      %parallel_loop3A_476 = vector.shape_cast %parallel_loop3A_475 : vector<1x1x16xi32> to vector<16xi32>
      %parallel_loop3A_477 = arith.constant 32768 : i32
      %parallel_loop3A_478 = vector.broadcast %parallel_loop3A_477 : i32 to vector<16xi32>
      %parallel_loop3A_479 = arith.addi %parallel_loop3A_468, %parallel_loop3A_478 : vector<16xi32>
      %parallel_loop3A_480 = arith.constant 16 : i32
      %parallel_loop3A_481 = vector.broadcast %parallel_loop3A_480 : i32 to vector<16xi32>
      %parallel_loop3A_482 = arith.shrui %parallel_loop3A_479, %parallel_loop3A_481 : vector<16xi32>
      %parallel_loop3A_483 = arith.constant 32768 : i32
      %parallel_loop3A_484 = vector.broadcast %parallel_loop3A_483 : i32 to vector<16xi32>
      %parallel_loop3A_485 = arith.addi %parallel_loop3A_476, %parallel_loop3A_484 : vector<16xi32>
      %parallel_loop3A_486 = arith.constant -65536 : i32
      %parallel_loop3A_487 = vector.broadcast %parallel_loop3A_486 : i32 to vector<16xi32>
      %parallel_loop3A_488 = arith.andi %parallel_loop3A_485, %parallel_loop3A_487 : vector<16xi32>
      %parallel_loop3A_489 = arith.ori %parallel_loop3A_482, %parallel_loop3A_488 : vector<16xi32>
      %parallel_loop3A_490 = arith.constant 16 : i32
      %parallel_loop3A_491 = arith.muli %parallel_loop3A_460, %parallel_loop3A_490 : i32
      %parallel_loop3A_492 = arith.constant 1 : i32
      %parallel_loop3A_493 = arith.index_cast %parallel_loop3A_492 : i32 to index
      %parallel_loop3A_494 = arith.index_cast %parallel_loop3A_458 : i32 to index
      %parallel_loop3A_495 = arith.index_cast %parallel_loop3A_491 : i32 to index
      %parallel_loop3A_496 = tpu.vector_load %arg7[%parallel_loop3A_493, %parallel_loop3A_494, %parallel_loop3A_495] {strides = array<i32>} : memref<2x64x256xi32, #tpu.memory_space<vmem>>, vector<1x1x16xi32>,
      %parallel_loop3A_497 = vector.shape_cast %parallel_loop3A_496 : vector<1x1x16xi32> to vector<16xi32>
      %parallel_loop3A_498 = vector.shape_cast %parallel_loop3A_489 : vector<16xi32> to vector<1x1x16xi32>
      tpu.vector_store %arg7[%parallel_loop3A_493, %parallel_loop3A_494, %parallel_loop3A_495], %parallel_loop3A_498 {strides = array<i32>} : memref<2x64x256xi32, #tpu.memory_space<vmem>>, vector<1x1x16xi32>,
    } {sc.loop_unroll_factor = 8 : i64, sc.parallel_access}
    %add3A_86 = arith.constant 64 : i32
    %add3A_87 = arith.addi %mul3A_2, %add3A_86 : i32
    %dma_start3A_88 = arith.constant 1 : i32
    %dma_start3A_89 = arith.constant 0 : i32
    %dma_start3A_90 = arith.constant 0 : i32
    %dma_start3A_91 = tpu.memref_slice %arg7[%dma_start3A_88, %dma_start3A_89, %dma_start3A_90] : memref<2x64x256xi32, #tpu.memory_space<vmem>> -> memref<1x64x256xi32, #tpu.memory_space<vmem>>
    %dma_start3A_92 = tpu.memref_squeeze %dma_start3A_91 : memref<1x64x256xi32, #tpu.memory_space<vmem>> -> memref<64x256xi32, #tpu.memory_space<vmem>>
    %dma_start3A_93 = arith.constant 0 : i32
    %dma_start3A_94 = tpu.memref_slice %arg4[%add3A_87, %dma_start3A_93] : memref<16384x256xi32, #tpu.memory_space<hbm>> -> memref<64x256xi32, #tpu.memory_space<hbm>>
    %dma_start3A_95 = arith.constant 0 : i32
    %dma_start3A_96 = tpu.memref_slice %arg4[%add3A_87, %dma_start3A_95] : memref<16384x256xi32, #tpu.memory_space<hbm>> -> memref<64x256xi32, #tpu.memory_space<hbm>>
    %dma_start3A_97 = arith.constant 0 : i32
    %dma_start3A_98 = arith.constant 0 : i32
    %dma_start3A_99 = tpu.memref_slice %arg7[%dma_start3A_88, %dma_start3A_97, %dma_start3A_98] : memref<2x64x256xi32, #tpu.memory_space<vmem>> -> memref<1x64x256xi32, #tpu.memory_space<vmem>>
    %dma_start3A_100 = tpu.memref_squeeze %dma_start3A_99 : memref<1x64x256xi32, #tpu.memory_space<vmem>> -> memref<64x256xi32, #tpu.memory_space<vmem>>
    tpu.enqueue_dma source(%dma_start3A_100 : memref<64x256xi32, #tpu.memory_space<vmem>>) target(%dma_start3A_96 : memref<64x256xi32, #tpu.memory_space<hbm>>) target_semaphore(%arg11 : memref<!tpu.dma_semaphore, #tpu.memory_space<semaphore_mem>>)
    %dma_start3A_101 = arith.constant 3 : i32
    %dma_start3A_102 = arith.constant 1 : i32
    %dma_start3A_103 = arith.constant 0 : i32
    %dma_start3A_104 = arith.constant 0 : i32
    %dma_start3A_105 = tpu.memref_slice %arg6[%dma_start3A_102, %dma_start3A_103, %dma_start3A_104] : memref<2x64x512xi32, #tpu.memory_space<vmem>> -> memref<1x64x512xi32, #tpu.memory_space<vmem>>
    %dma_start3A_106 = tpu.memref_squeeze %dma_start3A_105 : memref<1x64x512xi32, #tpu.memory_space<vmem>> -> memref<64x512xi32, #tpu.memory_space<vmem>>
    %dma_start3A_107 = arith.constant 0 : i32
    %dma_start3A_108 = tpu.memref_slice %arg5[%dma_start3A_101, %dma_start3A_107] : memref<8x64xi32, #tpu.memory_space<vmem>> -> memref<1x64xi32, #tpu.memory_space<vmem>>
    %dma_start3A_109 = tpu.memref_squeeze %dma_start3A_108 : memref<1x64xi32, #tpu.memory_space<vmem>> -> memref<64xi32, #tpu.memory_space<vmem>>
    %dma_start3A_110 = tpu.memref_bitcast %arg3 : memref<100000x512xf32, #tpu.memory_space<hbm>> -> memref<100000x512xi32, #tpu.memory_space<hbm>>
    %dma_start3A_111 = arith.constant 0 : i32
    %dma_start3A_112 = arith.constant 0 : i32
    %dma_start3A_113 = tpu.memref_slice %dma_start3A_110[%dma_start3A_111, %dma_start3A_112] : memref<100000x512xi32, #tpu.memory_space<hbm>> -> memref<100000x512xi32, #tpu.memory_space<hbm>>
    tpu.enqueue_indirect_dma source(%dma_start3A_113 : memref<100000x512xi32, #tpu.memory_space<hbm>>) target(%dma_start3A_106 : memref<64x512xi32, #tpu.memory_space<vmem>>) offsets(%dma_start3A_109 : memref<64xi32, #tpu.memory_space<vmem>>) semaphore(%arg9 : memref<!tpu.dma_semaphore, #tpu.memory_space<semaphore_mem>>)
    %dma_wait3A_114 = arith.constant 2 : i32
    %dma_wait3A_115 = arith.constant 0 : i32
    %dma_wait3A_116 = arith.constant 0 : i32
    %dma_wait3A_117 = arith.constant 0 : i32
    %dma_wait3A_118 = tpu.memref_slice %arg6[%dma_wait3A_115, %dma_wait3A_116, %dma_wait3A_117] : memref<2x64x512xi32, #tpu.memory_space<vmem>> -> memref<1x64x512xi32, #tpu.memory_space<vmem>>
    %dma_wait3A_119 = tpu.memref_squeeze %dma_wait3A_118 : memref<1x64x512xi32, #tpu.memory_space<vmem>> -> memref<64x512xi32, #tpu.memory_space<vmem>>
    %dma_wait3A_120 = arith.constant 0 : i32
    %dma_wait3A_121 = tpu.memref_slice %arg5[%dma_wait3A_114, %dma_wait3A_120] : memref<8x64xi32, #tpu.memory_space<vmem>> -> memref<1x64xi32, #tpu.memory_space<vmem>>
    %dma_wait3A_122 = tpu.memref_squeeze %dma_wait3A_121 : memref<1x64xi32, #tpu.memory_space<vmem>> -> memref<64xi32, #tpu.memory_space<vmem>>
    %dma_wait3A_123 = tpu.memref_bitcast %arg3 : memref<100000x512xf32, #tpu.memory_space<hbm>> -> memref<100000x512xi32, #tpu.memory_space<hbm>>
    %dma_wait3A_124 = arith.constant 0 : i32
    %dma_wait3A_125 = arith.constant 0 : i32
    %dma_wait3A_126 = tpu.memref_slice %dma_wait3A_123[%dma_wait3A_124, %dma_wait3A_125] : memref<100000x512xi32, #tpu.memory_space<hbm>> -> memref<100000x512xi32, #tpu.memory_space<hbm>>
    tpu.wait_indirect_dma semaphore(%arg8 : memref<!tpu.dma_semaphore, #tpu.memory_space<semaphore_mem>>) src(%dma_wait3A_126 : memref<100000x512xi32, #tpu.memory_space<hbm>>) dst(%dma_wait3A_119 : memref<64x512xi32, #tpu.memory_space<vmem>>)
    %dma_wait3A_127 = arith.constant 0 : i32
    %dma_wait3A_128 = arith.constant 0 : i32
    %dma_wait3A_129 = arith.constant 0 : i32
    %dma_wait3A_130 = tpu.memref_slice %arg7[%dma_wait3A_127, %dma_wait3A_128, %dma_wait3A_129] : memref<2x64x256xi32, #tpu.memory_space<vmem>> -> memref<1x64x256xi32, #tpu.memory_space<vmem>>
    %dma_wait3A_131 = tpu.memref_squeeze %dma_wait3A_130 : memref<1x64x256xi32, #tpu.memory_space<vmem>> -> memref<64x256xi32, #tpu.memory_space<vmem>>
    %dma_wait3A_132 = arith.constant 0 : i32
    %dma_wait3A_133 = tpu.memref_slice %arg4[%add3A_43, %dma_wait3A_132] : memref<16384x256xi32, #tpu.memory_space<hbm>> -> memref<64x256xi32, #tpu.memory_space<hbm>>
    %dma_wait3A_134 = arith.constant 0 : i32
    %dma_wait3A_135 = tpu.memref_slice %arg4[%add3A_43, %dma_wait3A_134] : memref<16384x256xi32, #tpu.memory_space<hbm>> -> memref<64x256xi32, #tpu.memory_space<hbm>>
    %dma_wait3A_136 = arith.constant 0 : i32
    %dma_wait3A_137 = arith.constant 0 : i32
    %dma_wait3A_138 = tpu.memref_slice %arg7[%dma_wait3A_127, %dma_wait3A_136, %dma_wait3A_137] : memref<2x64x256xi32, #tpu.memory_space<vmem>> -> memref<1x64x256xi32, #tpu.memory_space<vmem>>
    %dma_wait3A_139 = tpu.memref_squeeze %dma_wait3A_138 : memref<1x64x256xi32, #tpu.memory_space<vmem>> -> memref<64x256xi32, #tpu.memory_space<vmem>>
    tpu.wait_dma2 semaphore(%arg10 : memref<!tpu.dma_semaphore, #tpu.memory_space<semaphore_mem>>) src(%dma_wait3A_139 : memref<64x256xi32, #tpu.memory_space<vmem>>) dst(%dma_wait3A_135 : memref<64x256xi32, #tpu.memory_space<hbm>>)
    %parallel_loop3A_140 = arith.constant 0 : i32
    %parallel_loop3A_141 = arith.constant 1024 : i32
    %parallel_loop3A_142 = arith.constant 1 : i32
    scf.for %parallel_loop3A_456 = %parallel_loop3A_140 to %parallel_loop3A_141 step %parallel_loop3A_142  : i32 {
      %parallel_loop3A_457 = arith.constant 4 : i32
      %parallel_loop3A_458 = arith.shrsi %parallel_loop3A_456, %parallel_loop3A_457 : i32
      %parallel_loop3A_459 = arith.constant 15 : i32
      %parallel_loop3A_460 = arith.andi %parallel_loop3A_456, %parallel_loop3A_459 : i32
      %parallel_loop3A_461 = arith.constant 32 : i32
      %parallel_loop3A_462 = arith.muli %parallel_loop3A_460, %parallel_loop3A_461 : i32
      %parallel_loop3A_463 = arith.constant 0 : i32
      %parallel_loop3A_464 = arith.index_cast %parallel_loop3A_463 : i32 to index
      %parallel_loop3A_465 = arith.index_cast %parallel_loop3A_458 : i32 to index
      %parallel_loop3A_466 = arith.index_cast %parallel_loop3A_462 : i32 to index
      %parallel_loop3A_467 = tpu.vector_load %arg6[%parallel_loop3A_464, %parallel_loop3A_465, %parallel_loop3A_466] {strides = array<i32>} : memref<2x64x512xi32, #tpu.memory_space<vmem>>, vector<1x1x16xi32>,
      %parallel_loop3A_468 = vector.shape_cast %parallel_loop3A_467 : vector<1x1x16xi32> to vector<16xi32>
      %parallel_loop3A_469 = arith.constant 16 : i32
      %parallel_loop3A_470 = arith.addi %parallel_loop3A_462, %parallel_loop3A_469 : i32
      %parallel_loop3A_471 = arith.constant 0 : i32
      %parallel_loop3A_472 = arith.index_cast %parallel_loop3A_471 : i32 to index
      %parallel_loop3A_473 = arith.index_cast %parallel_loop3A_458 : i32 to index
      %parallel_loop3A_474 = arith.index_cast %parallel_loop3A_470 : i32 to index
      %parallel_loop3A_475 = tpu.vector_load %arg6[%parallel_loop3A_472, %parallel_loop3A_473, %parallel_loop3A_474] {strides = array<i32>} : memref<2x64x512xi32, #tpu.memory_space<vmem>>, vector<1x1x16xi32>,
      %parallel_loop3A_476 = vector.shape_cast %parallel_loop3A_475 : vector<1x1x16xi32> to vector<16xi32>
      %parallel_loop3A_477 = arith.constant 32768 : i32
      %parallel_loop3A_478 = vector.broadcast %parallel_loop3A_477 : i32 to vector<16xi32>
      %parallel_loop3A_479 = arith.addi %parallel_loop3A_468, %parallel_loop3A_478 : vector<16xi32>
      %parallel_loop3A_480 = arith.constant 16 : i32
      %parallel_loop3A_481 = vector.broadcast %parallel_loop3A_480 : i32 to vector<16xi32>
      %parallel_loop3A_482 = arith.shrui %parallel_loop3A_479, %parallel_loop3A_481 : vector<16xi32>
      %parallel_loop3A_483 = arith.constant 32768 : i32
      %parallel_loop3A_484 = vector.broadcast %parallel_loop3A_483 : i32 to vector<16xi32>
      %parallel_loop3A_485 = arith.addi %parallel_loop3A_476, %parallel_loop3A_484 : vector<16xi32>
      %parallel_loop3A_486 = arith.constant -65536 : i32
      %parallel_loop3A_487 = vector.broadcast %parallel_loop3A_486 : i32 to vector<16xi32>
      %parallel_loop3A_488 = arith.andi %parallel_loop3A_485, %parallel_loop3A_487 : vector<16xi32>
      %parallel_loop3A_489 = arith.ori %parallel_loop3A_482, %parallel_loop3A_488 : vector<16xi32>
      %parallel_loop3A_490 = arith.constant 16 : i32
      %parallel_loop3A_491 = arith.muli %parallel_loop3A_460, %parallel_loop3A_490 : i32
      %parallel_loop3A_492 = arith.constant 0 : i32
      %parallel_loop3A_493 = arith.index_cast %parallel_loop3A_492 : i32 to index
      %parallel_loop3A_494 = arith.index_cast %parallel_loop3A_458 : i32 to index
      %parallel_loop3A_495 = arith.index_cast %parallel_loop3A_491 : i32 to index
      %parallel_loop3A_496 = tpu.vector_load %arg7[%parallel_loop3A_493, %parallel_loop3A_494, %parallel_loop3A_495] {strides = array<i32>} : memref<2x64x256xi32, #tpu.memory_space<vmem>>, vector<1x1x16xi32>,
      %parallel_loop3A_497 = vector.shape_cast %parallel_loop3A_496 : vector<1x1x16xi32> to vector<16xi32>
      %parallel_loop3A_498 = vector.shape_cast %parallel_loop3A_489 : vector<16xi32> to vector<1x1x16xi32>
      tpu.vector_store %arg7[%parallel_loop3A_493, %parallel_loop3A_494, %parallel_loop3A_495], %parallel_loop3A_498 {strides = array<i32>} : memref<2x64x256xi32, #tpu.memory_space<vmem>>, vector<1x1x16xi32>,
    } {sc.loop_unroll_factor = 8 : i64, sc.parallel_access}
    %add3A_143 = arith.constant 128 : i32
    %add3A_144 = arith.addi %mul3A_2, %add3A_143 : i32
    %dma_start3A_145 = arith.constant 0 : i32
    %dma_start3A_146 = arith.constant 0 : i32
    %dma_start3A_147 = arith.constant 0 : i32
    %dma_start3A_148 = tpu.memref_slice %arg7[%dma_start3A_145, %dma_start3A_146, %dma_start3A_147] : memref<2x64x256xi32, #tpu.memory_space<vmem>> -> memref<1x64x256xi32, #tpu.memory_space<vmem>>
    %dma_start3A_149 = tpu.memref_squeeze %dma_start3A_148 : memref<1x64x256xi32, #tpu.memory_space<vmem>> -> memref<64x256xi32, #tpu.memory_space<vmem>>
    %dma_start3A_150 = arith.constant 0 : i32
    %dma_start3A_151 = tpu.memref_slice %arg4[%add3A_144, %dma_start3A_150] : memref<16384x256xi32, #tpu.memory_space<hbm>> -> memref<64x256xi32, #tpu.memory_space<hbm>>
    %dma_start3A_152 = arith.constant 0 : i32
    %dma_start3A_153 = tpu.memref_slice %arg4[%add3A_144, %dma_start3A_152] : memref<16384x256xi32, #tpu.memory_space<hbm>> -> memref<64x256xi32, #tpu.memory_space<hbm>>
    %dma_start3A_154 = arith.constant 0 : i32
    %dma_start3A_155 = arith.constant 0 : i32
    %dma_start3A_156 = tpu.memref_slice %arg7[%dma_start3A_145, %dma_start3A_154, %dma_start3A_155] : memref<2x64x256xi32, #tpu.memory_space<vmem>> -> memref<1x64x256xi32, #tpu.memory_space<vmem>>
    %dma_start3A_157 = tpu.memref_squeeze %dma_start3A_156 : memref<1x64x256xi32, #tpu.memory_space<vmem>> -> memref<64x256xi32, #tpu.memory_space<vmem>>
    tpu.enqueue_dma source(%dma_start3A_157 : memref<64x256xi32, #tpu.memory_space<vmem>>) target(%dma_start3A_153 : memref<64x256xi32, #tpu.memory_space<hbm>>) target_semaphore(%arg10 : memref<!tpu.dma_semaphore, #tpu.memory_space<semaphore_mem>>)
    %dma_start3A_158 = arith.constant 4 : i32
    %dma_start3A_159 = arith.constant 0 : i32
    %dma_start3A_160 = arith.constant 0 : i32
    %dma_start3A_161 = arith.constant 0 : i32
    %dma_start3A_162 = tpu.memref_slice %arg6[%dma_start3A_159, %dma_start3A_160, %dma_start3A_161] : memref<2x64x512xi32, #tpu.memory_space<vmem>> -> memref<1x64x512xi32, #tpu.memory_space<vmem>>
    %dma_start3A_163 = tpu.memref_squeeze %dma_start3A_162 : memref<1x64x512xi32, #tpu.memory_space<vmem>> -> memref<64x512xi32, #tpu.memory_space<vmem>>
    %dma_start3A_164 = arith.constant 0 : i32
    %dma_start3A_165 = tpu.memref_slice %arg5[%dma_start3A_158, %dma_start3A_164] : memref<8x64xi32, #tpu.memory_space<vmem>> -> memref<1x64xi32, #tpu.memory_space<vmem>>
    %dma_start3A_166 = tpu.memref_squeeze %dma_start3A_165 : memref<1x64xi32, #tpu.memory_space<vmem>> -> memref<64xi32, #tpu.memory_space<vmem>>
    %dma_start3A_167 = tpu.memref_bitcast %arg3 : memref<100000x512xf32, #tpu.memory_space<hbm>> -> memref<100000x512xi32, #tpu.memory_space<hbm>>
    %dma_start3A_168 = arith.constant 0 : i32
    %dma_start3A_169 = arith.constant 0 : i32
    %dma_start3A_170 = tpu.memref_slice %dma_start3A_167[%dma_start3A_168, %dma_start3A_169] : memref<100000x512xi32, #tpu.memory_space<hbm>> -> memref<100000x512xi32, #tpu.memory_space<hbm>>
    tpu.enqueue_indirect_dma source(%dma_start3A_170 : memref<100000x512xi32, #tpu.memory_space<hbm>>) target(%dma_start3A_163 : memref<64x512xi32, #tpu.memory_space<vmem>>) offsets(%dma_start3A_166 : memref<64xi32, #tpu.memory_space<vmem>>) semaphore(%arg8 : memref<!tpu.dma_semaphore, #tpu.memory_space<semaphore_mem>>)
    %dma_wait3A_171 = arith.constant 3 : i32
    %dma_wait3A_172 = arith.constant 1 : i32
    %dma_wait3A_173 = arith.constant 0 : i32
    %dma_wait3A_174 = arith.constant 0 : i32
    %dma_wait3A_175 = tpu.memref_slice %arg6[%dma_wait3A_172, %dma_wait3A_173, %dma_wait3A_174] : memref<2x64x512xi32, #tpu.memory_space<vmem>> -> memref<1x64x512xi32, #tpu.memory_space<vmem>>
    %dma_wait3A_176 = tpu.memref_squeeze %dma_wait3A_175 : memref<1x64x512xi32, #tpu.memory_space<vmem>> -> memref<64x512xi32, #tpu.memory_space<vmem>>
    %dma_wait3A_177 = arith.constant 0 : i32
    %dma_wait3A_178 = tpu.memref_slice %arg5[%dma_wait3A_171, %dma_wait3A_177] : memref<8x64xi32, #tpu.memory_space<vmem>> -> memref<1x64xi32, #tpu.memory_space<vmem>>
    %dma_wait3A_179 = tpu.memref_squeeze %dma_wait3A_178 : memref<1x64xi32, #tpu.memory_space<vmem>> -> memref<64xi32, #tpu.memory_space<vmem>>
    %dma_wait3A_180 = tpu.memref_bitcast %arg3 : memref<100000x512xf32, #tpu.memory_space<hbm>> -> memref<100000x512xi32, #tpu.memory_space<hbm>>
    %dma_wait3A_181 = arith.constant 0 : i32
    %dma_wait3A_182 = arith.constant 0 : i32
    %dma_wait3A_183 = tpu.memref_slice %dma_wait3A_180[%dma_wait3A_181, %dma_wait3A_182] : memref<100000x512xi32, #tpu.memory_space<hbm>> -> memref<100000x512xi32, #tpu.memory_space<hbm>>
    tpu.wait_indirect_dma semaphore(%arg9 : memref<!tpu.dma_semaphore, #tpu.memory_space<semaphore_mem>>) src(%dma_wait3A_183 : memref<100000x512xi32, #tpu.memory_space<hbm>>) dst(%dma_wait3A_176 : memref<64x512xi32, #tpu.memory_space<vmem>>)
    %dma_wait3A_184 = arith.constant 1 : i32
    %dma_wait3A_185 = arith.constant 0 : i32
    %dma_wait3A_186 = arith.constant 0 : i32
    %dma_wait3A_187 = tpu.memref_slice %arg7[%dma_wait3A_184, %dma_wait3A_185, %dma_wait3A_186] : memref<2x64x256xi32, #tpu.memory_space<vmem>> -> memref<1x64x256xi32, #tpu.memory_space<vmem>>
    %dma_wait3A_188 = tpu.memref_squeeze %dma_wait3A_187 : memref<1x64x256xi32, #tpu.memory_space<vmem>> -> memref<64x256xi32, #tpu.memory_space<vmem>>
    %dma_wait3A_189 = arith.constant 0 : i32
    %dma_wait3A_190 = tpu.memref_slice %arg4[%add3A_87, %dma_wait3A_189] : memref<16384x256xi32, #tpu.memory_space<hbm>> -> memref<64x256xi32, #tpu.memory_space<hbm>>
    %dma_wait3A_191 = arith.constant 0 : i32
    %dma_wait3A_192 = tpu.memref_slice %arg4[%add3A_87, %dma_wait3A_191] : memref<16384x256xi32, #tpu.memory_space<hbm>> -> memref<64x256xi32, #tpu.memory_space<hbm>>
    %dma_wait3A_193 = arith.constant 0 : i32
    %dma_wait3A_194 = arith.constant 0 : i32
    %dma_wait3A_195 = tpu.memref_slice %arg7[%dma_wait3A_184, %dma_wait3A_193, %dma_wait3A_194] : memref<2x64x256xi32, #tpu.memory_space<vmem>> -> memref<1x64x256xi32, #tpu.memory_space<vmem>>
    %dma_wait3A_196 = tpu.memref_squeeze %dma_wait3A_195 : memref<1x64x256xi32, #tpu.memory_space<vmem>> -> memref<64x256xi32, #tpu.memory_space<vmem>>
    tpu.wait_dma2 semaphore(%arg11 : memref<!tpu.dma_semaphore, #tpu.memory_space<semaphore_mem>>) src(%dma_wait3A_196 : memref<64x256xi32, #tpu.memory_space<vmem>>) dst(%dma_wait3A_192 : memref<64x256xi32, #tpu.memory_space<hbm>>)
    %parallel_loop3A_197 = arith.constant 0 : i32
    %parallel_loop3A_198 = arith.constant 1024 : i32
    %parallel_loop3A_199 = arith.constant 1 : i32
    scf.for %parallel_loop3A_456 = %parallel_loop3A_197 to %parallel_loop3A_198 step %parallel_loop3A_199  : i32 {
      %parallel_loop3A_457 = arith.constant 4 : i32
      %parallel_loop3A_458 = arith.shrsi %parallel_loop3A_456, %parallel_loop3A_457 : i32
      %parallel_loop3A_459 = arith.constant 15 : i32
      %parallel_loop3A_460 = arith.andi %parallel_loop3A_456, %parallel_loop3A_459 : i32
      %parallel_loop3A_461 = arith.constant 32 : i32
      %parallel_loop3A_462 = arith.muli %parallel_loop3A_460, %parallel_loop3A_461 : i32
      %parallel_loop3A_463 = arith.constant 1 : i32
      %parallel_loop3A_464 = arith.index_cast %parallel_loop3A_463 : i32 to index
      %parallel_loop3A_465 = arith.index_cast %parallel_loop3A_458 : i32 to index
      %parallel_loop3A_466 = arith.index_cast %parallel_loop3A_462 : i32 to index
      %parallel_loop3A_467 = tpu.vector_load %arg6[%parallel_loop3A_464, %parallel_loop3A_465, %parallel_loop3A_466] {strides = array<i32>} : memref<2x64x512xi32, #tpu.memory_space<vmem>>, vector<1x1x16xi32>,
      %parallel_loop3A_468 = vector.shape_cast %parallel_loop3A_467 : vector<1x1x16xi32> to vector<16xi32>
      %parallel_loop3A_469 = arith.constant 16 : i32
      %parallel_loop3A_470 = arith.addi %parallel_loop3A_462, %parallel_loop3A_469 : i32
      %parallel_loop3A_471 = arith.constant 1 : i32
      %parallel_loop3A_472 = arith.index_cast %parallel_loop3A_471 : i32 to index
      %parallel_loop3A_473 = arith.index_cast %parallel_loop3A_458 : i32 to index
      %parallel_loop3A_474 = arith.index_cast %parallel_loop3A_470 : i32 to index
      %parallel_loop3A_475 = tpu.vector_load %arg6[%parallel_loop3A_472, %parallel_loop3A_473, %parallel_loop3A_474] {strides = array<i32>} : memref<2x64x512xi32, #tpu.memory_space<vmem>>, vector<1x1x16xi32>,
      %parallel_loop3A_476 = vector.shape_cast %parallel_loop3A_475 : vector<1x1x16xi32> to vector<16xi32>
      %parallel_loop3A_477 = arith.constant 32768 : i32
      %parallel_loop3A_478 = vector.broadcast %parallel_loop3A_477 : i32 to vector<16xi32>
      %parallel_loop3A_479 = arith.addi %parallel_loop3A_468, %parallel_loop3A_478 : vector<16xi32>
      %parallel_loop3A_480 = arith.constant 16 : i32
      %parallel_loop3A_481 = vector.broadcast %parallel_loop3A_480 : i32 to vector<16xi32>
      %parallel_loop3A_482 = arith.shrui %parallel_loop3A_479, %parallel_loop3A_481 : vector<16xi32>
      %parallel_loop3A_483 = arith.constant 32768 : i32
      %parallel_loop3A_484 = vector.broadcast %parallel_loop3A_483 : i32 to vector<16xi32>
      %parallel_loop3A_485 = arith.addi %parallel_loop3A_476, %parallel_loop3A_484 : vector<16xi32>
      %parallel_loop3A_486 = arith.constant -65536 : i32
      %parallel_loop3A_487 = vector.broadcast %parallel_loop3A_486 : i32 to vector<16xi32>
      %parallel_loop3A_488 = arith.andi %parallel_loop3A_485, %parallel_loop3A_487 : vector<16xi32>
      %parallel_loop3A_489 = arith.ori %parallel_loop3A_482, %parallel_loop3A_488 : vector<16xi32>
      %parallel_loop3A_490 = arith.constant 16 : i32
      %parallel_loop3A_491 = arith.muli %parallel_loop3A_460, %parallel_loop3A_490 : i32
      %parallel_loop3A_492 = arith.constant 1 : i32
      %parallel_loop3A_493 = arith.index_cast %parallel_loop3A_492 : i32 to index
      %parallel_loop3A_494 = arith.index_cast %parallel_loop3A_458 : i32 to index
      %parallel_loop3A_495 = arith.index_cast %parallel_loop3A_491 : i32 to index
      %parallel_loop3A_496 = tpu.vector_load %arg7[%parallel_loop3A_493, %parallel_loop3A_494, %parallel_loop3A_495] {strides = array<i32>} : memref<2x64x256xi32, #tpu.memory_space<vmem>>, vector<1x1x16xi32>,
      %parallel_loop3A_497 = vector.shape_cast %parallel_loop3A_496 : vector<1x1x16xi32> to vector<16xi32>
      %parallel_loop3A_498 = vector.shape_cast %parallel_loop3A_489 : vector<16xi32> to vector<1x1x16xi32>
      tpu.vector_store %arg7[%parallel_loop3A_493, %parallel_loop3A_494, %parallel_loop3A_495], %parallel_loop3A_498 {strides = array<i32>} : memref<2x64x256xi32, #tpu.memory_space<vmem>>, vector<1x1x16xi32>,
    } {sc.loop_unroll_factor = 8 : i64, sc.parallel_access}
    %add3A_200 = arith.constant 192 : i32
    %add3A_201 = arith.addi %mul3A_2, %add3A_200 : i32
    %dma_start3A_202 = arith.constant 1 : i32
    %dma_start3A_203 = arith.constant 0 : i32
    %dma_start3A_204 = arith.constant 0 : i32
    %dma_start3A_205 = tpu.memref_slice %arg7[%dma_start3A_202, %dma_start3A_203, %dma_start3A_204] : memref<2x64x256xi32, #tpu.memory_space<vmem>> -> memref<1x64x256xi32, #tpu.memory_space<vmem>>
    %dma_start3A_206 = tpu.memref_squeeze %dma_start3A_205 : memref<1x64x256xi32, #tpu.memory_space<vmem>> -> memref<64x256xi32, #tpu.memory_space<vmem>>
    %dma_start3A_207 = arith.constant 0 : i32
    %dma_start3A_208 = tpu.memref_slice %arg4[%add3A_201, %dma_start3A_207] : memref<16384x256xi32, #tpu.memory_space<hbm>> -> memref<64x256xi32, #tpu.memory_space<hbm>>
    %dma_start3A_209 = arith.constant 0 : i32
    %dma_start3A_210 = tpu.memref_slice %arg4[%add3A_201, %dma_start3A_209] : memref<16384x256xi32, #tpu.memory_space<hbm>> -> memref<64x256xi32, #tpu.memory_space<hbm>>
    %dma_start3A_211 = arith.constant 0 : i32
    %dma_start3A_212 = arith.constant 0 : i32
    %dma_start3A_213 = tpu.memref_slice %arg7[%dma_start3A_202, %dma_start3A_211, %dma_start3A_212] : memref<2x64x256xi32, #tpu.memory_space<vmem>> -> memref<1x64x256xi32, #tpu.memory_space<vmem>>
    %dma_start3A_214 = tpu.memref_squeeze %dma_start3A_213 : memref<1x64x256xi32, #tpu.memory_space<vmem>> -> memref<64x256xi32, #tpu.memory_space<vmem>>
    tpu.enqueue_dma source(%dma_start3A_214 : memref<64x256xi32, #tpu.memory_space<vmem>>) target(%dma_start3A_210 : memref<64x256xi32, #tpu.memory_space<hbm>>) target_semaphore(%arg11 : memref<!tpu.dma_semaphore, #tpu.memory_space<semaphore_mem>>)
    %dma_start3A_215 = arith.constant 5 : i32
    %dma_start3A_216 = arith.constant 1 : i32
    %dma_start3A_217 = arith.constant 0 : i32
    %dma_start3A_218 = arith.constant 0 : i32
    %dma_start3A_219 = tpu.memref_slice %arg6[%dma_start3A_216, %dma_start3A_217, %dma_start3A_218] : memref<2x64x512xi32, #tpu.memory_space<vmem>> -> memref<1x64x512xi32, #tpu.memory_space<vmem>>
    %dma_start3A_220 = tpu.memref_squeeze %dma_start3A_219 : memref<1x64x512xi32, #tpu.memory_space<vmem>> -> memref<64x512xi32, #tpu.memory_space<vmem>>
    %dma_start3A_221 = arith.constant 0 : i32
    %dma_start3A_222 = tpu.memref_slice %arg5[%dma_start3A_215, %dma_start3A_221] : memref<8x64xi32, #tpu.memory_space<vmem>> -> memref<1x64xi32, #tpu.memory_space<vmem>>
    %dma_start3A_223 = tpu.memref_squeeze %dma_start3A_222 : memref<1x64xi32, #tpu.memory_space<vmem>> -> memref<64xi32, #tpu.memory_space<vmem>>
    %dma_start3A_224 = tpu.memref_bitcast %arg3 : memref<100000x512xf32, #tpu.memory_space<hbm>> -> memref<100000x512xi32, #tpu.memory_space<hbm>>
    %dma_start3A_225 = arith.constant 0 : i32
    %dma_start3A_226 = arith.constant 0 : i32
    %dma_start3A_227 = tpu.memref_slice %dma_start3A_224[%dma_start3A_225, %dma_start3A_226] : memref<100000x512xi32, #tpu.memory_space<hbm>> -> memref<100000x512xi32, #tpu.memory_space<hbm>>
    tpu.enqueue_indirect_dma source(%dma_start3A_227 : memref<100000x512xi32, #tpu.memory_space<hbm>>) target(%dma_start3A_220 : memref<64x512xi32, #tpu.memory_space<vmem>>) offsets(%dma_start3A_223 : memref<64xi32, #tpu.memory_space<vmem>>) semaphore(%arg9 : memref<!tpu.dma_semaphore, #tpu.memory_space<semaphore_mem>>)
    %dma_wait3A_228 = arith.constant 4 : i32
    %dma_wait3A_229 = arith.constant 0 : i32
    %dma_wait3A_230 = arith.constant 0 : i32
    %dma_wait3A_231 = arith.constant 0 : i32
    %dma_wait3A_232 = tpu.memref_slice %arg6[%dma_wait3A_229, %dma_wait3A_230, %dma_wait3A_231] : memref<2x64x512xi32, #tpu.memory_space<vmem>> -> memref<1x64x512xi32, #tpu.memory_space<vmem>>
    %dma_wait3A_233 = tpu.memref_squeeze %dma_wait3A_232 : memref<1x64x512xi32, #tpu.memory_space<vmem>> -> memref<64x512xi32, #tpu.memory_space<vmem>>
    %dma_wait3A_234 = arith.constant 0 : i32
    %dma_wait3A_235 = tpu.memref_slice %arg5[%dma_wait3A_228, %dma_wait3A_234] : memref<8x64xi32, #tpu.memory_space<vmem>> -> memref<1x64xi32, #tpu.memory_space<vmem>>
    %dma_wait3A_236 = tpu.memref_squeeze %dma_wait3A_235 : memref<1x64xi32, #tpu.memory_space<vmem>> -> memref<64xi32, #tpu.memory_space<vmem>>
    %dma_wait3A_237 = tpu.memref_bitcast %arg3 : memref<100000x512xf32, #tpu.memory_space<hbm>> -> memref<100000x512xi32, #tpu.memory_space<hbm>>
    %dma_wait3A_238 = arith.constant 0 : i32
    %dma_wait3A_239 = arith.constant 0 : i32
    %dma_wait3A_240 = tpu.memref_slice %dma_wait3A_237[%dma_wait3A_238, %dma_wait3A_239] : memref<100000x512xi32, #tpu.memory_space<hbm>> -> memref<100000x512xi32, #tpu.memory_space<hbm>>
    tpu.wait_indirect_dma semaphore(%arg8 : memref<!tpu.dma_semaphore, #tpu.memory_space<semaphore_mem>>) src(%dma_wait3A_240 : memref<100000x512xi32, #tpu.memory_space<hbm>>) dst(%dma_wait3A_233 : memref<64x512xi32, #tpu.memory_space<vmem>>)
    %dma_wait3A_241 = arith.constant 0 : i32
    %dma_wait3A_242 = arith.constant 0 : i32
    %dma_wait3A_243 = arith.constant 0 : i32
    %dma_wait3A_244 = tpu.memref_slice %arg7[%dma_wait3A_241, %dma_wait3A_242, %dma_wait3A_243] : memref<2x64x256xi32, #tpu.memory_space<vmem>> -> memref<1x64x256xi32, #tpu.memory_space<vmem>>
    %dma_wait3A_245 = tpu.memref_squeeze %dma_wait3A_244 : memref<1x64x256xi32, #tpu.memory_space<vmem>> -> memref<64x256xi32, #tpu.memory_space<vmem>>
    %dma_wait3A_246 = arith.constant 0 : i32
    %dma_wait3A_247 = tpu.memref_slice %arg4[%add3A_144, %dma_wait3A_246] : memref<16384x256xi32, #tpu.memory_space<hbm>> -> memref<64x256xi32, #tpu.memory_space<hbm>>
    %dma_wait3A_248 = arith.constant 0 : i32
    %dma_wait3A_249 = tpu.memref_slice %arg4[%add3A_144, %dma_wait3A_248] : memref<16384x256xi32, #tpu.memory_space<hbm>> -> memref<64x256xi32, #tpu.memory_space<hbm>>
    %dma_wait3A_250 = arith.constant 0 : i32
    %dma_wait3A_251 = arith.constant 0 : i32
    %dma_wait3A_252 = tpu.memref_slice %arg7[%dma_wait3A_241, %dma_wait3A_250, %dma_wait3A_251] : memref<2x64x256xi32, #tpu.memory_space<vmem>> -> memref<1x64x256xi32, #tpu.memory_space<vmem>>
    %dma_wait3A_253 = tpu.memref_squeeze %dma_wait3A_252 : memref<1x64x256xi32, #tpu.memory_space<vmem>> -> memref<64x256xi32, #tpu.memory_space<vmem>>
    tpu.wait_dma2 semaphore(%arg10 : memref<!tpu.dma_semaphore, #tpu.memory_space<semaphore_mem>>) src(%dma_wait3A_253 : memref<64x256xi32, #tpu.memory_space<vmem>>) dst(%dma_wait3A_249 : memref<64x256xi32, #tpu.memory_space<hbm>>)
    %parallel_loop3A_254 = arith.constant 0 : i32
    %parallel_loop3A_255 = arith.constant 1024 : i32
    %parallel_loop3A_256 = arith.constant 1 : i32
    scf.for %parallel_loop3A_456 = %parallel_loop3A_254 to %parallel_loop3A_255 step %parallel_loop3A_256  : i32 {
      %parallel_loop3A_457 = arith.constant 4 : i32
      %parallel_loop3A_458 = arith.shrsi %parallel_loop3A_456, %parallel_loop3A_457 : i32
      %parallel_loop3A_459 = arith.constant 15 : i32
      %parallel_loop3A_460 = arith.andi %parallel_loop3A_456, %parallel_loop3A_459 : i32
      %parallel_loop3A_461 = arith.constant 32 : i32
      %parallel_loop3A_462 = arith.muli %parallel_loop3A_460, %parallel_loop3A_461 : i32
      %parallel_loop3A_463 = arith.constant 0 : i32
      %parallel_loop3A_464 = arith.index_cast %parallel_loop3A_463 : i32 to index
      %parallel_loop3A_465 = arith.index_cast %parallel_loop3A_458 : i32 to index
      %parallel_loop3A_466 = arith.index_cast %parallel_loop3A_462 : i32 to index
      %parallel_loop3A_467 = tpu.vector_load %arg6[%parallel_loop3A_464, %parallel_loop3A_465, %parallel_loop3A_466] {strides = array<i32>} : memref<2x64x512xi32, #tpu.memory_space<vmem>>, vector<1x1x16xi32>,
      %parallel_loop3A_468 = vector.shape_cast %parallel_loop3A_467 : vector<1x1x16xi32> to vector<16xi32>
      %parallel_loop3A_469 = arith.constant 16 : i32
      %parallel_loop3A_470 = arith.addi %parallel_loop3A_462, %parallel_loop3A_469 : i32
      %parallel_loop3A_471 = arith.constant 0 : i32
      %parallel_loop3A_472 = arith.index_cast %parallel_loop3A_471 : i32 to index
      %parallel_loop3A_473 = arith.index_cast %parallel_loop3A_458 : i32 to index
      %parallel_loop3A_474 = arith.index_cast %parallel_loop3A_470 : i32 to index
      %parallel_loop3A_475 = tpu.vector_load %arg6[%parallel_loop3A_472, %parallel_loop3A_473, %parallel_loop3A_474] {strides = array<i32>} : memref<2x64x512xi32, #tpu.memory_space<vmem>>, vector<1x1x16xi32>,
      %parallel_loop3A_476 = vector.shape_cast %parallel_loop3A_475 : vector<1x1x16xi32> to vector<16xi32>
      %parallel_loop3A_477 = arith.constant 32768 : i32
      %parallel_loop3A_478 = vector.broadcast %parallel_loop3A_477 : i32 to vector<16xi32>
      %parallel_loop3A_479 = arith.addi %parallel_loop3A_468, %parallel_loop3A_478 : vector<16xi32>
      %parallel_loop3A_480 = arith.constant 16 : i32
      %parallel_loop3A_481 = vector.broadcast %parallel_loop3A_480 : i32 to vector<16xi32>
      %parallel_loop3A_482 = arith.shrui %parallel_loop3A_479, %parallel_loop3A_481 : vector<16xi32>
      %parallel_loop3A_483 = arith.constant 32768 : i32
      %parallel_loop3A_484 = vector.broadcast %parallel_loop3A_483 : i32 to vector<16xi32>
      %parallel_loop3A_485 = arith.addi %parallel_loop3A_476, %parallel_loop3A_484 : vector<16xi32>
      %parallel_loop3A_486 = arith.constant -65536 : i32
      %parallel_loop3A_487 = vector.broadcast %parallel_loop3A_486 : i32 to vector<16xi32>
      %parallel_loop3A_488 = arith.andi %parallel_loop3A_485, %parallel_loop3A_487 : vector<16xi32>
      %parallel_loop3A_489 = arith.ori %parallel_loop3A_482, %parallel_loop3A_488 : vector<16xi32>
      %parallel_loop3A_490 = arith.constant 16 : i32
      %parallel_loop3A_491 = arith.muli %parallel_loop3A_460, %parallel_loop3A_490 : i32
      %parallel_loop3A_492 = arith.constant 0 : i32
      %parallel_loop3A_493 = arith.index_cast %parallel_loop3A_492 : i32 to index
      %parallel_loop3A_494 = arith.index_cast %parallel_loop3A_458 : i32 to index
      %parallel_loop3A_495 = arith.index_cast %parallel_loop3A_491 : i32 to index
      %parallel_loop3A_496 = tpu.vector_load %arg7[%parallel_loop3A_493, %parallel_loop3A_494, %parallel_loop3A_495] {strides = array<i32>} : memref<2x64x256xi32, #tpu.memory_space<vmem>>, vector<1x1x16xi32>,
      %parallel_loop3A_497 = vector.shape_cast %parallel_loop3A_496 : vector<1x1x16xi32> to vector<16xi32>
      %parallel_loop3A_498 = vector.shape_cast %parallel_loop3A_489 : vector<16xi32> to vector<1x1x16xi32>
      tpu.vector_store %arg7[%parallel_loop3A_493, %parallel_loop3A_494, %parallel_loop3A_495], %parallel_loop3A_498 {strides = array<i32>} : memref<2x64x256xi32, #tpu.memory_space<vmem>>, vector<1x1x16xi32>,
    } {sc.loop_unroll_factor = 8 : i64, sc.parallel_access}
    %add3A_257 = arith.constant 256 : i32
    %add3A_258 = arith.addi %mul3A_2, %add3A_257 : i32
    %dma_start3A_259 = arith.constant 0 : i32
    %dma_start3A_260 = arith.constant 0 : i32
    %dma_start3A_261 = arith.constant 0 : i32
    %dma_start3A_262 = tpu.memref_slice %arg7[%dma_start3A_259, %dma_start3A_260, %dma_start3A_261] : memref<2x64x256xi32, #tpu.memory_space<vmem>> -> memref<1x64x256xi32, #tpu.memory_space<vmem>>
    %dma_start3A_263 = tpu.memref_squeeze %dma_start3A_262 : memref<1x64x256xi32, #tpu.memory_space<vmem>> -> memref<64x256xi32, #tpu.memory_space<vmem>>
    %dma_start3A_264 = arith.constant 0 : i32
    %dma_start3A_265 = tpu.memref_slice %arg4[%add3A_258, %dma_start3A_264] : memref<16384x256xi32, #tpu.memory_space<hbm>> -> memref<64x256xi32, #tpu.memory_space<hbm>>
    %dma_start3A_266 = arith.constant 0 : i32
    %dma_start3A_267 = tpu.memref_slice %arg4[%add3A_258, %dma_start3A_266] : memref<16384x256xi32, #tpu.memory_space<hbm>> -> memref<64x256xi32, #tpu.memory_space<hbm>>
    %dma_start3A_268 = arith.constant 0 : i32
    %dma_start3A_269 = arith.constant 0 : i32
    %dma_start3A_270 = tpu.memref_slice %arg7[%dma_start3A_259, %dma_start3A_268, %dma_start3A_269] : memref<2x64x256xi32, #tpu.memory_space<vmem>> -> memref<1x64x256xi32, #tpu.memory_space<vmem>>
    %dma_start3A_271 = tpu.memref_squeeze %dma_start3A_270 : memref<1x64x256xi32, #tpu.memory_space<vmem>> -> memref<64x256xi32, #tpu.memory_space<vmem>>
    tpu.enqueue_dma source(%dma_start3A_271 : memref<64x256xi32, #tpu.memory_space<vmem>>) target(%dma_start3A_267 : memref<64x256xi32, #tpu.memory_space<hbm>>) target_semaphore(%arg10 : memref<!tpu.dma_semaphore, #tpu.memory_space<semaphore_mem>>)
    %dma_start3A_272 = arith.constant 6 : i32
    %dma_start3A_273 = arith.constant 0 : i32
    %dma_start3A_274 = arith.constant 0 : i32
    %dma_start3A_275 = arith.constant 0 : i32
    %dma_start3A_276 = tpu.memref_slice %arg6[%dma_start3A_273, %dma_start3A_274, %dma_start3A_275] : memref<2x64x512xi32, #tpu.memory_space<vmem>> -> memref<1x64x512xi32, #tpu.memory_space<vmem>>
    %dma_start3A_277 = tpu.memref_squeeze %dma_start3A_276 : memref<1x64x512xi32, #tpu.memory_space<vmem>> -> memref<64x512xi32, #tpu.memory_space<vmem>>
    %dma_start3A_278 = arith.constant 0 : i32
    %dma_start3A_279 = tpu.memref_slice %arg5[%dma_start3A_272, %dma_start3A_278] : memref<8x64xi32, #tpu.memory_space<vmem>> -> memref<1x64xi32, #tpu.memory_space<vmem>>
    %dma_start3A_280 = tpu.memref_squeeze %dma_start3A_279 : memref<1x64xi32, #tpu.memory_space<vmem>> -> memref<64xi32, #tpu.memory_space<vmem>>
    %dma_start3A_281 = tpu.memref_bitcast %arg3 : memref<100000x512xf32, #tpu.memory_space<hbm>> -> memref<100000x512xi32, #tpu.memory_space<hbm>>
    %dma_start3A_282 = arith.constant 0 : i32
    %dma_start3A_283 = arith.constant 0 : i32
    %dma_start3A_284 = tpu.memref_slice %dma_start3A_281[%dma_start3A_282, %dma_start3A_283] : memref<100000x512xi32, #tpu.memory_space<hbm>> -> memref<100000x512xi32, #tpu.memory_space<hbm>>
    tpu.enqueue_indirect_dma source(%dma_start3A_284 : memref<100000x512xi32, #tpu.memory_space<hbm>>) target(%dma_start3A_277 : memref<64x512xi32, #tpu.memory_space<vmem>>) offsets(%dma_start3A_280 : memref<64xi32, #tpu.memory_space<vmem>>) semaphore(%arg8 : memref<!tpu.dma_semaphore, #tpu.memory_space<semaphore_mem>>)
    %dma_wait3A_285 = arith.constant 5 : i32
    %dma_wait3A_286 = arith.constant 1 : i32
    %dma_wait3A_287 = arith.constant 0 : i32
    %dma_wait3A_288 = arith.constant 0 : i32
    %dma_wait3A_289 = tpu.memref_slice %arg6[%dma_wait3A_286, %dma_wait3A_287, %dma_wait3A_288] : memref<2x64x512xi32, #tpu.memory_space<vmem>> -> memref<1x64x512xi32, #tpu.memory_space<vmem>>
    %dma_wait3A_290 = tpu.memref_squeeze %dma_wait3A_289 : memref<1x64x512xi32, #tpu.memory_space<vmem>> -> memref<64x512xi32, #tpu.memory_space<vmem>>
    %dma_wait3A_291 = arith.constant 0 : i32
    %dma_wait3A_292 = tpu.memref_slice %arg5[%dma_wait3A_285, %dma_wait3A_291] : memref<8x64xi32, #tpu.memory_space<vmem>> -> memref<1x64xi32, #tpu.memory_space<vmem>>
    %dma_wait3A_293 = tpu.memref_squeeze %dma_wait3A_292 : memref<1x64xi32, #tpu.memory_space<vmem>> -> memref<64xi32, #tpu.memory_space<vmem>>
    %dma_wait3A_294 = tpu.memref_bitcast %arg3 : memref<100000x512xf32, #tpu.memory_space<hbm>> -> memref<100000x512xi32, #tpu.memory_space<hbm>>
    %dma_wait3A_295 = arith.constant 0 : i32
    %dma_wait3A_296 = arith.constant 0 : i32
    %dma_wait3A_297 = tpu.memref_slice %dma_wait3A_294[%dma_wait3A_295, %dma_wait3A_296] : memref<100000x512xi32, #tpu.memory_space<hbm>> -> memref<100000x512xi32, #tpu.memory_space<hbm>>
    tpu.wait_indirect_dma semaphore(%arg9 : memref<!tpu.dma_semaphore, #tpu.memory_space<semaphore_mem>>) src(%dma_wait3A_297 : memref<100000x512xi32, #tpu.memory_space<hbm>>) dst(%dma_wait3A_290 : memref<64x512xi32, #tpu.memory_space<vmem>>)
    %dma_wait3A_298 = arith.constant 1 : i32
    %dma_wait3A_299 = arith.constant 0 : i32
    %dma_wait3A_300 = arith.constant 0 : i32
    %dma_wait3A_301 = tpu.memref_slice %arg7[%dma_wait3A_298, %dma_wait3A_299, %dma_wait3A_300] : memref<2x64x256xi32, #tpu.memory_space<vmem>> -> memref<1x64x256xi32, #tpu.memory_space<vmem>>
    %dma_wait3A_302 = tpu.memref_squeeze %dma_wait3A_301 : memref<1x64x256xi32, #tpu.memory_space<vmem>> -> memref<64x256xi32, #tpu.memory_space<vmem>>
    %dma_wait3A_303 = arith.constant 0 : i32
    %dma_wait3A_304 = tpu.memref_slice %arg4[%add3A_201, %dma_wait3A_303] : memref<16384x256xi32, #tpu.memory_space<hbm>> -> memref<64x256xi32, #tpu.memory_space<hbm>>
    %dma_wait3A_305 = arith.constant 0 : i32
    %dma_wait3A_306 = tpu.memref_slice %arg4[%add3A_201, %dma_wait3A_305] : memref<16384x256xi32, #tpu.memory_space<hbm>> -> memref<64x256xi32, #tpu.memory_space<hbm>>
    %dma_wait3A_307 = arith.constant 0 : i32
    %dma_wait3A_308 = arith.constant 0 : i32
    %dma_wait3A_309 = tpu.memref_slice %arg7[%dma_wait3A_298, %dma_wait3A_307, %dma_wait3A_308] : memref<2x64x256xi32, #tpu.memory_space<vmem>> -> memref<1x64x256xi32, #tpu.memory_space<vmem>>
    %dma_wait3A_310 = tpu.memref_squeeze %dma_wait3A_309 : memref<1x64x256xi32, #tpu.memory_space<vmem>> -> memref<64x256xi32, #tpu.memory_space<vmem>>
    tpu.wait_dma2 semaphore(%arg11 : memref<!tpu.dma_semaphore, #tpu.memory_space<semaphore_mem>>) src(%dma_wait3A_310 : memref<64x256xi32, #tpu.memory_space<vmem>>) dst(%dma_wait3A_306 : memref<64x256xi32, #tpu.memory_space<hbm>>)
    %parallel_loop3A_311 = arith.constant 0 : i32
    %parallel_loop3A_312 = arith.constant 1024 : i32
    %parallel_loop3A_313 = arith.constant 1 : i32
    scf.for %parallel_loop3A_456 = %parallel_loop3A_311 to %parallel_loop3A_312 step %parallel_loop3A_313  : i32 {
      %parallel_loop3A_457 = arith.constant 4 : i32
      %parallel_loop3A_458 = arith.shrsi %parallel_loop3A_456, %parallel_loop3A_457 : i32
      %parallel_loop3A_459 = arith.constant 15 : i32
      %parallel_loop3A_460 = arith.andi %parallel_loop3A_456, %parallel_loop3A_459 : i32
      %parallel_loop3A_461 = arith.constant 32 : i32
      %parallel_loop3A_462 = arith.muli %parallel_loop3A_460, %parallel_loop3A_461 : i32
      %parallel_loop3A_463 = arith.constant 1 : i32
      %parallel_loop3A_464 = arith.index_cast %parallel_loop3A_463 : i32 to index
      %parallel_loop3A_465 = arith.index_cast %parallel_loop3A_458 : i32 to index
      %parallel_loop3A_466 = arith.index_cast %parallel_loop3A_462 : i32 to index
      %parallel_loop3A_467 = tpu.vector_load %arg6[%parallel_loop3A_464, %parallel_loop3A_465, %parallel_loop3A_466] {strides = array<i32>} : memref<2x64x512xi32, #tpu.memory_space<vmem>>, vector<1x1x16xi32>,
      %parallel_loop3A_468 = vector.shape_cast %parallel_loop3A_467 : vector<1x1x16xi32> to vector<16xi32>
      %parallel_loop3A_469 = arith.constant 16 : i32
      %parallel_loop3A_470 = arith.addi %parallel_loop3A_462, %parallel_loop3A_469 : i32
      %parallel_loop3A_471 = arith.constant 1 : i32
      %parallel_loop3A_472 = arith.index_cast %parallel_loop3A_471 : i32 to index
      %parallel_loop3A_473 = arith.index_cast %parallel_loop3A_458 : i32 to index
      %parallel_loop3A_474 = arith.index_cast %parallel_loop3A_470 : i32 to index
      %parallel_loop3A_475 = tpu.vector_load %arg6[%parallel_loop3A_472, %parallel_loop3A_473, %parallel_loop3A_474] {strides = array<i32>} : memref<2x64x512xi32, #tpu.memory_space<vmem>>, vector<1x1x16xi32>,
      %parallel_loop3A_476 = vector.shape_cast %parallel_loop3A_475 : vector<1x1x16xi32> to vector<16xi32>
      %parallel_loop3A_477 = arith.constant 32768 : i32
      %parallel_loop3A_478 = vector.broadcast %parallel_loop3A_477 : i32 to vector<16xi32>
      %parallel_loop3A_479 = arith.addi %parallel_loop3A_468, %parallel_loop3A_478 : vector<16xi32>
      %parallel_loop3A_480 = arith.constant 16 : i32
      %parallel_loop3A_481 = vector.broadcast %parallel_loop3A_480 : i32 to vector<16xi32>
      %parallel_loop3A_482 = arith.shrui %parallel_loop3A_479, %parallel_loop3A_481 : vector<16xi32>
      %parallel_loop3A_483 = arith.constant 32768 : i32
      %parallel_loop3A_484 = vector.broadcast %parallel_loop3A_483 : i32 to vector<16xi32>
      %parallel_loop3A_485 = arith.addi %parallel_loop3A_476, %parallel_loop3A_484 : vector<16xi32>
      %parallel_loop3A_486 = arith.constant -65536 : i32
      %parallel_loop3A_487 = vector.broadcast %parallel_loop3A_486 : i32 to vector<16xi32>
      %parallel_loop3A_488 = arith.andi %parallel_loop3A_485, %parallel_loop3A_487 : vector<16xi32>
      %parallel_loop3A_489 = arith.ori %parallel_loop3A_482, %parallel_loop3A_488 : vector<16xi32>
      %parallel_loop3A_490 = arith.constant 16 : i32
      %parallel_loop3A_491 = arith.muli %parallel_loop3A_460, %parallel_loop3A_490 : i32
      %parallel_loop3A_492 = arith.constant 1 : i32
      %parallel_loop3A_493 = arith.index_cast %parallel_loop3A_492 : i32 to index
      %parallel_loop3A_494 = arith.index_cast %parallel_loop3A_458 : i32 to index
      %parallel_loop3A_495 = arith.index_cast %parallel_loop3A_491 : i32 to index
      %parallel_loop3A_496 = tpu.vector_load %arg7[%parallel_loop3A_493, %parallel_loop3A_494, %parallel_loop3A_495] {strides = array<i32>} : memref<2x64x256xi32, #tpu.memory_space<vmem>>, vector<1x1x16xi32>,
      %parallel_loop3A_497 = vector.shape_cast %parallel_loop3A_496 : vector<1x1x16xi32> to vector<16xi32>
      %parallel_loop3A_498 = vector.shape_cast %parallel_loop3A_489 : vector<16xi32> to vector<1x1x16xi32>
      tpu.vector_store %arg7[%parallel_loop3A_493, %parallel_loop3A_494, %parallel_loop3A_495], %parallel_loop3A_498 {strides = array<i32>} : memref<2x64x256xi32, #tpu.memory_space<vmem>>, vector<1x1x16xi32>,
    } {sc.loop_unroll_factor = 8 : i64, sc.parallel_access}
    %add3A_314 = arith.constant 320 : i32
    %add3A_315 = arith.addi %mul3A_2, %add3A_314 : i32
    %dma_start3A_316 = arith.constant 1 : i32
    %dma_start3A_317 = arith.constant 0 : i32
    %dma_start3A_318 = arith.constant 0 : i32
    %dma_start3A_319 = tpu.memref_slice %arg7[%dma_start3A_316, %dma_start3A_317, %dma_start3A_318] : memref<2x64x256xi32, #tpu.memory_space<vmem>> -> memref<1x64x256xi32, #tpu.memory_space<vmem>>
    %dma_start3A_320 = tpu.memref_squeeze %dma_start3A_319 : memref<1x64x256xi32, #tpu.memory_space<vmem>> -> memref<64x256xi32, #tpu.memory_space<vmem>>
    %dma_start3A_321 = arith.constant 0 : i32
    %dma_start3A_322 = tpu.memref_slice %arg4[%add3A_315, %dma_start3A_321] : memref<16384x256xi32, #tpu.memory_space<hbm>> -> memref<64x256xi32, #tpu.memory_space<hbm>>
    %dma_start3A_323 = arith.constant 0 : i32
    %dma_start3A_324 = tpu.memref_slice %arg4[%add3A_315, %dma_start3A_323] : memref<16384x256xi32, #tpu.memory_space<hbm>> -> memref<64x256xi32, #tpu.memory_space<hbm>>
    %dma_start3A_325 = arith.constant 0 : i32
    %dma_start3A_326 = arith.constant 0 : i32
    %dma_start3A_327 = tpu.memref_slice %arg7[%dma_start3A_316, %dma_start3A_325, %dma_start3A_326] : memref<2x64x256xi32, #tpu.memory_space<vmem>> -> memref<1x64x256xi32, #tpu.memory_space<vmem>>
    %dma_start3A_328 = tpu.memref_squeeze %dma_start3A_327 : memref<1x64x256xi32, #tpu.memory_space<vmem>> -> memref<64x256xi32, #tpu.memory_space<vmem>>
    tpu.enqueue_dma source(%dma_start3A_328 : memref<64x256xi32, #tpu.memory_space<vmem>>) target(%dma_start3A_324 : memref<64x256xi32, #tpu.memory_space<hbm>>) target_semaphore(%arg11 : memref<!tpu.dma_semaphore, #tpu.memory_space<semaphore_mem>>)
    %dma_start3A_329 = arith.constant 7 : i32
    %dma_start3A_330 = arith.constant 1 : i32
    %dma_start3A_331 = arith.constant 0 : i32
    %dma_start3A_332 = arith.constant 0 : i32
    %dma_start3A_333 = tpu.memref_slice %arg6[%dma_start3A_330, %dma_start3A_331, %dma_start3A_332] : memref<2x64x512xi32, #tpu.memory_space<vmem>> -> memref<1x64x512xi32, #tpu.memory_space<vmem>>
    %dma_start3A_334 = tpu.memref_squeeze %dma_start3A_333 : memref<1x64x512xi32, #tpu.memory_space<vmem>> -> memref<64x512xi32, #tpu.memory_space<vmem>>
    %dma_start3A_335 = arith.constant 0 : i32
    %dma_start3A_336 = tpu.memref_slice %arg5[%dma_start3A_329, %dma_start3A_335] : memref<8x64xi32, #tpu.memory_space<vmem>> -> memref<1x64xi32, #tpu.memory_space<vmem>>
    %dma_start3A_337 = tpu.memref_squeeze %dma_start3A_336 : memref<1x64xi32, #tpu.memory_space<vmem>> -> memref<64xi32, #tpu.memory_space<vmem>>
    %dma_start3A_338 = tpu.memref_bitcast %arg3 : memref<100000x512xf32, #tpu.memory_space<hbm>> -> memref<100000x512xi32, #tpu.memory_space<hbm>>
    %dma_start3A_339 = arith.constant 0 : i32
    %dma_start3A_340 = arith.constant 0 : i32
    %dma_start3A_341 = tpu.memref_slice %dma_start3A_338[%dma_start3A_339, %dma_start3A_340] : memref<100000x512xi32, #tpu.memory_space<hbm>> -> memref<100000x512xi32, #tpu.memory_space<hbm>>
    tpu.enqueue_indirect_dma source(%dma_start3A_341 : memref<100000x512xi32, #tpu.memory_space<hbm>>) target(%dma_start3A_334 : memref<64x512xi32, #tpu.memory_space<vmem>>) offsets(%dma_start3A_337 : memref<64xi32, #tpu.memory_space<vmem>>) semaphore(%arg9 : memref<!tpu.dma_semaphore, #tpu.memory_space<semaphore_mem>>)
    %dma_wait3A_342 = arith.constant 6 : i32
    %dma_wait3A_343 = arith.constant 0 : i32
    %dma_wait3A_344 = arith.constant 0 : i32
    %dma_wait3A_345 = arith.constant 0 : i32
    %dma_wait3A_346 = tpu.memref_slice %arg6[%dma_wait3A_343, %dma_wait3A_344, %dma_wait3A_345] : memref<2x64x512xi32, #tpu.memory_space<vmem>> -> memref<1x64x512xi32, #tpu.memory_space<vmem>>
    %dma_wait3A_347 = tpu.memref_squeeze %dma_wait3A_346 : memref<1x64x512xi32, #tpu.memory_space<vmem>> -> memref<64x512xi32, #tpu.memory_space<vmem>>
    %dma_wait3A_348 = arith.constant 0 : i32
    %dma_wait3A_349 = tpu.memref_slice %arg5[%dma_wait3A_342, %dma_wait3A_348] : memref<8x64xi32, #tpu.memory_space<vmem>> -> memref<1x64xi32, #tpu.memory_space<vmem>>
    %dma_wait3A_350 = tpu.memref_squeeze %dma_wait3A_349 : memref<1x64xi32, #tpu.memory_space<vmem>> -> memref<64xi32, #tpu.memory_space<vmem>>
    %dma_wait3A_351 = tpu.memref_bitcast %arg3 : memref<100000x512xf32, #tpu.memory_space<hbm>> -> memref<100000x512xi32, #tpu.memory_space<hbm>>
    %dma_wait3A_352 = arith.constant 0 : i32
    %dma_wait3A_353 = arith.constant 0 : i32
    %dma_wait3A_354 = tpu.memref_slice %dma_wait3A_351[%dma_wait3A_352, %dma_wait3A_353] : memref<100000x512xi32, #tpu.memory_space<hbm>> -> memref<100000x512xi32, #tpu.memory_space<hbm>>
    tpu.wait_indirect_dma semaphore(%arg8 : memref<!tpu.dma_semaphore, #tpu.memory_space<semaphore_mem>>) src(%dma_wait3A_354 : memref<100000x512xi32, #tpu.memory_space<hbm>>) dst(%dma_wait3A_347 : memref<64x512xi32, #tpu.memory_space<vmem>>)
    %dma_wait3A_355 = arith.constant 0 : i32
    %dma_wait3A_356 = arith.constant 0 : i32
    %dma_wait3A_357 = arith.constant 0 : i32
    %dma_wait3A_358 = tpu.memref_slice %arg7[%dma_wait3A_355, %dma_wait3A_356, %dma_wait3A_357] : memref<2x64x256xi32, #tpu.memory_space<vmem>> -> memref<1x64x256xi32, #tpu.memory_space<vmem>>
    %dma_wait3A_359 = tpu.memref_squeeze %dma_wait3A_358 : memref<1x64x256xi32, #tpu.memory_space<vmem>> -> memref<64x256xi32, #tpu.memory_space<vmem>>
    %dma_wait3A_360 = arith.constant 0 : i32
    %dma_wait3A_361 = tpu.memref_slice %arg4[%add3A_258, %dma_wait3A_360] : memref<16384x256xi32, #tpu.memory_space<hbm>> -> memref<64x256xi32, #tpu.memory_space<hbm>>
    %dma_wait3A_362 = arith.constant 0 : i32
    %dma_wait3A_363 = tpu.memref_slice %arg4[%add3A_258, %dma_wait3A_362] : memref<16384x256xi32, #tpu.memory_space<hbm>> -> memref<64x256xi32, #tpu.memory_space<hbm>>
    %dma_wait3A_364 = arith.constant 0 : i32
    %dma_wait3A_365 = arith.constant 0 : i32
    %dma_wait3A_366 = tpu.memref_slice %arg7[%dma_wait3A_355, %dma_wait3A_364, %dma_wait3A_365] : memref<2x64x256xi32, #tpu.memory_space<vmem>> -> memref<1x64x256xi32, #tpu.memory_space<vmem>>
    %dma_wait3A_367 = tpu.memref_squeeze %dma_wait3A_366 : memref<1x64x256xi32, #tpu.memory_space<vmem>> -> memref<64x256xi32, #tpu.memory_space<vmem>>
    tpu.wait_dma2 semaphore(%arg10 : memref<!tpu.dma_semaphore, #tpu.memory_space<semaphore_mem>>) src(%dma_wait3A_367 : memref<64x256xi32, #tpu.memory_space<vmem>>) dst(%dma_wait3A_363 : memref<64x256xi32, #tpu.memory_space<hbm>>)
    %parallel_loop3A_368 = arith.constant 0 : i32
    %parallel_loop3A_369 = arith.constant 1024 : i32
    %parallel_loop3A_370 = arith.constant 1 : i32
    scf.for %parallel_loop3A_456 = %parallel_loop3A_368 to %parallel_loop3A_369 step %parallel_loop3A_370  : i32 {
      %parallel_loop3A_457 = arith.constant 4 : i32
      %parallel_loop3A_458 = arith.shrsi %parallel_loop3A_456, %parallel_loop3A_457 : i32
      %parallel_loop3A_459 = arith.constant 15 : i32
      %parallel_loop3A_460 = arith.andi %parallel_loop3A_456, %parallel_loop3A_459 : i32
      %parallel_loop3A_461 = arith.constant 32 : i32
      %parallel_loop3A_462 = arith.muli %parallel_loop3A_460, %parallel_loop3A_461 : i32
      %parallel_loop3A_463 = arith.constant 0 : i32
      %parallel_loop3A_464 = arith.index_cast %parallel_loop3A_463 : i32 to index
      %parallel_loop3A_465 = arith.index_cast %parallel_loop3A_458 : i32 to index
      %parallel_loop3A_466 = arith.index_cast %parallel_loop3A_462 : i32 to index
      %parallel_loop3A_467 = tpu.vector_load %arg6[%parallel_loop3A_464, %parallel_loop3A_465, %parallel_loop3A_466] {strides = array<i32>} : memref<2x64x512xi32, #tpu.memory_space<vmem>>, vector<1x1x16xi32>,
      %parallel_loop3A_468 = vector.shape_cast %parallel_loop3A_467 : vector<1x1x16xi32> to vector<16xi32>
      %parallel_loop3A_469 = arith.constant 16 : i32
      %parallel_loop3A_470 = arith.addi %parallel_loop3A_462, %parallel_loop3A_469 : i32
      %parallel_loop3A_471 = arith.constant 0 : i32
      %parallel_loop3A_472 = arith.index_cast %parallel_loop3A_471 : i32 to index
      %parallel_loop3A_473 = arith.index_cast %parallel_loop3A_458 : i32 to index
      %parallel_loop3A_474 = arith.index_cast %parallel_loop3A_470 : i32 to index
      %parallel_loop3A_475 = tpu.vector_load %arg6[%parallel_loop3A_472, %parallel_loop3A_473, %parallel_loop3A_474] {strides = array<i32>} : memref<2x64x512xi32, #tpu.memory_space<vmem>>, vector<1x1x16xi32>,
      %parallel_loop3A_476 = vector.shape_cast %parallel_loop3A_475 : vector<1x1x16xi32> to vector<16xi32>
      %parallel_loop3A_477 = arith.constant 32768 : i32
      %parallel_loop3A_478 = vector.broadcast %parallel_loop3A_477 : i32 to vector<16xi32>
      %parallel_loop3A_479 = arith.addi %parallel_loop3A_468, %parallel_loop3A_478 : vector<16xi32>
      %parallel_loop3A_480 = arith.constant 16 : i32
      %parallel_loop3A_481 = vector.broadcast %parallel_loop3A_480 : i32 to vector<16xi32>
      %parallel_loop3A_482 = arith.shrui %parallel_loop3A_479, %parallel_loop3A_481 : vector<16xi32>
      %parallel_loop3A_483 = arith.constant 32768 : i32
      %parallel_loop3A_484 = vector.broadcast %parallel_loop3A_483 : i32 to vector<16xi32>
      %parallel_loop3A_485 = arith.addi %parallel_loop3A_476, %parallel_loop3A_484 : vector<16xi32>
      %parallel_loop3A_486 = arith.constant -65536 : i32
      %parallel_loop3A_487 = vector.broadcast %parallel_loop3A_486 : i32 to vector<16xi32>
      %parallel_loop3A_488 = arith.andi %parallel_loop3A_485, %parallel_loop3A_487 : vector<16xi32>
      %parallel_loop3A_489 = arith.ori %parallel_loop3A_482, %parallel_loop3A_488 : vector<16xi32>
      %parallel_loop3A_490 = arith.constant 16 : i32
      %parallel_loop3A_491 = arith.muli %parallel_loop3A_460, %parallel_loop3A_490 : i32
      %parallel_loop3A_492 = arith.constant 0 : i32
      %parallel_loop3A_493 = arith.index_cast %parallel_loop3A_492 : i32 to index
      %parallel_loop3A_494 = arith.index_cast %parallel_loop3A_458 : i32 to index
      %parallel_loop3A_495 = arith.index_cast %parallel_loop3A_491 : i32 to index
      %parallel_loop3A_496 = tpu.vector_load %arg7[%parallel_loop3A_493, %parallel_loop3A_494, %parallel_loop3A_495] {strides = array<i32>} : memref<2x64x256xi32, #tpu.memory_space<vmem>>, vector<1x1x16xi32>,
      %parallel_loop3A_497 = vector.shape_cast %parallel_loop3A_496 : vector<1x1x16xi32> to vector<16xi32>
      %parallel_loop3A_498 = vector.shape_cast %parallel_loop3A_489 : vector<16xi32> to vector<1x1x16xi32>
      tpu.vector_store %arg7[%parallel_loop3A_493, %parallel_loop3A_494, %parallel_loop3A_495], %parallel_loop3A_498 {strides = array<i32>} : memref<2x64x256xi32, #tpu.memory_space<vmem>>, vector<1x1x16xi32>,
    } {sc.loop_unroll_factor = 8 : i64, sc.parallel_access}
    %add3A_371 = arith.constant 384 : i32
    %add3A_372 = arith.addi %mul3A_2, %add3A_371 : i32
    %dma_start3A_373 = arith.constant 0 : i32
    %dma_start3A_374 = arith.constant 0 : i32
    %dma_start3A_375 = arith.constant 0 : i32
    %dma_start3A_376 = tpu.memref_slice %arg7[%dma_start3A_373, %dma_start3A_374, %dma_start3A_375] : memref<2x64x256xi32, #tpu.memory_space<vmem>> -> memref<1x64x256xi32, #tpu.memory_space<vmem>>
    %dma_start3A_377 = tpu.memref_squeeze %dma_start3A_376 : memref<1x64x256xi32, #tpu.memory_space<vmem>> -> memref<64x256xi32, #tpu.memory_space<vmem>>
    %dma_start3A_378 = arith.constant 0 : i32
    %dma_start3A_379 = tpu.memref_slice %arg4[%add3A_372, %dma_start3A_378] : memref<16384x256xi32, #tpu.memory_space<hbm>> -> memref<64x256xi32, #tpu.memory_space<hbm>>
    %dma_start3A_380 = arith.constant 0 : i32
    %dma_start3A_381 = tpu.memref_slice %arg4[%add3A_372, %dma_start3A_380] : memref<16384x256xi32, #tpu.memory_space<hbm>> -> memref<64x256xi32, #tpu.memory_space<hbm>>
    %dma_start3A_382 = arith.constant 0 : i32
    %dma_start3A_383 = arith.constant 0 : i32
    %dma_start3A_384 = tpu.memref_slice %arg7[%dma_start3A_373, %dma_start3A_382, %dma_start3A_383] : memref<2x64x256xi32, #tpu.memory_space<vmem>> -> memref<1x64x256xi32, #tpu.memory_space<vmem>>
    %dma_start3A_385 = tpu.memref_squeeze %dma_start3A_384 : memref<1x64x256xi32, #tpu.memory_space<vmem>> -> memref<64x256xi32, #tpu.memory_space<vmem>>
    tpu.enqueue_dma source(%dma_start3A_385 : memref<64x256xi32, #tpu.memory_space<vmem>>) target(%dma_start3A_381 : memref<64x256xi32, #tpu.memory_space<hbm>>) target_semaphore(%arg10 : memref<!tpu.dma_semaphore, #tpu.memory_space<semaphore_mem>>)
    %dma_wait3A_386 = arith.constant 7 : i32
    %dma_wait3A_387 = arith.constant 1 : i32
    %dma_wait3A_388 = arith.constant 0 : i32
    %dma_wait3A_389 = arith.constant 0 : i32
    %dma_wait3A_390 = tpu.memref_slice %arg6[%dma_wait3A_387, %dma_wait3A_388, %dma_wait3A_389] : memref<2x64x512xi32, #tpu.memory_space<vmem>> -> memref<1x64x512xi32, #tpu.memory_space<vmem>>
    %dma_wait3A_391 = tpu.memref_squeeze %dma_wait3A_390 : memref<1x64x512xi32, #tpu.memory_space<vmem>> -> memref<64x512xi32, #tpu.memory_space<vmem>>
    %dma_wait3A_392 = arith.constant 0 : i32
    %dma_wait3A_393 = tpu.memref_slice %arg5[%dma_wait3A_386, %dma_wait3A_392] : memref<8x64xi32, #tpu.memory_space<vmem>> -> memref<1x64xi32, #tpu.memory_space<vmem>>
    %dma_wait3A_394 = tpu.memref_squeeze %dma_wait3A_393 : memref<1x64xi32, #tpu.memory_space<vmem>> -> memref<64xi32, #tpu.memory_space<vmem>>
    %dma_wait3A_395 = tpu.memref_bitcast %arg3 : memref<100000x512xf32, #tpu.memory_space<hbm>> -> memref<100000x512xi32, #tpu.memory_space<hbm>>
    %dma_wait3A_396 = arith.constant 0 : i32
    %dma_wait3A_397 = arith.constant 0 : i32
    %dma_wait3A_398 = tpu.memref_slice %dma_wait3A_395[%dma_wait3A_396, %dma_wait3A_397] : memref<100000x512xi32, #tpu.memory_space<hbm>> -> memref<100000x512xi32, #tpu.memory_space<hbm>>
    tpu.wait_indirect_dma semaphore(%arg9 : memref<!tpu.dma_semaphore, #tpu.memory_space<semaphore_mem>>) src(%dma_wait3A_398 : memref<100000x512xi32, #tpu.memory_space<hbm>>) dst(%dma_wait3A_391 : memref<64x512xi32, #tpu.memory_space<vmem>>)
    %dma_wait3A_399 = arith.constant 1 : i32
    %dma_wait3A_400 = arith.constant 0 : i32
    %dma_wait3A_401 = arith.constant 0 : i32
    %dma_wait3A_402 = tpu.memref_slice %arg7[%dma_wait3A_399, %dma_wait3A_400, %dma_wait3A_401] : memref<2x64x256xi32, #tpu.memory_space<vmem>> -> memref<1x64x256xi32, #tpu.memory_space<vmem>>
    %dma_wait3A_403 = tpu.memref_squeeze %dma_wait3A_402 : memref<1x64x256xi32, #tpu.memory_space<vmem>> -> memref<64x256xi32, #tpu.memory_space<vmem>>
    %dma_wait3A_404 = arith.constant 0 : i32
    %dma_wait3A_405 = tpu.memref_slice %arg4[%add3A_315, %dma_wait3A_404] : memref<16384x256xi32, #tpu.memory_space<hbm>> -> memref<64x256xi32, #tpu.memory_space<hbm>>
    %dma_wait3A_406 = arith.constant 0 : i32
    %dma_wait3A_407 = tpu.memref_slice %arg4[%add3A_315, %dma_wait3A_406] : memref<16384x256xi32, #tpu.memory_space<hbm>> -> memref<64x256xi32, #tpu.memory_space<hbm>>
    %dma_wait3A_408 = arith.constant 0 : i32
    %dma_wait3A_409 = arith.constant 0 : i32
    %dma_wait3A_410 = tpu.memref_slice %arg7[%dma_wait3A_399, %dma_wait3A_408, %dma_wait3A_409] : memref<2x64x256xi32, #tpu.memory_space<vmem>> -> memref<1x64x256xi32, #tpu.memory_space<vmem>>
    %dma_wait3A_411 = tpu.memref_squeeze %dma_wait3A_410 : memref<1x64x256xi32, #tpu.memory_space<vmem>> -> memref<64x256xi32, #tpu.memory_space<vmem>>
    tpu.wait_dma2 semaphore(%arg11 : memref<!tpu.dma_semaphore, #tpu.memory_space<semaphore_mem>>) src(%dma_wait3A_411 : memref<64x256xi32, #tpu.memory_space<vmem>>) dst(%dma_wait3A_407 : memref<64x256xi32, #tpu.memory_space<hbm>>)
    %parallel_loop3A_412 = arith.constant 0 : i32
    %parallel_loop3A_413 = arith.constant 1024 : i32
    %parallel_loop3A_414 = arith.constant 1 : i32
    scf.for %parallel_loop3A_456 = %parallel_loop3A_412 to %parallel_loop3A_413 step %parallel_loop3A_414  : i32 {
      %parallel_loop3A_457 = arith.constant 4 : i32
      %parallel_loop3A_458 = arith.shrsi %parallel_loop3A_456, %parallel_loop3A_457 : i32
      %parallel_loop3A_459 = arith.constant 15 : i32
      %parallel_loop3A_460 = arith.andi %parallel_loop3A_456, %parallel_loop3A_459 : i32
      %parallel_loop3A_461 = arith.constant 32 : i32
      %parallel_loop3A_462 = arith.muli %parallel_loop3A_460, %parallel_loop3A_461 : i32
      %parallel_loop3A_463 = arith.constant 1 : i32
      %parallel_loop3A_464 = arith.index_cast %parallel_loop3A_463 : i32 to index
      %parallel_loop3A_465 = arith.index_cast %parallel_loop3A_458 : i32 to index
      %parallel_loop3A_466 = arith.index_cast %parallel_loop3A_462 : i32 to index
      %parallel_loop3A_467 = tpu.vector_load %arg6[%parallel_loop3A_464, %parallel_loop3A_465, %parallel_loop3A_466] {strides = array<i32>} : memref<2x64x512xi32, #tpu.memory_space<vmem>>, vector<1x1x16xi32>,
      %parallel_loop3A_468 = vector.shape_cast %parallel_loop3A_467 : vector<1x1x16xi32> to vector<16xi32>
      %parallel_loop3A_469 = arith.constant 16 : i32
      %parallel_loop3A_470 = arith.addi %parallel_loop3A_462, %parallel_loop3A_469 : i32
      %parallel_loop3A_471 = arith.constant 1 : i32
      %parallel_loop3A_472 = arith.index_cast %parallel_loop3A_471 : i32 to index
      %parallel_loop3A_473 = arith.index_cast %parallel_loop3A_458 : i32 to index
      %parallel_loop3A_474 = arith.index_cast %parallel_loop3A_470 : i32 to index
      %parallel_loop3A_475 = tpu.vector_load %arg6[%parallel_loop3A_472, %parallel_loop3A_473, %parallel_loop3A_474] {strides = array<i32>} : memref<2x64x512xi32, #tpu.memory_space<vmem>>, vector<1x1x16xi32>,
      %parallel_loop3A_476 = vector.shape_cast %parallel_loop3A_475 : vector<1x1x16xi32> to vector<16xi32>
      %parallel_loop3A_477 = arith.constant 32768 : i32
      %parallel_loop3A_478 = vector.broadcast %parallel_loop3A_477 : i32 to vector<16xi32>
      %parallel_loop3A_479 = arith.addi %parallel_loop3A_468, %parallel_loop3A_478 : vector<16xi32>
      %parallel_loop3A_480 = arith.constant 16 : i32
      %parallel_loop3A_481 = vector.broadcast %parallel_loop3A_480 : i32 to vector<16xi32>
      %parallel_loop3A_482 = arith.shrui %parallel_loop3A_479, %parallel_loop3A_481 : vector<16xi32>
      %parallel_loop3A_483 = arith.constant 32768 : i32
      %parallel_loop3A_484 = vector.broadcast %parallel_loop3A_483 : i32 to vector<16xi32>
      %parallel_loop3A_485 = arith.addi %parallel_loop3A_476, %parallel_loop3A_484 : vector<16xi32>
      %parallel_loop3A_486 = arith.constant -65536 : i32
      %parallel_loop3A_487 = vector.broadcast %parallel_loop3A_486 : i32 to vector<16xi32>
      %parallel_loop3A_488 = arith.andi %parallel_loop3A_485, %parallel_loop3A_487 : vector<16xi32>
      %parallel_loop3A_489 = arith.ori %parallel_loop3A_482, %parallel_loop3A_488 : vector<16xi32>
      %parallel_loop3A_490 = arith.constant 16 : i32
      %parallel_loop3A_491 = arith.muli %parallel_loop3A_460, %parallel_loop3A_490 : i32
      %parallel_loop3A_492 = arith.constant 1 : i32
      %parallel_loop3A_493 = arith.index_cast %parallel_loop3A_492 : i32 to index
      %parallel_loop3A_494 = arith.index_cast %parallel_loop3A_458 : i32 to index
      %parallel_loop3A_495 = arith.index_cast %parallel_loop3A_491 : i32 to index
      %parallel_loop3A_496 = tpu.vector_load %arg7[%parallel_loop3A_493, %parallel_loop3A_494, %parallel_loop3A_495] {strides = array<i32>} : memref<2x64x256xi32, #tpu.memory_space<vmem>>, vector<1x1x16xi32>,
      %parallel_loop3A_497 = vector.shape_cast %parallel_loop3A_496 : vector<1x1x16xi32> to vector<16xi32>
      %parallel_loop3A_498 = vector.shape_cast %parallel_loop3A_489 : vector<16xi32> to vector<1x1x16xi32>
      tpu.vector_store %arg7[%parallel_loop3A_493, %parallel_loop3A_494, %parallel_loop3A_495], %parallel_loop3A_498 {strides = array<i32>} : memref<2x64x256xi32, #tpu.memory_space<vmem>>, vector<1x1x16xi32>,
    } {sc.loop_unroll_factor = 8 : i64, sc.parallel_access}
    %add3A_415 = arith.constant 448 : i32
    %add3A_416 = arith.addi %mul3A_2, %add3A_415 : i32
    %dma_start3A_417 = arith.constant 1 : i32
    %dma_start3A_418 = arith.constant 0 : i32
    %dma_start3A_419 = arith.constant 0 : i32
    %dma_start3A_420 = tpu.memref_slice %arg7[%dma_start3A_417, %dma_start3A_418, %dma_start3A_419] : memref<2x64x256xi32, #tpu.memory_space<vmem>> -> memref<1x64x256xi32, #tpu.memory_space<vmem>>
    %dma_start3A_421 = tpu.memref_squeeze %dma_start3A_420 : memref<1x64x256xi32, #tpu.memory_space<vmem>> -> memref<64x256xi32, #tpu.memory_space<vmem>>
    %dma_start3A_422 = arith.constant 0 : i32
    %dma_start3A_423 = tpu.memref_slice %arg4[%add3A_416, %dma_start3A_422] : memref<16384x256xi32, #tpu.memory_space<hbm>> -> memref<64x256xi32, #tpu.memory_space<hbm>>
    %dma_start3A_424 = arith.constant 0 : i32
    %dma_start3A_425 = tpu.memref_slice %arg4[%add3A_416, %dma_start3A_424] : memref<16384x256xi32, #tpu.memory_space<hbm>> -> memref<64x256xi32, #tpu.memory_space<hbm>>
    %dma_start3A_426 = arith.constant 0 : i32
    %dma_start3A_427 = arith.constant 0 : i32
    %dma_start3A_428 = tpu.memref_slice %arg7[%dma_start3A_417, %dma_start3A_426, %dma_start3A_427] : memref<2x64x256xi32, #tpu.memory_space<vmem>> -> memref<1x64x256xi32, #tpu.memory_space<vmem>>
    %dma_start3A_429 = tpu.memref_squeeze %dma_start3A_428 : memref<1x64x256xi32, #tpu.memory_space<vmem>> -> memref<64x256xi32, #tpu.memory_space<vmem>>
    tpu.enqueue_dma source(%dma_start3A_429 : memref<64x256xi32, #tpu.memory_space<vmem>>) target(%dma_start3A_425 : memref<64x256xi32, #tpu.memory_space<hbm>>) target_semaphore(%arg11 : memref<!tpu.dma_semaphore, #tpu.memory_space<semaphore_mem>>)
    %dma_wait3A_430 = arith.constant 0 : i32
    %dma_wait3A_431 = arith.constant 0 : i32
    %dma_wait3A_432 = arith.constant 0 : i32
    %dma_wait3A_433 = tpu.memref_slice %arg7[%dma_wait3A_430, %dma_wait3A_431, %dma_wait3A_432] : memref<2x64x256xi32, #tpu.memory_space<vmem>> -> memref<1x64x256xi32, #tpu.memory_space<vmem>>
    %dma_wait3A_434 = tpu.memref_squeeze %dma_wait3A_433 : memref<1x64x256xi32, #tpu.memory_space<vmem>> -> memref<64x256xi32, #tpu.memory_space<vmem>>
    %dma_wait3A_435 = arith.constant 0 : i32
    %dma_wait3A_436 = tpu.memref_slice %arg4[%add3A_372, %dma_wait3A_435] : memref<16384x256xi32, #tpu.memory_space<hbm>> -> memref<64x256xi32, #tpu.memory_space<hbm>>
    %dma_wait3A_437 = arith.constant 0 : i32
    %dma_wait3A_438 = tpu.memref_slice %arg4[%add3A_372, %dma_wait3A_437] : memref<16384x256xi32, #tpu.memory_space<hbm>> -> memref<64x256xi32, #tpu.memory_space<hbm>>
    %dma_wait3A_439 = arith.constant 0 : i32
    %dma_wait3A_440 = arith.constant 0 : i32
    %dma_wait3A_441 = tpu.memref_slice %arg7[%dma_wait3A_430, %dma_wait3A_439, %dma_wait3A_440] : memref<2x64x256xi32, #tpu.memory_space<vmem>> -> memref<1x64x256xi32, #tpu.memory_space<vmem>>
    %dma_wait3A_442 = tpu.memref_squeeze %dma_wait3A_441 : memref<1x64x256xi32, #tpu.memory_space<vmem>> -> memref<64x256xi32, #tpu.memory_space<vmem>>
    tpu.wait_dma2 semaphore(%arg10 : memref<!tpu.dma_semaphore, #tpu.memory_space<semaphore_mem>>) src(%dma_wait3A_442 : memref<64x256xi32, #tpu.memory_space<vmem>>) dst(%dma_wait3A_438 : memref<64x256xi32, #tpu.memory_space<hbm>>)
    %dma_wait3A_443 = arith.constant 1 : i32
    %dma_wait3A_444 = arith.constant 0 : i32
    %dma_wait3A_445 = arith.constant 0 : i32
    %dma_wait3A_446 = tpu.memref_slice %arg7[%dma_wait3A_443, %dma_wait3A_444, %dma_wait3A_445] : memref<2x64x256xi32, #tpu.memory_space<vmem>> -> memref<1x64x256xi32, #tpu.memory_space<vmem>>
    %dma_wait3A_447 = tpu.memref_squeeze %dma_wait3A_446 : memref<1x64x256xi32, #tpu.memory_space<vmem>> -> memref<64x256xi32, #tpu.memory_space<vmem>>
    %dma_wait3A_448 = arith.constant 0 : i32
    %dma_wait3A_449 = tpu.memref_slice %arg4[%add3A_416, %dma_wait3A_448] : memref<16384x256xi32, #tpu.memory_space<hbm>> -> memref<64x256xi32, #tpu.memory_space<hbm>>
    %dma_wait3A_450 = arith.constant 0 : i32
    %dma_wait3A_451 = tpu.memref_slice %arg4[%add3A_416, %dma_wait3A_450] : memref<16384x256xi32, #tpu.memory_space<hbm>> -> memref<64x256xi32, #tpu.memory_space<hbm>>
    %dma_wait3A_452 = arith.constant 0 : i32
    %dma_wait3A_453 = arith.constant 0 : i32
    %dma_wait3A_454 = tpu.memref_slice %arg7[%dma_wait3A_443, %dma_wait3A_452, %dma_wait3A_453] : memref<2x64x256xi32, #tpu.memory_space<vmem>> -> memref<1x64x256xi32, #tpu.memory_space<vmem>>
    %dma_wait3A_455 = tpu.memref_squeeze %dma_wait3A_454 : memref<1x64x256xi32, #tpu.memory_space<vmem>> -> memref<64x256xi32, #tpu.memory_space<vmem>>
    tpu.wait_dma2 semaphore(%arg11 : memref<!tpu.dma_semaphore, #tpu.memory_space<semaphore_mem>>) src(%dma_wait3A_455 : memref<64x256xi32, #tpu.memory_space<vmem>>) dst(%dma_wait3A_451 : memref<64x256xi32, #tpu.memory_space<hbm>>)
    return
  }
}

module attributes {stable_mosaic.version = 14 : i64} {
  func.func @body(%arg0: i32, %arg1: memref<1024x256xi32, #tpu.memory_space<vmem>>, %arg2: memref<256x256xbf16, #tpu.memory_space<vmem>>, %arg3: memref<256x256xbf16, #tpu.memory_space<vmem>>, %arg4: memref<1x256xf32, #tpu.memory_space<vmem>>, %arg5: memref<32768x256xf32, #tpu.memory_space<any>>, %arg6: memref<32768x256xf32, #tpu.memory_space<any>>, %arg7: memref<1024x256xf32, #tpu.memory_space<vmem>>, %arg8: memref<!tpu.dma_semaphore, #tpu.memory_space<semaphore_mem>>) attributes {dimension_semantics = [#tpu.dimension_semantics<arbitrary>], iteration_bounds = array<i64: 16>, scalar_prefetch = 0 : i64, scratch_operands = 2 : i64, tpu.core_type = #tpu.core_type<tc>, window_params = [{transform_indices = @transform_0, window_bounds = array<i64: 1024, 256>}, {pipeline_mode = #tpu.pipeline_mode<synchronous>, transform_indices = @transform_1, window_bounds = array<i64: 256, 256>}, {pipeline_mode = #tpu.pipeline_mode<synchronous>, transform_indices = @transform_2, window_bounds = array<i64: 256, 256>}, {pipeline_mode = #tpu.pipeline_mode<synchronous>, transform_indices = @transform_3, window_bounds = array<i64: 1, 256>}, {}, {}]} {
    %get3A = arith.constant 0 : index
    %get3A_0 = arith.constant 0 : index
    %get3A_1 = vector.load %arg1[%get3A, %get3A_0] : memref<1024x256xi32, #tpu.memory_space<vmem>>, vector<1024x256xi32>
    %shift_left3A = arith.constant 16 : i32
    %shift_left3A_2 = vector.broadcast %shift_left3A : i32 to vector<1024x256xi32>
    %shift_left3A_3 = arith.shli %get3A_1, %shift_left3A_2 : vector<1024x256xi32>
    %bitcast_convert_type3A = tpu.bitcast %shift_left3A_3 : vector<1024x256xi32> -> vector<1024x256xf32>
    %convert_element_type3A = arith.truncf %bitcast_convert_type3A : vector<1024x256xf32> to vector<1024x256xbf16>
    %and3A = arith.constant -65536 : i32
    %and3A_4 = vector.broadcast %and3A : i32 to vector<1024x256xi32>
    %and3A_5 = arith.andi %get3A_1, %and3A_4 : vector<1024x256xi32>
    %bitcast_convert_type3A_6 = tpu.bitcast %and3A_5 : vector<1024x256xi32> -> vector<1024x256xf32>
    %convert_element_type3A_7 = arith.truncf %bitcast_convert_type3A_6 : vector<1024x256xf32> to vector<1024x256xbf16>
    %get3A_8 = arith.constant 0 : index
    %get3A_9 = arith.constant 0 : index
    %get3A_10 = vector.load %arg2[%get3A_8, %get3A_9] : memref<256x256xbf16, #tpu.memory_space<vmem>>, vector<256x256xbf16>
    %dot_general3A = arith.constant dense<0.000000e+00> : vector<1024x256xf32>
    %dot_general3A_11 = tpu.matmul %convert_element_type3A, %get3A_10, %dot_general3A {dimension_numbers = #tpu.dot_dimension_numbers<[1], [0], [0], [1], [0, 0, 1, 1], [], []>, transpose_lhs_hint = false} : vector<1024x256xbf16>, vector<256x256xbf16>, vector<1024x256xf32> -> vector<1024x256xf32>
    %get3A_12 = arith.constant 0 : index
    %get3A_13 = arith.constant 0 : index
    %get3A_14 = vector.load %arg3[%get3A_12, %get3A_13] : memref<256x256xbf16, #tpu.memory_space<vmem>>, vector<256x256xbf16>
    %dot_general3A_15 = arith.constant dense<0.000000e+00> : vector<1024x256xf32>
    %dot_general3A_16 = tpu.matmul %convert_element_type3A_7, %get3A_14, %dot_general3A_15 {dimension_numbers = #tpu.dot_dimension_numbers<[1], [0], [0], [1], [0, 0, 1, 1], [], []>, transpose_lhs_hint = false} : vector<1024x256xbf16>, vector<256x256xbf16>, vector<1024x256xf32> -> vector<1024x256xf32>
    %add3A = arith.addf %dot_general3A_11, %dot_general3A_16 : vector<1024x256xf32>
    %get3A_17 = arith.constant 0 : index
    %get3A_18 = arith.constant 0 : index
    %get3A_19 = vector.load %arg4[%get3A_17, %get3A_18] : memref<1x256xf32, #tpu.memory_space<vmem>>, vector<1x256xf32>
    %add3A_20 = vector.broadcast %get3A_19 : vector<1x256xf32> to vector<1024x256xf32>
    %add3A_21 = arith.addf %add3A, %add3A_20 : vector<1024x256xf32>
    %tanh3A = math.tanh %add3A_21 : vector<1024x256xf32>
    %swap3A = arith.constant 0 : index
    %swap3A_22 = arith.constant 0 : index
    %swap3A_23 = vector.load %arg7[%swap3A, %swap3A_22] : memref<1024x256xf32, #tpu.memory_space<vmem>>, vector<1024x256xf32>
    tpu.vector_store %arg7[%swap3A, %swap3A_22], %tanh3A {strides = array<i32>} : memref<1024x256xf32, #tpu.memory_space<vmem>>, vector<1024x256xf32>,
    %mul3A = arith.constant 1024 : i32
    %mul3A_24 = arith.muli %arg0, %mul3A : i32
    %add3A_25 = arith.constant 16384 : i32
    %add3A_26 = arith.addi %add3A_25, %mul3A_24 : i32
    %dma_start3A = arith.constant 0 : i32
    %dma_start3A_27 = tpu.memref_slice %arg6[%add3A_26, %dma_start3A] : memref<32768x256xf32, #tpu.memory_space<any>> -> memref<1024x256xf32, #tpu.memory_space<any>>
    tpu.enqueue_dma source(%arg7 : memref<1024x256xf32, #tpu.memory_space<vmem>>) target(%dma_start3A_27 : memref<1024x256xf32, #tpu.memory_space<any>>) target_semaphore(%arg8 : memref<!tpu.dma_semaphore, #tpu.memory_space<semaphore_mem>>)
    %dma_wait3A = arith.constant 0 : i32
    %dma_wait3A_28 = tpu.memref_slice %arg6[%add3A_26, %dma_wait3A] : memref<32768x256xf32, #tpu.memory_space<any>> -> memref<1024x256xf32, #tpu.memory_space<any>>
    tpu.wait_dma2 semaphore(%arg8 : memref<!tpu.dma_semaphore, #tpu.memory_space<semaphore_mem>>) src(%arg7 : memref<1024x256xf32, #tpu.memory_space<vmem>>) dst(%dma_wait3A_28 : memref<1024x256xf32, #tpu.memory_space<any>>)
    return
  }
  func.func @transform_0(%arg0: i32) -> (i32, i32) {
    %c0_i32 = arith.constant 0 : i32
    %c0_i32_0 = arith.constant 0 : i32
    return %arg0, %c0_i32 : i32, i32
  }
  func.func @transform_1(%arg0: i32) -> (i32, i32) {
    %c0_i32 = arith.constant 0 : i32
    %c0_i32_0 = arith.constant 0 : i32
    %c0_i32_1 = arith.constant 0 : i32
    return %c0_i32, %c0_i32_0 : i32, i32
  }
  func.func @transform_2(%arg0: i32) -> (i32, i32) {
    %c0_i32 = arith.constant 0 : i32
    %c0_i32_0 = arith.constant 0 : i32
    %c0_i32_1 = arith.constant 0 : i32
    return %c0_i32, %c0_i32_0 : i32, i32
  }
  func.func @transform_3(%arg0: i32) -> (i32, i32) {
    %c0_i32 = arith.constant 0 : i32
    %c0_i32_0 = arith.constant 0 : i32
    %c0_i32_1 = arith.constant 0 : i32
    return %c0_i32, %c0_i32_0 : i32, i32
  }
}

module attributes {stable_mosaic.version = 14 : i64} {
  func.func @body(%arg0: i32, %arg1: memref<1024x256xi32, #tpu.memory_space<vmem>>, %arg2: memref<256x256xbf16, #tpu.memory_space<vmem>>, %arg3: memref<256x256xbf16, #tpu.memory_space<vmem>>, %arg4: memref<1x256xf32, #tpu.memory_space<vmem>>, %arg5: memref<32768x256xf32, #tpu.memory_space<any>>, %arg6: memref<1024x256xf32, #tpu.memory_space<vmem>>, %arg7: memref<!tpu.dma_semaphore, #tpu.memory_space<semaphore_mem>>) attributes {dimension_semantics = [#tpu.dimension_semantics<arbitrary>], iteration_bounds = array<i64: 16>, scalar_prefetch = 0 : i64, scratch_operands = 2 : i64, tpu.core_type = #tpu.core_type<tc>, window_params = [{transform_indices = @transform_0, window_bounds = array<i64: 1024, 256>}, {pipeline_mode = #tpu.pipeline_mode<synchronous>, transform_indices = @transform_1, window_bounds = array<i64: 256, 256>}, {pipeline_mode = #tpu.pipeline_mode<synchronous>, transform_indices = @transform_2, window_bounds = array<i64: 256, 256>}, {pipeline_mode = #tpu.pipeline_mode<synchronous>, transform_indices = @transform_3, window_bounds = array<i64: 1, 256>}, {}]} {
    %get3A = arith.constant 0 : index
    %get3A_0 = arith.constant 0 : index
    %get3A_1 = vector.load %arg1[%get3A, %get3A_0] : memref<1024x256xi32, #tpu.memory_space<vmem>>, vector<1024x256xi32>
    %shift_left3A = arith.constant 16 : i32
    %shift_left3A_2 = vector.broadcast %shift_left3A : i32 to vector<1024x256xi32>
    %shift_left3A_3 = arith.shli %get3A_1, %shift_left3A_2 : vector<1024x256xi32>
    %bitcast_convert_type3A = tpu.bitcast %shift_left3A_3 : vector<1024x256xi32> -> vector<1024x256xf32>
    %convert_element_type3A = arith.truncf %bitcast_convert_type3A : vector<1024x256xf32> to vector<1024x256xbf16>
    %and3A = arith.constant -65536 : i32
    %and3A_4 = vector.broadcast %and3A : i32 to vector<1024x256xi32>
    %and3A_5 = arith.andi %get3A_1, %and3A_4 : vector<1024x256xi32>
    %bitcast_convert_type3A_6 = tpu.bitcast %and3A_5 : vector<1024x256xi32> -> vector<1024x256xf32>
    %convert_element_type3A_7 = arith.truncf %bitcast_convert_type3A_6 : vector<1024x256xf32> to vector<1024x256xbf16>
    %get3A_8 = arith.constant 0 : index
    %get3A_9 = arith.constant 0 : index
    %get3A_10 = vector.load %arg2[%get3A_8, %get3A_9] : memref<256x256xbf16, #tpu.memory_space<vmem>>, vector<256x256xbf16>
    %dot_general3A = arith.constant dense<0.000000e+00> : vector<1024x256xf32>
    %dot_general3A_11 = tpu.matmul %convert_element_type3A, %get3A_10, %dot_general3A {dimension_numbers = #tpu.dot_dimension_numbers<[1], [0], [0], [1], [0, 0, 1, 1], [], []>, transpose_lhs_hint = false} : vector<1024x256xbf16>, vector<256x256xbf16>, vector<1024x256xf32> -> vector<1024x256xf32>
    %get3A_12 = arith.constant 0 : index
    %get3A_13 = arith.constant 0 : index
    %get3A_14 = vector.load %arg3[%get3A_12, %get3A_13] : memref<256x256xbf16, #tpu.memory_space<vmem>>, vector<256x256xbf16>
    %dot_general3A_15 = arith.constant dense<0.000000e+00> : vector<1024x256xf32>
    %dot_general3A_16 = tpu.matmul %convert_element_type3A_7, %get3A_14, %dot_general3A_15 {dimension_numbers = #tpu.dot_dimension_numbers<[1], [0], [0], [1], [0, 0, 1, 1], [], []>, transpose_lhs_hint = false} : vector<1024x256xbf16>, vector<256x256xbf16>, vector<1024x256xf32> -> vector<1024x256xf32>
    %add3A = arith.addf %dot_general3A_11, %dot_general3A_16 : vector<1024x256xf32>
    %get3A_17 = arith.constant 0 : index
    %get3A_18 = arith.constant 0 : index
    %get3A_19 = vector.load %arg4[%get3A_17, %get3A_18] : memref<1x256xf32, #tpu.memory_space<vmem>>, vector<1x256xf32>
    %add3A_20 = vector.broadcast %get3A_19 : vector<1x256xf32> to vector<1024x256xf32>
    %add3A_21 = arith.addf %add3A, %add3A_20 : vector<1024x256xf32>
    %tanh3A = math.tanh %add3A_21 : vector<1024x256xf32>
    %swap3A = arith.constant 0 : index
    %swap3A_22 = arith.constant 0 : index
    %swap3A_23 = vector.load %arg6[%swap3A, %swap3A_22] : memref<1024x256xf32, #tpu.memory_space<vmem>>, vector<1024x256xf32>
    tpu.vector_store %arg6[%swap3A, %swap3A_22], %tanh3A {strides = array<i32>} : memref<1024x256xf32, #tpu.memory_space<vmem>>, vector<1024x256xf32>,
    %mul3A = arith.constant 1024 : i32
    %mul3A_24 = arith.muli %arg0, %mul3A : i32
    %add3A_25 = arith.constant 0 : i32
    %add3A_26 = arith.addi %add3A_25, %mul3A_24 : i32
    %dma_start3A = arith.constant 0 : i32
    %dma_start3A_27 = tpu.memref_slice %arg5[%add3A_26, %dma_start3A] : memref<32768x256xf32, #tpu.memory_space<any>> -> memref<1024x256xf32, #tpu.memory_space<any>>
    tpu.enqueue_dma source(%arg6 : memref<1024x256xf32, #tpu.memory_space<vmem>>) target(%dma_start3A_27 : memref<1024x256xf32, #tpu.memory_space<any>>) target_semaphore(%arg7 : memref<!tpu.dma_semaphore, #tpu.memory_space<semaphore_mem>>)
    %dma_wait3A = arith.constant 0 : i32
    %dma_wait3A_28 = tpu.memref_slice %arg5[%add3A_26, %dma_wait3A] : memref<32768x256xf32, #tpu.memory_space<any>> -> memref<1024x256xf32, #tpu.memory_space<any>>
    tpu.wait_dma2 semaphore(%arg7 : memref<!tpu.dma_semaphore, #tpu.memory_space<semaphore_mem>>) src(%arg6 : memref<1024x256xf32, #tpu.memory_space<vmem>>) dst(%dma_wait3A_28 : memref<1024x256xf32, #tpu.memory_space<any>>)
    return
  }
  func.func @transform_0(%arg0: i32) -> (i32, i32) {
    %c0_i32 = arith.constant 0 : i32
    %c0_i32_0 = arith.constant 0 : i32
    return %arg0, %c0_i32 : i32, i32
  }
  func.func @transform_1(%arg0: i32) -> (i32, i32) {
    %c0_i32 = arith.constant 0 : i32
    %c0_i32_0 = arith.constant 0 : i32
    %c0_i32_1 = arith.constant 0 : i32
    return %c0_i32, %c0_i32_0 : i32, i32
  }
  func.func @transform_2(%arg0: i32) -> (i32, i32) {
    %c0_i32 = arith.constant 0 : i32
    %c0_i32_0 = arith.constant 0 : i32
    %c0_i32_1 = arith.constant 0 : i32
    return %c0_i32, %c0_i32_0 : i32, i32
  }
  func.func @transform_3(%arg0: i32) -> (i32, i32) {
    %c0_i32 = arith.constant 0 : i32
    %c0_i32_0 = arith.constant 0 : i32
    %c0_i32_1 = arith.constant 0 : i32
    return %c0_i32, %c0_i32_0 : i32, i32
  }
}

</mosaic_0001>

<sc_bundles>
// kernel: kernel.6.cloned.1.call-start
scs
__scs_entry_jumppad:
0x0: {  	(pc) =	sbr.rel $0x88, $3  }
0x1: {  	(tag) =	ssettag $0x0;
	lr =	simm.s32 $0x1  }
0x2: {  	[smem:$0x3F9D] =	sst lr;
	_ =	strace $0xD0000000  }
0x3: {  	_ = 	snop  }
0x4: {  	_ = 	snop  }
0x5: {  	_ = 	snop  }
0x6: {  	_ = 	snop  }
0x7: {  	_ = 	snop  }
__scs_overlays_trampoline_lowered:
0x8: {  	[smem:$0x3FAC] =	sst s0  }
0x9: {  	[smem:$0x3FAD] =	sst s1  }
0xa: {  	[smem:$0x3FAE] =	sst s2  }
0xb: {  	[smem:$0x3FAF] =	sst s3  }
0xc: {  	[smem:$0x3FB0] =	sst s4  }
0xd: {  	[smem:$0x3FB1] =	sst s5  }
0xe: {  	[smem:$0x3FB2] =	sst s6  }
0xf: {  	[smem:$0x3FB3] =	sst s7  }
0x10: {  	[smem:$0x3FB4] =	sst s8  }
0x11: {  	[smem:$0x3FB5] =	sst s9;
	s0 =	simm.s32 @!p0 $0x0  }
0x12: {  	s1 =	sld [smem:$0x3F9B];
	s0 =	simm.s32 @p0 $0x1  }
0x13: {  	[smem:$0x3FB6] =	sst s0;
	s0 =	simm.s32 @!p1 $0x0  }
0x14: {  	s2 =	sld [smem:$0x3F9A];
	s0 =	simm.s32 @p1 $0x1  }
0x15: {  	[smem:$0x3FB7] =	sst s0;
	s0 =	simm.s32 @!p2 $0x0  }
0x16: {  	s3 =	sld [smem:$0x3FDB];
	s0 =	simm.s32 @p2 $0x1  }
0x17: {  	s4 =	simm.s32 $0x1BF5;
	[smem:$0x3FB9] =	sst s0  }
0x18: {  	s0 =	sld [smem:$0x3F9C];
	_ =	swait.ge [sflag:s4], $0x0  }
0x19: {  	s7 =	sld [smem:$0x3F9D]  }
0x1a: {  	s8 =	sadd.s32 $0xFFFFE003, lr  }
0x1b: {  	s9 =	sadd.s32 $0xFFFFFEF7, lr;
	s5 =	simm.s32 $0xFFFFFFFF;
	p2 =	slt.u32 s8, $0xFFFFF086  }
0x1c: {  	p1 =	slt.u32 s9, $0xF7A;
	s5 =	simm.s32 @!p2 $0x0  }
0x1d: {  	s5 =	simm.s32 @p1 $0x1;
	p0 =	seq.s32 s7, s2  }
0x1e: {  	s7 =	smul.u32 @!p0 $0xF7A, s2;
	p2 =	seq.s32 @!p0 s5, $0x0  }
0x1f: {  	s9 =	smul.u32 $0xF7A, s1;
	s8 =	simm.s32 @!p0 $0x1BF5;
	p2 =	por !p2, p0  }
0x20: {  	[sflag:s8] =	ssyncset.s32 @!p0 $0xFFFFF086;
	s6 =	sadd.s32 @!p0 s3, s7;
	s7 =	simm.s32 @!p0 $0x108  }
0x21: {  	s3 =	sadd.s32 s3, s9;
	s6 =	sadd.s32 @!p0 $0x88, s6;
	s7 =	simm.s32 @p2 $0x1082  }
0x22: {  	[simem:s7], [sflag:s8] =	dma.local @!p0 [hbm:s6], $0xF7A  }
0x23: {  	s9 =	sor.u32 $0xD0000000, s2;
	s6 =	simm.s32 $0x108;
	_ =	swait.ge @!p0 [sflag:s8], $0x0  }
0x24: {  	s3 =	sadd.s32 $0x88, s3;
	s6 =	simm.s32 @!p1 $0x1082;
	[sflag:s4] =	ssyncset.s32 $0xFFFFF086  }
0x25: {  	[simem:s6], [sflag:s4] =	dma.local [hbm:s3], $0xF7A  }
0x26: {  	[smem:$0x3F9D] =	sst s1;
	(tag) =	ssettag s2;
	_ =	strace s9  }
0x27: {  	s1 =	sld [smem:$0x3FAD]  }
0x28: {  	s2 =	sld [smem:$0x3FAE]  }
0x29: {  	s4 =	sld [smem:$0x3FB0]  }
0x2a: {  	p0 =	seq.s32 s5, $0x0;
	s5 =	sld [smem:$0x3FB1]  }
0x2b: {  	s6 =	sld [smem:$0x3FB2]  }
0x2c: {  	s7 =	sld [smem:$0x3FB3]  }
0x2d: {  	s3 =	simm.s32 $0x108;
	s8 =	sld [smem:$0x3FB4]  }
0x2e: {  	s3 =	simm.s32 @!p0 $0x1082;
	s9 =	sld [smem:$0x3FB5]  }
0x2f: {  	lr =	sadd.s32 s0, s3;
	s0 =	sld [smem:$0x3FAC]  }
0x30: {  	s3 =	sld [smem:$0x3FAF]  }
0x31: {  	[smem:$0x3FB8] =	sst s10  }
0x32: {  	s10 =	sld [smem:$0x3FB6];
	_ =	sdelay $0x3  }
0x33: {  	p0 =	seq.s32 s10, $0x1;
	s10 =	sld [smem:$0x3FB8];
	_ =	sdelay $0x3  }
0x34: {  	[smem:$0x3FB8] =	sst s10  }
0x35: {  	s10 =	sld [smem:$0x3FB7];
	_ =	sdelay $0x3  }
0x36: {  	p1 =	seq.s32 s10, $0x1;
	s10 =	sld [smem:$0x3FB8];
	_ =	sdelay $0x3  }
0x37: {  	[smem:$0x3FB8] =	sst s10  }
0x38: {  	s10 =	sld [smem:$0x3FB9]  }
0x39: {  	_ = 	snop;
	(pc) =	sbr.ind lr, $3  }
0x3a: {  	_ = 	snop  }
0x3b: {  	_ = 	snop  }
0x3c: {  	p2 =	seq.s32 s10, $0x1;
	s10 =	sld [smem:$0x3FB8]  }
0x3d: {  	_ =	shalt  }
0x3e: {  	_ =	shalt  }
0x3f: {  	_ =	shalt  }
0x40: {  	_ =	shalt  }
0x41: {  	_ =	shalt  }
0x42: {  	_ =	shalt  }
0x43: {  	_ =	shalt  }
0x44: {  	_ =	shalt  }
0x45: {  	_ =	shalt  }
0x46: {  	_ =	shalt  }
0x47: {  	_ =	shalt  }
0x48: {  	_ =	shalt  }
0x49: {  	_ =	shalt  }
0x4a: {  	_ =	shalt  }
0x4b: {  	_ =	shalt  }
0x4c: {  	_ =	shalt  }
0x4d: {  	_ =	shalt  }
0x4e: {  	_ =	shalt  }
0x4f: {  	_ =	shalt  }
0x50: {  	_ =	shalt  }
0x51: {  	_ =	shalt  }
0x52: {  	_ =	shalt  }
0x53: {  	_ =	shalt  }
0x54: {  	_ =	shalt  }
0x55: {  	_ =	shalt  }
0x56: {  	_ =	shalt  }
0x57: {  	_ =	shalt  }
0x58: {  	_ =	shalt  }
0x59: {  	_ =	shalt  }
0x5a: {  	_ =	shalt  }
0x5b: {  	_ =	shalt  }
0x5c: {  	_ =	shalt  }
0x5d: {  	_ =	shalt  }
0x5e: {  	_ =	shalt  }
0x5f: {  	_ =	shalt  }
0x60: {  	_ =	shalt  }
0x61: {  	_ =	shalt  }
0x62: {  	_ =	shalt  }
0x63: {  	_ =	shalt  }
0x64: {  	_ =	shalt  }
0x65: {  	_ =	shalt  }
0x66: {  	_ =	shalt  }
0x67: {  	_ =	shalt  }
0x68: {  	_ =	shalt  }
0x69: {  	_ =	shalt  }
0x6a: {  	_ =	shalt  }
0x6b: {  	_ =	shalt  }
0x6c: {  	_ =	shalt  }
0x6d: {  	_ =	shalt  }
0x6e: {  	_ =	shalt  }
0x6f: {  	_ =	shalt  }
0x70: {  	_ =	shalt  }
0x71: {  	_ =	shalt  }
0x72: {  	_ =	shalt  }
0x73: {  	_ =	shalt  }
0x74: {  	_ =	shalt  }
0x75: {  	_ =	shalt  }
0x76: {  	_ =	shalt  }
0x77: {  	_ =	shalt  }
0x78: {  	_ =	shalt  }
0x79: {  	_ =	shalt  }
0x7a: {  	_ =	shalt  }
0x7b: {  	_ =	shalt  }
0x7c: {  	_ =	shalt  }
0x7d: {  	_ =	shalt  }
0x7e: {  	_ =	shalt  }
0x7f: {  	_ =	shalt  }
0x80: {  	_ =	shalt  }
0x81: {  	_ =	shalt  }
0x82: {  	_ =	shalt  }
0x83: {  	_ =	shalt  }
0x84: {  	_ =	shalt  }
0x85: {  	_ =	shalt  }
0x86: {  	_ =	shalt  }
0x87: {  	_ =	shalt  }
.Lfunc_end0:
.L_simem_size_0:
called_computation_lowered:
.L_overlay_start_0:
0x88: {  	s2 =	sld [smem:$0x3FD9]  }
0x89: {  	s3 =	sld [smem:$0x3FFE];
	_ =	sdelay $0x1  }
0x8a: {  	s1 =	srdreg.scid  }
0x8b: {  	s0 =	sand.u32 $0x1, s1  }
0x8c: {  	s17 =	sshll.u32 s0, $0xA;
	s2 =	sadd.s32 s3, s2  }
0x8d: {  	s2 =	sadd.s32 s2, s17  }
0x8e: {  	[smem:$0x3FC4] =	sst s2  }
0x8f: {  	_ = 	snop  }
0x90: {  	s2 =	sld [smem:$0x3FC8]  }
0x91: {  	s18 =	sld [smem:$0x3FD0];
	(tm) =	ssettm $0x1  }
0x92: {  	s4 =	sld [smem:$0x3FFB];
	_ =	sdelay $0x3  }
0x93: {  	_ =	strace s4  }
0x94: {  	s4 =	sld [smem:$0x3FFC];
	_ =	sdelay $0x3  }
0x95: {  	_ =	strace s4  }
0x96: {  	s4 =	sld [smem:$0x3FFD];
	_ =	sdelay $0x3  }
0x97: {  	_ =	strace s4  }
0x98: {  	_ =	strace $0x8FFFFFFF  }
0x99: {  	s19 =	sld [smem:$0x3FDB];
	_ =	sdelay $0x1  }
0x9a: {  	s5 =	simm.s32 $_scs_section_size  }
0x9b: {  	s6 =	simm.s32 $_size__tile_overlayer_lowered;
	s7 =	simm.s32 $_tile_overlayer_lowered  }
0x9c: {  	s22 =	simm.s32 $0x1BFF;
	s21 =	sshll.u32 s7, $0x1;
	s4 =	sadd.s32 s5, s19  }
0x9d: {  	s8 =	simm.s32 $0x0;
	s20 =	sshll.u32 s6, $0x1;
	s6 =	sadd.s32 s21, s4  }
0x9e: {  	[timem:s8], [sflag:s22] =	dma.local [hbm:s6], s20  }
0x9f: {  	_ =	swait.ge [sflag:s22], s20  }
0xa0: {  	s5 =	ssub.s32 $0x0, s20;
	[sflag:s22] =	ssyncset.done $0x0  }
0xa1: {  	[sflag:s22] =	ssyncadd.s32 s5;
	_ =	sdelay $0x1  }
0xa2: {  	s23 =	simm.s32 $0x1B8B  }
0xa3: {  	_ =	swait.ge [sflag:s23], $0x1  }
0xa4: {  	[sflag:s23] =	ssyncset.done $0x0  }
0xa5: {  	s25 =	simm.s32 $0x1B8E;
	s24 =	sld [smem:$0x3FFE];
	[sflag:s23] =	ssyncadd.s32 $0xFFFFFFFF  }
0xa6: {  	s26 =	simm.s32 $execute0_lowered;
	[smem:$0x3FD2] =	sst s25  }
0xa7: {  	s6 =	sshll.u32 s26, $0x1;
	_ =	strace $0x80000046;
	[dreg:$0x1] =	wrdreg $0xFFFFFFFF  }
0xa8: {  	s28 =	simm.s32 $_size_execute0_lowered;
	s4 =	sadd.s32 s4, s6;
	[dreg:$0x0] =	wrdreg $0x0  }
0xa9: {  	s6 =	sshll.u32 s28, $0x1;
	[dreg:$0x2] =	wrdreg s4  }
0xaa: {  	[dreg:$0x3] =	wrdreg s6  }
0xab: {  	[dreg:$0x4] =	wrdreg $0xC0  }
0xac: {  	_ =	task [dreg:s8], $0x5FFFF  }
0xad: {  	[dreg:$0x1] =	wrdreg $0xFFFFFFFF  }
0xae: {  	[dreg:$0x0] =	wrdreg $0x60  }
0xaf: {  	[dreg:$0x2] =	wrdreg s24  }
0xb0: {  	[dreg:$0x3] =	wrdreg s2  }
0xb1: {  	[dreg:$0x4] =	wrdreg s18  }
0xb2: {  	[dreg:$0x5] =	wrdreg $0x9  }
0xb3: {  	_ =	task.clear_ibuf [dreg:s8], $0x6FFFF;
	_ =	strace $0x90000046  }
0xb4: {  	s29 =	simm.s32 $0x9;
	_ =	strace $0x80000048  }
0xb5: {  	_ =	swait.ge [sflag:s29], $0x1  }
0xb6: {  	[sflag:s29] =	ssyncadd.s32 $0xFFFFFFFF  }
0xb7: {  	_ =	strace $0x90000048  }
0xb8: {  	_ =	sfence  }
0xb9: {  	s30 =	sld [smem:$0x0];
	_ =	sdelay $0x2  }
0xba: {  	s31 =	sshll.u32 s1, $0xD;
	s1 =	sshrl.u32 s1, $0x2  }
0xbb: {  	s3 =	sand.u32 $0x4000, s31;
	s1 =	sadd.s32 s1, s30  }
0xbc: {  	s0 =	sor.u32 s3, s0;
	s1 =	sshll.u32 s1, $0x11  }
0xbd: {  	s0 =	sor.u32 s1, s0  }
0xbe: {  	s0 =	sadd.s32 $0x8F2B, s0  }
0xbf: {  	[sflag:s0] =	ssyncadd.remote.s32 $0x1  }
0xc0: {  	_ =	sfence.sel $0xFFFF  }
0xc1: {  	[dreg:$0x0] =	wrdreg $0xFFFFFFFF;
	(pc) =	sbr.abs _section_cstart, $3  }
0xc2: {  	[dreg:$0x1] =	wrdreg $0xFFFFFFFF  }
0xc3: {  	_ =	task.clear_ibuf [dreg:s8], $0x2FFFF;
	_ =	strace $0x9FFFFFFF  }
0xc4: {  	(tm) =	ssettm $0x7FFFFFFF  }
0xc5: {  	_ =	shalt  }
tec
execute0_lowered:
.L_overlay_start_1:
0x0: {  	(tag) =	ssettag $0x1  }
0x1: {  	s0 =	rddreg [dreg:$0x0]  }
0x2: {  	s2 =	rddreg [dreg:$0x1]  }
0x3: {  	s1 =	rddreg [dreg:$0x2];
	s4 =	srdreg.scid  }
0x4: {  	s5 =	stileid.u32;
	s3 =	simm.s32 $0x0;
	s11 =	simm.s32 $0xB400  }
0x5: {  	s12 =	simm.s32 $0xBC00;
	s13 =	simm.s32 $0xC400;
	s14 =	simm.s32 $0xCC00  }
0x6: {  	s15 =	simm.s32 $0xDC00;
	s16 =	simm.s32 $0xE400;
	s17 =	simm.s32 $0xEC00  }
0x7: {  	s18 =	simm.s32 $0xF400;
	s4 =	sand.u32 $0x1, s4;
	s5 =	sshll.u32 s5, $0x1  }
0x8: {  	s19 =	simm.s32 $0xFC00;
	s20 =	simm.s32 $0x1;
	s5 =	sor.u32 s4, s5  }
0x9: {  	s21 =	simm.s32 $0x10400;
	s6 =	sshll.u32 s5, $0x7;
	s23 =	sshll.u32 s5, $0xE  }
0xa: {  	[smem:$0x7FF] =	sst s3;
	s0 =	sadd.s32 s6, s0;
	s24 =	sadd.s32 s1, s23  }
0xb: {  	_ =	strace $0x80000047;
	s0 =	sadd.s32 $0x1400, s0;
	[dreg:$0x5] =	wrdreg s24  }
0xc: {  	s22 =	simm.s32 $0x2;
	s1 =	sadd.s32 $0x800, s24;
	[dreg:$0x4] =	wrdreg s0  }
0xd: {  	s4 =	ssub.s32 $0x2, s4;
	s25 =	sadd.s32 $0x1000, s24;
	[dreg:$0x6] =	wrdreg s1  }
0xe: {  	s7 =	sshrl.u32 s4, $0x1;
	s26 =	sadd.s32 $0x1800, s24;
	[dreg:$0x7] =	wrdreg s25  }
0xf: {  	s5 =	sadd.s32 $0x100, s2;
	s28 =	sadd.s32 $0x2000, s24;
	[dreg:$0x8] =	wrdreg s26  }
0x10: {  	s4 =	ssub.s32 s4, s7;
	s29 =	sadd.s32 $0x2800, s24;
	[dreg:$0x9] =	wrdreg s28  }
0x11: {  	s6 =	simm.s32 $0xD400;
	s30 =	sadd.s32 $0x3000, s24;
	[dreg:$0xa] =	wrdreg s29  }
0x12: {  	v2 =	vlaneseq.u32;
	s23 =	simm.s32 $0x14400;
	s31 =	smax.u32 s4, $0x1;
	[dreg:$0xb] =	wrdreg s30  }
0x13: {  	vm0 =	vmmov $0xffff;
	v1 =	vshrl.u32 v2, $0x3;
	s0 =	sadd.s32 $0x3800, s24;
	[dreg:$0xd] =	wrdreg s31;
	s24 =	simm.s32 $0x3  }
0x14: {  	v0 =	vand.u32 $0x7, v2;
	v2 =	vor.u32 $0x8, v2;
	v1 =	vmul.u32 $0x8, v1;
	s25 =	simm.s32 $0x4;
	s26 =	simm.s32 $0x0;
	[dreg:$0xc] =	wrdreg s0  }
.LBB2_1:
0x15: {  	s0 =	rddreg [dreg:$0x4];
	s9 =	simm.s32 $0x5  }
0x16: {  	[tilespmem:s3], [sflag:$0x5] =	stream.linear.gather [hbm4b:s0+s3], $0x400, $0x38;
	[tilespmem:$0x18400] =	vst v63  }
0x17: {  	_ =	swait.ge [sflag:s9], $0x400  }
0x18: {  	[sflag:s9] =	ssyncset.done $0x0  }
0x19: {  	[sflag:s9] =	ssyncadd.s32 $0xFFFFFC00  }
0x1a: {  	v3 =	vld [tilespmem:$0x0];
	_ =	sdelay $0x4  }
0x1b: {  	v4 =	vshll.u32 v3, $0x2  }
0x1c: {  	v3 =	vand.u32 $0x7, v3;
	v4 =	vand.u32 $0xFFFFFFE0, v4  }
0x1d: {  	v3 =	vor.u32 v3, v4  }
0x1e: {  	v4 =	vperm.xlane v3, v0;
	_ =	sdelay $0x1  }
0x1f: {  	v4 =	vadd.s32 v1, v4;
	_ =	sdelay $0x1  }
0x20: {  	v3 =	vperm.xlane v3, v2;
	_ =	sdelay $0x1  }
0x21: {  	s10 =	simm.s32 $0x400;
	v3 =	vadd.s32 v1, v3  }
0x22: {  	[tilespmem:s10], [sflag:$0x1] =	stream.indirect_vreg.gather [hbm4b:s2+s3], $0x80, v4, vm0, $0xb8;
	[tilespmem:$0x18400] =	vst v63  }
0x23: {  	s1 =	simm.s32 $0xC00  }
0x24: {  	[tilespmem:s1], [sflag:$0x1] =	stream.indirect_vreg.gather [hbm4b:s5+s3], $0x80, v4, vm0, $0xb8;
	[tilespmem:$0x18400] =	vst v63  }
0x25: {  	s4 =	simm.s32 $0x1400  }
0x26: {  	[tilespmem:s4], [sflag:$0x1] =	stream.indirect_vreg.gather [hbm4b:s2+s3], $0x80, v3, vm0, $0xb8;
	[tilespmem:$0x18400] =	vst v63  }
0x27: {  	s7 =	simm.s32 $0x1C00  }
0x28: {  	[tilespmem:s7], [sflag:$0x1] =	stream.indirect_vreg.gather [hbm4b:s5+s3], $0x80, v3, vm0, $0xb8;
	[tilespmem:$0x18400] =	vst v63  }
0x29: {  	v3 =	vld [tilespmem:$0x10];
	_ =	sdelay $0x4  }
0x2a: {  	v4 =	vshll.u32 v3, $0x2  }
0x2b: {  	v3 =	vand.u32 $0x7, v3;
	v4 =	vand.u32 $0xFFFFFFE0, v4  }
0x2c: {  	v3 =	vor.u32 v3, v4  }
0x2d: {  	v4 =	vperm.xlane v3, v0;
	_ =	sdelay $0x1  }
0x2e: {  	v4 =	vadd.s32 v1, v4;
	_ =	sdelay $0x1  }
0x2f: {  	v3 =	vperm.xlane v3, v2;
	_ =	sdelay $0x1  }
0x30: {  	s8 =	simm.s32 $0x2400;
	v3 =	vadd.s32 v1, v3  }
0x31: {  	[tilespmem:s8], [sflag:$0x1] =	stream.indirect_vreg.gather [hbm4b:s2+s3], $0x80, v4, vm0, $0xb8;
	[tilespmem:$0x18400] =	vst v63  }
0x32: {  	s9 =	simm.s32 $0x2C00  }
0x33: {  	[tilespmem:s9], [sflag:$0x1] =	stream.indirect_vreg.gather [hbm4b:s5+s3], $0x80, v4, vm0, $0xb8;
	[tilespmem:$0x18400] =	vst v63  }
0x34: {  	s10 =	simm.s32 $0x3400  }
0x35: {  	[tilespmem:s10], [sflag:$0x1] =	stream.indirect_vreg.gather [hbm4b:s2+s3], $0x80, v3, vm0, $0xb8;
	[tilespmem:$0x18400] =	vst v63  }
0x36: {  	s1 =	simm.s32 $0x3C00  }
0x37: {  	[tilespmem:s1], [sflag:$0x1] =	stream.indirect_vreg.gather [hbm4b:s5+s3], $0x80, v3, vm0, $0xb8;
	[tilespmem:$0x18400] =	vst v63  }
0x38: {  	v3 =	vld [tilespmem:$0x20];
	_ =	sdelay $0x4  }
0x39: {  	v4 =	vshll.u32 v3, $0x2  }
0x3a: {  	v3 =	vand.u32 $0x7, v3;
	v4 =	vand.u32 $0xFFFFFFE0, v4  }
0x3b: {  	v3 =	vor.u32 v3, v4  }
0x3c: {  	v4 =	vperm.xlane v3, v0;
	_ =	sdelay $0x1  }
0x3d: {  	v4 =	vadd.s32 v1, v4;
	_ =	sdelay $0x1  }
0x3e: {  	v3 =	vperm.xlane v3, v2;
	_ =	sdelay $0x1  }
0x3f: {  	s4 =	simm.s32 $0x4400;
	v3 =	vadd.s32 v1, v3  }
0x40: {  	[tilespmem:s4], [sflag:$0x1] =	stream.indirect_vreg.gather [hbm4b:s2+s3], $0x80, v4, vm0, $0xb8;
	[tilespmem:$0x18400] =	vst v63  }
0x41: {  	s7 =	simm.s32 $0x4C00  }
0x42: {  	[tilespmem:s7], [sflag:$0x1] =	stream.indirect_vreg.gather [hbm4b:s5+s3], $0x80, v4, vm0, $0xb8;
	[tilespmem:$0x18400] =	vst v63  }
0x43: {  	s8 =	simm.s32 $0x5400  }
0x44: {  	[tilespmem:s8], [sflag:$0x1] =	stream.indirect_vreg.gather [hbm4b:s2+s3], $0x80, v3, vm0, $0xb8;
	[tilespmem:$0x18400] =	vst v63  }
0x45: {  	s9 =	simm.s32 $0x5C00  }
0x46: {  	[tilespmem:s9], [sflag:$0x1] =	stream.indirect_vreg.gather [hbm4b:s5+s3], $0x80, v3, vm0, $0xb8;
	[tilespmem:$0x18400] =	vst v63  }
0x47: {  	v3 =	vld [tilespmem:$0x30];
	_ =	sdelay $0x4  }
0x48: {  	v4 =	vshll.u32 v3, $0x2  }
0x49: {  	v3 =	vand.u32 $0x7, v3;
	v4 =	vand.u32 $0xFFFFFFE0, v4  }
0x4a: {  	v3 =	vor.u32 v3, v4  }
0x4b: {  	v4 =	vperm.xlane v3, v0;
	_ =	sdelay $0x1  }
0x4c: {  	v4 =	vadd.s32 v1, v4;
	_ =	sdelay $0x1  }
0x4d: {  	v3 =	vperm.xlane v3, v2;
	_ =	sdelay $0x1  }
0x4e: {  	s10 =	simm.s32 $0x6400;
	v3 =	vadd.s32 v1, v3  }
0x4f: {  	[tilespmem:s10], [sflag:$0x1] =	stream.indirect_vreg.gather [hbm4b:s2+s3], $0x80, v4, vm0, $0xb8;
	[tilespmem:$0x18400] =	vst v63  }
0x50: {  	s1 =	simm.s32 $0x6C00  }
0x51: {  	[tilespmem:s1], [sflag:$0x1] =	stream.indirect_vreg.gather [hbm4b:s5+s3], $0x80, v4, vm0, $0xb8;
	[tilespmem:$0x18400] =	vst v63  }
0x52: {  	s4 =	simm.s32 $0x7400  }
0x53: {  	[tilespmem:s4], [sflag:$0x1] =	stream.indirect_vreg.gather [hbm4b:s2+s3], $0x80, v3, vm0, $0xb8;
	[tilespmem:$0x18400] =	vst v63  }
0x54: {  	s7 =	simm.s32 $0x7C00  }
0x55: {  	[tilespmem:s7], [sflag:$0x1] =	stream.indirect_vreg.gather [hbm4b:s5+s3], $0x80, v3, vm0, $0xb8;
	[tilespmem:$0x18400] =	vst v63  }
0x56: {  	v3 =	vld [tilespmem:$0x80];
	_ =	sdelay $0x4  }
0x57: {  	v4 =	vshll.u32 v3, $0x2  }
0x58: {  	v3 =	vand.u32 $0x7, v3;
	v4 =	vand.u32 $0xFFFFFFE0, v4  }
0x59: {  	v3 =	vor.u32 v3, v4  }
0x5a: {  	v4 =	vperm.xlane v3, v0;
	_ =	sdelay $0x1  }
0x5b: {  	v4 =	vadd.s32 v1, v4;
	_ =	sdelay $0x1  }
0x5c: {  	v3 =	vperm.xlane v3, v2;
	_ =	sdelay $0x1  }
0x5d: {  	s8 =	simm.s32 $0x8400;
	v3 =	vadd.s32 v1, v3  }
0x5e: {  	[tilespmem:s8], [sflag:$0x2] =	stream.indirect_vreg.gather [hbm4b:s2+s3], $0x80, v4, vm0, $0xb8;
	[tilespmem:$0x18400] =	vst v63  }
0x5f: {  	s9 =	simm.s32 $0x8C00  }
0x60: {  	[tilespmem:s9], [sflag:$0x2] =	stream.indirect_vreg.gather [hbm4b:s5+s3], $0x80, v4, vm0, $0xb8;
	[tilespmem:$0x18400] =	vst v63  }
0x61: {  	s10 =	simm.s32 $0x9400  }
0x62: {  	[tilespmem:s10], [sflag:$0x2] =	stream.indirect_vreg.gather [hbm4b:s2+s3], $0x80, v3, vm0, $0xb8;
	[tilespmem:$0x18400] =	vst v63  }
0x63: {  	s1 =	simm.s32 $0x9C00  }
0x64: {  	[tilespmem:s1], [sflag:$0x2] =	stream.indirect_vreg.gather [hbm4b:s5+s3], $0x80, v3, vm0, $0xb8;
	[tilespmem:$0x18400] =	vst v63  }
0x65: {  	v3 =	vld [tilespmem:$0x90];
	_ =	sdelay $0x4  }
0x66: {  	v4 =	vshll.u32 v3, $0x2  }
0x67: {  	v3 =	vand.u32 $0x7, v3;
	v4 =	vand.u32 $0xFFFFFFE0, v4  }
0x68: {  	v3 =	vor.u32 v3, v4  }
0x69: {  	v4 =	vperm.xlane v3, v0;
	_ =	sdelay $0x1  }
0x6a: {  	v4 =	vadd.s32 v1, v4;
	_ =	sdelay $0x1  }
0x6b: {  	v3 =	vperm.xlane v3, v2;
	_ =	sdelay $0x1  }
0x6c: {  	s4 =	simm.s32 $0xA400;
	v3 =	vadd.s32 v1, v3  }
0x6d: {  	[tilespmem:s4], [sflag:$0x2] =	stream.indirect_vreg.gather [hbm4b:s2+s3], $0x80, v4, vm0, $0xb8;
	[tilespmem:$0x18400] =	vst v63  }
0x6e: {  	s7 =	simm.s32 $0xAC00  }
0x6f: {  	[tilespmem:s7], [sflag:$0x2] =	stream.indirect_vreg.gather [hbm4b:s5+s3], $0x80, v4, vm0, $0xb8;
	[tilespmem:$0x18400] =	vst v63  }
0x70: {  	_ = 	snop  }
0x71: {  	[tilespmem:s11], [sflag:$0x2] =	stream.indirect_vreg.gather [hbm4b:s2+s3], $0x80, v3, vm0, $0xb8;
	[tilespmem:$0x18400] =	vst v63  }
0x72: {  	_ = 	snop  }
0x73: {  	[tilespmem:s12], [sflag:$0x2] =	stream.indirect_vreg.gather [hbm4b:s5+s3], $0x80, v3, vm0, $0xb8;
	[tilespmem:$0x18400] =	vst v63  }
0x74: {  	v3 =	vld [tilespmem:$0xA0];
	_ =	sdelay $0x4  }
0x75: {  	v4 =	vshll.u32 v3, $0x2  }
0x76: {  	v3 =	vand.u32 $0x7, v3;
	v4 =	vand.u32 $0xFFFFFFE0, v4  }
0x77: {  	v3 =	vor.u32 v3, v4  }
0x78: {  	v4 =	vperm.xlane v3, v0;
	_ =	sdelay $0x1  }
0x79: {  	v4 =	vadd.s32 v1, v4;
	_ =	sdelay $0x1  }
0x7a: {  	v3 =	vperm.xlane v3, v2;
	_ =	sdelay $0x1  }
0x7b: {  	v3 =	vadd.s32 v1, v3  }
0x7c: {  	[tilespmem:s13], [sflag:$0x2] =	stream.indirect_vreg.gather [hbm4b:s2+s3], $0x80, v4, vm0, $0xb8;
	[tilespmem:$0x18400] =	vst v63  }
0x7d: {  	_ = 	snop  }
0x7e: {  	[tilespmem:s14], [sflag:$0x2] =	stream.indirect_vreg.gather [hbm4b:s5+s3], $0x80, v4, vm0, $0xb8;
	[tilespmem:$0x18400] =	vst v63  }
0x7f: {  	_ = 	snop  }
0x80: {  	[tilespmem:s6], [sflag:$0x2] =	stream.indirect_vreg.gather [hbm4b:s2+s3], $0x80, v3, vm0, $0xb8;
	[tilespmem:$0x18400] =	vst v63  }
0x81: {  	_ = 	snop  }
0x82: {  	[tilespmem:s15], [sflag:$0x2] =	stream.indirect_vreg.gather [hbm4b:s5+s3], $0x80, v3, vm0, $0xb8;
	[tilespmem:$0x18400] =	vst v63  }
0x83: {  	v3 =	vld [tilespmem:$0xB0];
	_ =	sdelay $0x4  }
0x84: {  	v4 =	vshll.u32 v3, $0x2  }
0x85: {  	v3 =	vand.u32 $0x7, v3;
	v4 =	vand.u32 $0xFFFFFFE0, v4  }
0x86: {  	v3 =	vor.u32 v3, v4  }
0x87: {  	v4 =	vperm.xlane v3, v0;
	_ =	sdelay $0x1  }
0x88: {  	v4 =	vadd.s32 v1, v4;
	_ =	sdelay $0x1  }
0x89: {  	v3 =	vperm.xlane v3, v2;
	_ =	sdelay $0x1  }
0x8a: {  	v3 =	vadd.s32 v1, v3  }
0x8b: {  	[tilespmem:s16], [sflag:$0x2] =	stream.indirect_vreg.gather [hbm4b:s2+s3], $0x80, v4, vm0, $0xb8;
	[tilespmem:$0x18400] =	vst v63  }
0x8c: {  	_ = 	snop  }
0x8d: {  	[tilespmem:s17], [sflag:$0x2] =	stream.indirect_vreg.gather [hbm4b:s5+s3], $0x80, v4, vm0, $0xb8;
	[tilespmem:$0x18400] =	vst v63  }
0x8e: {  	s8 =	simm.s32 $0x0  }
0x8f: {  	[tilespmem:s18], [sflag:$0x2] =	stream.indirect_vreg.gather [hbm4b:s2+s3], $0x80, v3, vm0, $0xb8;
	[tilespmem:$0x18400] =	vst v63  }
0x90: {  	s0 =	sand.u32 $0x3FFFF000, s8  }
0x91: {  	[tilespmem:s19], [sflag:$0x2] =	stream.indirect_vreg.gather [hbm4b:s5+s3], $0x80, v3, vm0, $0xb8;
	[tilespmem:$0x18400] =	vst v63  }
0x92: {  	s0 =	sor.u32 $0x400, s0;
	s1 =	sand.u32 $0x800, s3;
	_ =	swait.ge [sflag:s20], $0x8000  }
0x93: {  	s1 =	sor.u32 s1, s0;
	s4 =	sand.u32 $0x380, s3;
	[sflag:s20] =	ssyncset.done $0x0  }
0x94: {  	s1 =	sor.u32 s4, s1;
	[sflag:s20] =	ssyncadd.s32 $0xFFFF8000  }
0x95: {  	s28 =	simm.s32 $0x0;
	v3 =	vld [tilespmem:s1+$0x460]  }
0x96: {  	s29 =	sand.u32 $0x8, s28;
	v4 =	vld [tilespmem:s1+$0x470]  }
0x97: {  	s28 =	sshll.u32 s29, $0x8;
	v5 =	vld [tilespmem:s1+$0x420]  }
0x98: {  	s0 =	sor.u32 s28, s0;
	v6 =	vld [tilespmem:s1+$0x430]  }
0x99: {  	s0 =	sor.u32 s4, s0;
	v7 =	vld [tilespmem:s1+$0x440]  }
0x9a: {  	v9 =	vld [tilespmem:s0+$0x0]  }
0x9b: {  	v10 =	vld [tilespmem:s0+$0x10]  }
0x9c: {  	s28 =	simm.s32 $0x100;
	v8 =	vld [tilespmem:s1+$0x450]  }
0x9d: {  	s30 =	sand.u32 $0x3FFFF000, s28;
	v11 =	vld [tilespmem:s0+$0x20]  }
0x9e: {  	s28 =	simm.s32 $0x800;
	s7 =	sor.u32 $0x400, s30;
	s30 =	simm.s32 $0x40;
	v12 =	vld [tilespmem:s0+$0x30];
	v3 =	vadd.s32 $0x8000, v3;
	v4 =	vadd.s32 $0x8000, v4;
	v5 =	vadd.s32 $0x8000, v5  }
0x9f: {  	s9 =	simm.s32 $0x0;
	s31 =	sand.u32 $0x800, s28;
	s8 =	sand.u32 $0x380, s30;
	v13 =	vld [tilespmem:s0+$0x40];
	v6 =	vadd.s32 $0x8000, v6;
	v7 =	vadd.s32 $0x8000, v7;
	v9 =	vadd.s32 $0x8000, v9  }
0xa0: {  	s29 =	sshll.u32 s29, $0x7;
	s31 =	sor.u32 s31, s7;
	s1 =	sand.u32 $0x3FFFF800, s9;
	v14 =	vld [tilespmem:s0+$0x70];
	v10 =	vadd.s32 $0x8000, v10;
	v3 =	vshrl.u32 v3, $0x10;
	v4 =	vand.u32 $0xFFFF0000, v4  }
0xa1: {  	s9 =	sor.u32 s8, s31;
	s1 =	sor.u32 s29, s1;
	v3 =	vor.u32 v3, v4;
	v4 =	vshrl.u32 v5, $0x10;
	v5 =	vand.u32 $0xFFFF0000, v6;
	v6 =	vld [tilespmem:s0+$0x50]  }
0xa2: {  	v15 =	vld [tilespmem:s9+$0x470];
	s1 =	sor.u32 s4, s1;
	v11 =	vadd.s32 $0x8000, v11;
	v4 =	vor.u32 v4, v5;
	v5 =	vadd.s32 $0x8000, v8  }
0xa3: {  	s29 =	sadd.s32 $0x10400, s1;
	v12 =	vadd.s32 $0x8000, v12;
	v7 =	vshrl.u32 v7, $0x10;
	v8 =	vld [tilespmem:s0+$0x60];
	v5 =	vand.u32 $0xFFFF0000, v5  }
0xa4: {  	v9 =	vshrl.u32 v9, $0x10;
	v10 =	vand.u32 $0xFFFF0000, v10;
	[tilespmem:s29+$0x70] =	vst v3;
	v5 =	vor.u32 v7, v5;
	v7 =	vld [tilespmem:s9+$0x460]  }
0xa5: {  	v3 =	vor.u32 v9, v10;
	v9 =	vshrl.u32 v11, $0x10;
	v10 =	vand.u32 $0xFFFF0000, v12;
	v11 =	vld [tilespmem:s0+$0x400];
	[tilespmem:s29+$0x50] =	vst v4  }
0xa6: {  	s31 =	simm.s32 $0x8;
	v4 =	vadd.s32 $0x8000, v13;
	v9 =	vor.u32 v9, v10;
	v10 =	vld [tilespmem:s0+$0x410];
	[tilespmem:s1+$0x10400] =	vst v3;
	v6 =	vadd.s32 $0x8000, v6  }
0xa7: {  	v63 =	vld [tilespmem:s9+$0x420];
	s4 =	simm.s32 $0x80;
	s0 =	sand.u32 $0x8, s31;
	v3 =	vadd.s32 $0x8000, v14;
	v4 =	vshrl.u32 v4, $0x10;
	[tilespmem:s29+$0x60] =	vst v5;
	v5 =	vand.u32 $0xFFFF0000, v6  }
0xa8: {  	s4 =	sand.u32 $0x3FFFF800, s4;
	s10 =	sshll.u32 s0, $0x8;
	s0 =	sshll.u32 s0, $0x7;
	[tilespmem:s29+$0x10] =	vst v9;
	v9 =	vadd.s32 $0x8000, v15;
	v6 =	vadd.s32 $0x8000, v8;
	v5 =	vor.u32 v4, v5;
	v4 =	vld [tilespmem:s9+$0x430]  }
0xa9: {  	s1 =	sor.u32 s10, s7;
	s4 =	sor.u32 s0, s4;
	v8 =	vand.u32 $0xFFFF0000, v3;
	v3 =	vld [tilespmem:s9+$0x440];
	v6 =	vshrl.u32 v6, $0x10;
	v7 =	vadd.s32 $0x8000, v7  }
0xaa: {  	v9 =	vand.u32 $0xFFFF0000, v9;
	s0 =	sor.u32 s8, s1;
	s1 =	sor.u32 s8, s4;
	[tilespmem:s29+$0x20] =	vst v5;
	v6 =	vor.u32 v6, v8;
	v5 =	vld [tilespmem:s9+$0x450];
	v8 =	vshrl.u32 v7, $0x10  }
0xab: {  	s4 =	sadd.s32 $0x10400, s1;
	v10 =	vadd.s32 $0x8000, v10;
	[tilespmem:s29+$0x30] =	vst v6;
	v6 =	vadd.s32 $0x8000, v11;
	v7 =	vld [tilespmem:s0+$0x0];
	v11 =	vor.u32 v8, v9  }
0xac: {  	v10 =	vand.u32 $0xFFFF0000, v10;
	v8 =	vshrl.u32 v6, $0x10;
	v6 =	vld [tilespmem:s0+$0x10];
	v9 =	vadd.s32 $0x8000, v63;
	[tilespmem:s4+$0x70] =	vst v11  }
.LBB2_2:
0xad: {  	s31 =	sadd.s32 $0x8, s31;
	v11 =	vld [tilespmem:s0+$0x20];
	v9 =	vshrl.u32 v9, $0x10;
	v4 =	vadd.s32 $0x8000, v4;
	v8 =	vor.u32 v8, v10  }
0xae: {  	s7 =	sshll.u32 s31, $0x5;
	p0 =	slt.u32 s31, $0x3F8;
	v10 =	vld [tilespmem:s0+$0x30];
	v4 =	vand.u32 $0xFFFF0000, v4;
	v3 =	vadd.s32 $0x8000, v3;
	[tilespmem:s29+$0x40] =	vst v8;
	s29 =	smov.u32 s4  }
0xaf: {  	s28 =	sadd.s32 $0x800, s28;
	s4 =	sand.u32 $0x3FFFF000, s7;
	v8 =	vld [tilespmem:s0+$0x40];
	v4 =	vor.u32 v9, v4;
	v3 =	vshrl.u32 v3, $0x10;
	v5 =	vadd.s32 $0x8000, v5  }
0xb0: {  	s30 =	sadd.s32 $0x40, s30;
	s7 =	sand.u32 $0x800, s28;
	s4 =	sor.u32 $0x400, s4;
	v7 =	vadd.s32 $0x8000, v7;
	v9 =	vld [tilespmem:s0+$0x50];
	[tilespmem:s29+$0x50] =	vst v4;
	v4 =	vand.u32 $0xFFFF0000, v5  }
0xb1: {  	s8 =	sand.u32 $0x380, s30;
	s7 =	sor.u32 s7, s4;
	v5 =	vshrl.u32 v7, $0x10;
	v6 =	vadd.s32 $0x8000, v6;
	v7 =	vld [tilespmem:s0+$0x60];
	v3 =	vor.u32 v3, v4  }
0xb2: {  	s7 =	sor.u32 s8, s7;
	v4 =	vand.u32 $0xFFFF0000, v6;
	v6 =	vadd.s32 $0x8000, v11;
	v11 =	vld [tilespmem:s0+$0x70];
	[tilespmem:s29+$0x60] =	vst v3  }
0xb3: {  	v12 =	vld [tilespmem:s7+$0x460];
	v3 =	vor.u32 v5, v4;
	v4 =	vshrl.u32 v6, $0x10;
	v5 =	vadd.s32 $0x8000, v10  }
0xb4: {  	v6 =	vld [tilespmem:s7+$0x470];
	[tilespmem:s1+$0x10400] =	vst v3;
	v3 =	vand.u32 $0xFFFF0000, v5;
	v5 =	vadd.s32 $0x8000, v8  }
0xb5: {  	v3 =	vor.u32 v4, v3;
	v4 =	vshrl.u32 v5, $0x10;
	v5 =	vadd.s32 $0x8000, v9;
	v8 =	vld [tilespmem:s0+$0x400]  }
0xb6: {  	s1 =	sshll.u32 s31, $0x4;
	[tilespmem:s29+$0x10] =	vst v3;
	v3 =	vand.u32 $0xFFFF0000, v5;
	v5 =	vadd.s32 $0x8000, v7;
	v9 =	vld [tilespmem:s0+$0x410]  }
0xb7: {  	s1 =	sand.u32 $0x3FFFF800, s1;
	s0 =	sand.u32 $0x8, s31;
	v10 =	vld [tilespmem:s7+$0x420];
	v3 =	vor.u32 v4, v3;
	v5 =	vshrl.u32 v5, $0x10;
	v7 =	vadd.s32 $0x8000, v11  }
.Ltmp0:
0xb8: {  	s9 =	sshll.u32 s0, $0x8;
	s0 =	sshll.u32 s0, $0x7;
	v4 =	vld [tilespmem:s7+$0x430];
	[tilespmem:s29+$0x20] =	vst v3;
	v7 =	vand.u32 $0xFFFF0000, v7;
	(pc) =	sbr.rel @p0 .LBB2_2-.Ltmp0, $4  }
0xb9: {  	s4 =	sor.u32 s9, s4;
	s1 =	sor.u32 s0, s1;
	v11 =	vadd.s32 $0x8000, v12;
	v3 =	vld [tilespmem:s7+$0x440];
	v6 =	vadd.s32 $0x8000, v6;
	v7 =	vor.u32 v5, v7  }
0xba: {  	s0 =	sor.u32 s8, s4;
	s1 =	sor.u32 s8, s1;
	v11 =	vshrl.u32 v11, $0x10;
	v5 =	vld [tilespmem:s7+$0x450];
	v6 =	vand.u32 $0xFFFF0000, v6;
	[tilespmem:s29+$0x30] =	vst v7;
	v8 =	vadd.s32 $0x8000, v8  }
0xbb: {  	s4 =	sadd.s32 $0x10400, s1;
	v7 =	vld [tilespmem:s0+$0x0];
	v11 =	vor.u32 v11, v6;
	v8 =	vshrl.u32 v8, $0x10;
	v12 =	vadd.s32 $0x8000, v9  }
0xbc: {  	v6 =	vld [tilespmem:s0+$0x10];
	v9 =	vadd.s32 $0x8000, v10;
	[tilespmem:s4+$0x70] =	vst v11;
	v10 =	vand.u32 $0xFFFF0000, v12  }
0xbd: {  	v11 =	vld [tilespmem:s0+$0x20]  }
0xbe: {  	v12 =	vld [tilespmem:s0+$0x30]  }
0xbf: {  	v4 =	vadd.s32 $0x8000, v4;
	v13 =	vld [tilespmem:s0+$0x40]  }
0xc0: {  	v9 =	vshrl.u32 v9, $0x10;
	v8 =	vor.u32 v8, v10;
	v10 =	vld [tilespmem:s0+$0x50];
	v4 =	vand.u32 $0xFFFF0000, v4  }
0xc1: {  	v14 =	vld [tilespmem:s0+$0x70];
	v3 =	vadd.s32 $0x8000, v3;
	v4 =	vor.u32 v9, v4;
	v5 =	vadd.s32 $0x8000, v5  }
0xc2: {  	v15 =	vld [tilespmem:s0+$0x410];
	v3 =	vshrl.u32 v3, $0x10;
	v7 =	vadd.s32 $0x8000, v7;
	v5 =	vand.u32 $0xFFFF0000, v5  }
0xc3: {  	v9 =	vld [tilespmem:s0+$0x60];
	v7 =	vshrl.u32 v7, $0x10;
	v6 =	vadd.s32 $0x8000, v6;
	v3 =	vor.u32 v3, v5  }
0xc4: {  	[tilespmem:s29+$0x40] =	vst v8;
	v5 =	vld [tilespmem:s0+$0x400];
	v6 =	vand.u32 $0xFFFF0000, v6;
	v11 =	vadd.s32 $0x8000, v11;
	v12 =	vadd.s32 $0x8000, v12  }
0xc5: {  	[tilespmem:s4+$0x50] =	vst v4;
	v6 =	vor.u32 v7, v6;
	v7 =	vshrl.u32 v11, $0x10;
	v8 =	vand.u32 $0xFFFF0000, v12  }
0xc6: {  	v4 =	vadd.s32 $0x8000, v13;
	[tilespmem:s4+$0x60] =	vst v3;
	v7 =	vor.u32 v7, v8;
	v8 =	vadd.s32 $0x8000, v10  }
0xc7: {  	v3 =	vshrl.u32 v4, $0x10;
	[tilespmem:s1+$0x10400] =	vst v6;
	v6 =	vadd.s32 $0x8000, v14;
	v4 =	vand.u32 $0xFFFF0000, v8  }
0xc8: {  	v8 =	vadd.s32 $0x8000, v9;
	[tilespmem:s4+$0x10] =	vst v7;
	v6 =	vand.u32 $0xFFFF0000, v6;
	v7 =	vadd.s32 $0x8000, v15  }
0xc9: {  	v3 =	vor.u32 v3, v4;
	v4 =	vshrl.u32 v8, $0x10;
	v5 =	vadd.s32 $0x8000, v5  }
0xca: {  	[tilespmem:s4+$0x20] =	vst v3;
	v3 =	vor.u32 v4, v6;
	v4 =	vshrl.u32 v5, $0x10;
	v5 =	vand.u32 $0xFFFF0000, v7  }
0xcb: {  	[tilespmem:s4+$0x30] =	vst v3;
	v3 =	vor.u32 v4, v5  }
0xcc: {  	[tilespmem:s4+$0x40] =	vst v3  }
0xcd: {  	s0 =	simm.s32 $0x0;
	s1 =	rddreg [dreg:$0x5]  }
0xce: {  	[hbm4b:s1+s0] =	stream.linear.scatter [tilespmem:s21], [sflag:$0x3], $0x4000, $0x38;
	[tilespmem:$0x18400] =	vst v63  }
0xcf: {  	v3 =	vld [tilespmem:$0x100];
	_ =	sdelay $0x4  }
0xd0: {  	v4 =	vshll.u32 v3, $0x2  }
0xd1: {  	v3 =	vand.u32 $0x7, v3;
	v4 =	vand.u32 $0xFFFFFFE0, v4  }
0xd2: {  	v3 =	vor.u32 v3, v4  }
0xd3: {  	v4 =	vperm.xlane v3, v0;
	_ =	sdelay $0x1  }
0xd4: {  	v4 =	vadd.s32 v1, v4;
	_ =	sdelay $0x1  }
0xd5: {  	v3 =	vperm.xlane v3, v2;
	_ =	sdelay $0x1  }
0xd6: {  	s4 =	simm.s32 $0x400;
	v3 =	vadd.s32 v1, v3  }
0xd7: {  	[tilespmem:s4], [sflag:$0x1] =	stream.indirect_vreg.gather [hbm4b:s2+s0], $0x80, v4, vm0, $0xb8;
	[tilespmem:$0x18400] =	vst v63  }
0xd8: {  	s7 =	simm.s32 $0xC00  }
0xd9: {  	[tilespmem:s7], [sflag:$0x1] =	stream.indirect_vreg.gather [hbm4b:s5+s0], $0x80, v4, vm0, $0xb8;
	[tilespmem:$0x18400] =	vst v63  }
0xda: {  	s8 =	simm.s32 $0x1400  }
0xdb: {  	[tilespmem:s8], [sflag:$0x1] =	stream.indirect_vreg.gather [hbm4b:s2+s0], $0x80, v3, vm0, $0xb8;
	[tilespmem:$0x18400] =	vst v63  }
0xdc: {  	s9 =	simm.s32 $0x1C00  }
0xdd: {  	[tilespmem:s9], [sflag:$0x1] =	stream.indirect_vreg.gather [hbm4b:s5+s0], $0x80, v3, vm0, $0xb8;
	[tilespmem:$0x18400] =	vst v63  }
0xde: {  	v3 =	vld [tilespmem:$0x110];
	_ =	sdelay $0x4  }
0xdf: {  	v4 =	vshll.u32 v3, $0x2  }
0xe0: {  	v3 =	vand.u32 $0x7, v3;
	v4 =	vand.u32 $0xFFFFFFE0, v4  }
0xe1: {  	v3 =	vor.u32 v3, v4  }
0xe2: {  	v4 =	vperm.xlane v3, v0;
	_ =	sdelay $0x1  }
0xe3: {  	v4 =	vadd.s32 v1, v4;
	_ =	sdelay $0x1  }
0xe4: {  	v3 =	vperm.xlane v3, v2;
	_ =	sdelay $0x1  }
0xe5: {  	s10 =	simm.s32 $0x2400;
	v3 =	vadd.s32 v1, v3  }
0xe6: {  	[tilespmem:s10], [sflag:$0x1] =	stream.indirect_vreg.gather [hbm4b:s2+s0], $0x80, v4, vm0, $0xb8;
	[tilespmem:$0x18400] =	vst v63  }
0xe7: {  	s4 =	simm.s32 $0x2C00  }
0xe8: {  	[tilespmem:s4], [sflag:$0x1] =	stream.indirect_vreg.gather [hbm4b:s5+s0], $0x80, v4, vm0, $0xb8;
	[tilespmem:$0x18400] =	vst v63  }
0xe9: {  	s7 =	simm.s32 $0x3400  }
0xea: {  	[tilespmem:s7], [sflag:$0x1] =	stream.indirect_vreg.gather [hbm4b:s2+s0], $0x80, v3, vm0, $0xb8;
	[tilespmem:$0x18400] =	vst v63  }
0xeb: {  	s8 =	simm.s32 $0x3C00  }
0xec: {  	[tilespmem:s8], [sflag:$0x1] =	stream.indirect_vreg.gather [hbm4b:s5+s0], $0x80, v3, vm0, $0xb8;
	[tilespmem:$0x18400] =	vst v63  }
0xed: {  	v3 =	vld [tilespmem:$0x120];
	_ =	sdelay $0x4  }
0xee: {  	v4 =	vshll.u32 v3, $0x2  }
0xef: {  	v3 =	vand.u32 $0x7, v3;
	v4 =	vand.u32 $0xFFFFFFE0, v4  }
0xf0: {  	v3 =	vor.u32 v3, v4  }
0xf1: {  	v4 =	vperm.xlane v3, v0;
	_ =	sdelay $0x1  }
0xf2: {  	v4 =	vadd.s32 v1, v4;
	_ =	sdelay $0x1  }
0xf3: {  	v3 =	vperm.xlane v3, v2;
	_ =	sdelay $0x1  }
0xf4: {  	s9 =	simm.s32 $0x4400;
	v3 =	vadd.s32 v1, v3  }
0xf5: {  	[tilespmem:s9], [sflag:$0x1] =	stream.indirect_vreg.gather [hbm4b:s2+s0], $0x80, v4, vm0, $0xb8;
	[tilespmem:$0x18400] =	vst v63  }
0xf6: {  	s10 =	simm.s32 $0x4C00  }
0xf7: {  	[tilespmem:s10], [sflag:$0x1] =	stream.indirect_vreg.gather [hbm4b:s5+s0], $0x80, v4, vm0, $0xb8;
	[tilespmem:$0x18400] =	vst v63  }
0xf8: {  	s4 =	simm.s32 $0x5400  }
0xf9: {  	[tilespmem:s4], [sflag:$0x1] =	stream.indirect_vreg.gather [hbm4b:s2+s0], $0x80, v3, vm0, $0xb8;
	[tilespmem:$0x18400] =	vst v63  }
0xfa: {  	s7 =	simm.s32 $0x5C00  }
0xfb: {  	[tilespmem:s7], [sflag:$0x1] =	stream.indirect_vreg.gather [hbm4b:s5+s0], $0x80, v3, vm0, $0xb8;
	[tilespmem:$0x18400] =	vst v63  }
0xfc: {  	v3 =	vld [tilespmem:$0x130];
	_ =	sdelay $0x4  }
0xfd: {  	v4 =	vshll.u32 v3, $0x2  }
0xfe: {  	v3 =	vand.u32 $0x7, v3;
	v4 =	vand.u32 $0xFFFFFFE0, v4  }
0xff: {  	v3 =	vor.u32 v3, v4  }
0x100: {  	v4 =	vperm.xlane v3, v0;
	_ =	sdelay $0x1  }
0x101: {  	v4 =	vadd.s32 v1, v4;
	_ =	sdelay $0x1  }
0x102: {  	v3 =	vperm.xlane v3, v2;
	_ =	sdelay $0x1  }
0x103: {  	s8 =	simm.s32 $0x6400;
	v3 =	vadd.s32 v1, v3  }
0x104: {  	[tilespmem:s8], [sflag:$0x1] =	stream.indirect_vreg.gather [hbm4b:s2+s0], $0x80, v4, vm0, $0xb8;
	[tilespmem:$0x18400] =	vst v63  }
0x105: {  	s9 =	simm.s32 $0x6C00  }
0x106: {  	[tilespmem:s9], [sflag:$0x1] =	stream.indirect_vreg.gather [hbm4b:s5+s0], $0x80, v4, vm0, $0xb8;
	[tilespmem:$0x18400] =	vst v63  }
0x107: {  	s10 =	simm.s32 $0x7400;
	s7 =	simm.s32 $0x0  }
0x108: {  	[tilespmem:s10], [sflag:$0x1] =	stream.indirect_vreg.gather [hbm4b:s2+s0], $0x80, v3, vm0, $0xb8;
	[tilespmem:$0x18400] =	vst v63  }
0x109: {  	s4 =	simm.s32 $0x7C00;
	s1 =	sand.u32 $0x3FFFF000, s7  }
0x10a: {  	[tilespmem:s4], [sflag:$0x1] =	stream.indirect_vreg.gather [hbm4b:s5+s0], $0x80, v3, vm0, $0xb8;
	[tilespmem:$0x18400] =	vst v63  }
0x10b: {  	s1 =	sadd.s32 $0x8400, s1;
	s8 =	sand.u32 $0x800, s0;
	_ =	swait.ge [sflag:s22], $0x8000  }
0x10c: {  	s0 =	sand.u32 $0x380, s0;
	s4 =	sor.u32 s8, s1;
	[sflag:s22] =	ssyncset.done $0x0  }
0x10d: {  	s4 =	sor.u32 s0, s4;
	[sflag:s22] =	ssyncadd.s32 $0xFFFF8000  }
0x10e: {  	s7 =	simm.s32 $0x0;
	v3 =	vld [tilespmem:s4+$0x460]  }
0x10f: {  	s7 =	sand.u32 $0x8, s7;
	v4 =	vld [tilespmem:s4+$0x470]  }
0x110: {  	s8 =	sshll.u32 s7, $0x8;
	v5 =	vld [tilespmem:s4+$0x420]  }
0x111: {  	s1 =	sor.u32 s8, s1;
	v6 =	vld [tilespmem:s4+$0x430]  }
0x112: {  	s1 =	sor.u32 s0, s1;
	v7 =	vld [tilespmem:s4+$0x440]  }
0x113: {  	v9 =	vld [tilespmem:s1+$0x0]  }
0x114: {  	v10 =	vld [tilespmem:s1+$0x10]  }
0x115: {  	v8 =	vld [tilespmem:s4+$0x450]  }
0x116: {  	s28 =	simm.s32 $0x800;
	s10 =	simm.s32 $0x100;
	v11 =	vld [tilespmem:s1+$0x20]  }
0x117: {  	s30 =	simm.s32 $0x40;
	s9 =	simm.s32 $0x0;
	s8 =	sand.u32 $0x3FFFF000, s10;
	v59 =	vld [tilespmem:s1+$0x30];
	v3 =	vadd.s32 $0x8000, v3;
	v4 =	vadd.s32 $0x8000, v4;
	v5 =	vadd.s32 $0x8000, v5  }
0x118: {  	s8 =	sadd.s32 $0x8400, s8;
	s4 =	sand.u32 $0x3FFFF800, s9;
	v60 =	vld [tilespmem:s1+$0x40];
	s9 =	sand.u32 $0x800, s28;
	v6 =	vadd.s32 $0x8000, v6;
	v7 =	vadd.s32 $0x8000, v7;
	v9 =	vadd.s32 $0x8000, v9  }
0x119: {  	s7 =	sshll.u32 s7, $0x7;
	s10 =	sand.u32 $0x380, s30;
	v61 =	vld [tilespmem:s1+$0x70];
	s9 =	sor.u32 s9, s8;
	v10 =	vadd.s32 $0x8000, v10;
	v3 =	vshrl.u32 v3, $0x10;
	v4 =	vand.u32 $0xFFFF0000, v4  }
0x11a: {  	s4 =	sor.u32 s7, s4;
	s7 =	sor.u32 s10, s9;
	v3 =	vor.u32 v3, v4;
	v4 =	vshrl.u32 v5, $0x10;
	v5 =	vand.u32 $0xFFFF0000, v6;
	v6 =	vld [tilespmem:s1+$0x50]  }
0x11b: {  	s0 =	sor.u32 s0, s4;
	v62 =	vld [tilespmem:s7+$0x470];
	v11 =	vadd.s32 $0x8000, v11;
	v4 =	vor.u32 v4, v5;
	v5 =	vadd.s32 $0x8000, v8  }
0x11c: {  	s29 =	sadd.s32 $0x10400, s0;
	v12 =	vadd.s32 $0x8000, v59;
	v7 =	vshrl.u32 v7, $0x10;
	v8 =	vld [tilespmem:s1+$0x60];
	v5 =	vand.u32 $0xFFFF0000, v5  }
0x11d: {  	v9 =	vshrl.u32 v9, $0x10;
	v10 =	vand.u32 $0xFFFF0000, v10;
	[tilespmem:s29+$0x4070] =	vst v3;
	v5 =	vor.u32 v7, v5;
	v7 =	vld [tilespmem:s7+$0x460]  }
0x11e: {  	v3 =	vor.u32 v9, v10;
	v9 =	vshrl.u32 v11, $0x10;
	v10 =	vand.u32 $0xFFFF0000, v12;
	v11 =	vld [tilespmem:s1+$0x400];
	[tilespmem:s29+$0x4050] =	vst v4  }
0x11f: {  	s31 =	simm.s32 $0x8;
	v4 =	vadd.s32 $0x8000, v60;
	v9 =	vor.u32 v9, v10;
	v10 =	vld [tilespmem:s1+$0x410];
	[tilespmem:s0+$0x14400] =	vst v3;
	v6 =	vadd.s32 $0x8000, v6  }
0x120: {  	s4 =	simm.s32 $0x80;
	v63 =	vld [tilespmem:s7+$0x420];
	s1 =	sand.u32 $0x8, s31;
	v3 =	vadd.s32 $0x8000, v61;
	v4 =	vshrl.u32 v4, $0x10;
	[tilespmem:s29+$0x4060] =	vst v5;
	v5 =	vand.u32 $0xFFFF0000, v6  }
0x121: {  	s4 =	sand.u32 $0x3FFFF800, s4;
	s9 =	sshll.u32 s1, $0x8;
	s1 =	sshll.u32 s1, $0x7;
	[tilespmem:s29+$0x4010] =	vst v9;
	v9 =	vadd.s32 $0x8000, v62;
	v6 =	vadd.s32 $0x8000, v8;
	v5 =	vor.u32 v4, v5;
	v4 =	vld [tilespmem:s7+$0x430]  }
0x122: {  	s0 =	sor.u32 s9, s8;
	s1 =	sor.u32 s1, s4;
	v8 =	vand.u32 $0xFFFF0000, v3;
	v3 =	vld [tilespmem:s7+$0x440];
	v6 =	vshrl.u32 v6, $0x10;
	v7 =	vadd.s32 $0x8000, v7  }
0x123: {  	v9 =	vand.u32 $0xFFFF0000, v9;
	s0 =	sor.u32 s10, s0;
	s1 =	sor.u32 s10, s1;
	[tilespmem:s29+$0x4020] =	vst v5;
	v6 =	vor.u32 v6, v8;
	v5 =	vld [tilespmem:s7+$0x450];
	v8 =	vshrl.u32 v7, $0x10  }
0x124: {  	s4 =	sadd.s32 $0x10400, s1;
	v10 =	vadd.s32 $0x8000, v10;
	[tilespmem:s29+$0x4030] =	vst v6;
	v6 =	vadd.s32 $0x8000, v11;
	v7 =	vld [tilespmem:s0+$0x0];
	v11 =	vor.u32 v8, v9  }
0x125: {  	v10 =	vand.u32 $0xFFFF0000, v10;
	v8 =	vshrl.u32 v6, $0x10;
	v6 =	vld [tilespmem:s0+$0x10];
	v9 =	vadd.s32 $0x8000, v63;
	[tilespmem:s4+$0x4070] =	vst v11  }
.LBB2_4:
0x126: {  	s31 =	sadd.s32 $0x8, s31;
	v11 =	vld [tilespmem:s0+$0x20];
	v9 =	vshrl.u32 v9, $0x10;
	v4 =	vadd.s32 $0x8000, v4;
	v8 =	vor.u32 v8, v10  }
0x127: {  	s7 =	sshll.u32 s31, $0x5;
	p0 =	slt.u32 s31, $0x3F8;
	v10 =	vld [tilespmem:s0+$0x30];
	v4 =	vand.u32 $0xFFFF0000, v4;
	v3 =	vadd.s32 $0x8000, v3;
	[tilespmem:s29+$0x4040] =	vst v8;
	s29 =	smov.u32 s4  }
0x128: {  	s28 =	sadd.s32 $0x800, s28;
	s4 =	sand.u32 $0x3FFFF000, s7;
	v8 =	vld [tilespmem:s0+$0x40];
	v4 =	vor.u32 v9, v4;
	v3 =	vshrl.u32 v3, $0x10;
	v5 =	vadd.s32 $0x8000, v5  }
0x129: {  	s30 =	sadd.s32 $0x40, s30;
	s7 =	sand.u32 $0x800, s28;
	s4 =	sadd.s32 $0x8400, s4;
	v7 =	vadd.s32 $0x8000, v7;
	v9 =	vld [tilespmem:s0+$0x50];
	[tilespmem:s29+$0x4050] =	vst v4;
	v4 =	vand.u32 $0xFFFF0000, v5  }
0x12a: {  	s8 =	sand.u32 $0x380, s30;
	s7 =	sor.u32 s7, s4;
	v5 =	vshrl.u32 v7, $0x10;
	v6 =	vadd.s32 $0x8000, v6;
	v7 =	vld [tilespmem:s0+$0x60];
	v3 =	vor.u32 v3, v4  }
0x12b: {  	s7 =	sor.u32 s8, s7;
	v4 =	vand.u32 $0xFFFF0000, v6;
	v6 =	vadd.s32 $0x8000, v11;
	v11 =	vld [tilespmem:s0+$0x70];
	[tilespmem:s29+$0x4060] =	vst v3  }
0x12c: {  	v12 =	vld [tilespmem:s7+$0x460];
	v3 =	vor.u32 v5, v4;
	v4 =	vshrl.u32 v6, $0x10;
	v5 =	vadd.s32 $0x8000, v10  }
0x12d: {  	v6 =	vld [tilespmem:s7+$0x470];
	[tilespmem:s1+$0x14400] =	vst v3;
	v3 =	vand.u32 $0xFFFF0000, v5;
	v5 =	vadd.s32 $0x8000, v8  }
0x12e: {  	v3 =	vor.u32 v4, v3;
	v4 =	vshrl.u32 v5, $0x10;
	v5 =	vadd.s32 $0x8000, v9;
	v8 =	vld [tilespmem:s0+$0x400]  }
0x12f: {  	s1 =	sshll.u32 s31, $0x4;
	[tilespmem:s29+$0x4010] =	vst v3;
	v3 =	vand.u32 $0xFFFF0000, v5;
	v5 =	vadd.s32 $0x8000, v7;
	v9 =	vld [tilespmem:s0+$0x410]  }
0x130: {  	s1 =	sand.u32 $0x3FFFF800, s1;
	s0 =	sand.u32 $0x8, s31;
	v10 =	vld [tilespmem:s7+$0x420];
	v3 =	vor.u32 v4, v3;
	v5 =	vshrl.u32 v5, $0x10;
	v7 =	vadd.s32 $0x8000, v11  }
.Ltmp1:
0x131: {  	s9 =	sshll.u32 s0, $0x8;
	s0 =	sshll.u32 s0, $0x7;
	v4 =	vld [tilespmem:s7+$0x430];
	[tilespmem:s29+$0x4020] =	vst v3;
	v7 =	vand.u32 $0xFFFF0000, v7;
	(pc) =	sbr.rel @p0 .LBB2_4-.Ltmp1, $4  }
0x132: {  	s4 =	sor.u32 s9, s4;
	s1 =	sor.u32 s0, s1;
	v11 =	vadd.s32 $0x8000, v12;
	v3 =	vld [tilespmem:s7+$0x440];
	v6 =	vadd.s32 $0x8000, v6;
	v7 =	vor.u32 v5, v7  }
0x133: {  	s0 =	sor.u32 s8, s4;
	s1 =	sor.u32 s8, s1;
	v11 =	vshrl.u32 v11, $0x10;
	v5 =	vld [tilespmem:s7+$0x450];
	v6 =	vand.u32 $0xFFFF0000, v6;
	[tilespmem:s29+$0x4030] =	vst v7;
	v8 =	vadd.s32 $0x8000, v8  }
0x134: {  	s4 =	sadd.s32 $0x10400, s1;
	v7 =	vld [tilespmem:s0+$0x0];
	v11 =	vor.u32 v11, v6;
	v8 =	vshrl.u32 v8, $0x10;
	v12 =	vadd.s32 $0x8000, v9  }
0x135: {  	v6 =	vld [tilespmem:s0+$0x10];
	v9 =	vadd.s32 $0x8000, v10;
	[tilespmem:s4+$0x4070] =	vst v11;
	v10 =	vand.u32 $0xFFFF0000, v12  }
0x136: {  	v11 =	vld [tilespmem:s0+$0x20]  }
0x137: {  	v12 =	vld [tilespmem:s0+$0x30]  }
0x138: {  	v4 =	vadd.s32 $0x8000, v4;
	v13 =	vld [tilespmem:s0+$0x40]  }
0x139: {  	v9 =	vshrl.u32 v9, $0x10;
	v8 =	vor.u32 v8, v10;
	v10 =	vld [tilespmem:s0+$0x50];
	v4 =	vand.u32 $0xFFFF0000, v4  }
0x13a: {  	v14 =	vld [tilespmem:s0+$0x70];
	v3 =	vadd.s32 $0x8000, v3;
	v4 =	vor.u32 v9, v4;
	v5 =	vadd.s32 $0x8000, v5  }
0x13b: {  	v15 =	vld [tilespmem:s0+$0x410];
	v3 =	vshrl.u32 v3, $0x10;
	v7 =	vadd.s32 $0x8000, v7;
	v5 =	vand.u32 $0xFFFF0000, v5  }
0x13c: {  	v9 =	vld [tilespmem:s0+$0x60];
	v7 =	vshrl.u32 v7, $0x10;
	v6 =	vadd.s32 $0x8000, v6;
	v3 =	vor.u32 v3, v5  }
0x13d: {  	[tilespmem:s29+$0x4040] =	vst v8;
	v5 =	vld [tilespmem:s0+$0x400];
	v6 =	vand.u32 $0xFFFF0000, v6;
	v11 =	vadd.s32 $0x8000, v11;
	v12 =	vadd.s32 $0x8000, v12  }
0x13e: {  	[tilespmem:s4+$0x4050] =	vst v4;
	v6 =	vor.u32 v7, v6;
	v7 =	vshrl.u32 v11, $0x10;
	v8 =	vand.u32 $0xFFFF0000, v12  }
0x13f: {  	v4 =	vadd.s32 $0x8000, v13;
	[tilespmem:s4+$0x4060] =	vst v3;
	v7 =	vor.u32 v7, v8;
	v8 =	vadd.s32 $0x8000, v10  }
0x140: {  	v3 =	vshrl.u32 v4, $0x10;
	[tilespmem:s1+$0x14400] =	vst v6;
	v6 =	vadd.s32 $0x8000, v14;
	v4 =	vand.u32 $0xFFFF0000, v8  }
0x141: {  	v8 =	vadd.s32 $0x8000, v9;
	[tilespmem:s4+$0x4010] =	vst v7;
	v6 =	vand.u32 $0xFFFF0000, v6;
	v7 =	vadd.s32 $0x8000, v15  }
0x142: {  	v3 =	vor.u32 v3, v4;
	v4 =	vshrl.u32 v8, $0x10;
	v5 =	vadd.s32 $0x8000, v5  }
0x143: {  	[tilespmem:s4+$0x4020] =	vst v3;
	v3 =	vor.u32 v4, v6;
	v4 =	vshrl.u32 v5, $0x10;
	v5 =	vand.u32 $0xFFFF0000, v7  }
0x144: {  	[tilespmem:s4+$0x4030] =	vst v3;
	v3 =	vor.u32 v4, v5  }
0x145: {  	[tilespmem:s4+$0x4040] =	vst v3  }
0x146: {  	s0 =	simm.s32 $0x0;
	s1 =	rddreg [dreg:$0x6]  }
0x147: {  	[hbm4b:s1+s0] =	stream.linear.scatter [tilespmem:s23], [sflag:$0x4], $0x4000, $0x38;
	[tilespmem:$0x18400] =	vst v63  }
0x148: {  	v3 =	vld [tilespmem:$0x180];
	_ =	sdelay $0x4  }
0x149: {  	v4 =	vshll.u32 v3, $0x2  }
0x14a: {  	v3 =	vand.u32 $0x7, v3;
	v4 =	vand.u32 $0xFFFFFFE0, v4  }
0x14b: {  	v3 =	vor.u32 v3, v4  }
0x14c: {  	v4 =	vperm.xlane v3, v0;
	_ =	sdelay $0x1  }
0x14d: {  	v4 =	vadd.s32 v1, v4;
	_ =	sdelay $0x1  }
0x14e: {  	v3 =	vperm.xlane v3, v2;
	_ =	sdelay $0x1  }
0x14f: {  	s4 =	simm.s32 $0x8400;
	v3 =	vadd.s32 v1, v3  }
0x150: {  	[tilespmem:s4], [sflag:$0x2] =	stream.indirect_vreg.gather [hbm4b:s2+s0], $0x80, v4, vm0, $0xb8;
	[tilespmem:$0x18400] =	vst v63  }
0x151: {  	s7 =	simm.s32 $0x8C00  }
0x152: {  	[tilespmem:s7], [sflag:$0x2] =	stream.indirect_vreg.gather [hbm4b:s5+s0], $0x80, v4, vm0, $0xb8;
	[tilespmem:$0x18400] =	vst v63  }
0x153: {  	s8 =	simm.s32 $0x9400  }
0x154: {  	[tilespmem:s8], [sflag:$0x2] =	stream.indirect_vreg.gather [hbm4b:s2+s0], $0x80, v3, vm0, $0xb8;
	[tilespmem:$0x18400] =	vst v63  }
0x155: {  	s9 =	simm.s32 $0x9C00  }
0x156: {  	[tilespmem:s9], [sflag:$0x2] =	stream.indirect_vreg.gather [hbm4b:s5+s0], $0x80, v3, vm0, $0xb8;
	[tilespmem:$0x18400] =	vst v63  }
0x157: {  	v3 =	vld [tilespmem:$0x190];
	_ =	sdelay $0x4  }
0x158: {  	v4 =	vshll.u32 v3, $0x2  }
0x159: {  	v3 =	vand.u32 $0x7, v3;
	v4 =	vand.u32 $0xFFFFFFE0, v4  }
0x15a: {  	v3 =	vor.u32 v3, v4  }
0x15b: {  	v4 =	vperm.xlane v3, v0;
	_ =	sdelay $0x1  }
0x15c: {  	v4 =	vadd.s32 v1, v4;
	_ =	sdelay $0x1  }
0x15d: {  	v3 =	vperm.xlane v3, v2;
	_ =	sdelay $0x1  }
0x15e: {  	s10 =	simm.s32 $0xA400;
	v3 =	vadd.s32 v1, v3  }
0x15f: {  	[tilespmem:s10], [sflag:$0x2] =	stream.indirect_vreg.gather [hbm4b:s2+s0], $0x80, v4, vm0, $0xb8;
	[tilespmem:$0x18400] =	vst v63  }
0x160: {  	s4 =	simm.s32 $0xAC00  }
0x161: {  	[tilespmem:s4], [sflag:$0x2] =	stream.indirect_vreg.gather [hbm4b:s5+s0], $0x80, v4, vm0, $0xb8;
	[tilespmem:$0x18400] =	vst v63  }
0x162: {  	_ = 	snop  }
0x163: {  	[tilespmem:s11], [sflag:$0x2] =	stream.indirect_vreg.gather [hbm4b:s2+s0], $0x80, v3, vm0, $0xb8;
	[tilespmem:$0x18400] =	vst v63  }
0x164: {  	_ = 	snop  }
0x165: {  	[tilespmem:s12], [sflag:$0x2] =	stream.indirect_vreg.gather [hbm4b:s5+s0], $0x80, v3, vm0, $0xb8;
	[tilespmem:$0x18400] =	vst v63  }
0x166: {  	v3 =	vld [tilespmem:$0x1A0];
	_ =	sdelay $0x4  }
0x167: {  	v4 =	vshll.u32 v3, $0x2  }
0x168: {  	v3 =	vand.u32 $0x7, v3;
	v4 =	vand.u32 $0xFFFFFFE0, v4  }
0x169: {  	v3 =	vor.u32 v3, v4  }
0x16a: {  	v4 =	vperm.xlane v3, v0;
	_ =	sdelay $0x1  }
0x16b: {  	v4 =	vadd.s32 v1, v4;
	_ =	sdelay $0x1  }
0x16c: {  	v3 =	vperm.xlane v3, v2;
	_ =	sdelay $0x1  }
0x16d: {  	v3 =	vadd.s32 v1, v3  }
0x16e: {  	[tilespmem:s13], [sflag:$0x2] =	stream.indirect_vreg.gather [hbm4b:s2+s0], $0x80, v4, vm0, $0xb8;
	[tilespmem:$0x18400] =	vst v63  }
0x16f: {  	_ = 	snop  }
0x170: {  	[tilespmem:s14], [sflag:$0x2] =	stream.indirect_vreg.gather [hbm4b:s5+s0], $0x80, v4, vm0, $0xb8;
	[tilespmem:$0x18400] =	vst v63  }
0x171: {  	_ = 	snop  }
0x172: {  	[tilespmem:s6], [sflag:$0x2] =	stream.indirect_vreg.gather [hbm4b:s2+s0], $0x80, v3, vm0, $0xb8;
	[tilespmem:$0x18400] =	vst v63  }
0x173: {  	_ = 	snop  }
0x174: {  	[tilespmem:s15], [sflag:$0x2] =	stream.indirect_vreg.gather [hbm4b:s5+s0], $0x80, v3, vm0, $0xb8;
	[tilespmem:$0x18400] =	vst v63  }
0x175: {  	v3 =	vld [tilespmem:$0x1B0];
	_ =	sdelay $0x4  }
0x176: {  	v4 =	vshll.u32 v3, $0x2  }
0x177: {  	v3 =	vand.u32 $0x7, v3;
	v4 =	vand.u32 $0xFFFFFFE0, v4  }
0x178: {  	v3 =	vor.u32 v3, v4  }
0x179: {  	v4 =	vperm.xlane v3, v0;
	_ =	sdelay $0x1  }
0x17a: {  	v4 =	vadd.s32 v1, v4;
	_ =	sdelay $0x1  }
0x17b: {  	v3 =	vperm.xlane v3, v2;
	_ =	sdelay $0x1  }
0x17c: {  	v3 =	vadd.s32 v1, v3  }
0x17d: {  	[tilespmem:s16], [sflag:$0x2] =	stream.indirect_vreg.gather [hbm4b:s2+s0], $0x80, v4, vm0, $0xb8;
	[tilespmem:$0x18400] =	vst v63  }
0x17e: {  	_ = 	snop  }
0x17f: {  	[tilespmem:s17], [sflag:$0x2] =	stream.indirect_vreg.gather [hbm4b:s5+s0], $0x80, v4, vm0, $0xb8;
	[tilespmem:$0x18400] =	vst v63  }
0x180: {  	_ = 	snop  }
0x181: {  	[tilespmem:s18], [sflag:$0x2] =	stream.indirect_vreg.gather [hbm4b:s2+s0], $0x80, v3, vm0, $0xb8;
	[tilespmem:$0x18400] =	vst v63  }
0x182: {  	_ = 	snop  }
0x183: {  	[tilespmem:s19], [sflag:$0x2] =	stream.indirect_vreg.gather [hbm4b:s5+s0], $0x80, v3, vm0, $0xb8;
	[tilespmem:$0x18400] =	vst v63  }
0x184: {  	_ =	swait.ge [sflag:s20], $0x8000  }
0x185: {  	s7 =	simm.s32 $0x0;
	[sflag:s20] =	ssyncset.done $0x0  }
0x186: {  	s1 =	sand.u32 $0x3FFFF000, s7;
	[sflag:s20] =	ssyncadd.s32 $0xFFFF8000  }
0x187: {  	s1 =	sor.u32 $0x400, s1;
	s8 =	sand.u32 $0x800, s0;
	_ =	swait.ge [sflag:s24], $0x4000  }
0x188: {  	s4 =	sor.u32 s8, s1;
	s0 =	sand.u32 $0x380, s0;
	[sflag:s24] =	ssyncset.done $0x0  }
0x189: {  	s4 =	sor.u32 s0, s4;
	[sflag:s24] =	ssyncadd.s32 $0xFFFFC000  }
0x18a: {  	s7 =	simm.s32 $0x0;
	v3 =	vld [tilespmem:s4+$0x460]  }
0x18b: {  	s7 =	sand.u32 $0x8, s7;
	v4 =	vld [tilespmem:s4+$0x470]  }
0x18c: {  	s8 =	sshll.u32 s7, $0x8;
	v5 =	vld [tilespmem:s4+$0x420]  }
0x18d: {  	s1 =	sor.u32 s8, s1;
	v6 =	vld [tilespmem:s4+$0x430]  }
0x18e: {  	s1 =	sor.u32 s0, s1;
	v7 =	vld [tilespmem:s4+$0x440]  }
0x18f: {  	v9 =	vld [tilespmem:s1+$0x0]  }
0x190: {  	v10 =	vld [tilespmem:s1+$0x10]  }
0x191: {  	v8 =	vld [tilespmem:s4+$0x450]  }
0x192: {  	s28 =	simm.s32 $0x800;
	s10 =	simm.s32 $0x100;
	v11 =	vld [tilespmem:s1+$0x20]  }
0x193: {  	s30 =	simm.s32 $0x40;
	s9 =	simm.s32 $0x0;
	s8 =	sand.u32 $0x3FFFF000, s10;
	v59 =	vld [tilespmem:s1+$0x30];
	v3 =	vadd.s32 $0x8000, v3;
	v4 =	vadd.s32 $0x8000, v4;
	v5 =	vadd.s32 $0x8000, v5  }
0x194: {  	s8 =	sor.u32 $0x400, s8;
	s4 =	sand.u32 $0x3FFFF800, s9;
	v60 =	vld [tilespmem:s1+$0x40];
	s9 =	sand.u32 $0x800, s28;
	v6 =	vadd.s32 $0x8000, v6;
	v7 =	vadd.s32 $0x8000, v7;
	v9 =	vadd.s32 $0x8000, v9  }
0x195: {  	s7 =	sshll.u32 s7, $0x7;
	s10 =	sand.u32 $0x380, s30;
	v61 =	vld [tilespmem:s1+$0x70];
	s9 =	sor.u32 s9, s8;
	v10 =	vadd.s32 $0x8000, v10;
	v3 =	vshrl.u32 v3, $0x10;
	v4 =	vand.u32 $0xFFFF0000, v4  }
0x196: {  	s4 =	sor.u32 s7, s4;
	s7 =	sor.u32 s10, s9;
	v3 =	vor.u32 v3, v4;
	v4 =	vshrl.u32 v5, $0x10;
	v5 =	vand.u32 $0xFFFF0000, v6;
	v6 =	vld [tilespmem:s1+$0x50]  }
0x197: {  	s0 =	sor.u32 s0, s4;
	v62 =	vld [tilespmem:s7+$0x470];
	v11 =	vadd.s32 $0x8000, v11;
	v4 =	vor.u32 v4, v5;
	v5 =	vadd.s32 $0x8000, v8  }
0x198: {  	s29 =	sadd.s32 $0x10400, s0;
	v12 =	vadd.s32 $0x8000, v59;
	v7 =	vshrl.u32 v7, $0x10;
	v8 =	vld [tilespmem:s1+$0x60];
	v5 =	vand.u32 $0xFFFF0000, v5  }
0x199: {  	v9 =	vshrl.u32 v9, $0x10;
	v10 =	vand.u32 $0xFFFF0000, v10;
	[tilespmem:s29+$0x70] =	vst v3;
	v5 =	vor.u32 v7, v5;
	v7 =	vld [tilespmem:s7+$0x460]  }
0x19a: {  	v3 =	vor.u32 v9, v10;
	v9 =	vshrl.u32 v11, $0x10;
	v10 =	vand.u32 $0xFFFF0000, v12;
	v11 =	vld [tilespmem:s1+$0x400];
	[tilespmem:s29+$0x50] =	vst v4  }
0x19b: {  	s31 =	simm.s32 $0x8;
	v4 =	vadd.s32 $0x8000, v60;
	v9 =	vor.u32 v9, v10;
	v10 =	vld [tilespmem:s1+$0x410];
	[tilespmem:s0+$0x10400] =	vst v3;
	v6 =	vadd.s32 $0x8000, v6  }
0x19c: {  	s4 =	simm.s32 $0x80;
	v63 =	vld [tilespmem:s7+$0x420];
	s1 =	sand.u32 $0x8, s31;
	v3 =	vadd.s32 $0x8000, v61;
	v4 =	vshrl.u32 v4, $0x10;
	[tilespmem:s29+$0x60] =	vst v5;
	v5 =	vand.u32 $0xFFFF0000, v6  }
0x19d: {  	s4 =	sand.u32 $0x3FFFF800, s4;
	s9 =	sshll.u32 s1, $0x8;
	s1 =	sshll.u32 s1, $0x7;
	[tilespmem:s29+$0x10] =	vst v9;
	v9 =	vadd.s32 $0x8000, v62;
	v6 =	vadd.s32 $0x8000, v8;
	v5 =	vor.u32 v4, v5;
	v4 =	vld [tilespmem:s7+$0x430]  }
0x19e: {  	s0 =	sor.u32 s9, s8;
	s1 =	sor.u32 s1, s4;
	v8 =	vand.u32 $0xFFFF0000, v3;
	v3 =	vld [tilespmem:s7+$0x440];
	v6 =	vshrl.u32 v6, $0x10;
	v7 =	vadd.s32 $0x8000, v7  }
0x19f: {  	v9 =	vand.u32 $0xFFFF0000, v9;
	s0 =	sor.u32 s10, s0;
	s1 =	sor.u32 s10, s1;
	[tilespmem:s29+$0x20] =	vst v5;
	v6 =	vor.u32 v6, v8;
	v5 =	vld [tilespmem:s7+$0x450];
	v8 =	vshrl.u32 v7, $0x10  }
0x1a0: {  	s4 =	sadd.s32 $0x10400, s1;
	v10 =	vadd.s32 $0x8000, v10;
	[tilespmem:s29+$0x30] =	vst v6;
	v6 =	vadd.s32 $0x8000, v11;
	v7 =	vld [tilespmem:s0+$0x0];
	v11 =	vor.u32 v8, v9  }
0x1a1: {  	v10 =	vand.u32 $0xFFFF0000, v10;
	v8 =	vshrl.u32 v6, $0x10;
	v6 =	vld [tilespmem:s0+$0x10];
	v9 =	vadd.s32 $0x8000, v63;
	[tilespmem:s4+$0x70] =	vst v11  }
.LBB2_6:
0x1a2: {  	s31 =	sadd.s32 $0x8, s31;
	v11 =	vld [tilespmem:s0+$0x20];
	v9 =	vshrl.u32 v9, $0x10;
	v4 =	vadd.s32 $0x8000, v4;
	v8 =	vor.u32 v8, v10  }
0x1a3: {  	s7 =	sshll.u32 s31, $0x5;
	p0 =	slt.u32 s31, $0x3F8;
	v10 =	vld [tilespmem:s0+$0x30];
	v4 =	vand.u32 $0xFFFF0000, v4;
	v3 =	vadd.s32 $0x8000, v3;
	[tilespmem:s29+$0x40] =	vst v8;
	s29 =	smov.u32 s4  }
0x1a4: {  	s28 =	sadd.s32 $0x800, s28;
	s4 =	sand.u32 $0x3FFFF000, s7;
	v8 =	vld [tilespmem:s0+$0x40];
	v4 =	vor.u32 v9, v4;
	v3 =	vshrl.u32 v3, $0x10;
	v5 =	vadd.s32 $0x8000, v5  }
0x1a5: {  	s30 =	sadd.s32 $0x40, s30;
	s7 =	sand.u32 $0x800, s28;
	s4 =	sor.u32 $0x400, s4;
	v7 =	vadd.s32 $0x8000, v7;
	v9 =	vld [tilespmem:s0+$0x50];
	[tilespmem:s29+$0x50] =	vst v4;
	v4 =	vand.u32 $0xFFFF0000, v5  }
0x1a6: {  	s8 =	sand.u32 $0x380, s30;
	s7 =	sor.u32 s7, s4;
	v5 =	vshrl.u32 v7, $0x10;
	v6 =	vadd.s32 $0x8000, v6;
	v7 =	vld [tilespmem:s0+$0x60];
	v3 =	vor.u32 v3, v4  }
0x1a7: {  	s7 =	sor.u32 s8, s7;
	v4 =	vand.u32 $0xFFFF0000, v6;
	v6 =	vadd.s32 $0x8000, v11;
	v11 =	vld [tilespmem:s0+$0x70];
	[tilespmem:s29+$0x60] =	vst v3  }
0x1a8: {  	v12 =	vld [tilespmem:s7+$0x460];
	v3 =	vor.u32 v5, v4;
	v4 =	vshrl.u32 v6, $0x10;
	v5 =	vadd.s32 $0x8000, v10  }
0x1a9: {  	v6 =	vld [tilespmem:s7+$0x470];
	[tilespmem:s1+$0x10400] =	vst v3;
	v3 =	vand.u32 $0xFFFF0000, v5;
	v5 =	vadd.s32 $0x8000, v8  }
0x1aa: {  	v3 =	vor.u32 v4, v3;
	v4 =	vshrl.u32 v5, $0x10;
	v5 =	vadd.s32 $0x8000, v9;
	v8 =	vld [tilespmem:s0+$0x400]  }
0x1ab: {  	s1 =	sshll.u32 s31, $0x4;
	[tilespmem:s29+$0x10] =	vst v3;
	v3 =	vand.u32 $0xFFFF0000, v5;
	v5 =	vadd.s32 $0x8000, v7;
	v9 =	vld [tilespmem:s0+$0x410]  }
0x1ac: {  	s1 =	sand.u32 $0x3FFFF800, s1;
	s0 =	sand.u32 $0x8, s31;
	v10 =	vld [tilespmem:s7+$0x420];
	v3 =	vor.u32 v4, v3;
	v5 =	vshrl.u32 v5, $0x10;
	v7 =	vadd.s32 $0x8000, v11  }
.Ltmp2:
0x1ad: {  	s9 =	sshll.u32 s0, $0x8;
	s0 =	sshll.u32 s0, $0x7;
	v4 =	vld [tilespmem:s7+$0x430];
	[tilespmem:s29+$0x20] =	vst v3;
	v7 =	vand.u32 $0xFFFF0000, v7;
	(pc) =	sbr.rel @p0 .LBB2_6-.Ltmp2, $4  }
0x1ae: {  	s4 =	sor.u32 s9, s4;
	s1 =	sor.u32 s0, s1;
	v11 =	vadd.s32 $0x8000, v12;
	v3 =	vld [tilespmem:s7+$0x440];
	v6 =	vadd.s32 $0x8000, v6;
	v7 =	vor.u32 v5, v7  }
0x1af: {  	s0 =	sor.u32 s8, s4;
	s1 =	sor.u32 s8, s1;
	v11 =	vshrl.u32 v11, $0x10;
	v5 =	vld [tilespmem:s7+$0x450];
	v6 =	vand.u32 $0xFFFF0000, v6;
	[tilespmem:s29+$0x30] =	vst v7;
	v8 =	vadd.s32 $0x8000, v8  }
0x1b0: {  	s4 =	sadd.s32 $0x10400, s1;
	v7 =	vld [tilespmem:s0+$0x0];
	v11 =	vor.u32 v11, v6;
	v8 =	vshrl.u32 v8, $0x10;
	v12 =	vadd.s32 $0x8000, v9  }
0x1b1: {  	v6 =	vld [tilespmem:s0+$0x10];
	v9 =	vadd.s32 $0x8000, v10;
	[tilespmem:s4+$0x70] =	vst v11;
	v10 =	vand.u32 $0xFFFF0000, v12  }
0x1b2: {  	v11 =	vld [tilespmem:s0+$0x20]  }
0x1b3: {  	v12 =	vld [tilespmem:s0+$0x30]  }
0x1b4: {  	v4 =	vadd.s32 $0x8000, v4;
	v13 =	vld [tilespmem:s0+$0x40]  }
0x1b5: {  	v9 =	vshrl.u32 v9, $0x10;
	v8 =	vor.u32 v8, v10;
	v10 =	vld [tilespmem:s0+$0x50];
	v4 =	vand.u32 $0xFFFF0000, v4  }
0x1b6: {  	v14 =	vld [tilespmem:s0+$0x70];
	v3 =	vadd.s32 $0x8000, v3;
	v4 =	vor.u32 v9, v4;
	v5 =	vadd.s32 $0x8000, v5  }
0x1b7: {  	v15 =	vld [tilespmem:s0+$0x410];
	v3 =	vshrl.u32 v3, $0x10;
	v7 =	vadd.s32 $0x8000, v7;
	v5 =	vand.u32 $0xFFFF0000, v5  }
0x1b8: {  	v9 =	vld [tilespmem:s0+$0x60];
	v7 =	vshrl.u32 v7, $0x10;
	v6 =	vadd.s32 $0x8000, v6;
	v3 =	vor.u32 v3, v5  }
0x1b9: {  	[tilespmem:s29+$0x40] =	vst v8;
	v5 =	vld [tilespmem:s0+$0x400];
	v6 =	vand.u32 $0xFFFF0000, v6;
	v11 =	vadd.s32 $0x8000, v11;
	v12 =	vadd.s32 $0x8000, v12  }
0x1ba: {  	[tilespmem:s4+$0x50] =	vst v4;
	v6 =	vor.u32 v7, v6;
	v7 =	vshrl.u32 v11, $0x10;
	v8 =	vand.u32 $0xFFFF0000, v12  }
0x1bb: {  	v4 =	vadd.s32 $0x8000, v13;
	[tilespmem:s4+$0x60] =	vst v3;
	v7 =	vor.u32 v7, v8;
	v8 =	vadd.s32 $0x8000, v10  }
0x1bc: {  	v3 =	vshrl.u32 v4, $0x10;
	[tilespmem:s1+$0x10400] =	vst v6;
	v6 =	vadd.s32 $0x8000, v14;
	v4 =	vand.u32 $0xFFFF0000, v8  }
0x1bd: {  	v8 =	vadd.s32 $0x8000, v9;
	[tilespmem:s4+$0x10] =	vst v7;
	v6 =	vand.u32 $0xFFFF0000, v6;
	v7 =	vadd.s32 $0x8000, v15  }
0x1be: {  	v3 =	vor.u32 v3, v4;
	v4 =	vshrl.u32 v8, $0x10;
	v5 =	vadd.s32 $0x8000, v5  }
0x1bf: {  	[tilespmem:s4+$0x20] =	vst v3;
	v3 =	vor.u32 v4, v6;
	v4 =	vshrl.u32 v5, $0x10;
	v5 =	vand.u32 $0xFFFF0000, v7  }
0x1c0: {  	[tilespmem:s4+$0x30] =	vst v3;
	v3 =	vor.u32 v4, v5  }
0x1c1: {  	[tilespmem:s4+$0x40] =	vst v3  }
0x1c2: {  	s0 =	simm.s32 $0x0;
	s1 =	rddreg [dreg:$0x7]  }
0x1c3: {  	[hbm4b:s1+s0] =	stream.linear.scatter [tilespmem:s21], [sflag:$0x3], $0x4000, $0x38;
	[tilespmem:$0x18400] =	vst v63  }
0x1c4: {  	v3 =	vld [tilespmem:$0x200];
	_ =	sdelay $0x4  }
0x1c5: {  	v4 =	vshll.u32 v3, $0x2  }
0x1c6: {  	v3 =	vand.u32 $0x7, v3;
	v4 =	vand.u32 $0xFFFFFFE0, v4  }
0x1c7: {  	v3 =	vor.u32 v3, v4  }
0x1c8: {  	v4 =	vperm.xlane v3, v0;
	_ =	sdelay $0x1  }
0x1c9: {  	v4 =	vadd.s32 v1, v4;
	_ =	sdelay $0x1  }
0x1ca: {  	v3 =	vperm.xlane v3, v2;
	_ =	sdelay $0x1  }
0x1cb: {  	s4 =	simm.s32 $0x400;
	v3 =	vadd.s32 v1, v3  }
0x1cc: {  	[tilespmem:s4], [sflag:$0x1] =	stream.indirect_vreg.gather [hbm4b:s2+s0], $0x80, v4, vm0, $0xb8;
	[tilespmem:$0x18400] =	vst v63  }
0x1cd: {  	s7 =	simm.s32 $0xC00  }
0x1ce: {  	[tilespmem:s7], [sflag:$0x1] =	stream.indirect_vreg.gather [hbm4b:s5+s0], $0x80, v4, vm0, $0xb8;
	[tilespmem:$0x18400] =	vst v63  }
0x1cf: {  	s8 =	simm.s32 $0x1400  }
0x1d0: {  	[tilespmem:s8], [sflag:$0x1] =	stream.indirect_vreg.gather [hbm4b:s2+s0], $0x80, v3, vm0, $0xb8;
	[tilespmem:$0x18400] =	vst v63  }
0x1d1: {  	s9 =	simm.s32 $0x1C00  }
0x1d2: {  	[tilespmem:s9], [sflag:$0x1] =	stream.indirect_vreg.gather [hbm4b:s5+s0], $0x80, v3, vm0, $0xb8;
	[tilespmem:$0x18400] =	vst v63  }
0x1d3: {  	v3 =	vld [tilespmem:$0x210];
	_ =	sdelay $0x4  }
0x1d4: {  	v4 =	vshll.u32 v3, $0x2  }
0x1d5: {  	v3 =	vand.u32 $0x7, v3;
	v4 =	vand.u32 $0xFFFFFFE0, v4  }
0x1d6: {  	v3 =	vor.u32 v3, v4  }
0x1d7: {  	v4 =	vperm.xlane v3, v0;
	_ =	sdelay $0x1  }
0x1d8: {  	v4 =	vadd.s32 v1, v4;
	_ =	sdelay $0x1  }
0x1d9: {  	v3 =	vperm.xlane v3, v2;
	_ =	sdelay $0x1  }
0x1da: {  	s10 =	simm.s32 $0x2400;
	v3 =	vadd.s32 v1, v3  }
0x1db: {  	[tilespmem:s10], [sflag:$0x1] =	stream.indirect_vreg.gather [hbm4b:s2+s0], $0x80, v4, vm0, $0xb8;
	[tilespmem:$0x18400] =	vst v63  }
0x1dc: {  	s4 =	simm.s32 $0x2C00  }
0x1dd: {  	[tilespmem:s4], [sflag:$0x1] =	stream.indirect_vreg.gather [hbm4b:s5+s0], $0x80, v4, vm0, $0xb8;
	[tilespmem:$0x18400] =	vst v63  }
0x1de: {  	s7 =	simm.s32 $0x3400  }
0x1df: {  	[tilespmem:s7], [sflag:$0x1] =	stream.indirect_vreg.gather [hbm4b:s2+s0], $0x80, v3, vm0, $0xb8;
	[tilespmem:$0x18400] =	vst v63  }
0x1e0: {  	s8 =	simm.s32 $0x3C00  }
0x1e1: {  	[tilespmem:s8], [sflag:$0x1] =	stream.indirect_vreg.gather [hbm4b:s5+s0], $0x80, v3, vm0, $0xb8;
	[tilespmem:$0x18400] =	vst v63  }
0x1e2: {  	v3 =	vld [tilespmem:$0x220];
	_ =	sdelay $0x4  }
0x1e3: {  	v4 =	vshll.u32 v3, $0x2  }
0x1e4: {  	v3 =	vand.u32 $0x7, v3;
	v4 =	vand.u32 $0xFFFFFFE0, v4  }
0x1e5: {  	v3 =	vor.u32 v3, v4  }
0x1e6: {  	v4 =	vperm.xlane v3, v0;
	_ =	sdelay $0x1  }
0x1e7: {  	v4 =	vadd.s32 v1, v4;
	_ =	sdelay $0x1  }
0x1e8: {  	v3 =	vperm.xlane v3, v2;
	_ =	sdelay $0x1  }
0x1e9: {  	s9 =	simm.s32 $0x4400;
	v3 =	vadd.s32 v1, v3  }
0x1ea: {  	[tilespmem:s9], [sflag:$0x1] =	stream.indirect_vreg.gather [hbm4b:s2+s0], $0x80, v4, vm0, $0xb8;
	[tilespmem:$0x18400] =	vst v63  }
0x1eb: {  	s10 =	simm.s32 $0x4C00  }
0x1ec: {  	[tilespmem:s10], [sflag:$0x1] =	stream.indirect_vreg.gather [hbm4b:s5+s0], $0x80, v4, vm0, $0xb8;
	[tilespmem:$0x18400] =	vst v63  }
0x1ed: {  	s4 =	simm.s32 $0x5400  }
0x1ee: {  	[tilespmem:s4], [sflag:$0x1] =	stream.indirect_vreg.gather [hbm4b:s2+s0], $0x80, v3, vm0, $0xb8;
	[tilespmem:$0x18400] =	vst v63  }
0x1ef: {  	s7 =	simm.s32 $0x5C00  }
0x1f0: {  	[tilespmem:s7], [sflag:$0x1] =	stream.indirect_vreg.gather [hbm4b:s5+s0], $0x80, v3, vm0, $0xb8;
	[tilespmem:$0x18400] =	vst v63  }
0x1f1: {  	v3 =	vld [tilespmem:$0x230];
	_ =	sdelay $0x4  }
0x1f2: {  	v4 =	vshll.u32 v3, $0x2  }
0x1f3: {  	v3 =	vand.u32 $0x7, v3;
	v4 =	vand.u32 $0xFFFFFFE0, v4  }
0x1f4: {  	v3 =	vor.u32 v3, v4  }
0x1f5: {  	v4 =	vperm.xlane v3, v0;
	_ =	sdelay $0x1  }
0x1f6: {  	v4 =	vadd.s32 v1, v4;
	_ =	sdelay $0x1  }
0x1f7: {  	v3 =	vperm.xlane v3, v2;
	_ =	sdelay $0x1  }
0x1f8: {  	s8 =	simm.s32 $0x6400;
	v3 =	vadd.s32 v1, v3  }
0x1f9: {  	[tilespmem:s8], [sflag:$0x1] =	stream.indirect_vreg.gather [hbm4b:s2+s0], $0x80, v4, vm0, $0xb8;
	[tilespmem:$0x18400] =	vst v63  }
0x1fa: {  	s9 =	simm.s32 $0x6C00  }
0x1fb: {  	[tilespmem:s9], [sflag:$0x1] =	stream.indirect_vreg.gather [hbm4b:s5+s0], $0x80, v4, vm0, $0xb8;
	[tilespmem:$0x18400] =	vst v63  }
0x1fc: {  	s10 =	simm.s32 $0x7400  }
0x1fd: {  	[tilespmem:s10], [sflag:$0x1] =	stream.indirect_vreg.gather [hbm4b:s2+s0], $0x80, v3, vm0, $0xb8;
	[tilespmem:$0x18400] =	vst v63  }
0x1fe: {  	s4 =	simm.s32 $0x7C00  }
0x1ff: {  	[tilespmem:s4], [sflag:$0x1] =	stream.indirect_vreg.gather [hbm4b:s5+s0], $0x80, v3, vm0, $0xb8;
	[tilespmem:$0x18400] =	vst v63  }
0x200: {  	_ =	swait.ge [sflag:s22], $0x8000  }
0x201: {  	s7 =	simm.s32 $0x0;
	[sflag:s22] =	ssyncset.done $0x0  }
0x202: {  	s1 =	sand.u32 $0x3FFFF000, s7;
	[sflag:s22] =	ssyncadd.s32 $0xFFFF8000  }
0x203: {  	s1 =	sadd.s32 $0x8400, s1;
	s8 =	sand.u32 $0x800, s0;
	_ =	swait.ge [sflag:s25], $0x4000  }
0x204: {  	s0 =	sand.u32 $0x380, s0;
	s4 =	sor.u32 s8, s1;
	[sflag:s25] =	ssyncset.done $0x0  }
0x205: {  	s4 =	sor.u32 s0, s4;
	[sflag:s25] =	ssyncadd.s32 $0xFFFFC000  }
0x206: {  	s7 =	simm.s32 $0x0;
	v3 =	vld [tilespmem:s4+$0x460]  }
0x207: {  	s7 =	sand.u32 $0x8, s7;
	v4 =	vld [tilespmem:s4+$0x470]  }
0x208: {  	s8 =	sshll.u32 s7, $0x8;
	v5 =	vld [tilespmem:s4+$0x420]  }
0x209: {  	s1 =	sor.u32 s8, s1;
	v6 =	vld [tilespmem:s4+$0x430]  }
0x20a: {  	s1 =	sor.u32 s0, s1;
	v7 =	vld [tilespmem:s4+$0x440]  }
0x20b: {  	v9 =	vld [tilespmem:s1+$0x0]  }
0x20c: {  	v10 =	vld [tilespmem:s1+$0x10]  }
0x20d: {  	v8 =	vld [tilespmem:s4+$0x450]  }
0x20e: {  	s28 =	simm.s32 $0x800;
	s10 =	simm.s32 $0x100;
	v11 =	vld [tilespmem:s1+$0x20]  }
0x20f: {  	s30 =	simm.s32 $0x40;
	s9 =	simm.s32 $0x0;
	s8 =	sand.u32 $0x3FFFF000, s10;
	v59 =	vld [tilespmem:s1+$0x30];
	v3 =	vadd.s32 $0x8000, v3;
	v4 =	vadd.s32 $0x8000, v4;
	v5 =	vadd.s32 $0x8000, v5  }
0x210: {  	s8 =	sadd.s32 $0x8400, s8;
	s4 =	sand.u32 $0x3FFFF800, s9;
	v60 =	vld [tilespmem:s1+$0x40];
	s9 =	sand.u32 $0x800, s28;
	v6 =	vadd.s32 $0x8000, v6;
	v7 =	vadd.s32 $0x8000, v7;
	v9 =	vadd.s32 $0x8000, v9  }
0x211: {  	s7 =	sshll.u32 s7, $0x7;
	s10 =	sand.u32 $0x380, s30;
	v61 =	vld [tilespmem:s1+$0x70];
	s9 =	sor.u32 s9, s8;
	v10 =	vadd.s32 $0x8000, v10;
	v3 =	vshrl.u32 v3, $0x10;
	v4 =	vand.u32 $0xFFFF0000, v4  }
0x212: {  	s4 =	sor.u32 s7, s4;
	s7 =	sor.u32 s10, s9;
	v3 =	vor.u32 v3, v4;
	v4 =	vshrl.u32 v5, $0x10;
	v5 =	vand.u32 $0xFFFF0000, v6;
	v6 =	vld [tilespmem:s1+$0x50]  }
0x213: {  	s0 =	sor.u32 s0, s4;
	v62 =	vld [tilespmem:s7+$0x470];
	v11 =	vadd.s32 $0x8000, v11;
	v4 =	vor.u32 v4, v5;
	v5 =	vadd.s32 $0x8000, v8  }
0x214: {  	s29 =	sadd.s32 $0x10400, s0;
	v12 =	vadd.s32 $0x8000, v59;
	v7 =	vshrl.u32 v7, $0x10;
	v8 =	vld [tilespmem:s1+$0x60];
	v5 =	vand.u32 $0xFFFF0000, v5  }
0x215: {  	v9 =	vshrl.u32 v9, $0x10;
	v10 =	vand.u32 $0xFFFF0000, v10;
	[tilespmem:s29+$0x4070] =	vst v3;
	v5 =	vor.u32 v7, v5;
	v7 =	vld [tilespmem:s7+$0x460]  }
0x216: {  	v3 =	vor.u32 v9, v10;
	v9 =	vshrl.u32 v11, $0x10;
	v10 =	vand.u32 $0xFFFF0000, v12;
	v11 =	vld [tilespmem:s1+$0x400];
	[tilespmem:s29+$0x4050] =	vst v4  }
0x217: {  	s31 =	simm.s32 $0x8;
	v4 =	vadd.s32 $0x8000, v60;
	v9 =	vor.u32 v9, v10;
	v10 =	vld [tilespmem:s1+$0x410];
	[tilespmem:s0+$0x14400] =	vst v3;
	v6 =	vadd.s32 $0x8000, v6  }
0x218: {  	s4 =	simm.s32 $0x80;
	v63 =	vld [tilespmem:s7+$0x420];
	s1 =	sand.u32 $0x8, s31;
	v3 =	vadd.s32 $0x8000, v61;
	v4 =	vshrl.u32 v4, $0x10;
	[tilespmem:s29+$0x4060] =	vst v5;
	v5 =	vand.u32 $0xFFFF0000, v6  }
0x219: {  	s4 =	sand.u32 $0x3FFFF800, s4;
	s9 =	sshll.u32 s1, $0x8;
	s1 =	sshll.u32 s1, $0x7;
	[tilespmem:s29+$0x4010] =	vst v9;
	v9 =	vadd.s32 $0x8000, v62;
	v6 =	vadd.s32 $0x8000, v8;
	v5 =	vor.u32 v4, v5;
	v4 =	vld [tilespmem:s7+$0x430]  }
0x21a: {  	s0 =	sor.u32 s9, s8;
	s1 =	sor.u32 s1, s4;
	v8 =	vand.u32 $0xFFFF0000, v3;
	v3 =	vld [tilespmem:s7+$0x440];
	v6 =	vshrl.u32 v6, $0x10;
	v7 =	vadd.s32 $0x8000, v7  }
0x21b: {  	v9 =	vand.u32 $0xFFFF0000, v9;
	s0 =	sor.u32 s10, s0;
	s1 =	sor.u32 s10, s1;
	[tilespmem:s29+$0x4020] =	vst v5;
	v6 =	vor.u32 v6, v8;
	v5 =	vld [tilespmem:s7+$0x450];
	v8 =	vshrl.u32 v7, $0x10  }
0x21c: {  	s4 =	sadd.s32 $0x10400, s1;
	v10 =	vadd.s32 $0x8000, v10;
	[tilespmem:s29+$0x4030] =	vst v6;
	v6 =	vadd.s32 $0x8000, v11;
	v7 =	vld [tilespmem:s0+$0x0];
	v11 =	vor.u32 v8, v9  }
0x21d: {  	v10 =	vand.u32 $0xFFFF0000, v10;
	v8 =	vshrl.u32 v6, $0x10;
	v6 =	vld [tilespmem:s0+$0x10];
	v9 =	vadd.s32 $0x8000, v63;
	[tilespmem:s4+$0x4070] =	vst v11  }
.LBB2_8:
0x21e: {  	s31 =	sadd.s32 $0x8, s31;
	v11 =	vld [tilespmem:s0+$0x20];
	v9 =	vshrl.u32 v9, $0x10;
	v4 =	vadd.s32 $0x8000, v4;
	v8 =	vor.u32 v8, v10  }
0x21f: {  	s7 =	sshll.u32 s31, $0x5;
	p0 =	slt.u32 s31, $0x3F8;
	v10 =	vld [tilespmem:s0+$0x30];
	v4 =	vand.u32 $0xFFFF0000, v4;
	v3 =	vadd.s32 $0x8000, v3;
	[tilespmem:s29+$0x4040] =	vst v8;
	s29 =	smov.u32 s4  }
0x220: {  	s28 =	sadd.s32 $0x800, s28;
	s4 =	sand.u32 $0x3FFFF000, s7;
	v8 =	vld [tilespmem:s0+$0x40];
	v4 =	vor.u32 v9, v4;
	v3 =	vshrl.u32 v3, $0x10;
	v5 =	vadd.s32 $0x8000, v5  }
0x221: {  	s30 =	sadd.s32 $0x40, s30;
	s7 =	sand.u32 $0x800, s28;
	s4 =	sadd.s32 $0x8400, s4;
	v7 =	vadd.s32 $0x8000, v7;
	v9 =	vld [tilespmem:s0+$0x50];
	[tilespmem:s29+$0x4050] =	vst v4;
	v4 =	vand.u32 $0xFFFF0000, v5  }
0x222: {  	s8 =	sand.u32 $0x380, s30;
	s7 =	sor.u32 s7, s4;
	v5 =	vshrl.u32 v7, $0x10;
	v6 =	vadd.s32 $0x8000, v6;
	v7 =	vld [tilespmem:s0+$0x60];
	v3 =	vor.u32 v3, v4  }
0x223: {  	s7 =	sor.u32 s8, s7;
	v4 =	vand.u32 $0xFFFF0000, v6;
	v6 =	vadd.s32 $0x8000, v11;
	v11 =	vld [tilespmem:s0+$0x70];
	[tilespmem:s29+$0x4060] =	vst v3  }
0x224: {  	v12 =	vld [tilespmem:s7+$0x460];
	v3 =	vor.u32 v5, v4;
	v4 =	vshrl.u32 v6, $0x10;
	v5 =	vadd.s32 $0x8000, v10  }
0x225: {  	v6 =	vld [tilespmem:s7+$0x470];
	[tilespmem:s1+$0x14400] =	vst v3;
	v3 =	vand.u32 $0xFFFF0000, v5;
	v5 =	vadd.s32 $0x8000, v8  }
0x226: {  	v3 =	vor.u32 v4, v3;
	v4 =	vshrl.u32 v5, $0x10;
	v5 =	vadd.s32 $0x8000, v9;
	v8 =	vld [tilespmem:s0+$0x400]  }
0x227: {  	s1 =	sshll.u32 s31, $0x4;
	[tilespmem:s29+$0x4010] =	vst v3;
	v3 =	vand.u32 $0xFFFF0000, v5;
	v5 =	vadd.s32 $0x8000, v7;
	v9 =	vld [tilespmem:s0+$0x410]  }
0x228: {  	s1 =	sand.u32 $0x3FFFF800, s1;
	s0 =	sand.u32 $0x8, s31;
	v10 =	vld [tilespmem:s7+$0x420];
	v3 =	vor.u32 v4, v3;
	v5 =	vshrl.u32 v5, $0x10;
	v7 =	vadd.s32 $0x8000, v11  }
.Ltmp3:
0x229: {  	s9 =	sshll.u32 s0, $0x8;
	s0 =	sshll.u32 s0, $0x7;
	v4 =	vld [tilespmem:s7+$0x430];
	[tilespmem:s29+$0x4020] =	vst v3;
	v7 =	vand.u32 $0xFFFF0000, v7;
	(pc) =	sbr.rel @p0 .LBB2_8-.Ltmp3, $4  }
0x22a: {  	s4 =	sor.u32 s9, s4;
	s1 =	sor.u32 s0, s1;
	v11 =	vadd.s32 $0x8000, v12;
	v3 =	vld [tilespmem:s7+$0x440];
	v6 =	vadd.s32 $0x8000, v6;
	v7 =	vor.u32 v5, v7  }
0x22b: {  	s0 =	sor.u32 s8, s4;
	s1 =	sor.u32 s8, s1;
	v11 =	vshrl.u32 v11, $0x10;
	v5 =	vld [tilespmem:s7+$0x450];
	v6 =	vand.u32 $0xFFFF0000, v6;
	[tilespmem:s29+$0x4030] =	vst v7;
	v8 =	vadd.s32 $0x8000, v8  }
0x22c: {  	s4 =	sadd.s32 $0x10400, s1;
	v7 =	vld [tilespmem:s0+$0x0];
	v11 =	vor.u32 v11, v6;
	v8 =	vshrl.u32 v8, $0x10;
	v12 =	vadd.s32 $0x8000, v9  }
0x22d: {  	v6 =	vld [tilespmem:s0+$0x10];
	v9 =	vadd.s32 $0x8000, v10;
	[tilespmem:s4+$0x4070] =	vst v11;
	v10 =	vand.u32 $0xFFFF0000, v12  }
0x22e: {  	v11 =	vld [tilespmem:s0+$0x20]  }
0x22f: {  	v12 =	vld [tilespmem:s0+$0x30]  }
0x230: {  	v4 =	vadd.s32 $0x8000, v4;
	v13 =	vld [tilespmem:s0+$0x40]  }
0x231: {  	v9 =	vshrl.u32 v9, $0x10;
	v8 =	vor.u32 v8, v10;
	v10 =	vld [tilespmem:s0+$0x50];
	v4 =	vand.u32 $0xFFFF0000, v4  }
0x232: {  	v14 =	vld [tilespmem:s0+$0x70];
	v3 =	vadd.s32 $0x8000, v3;
	v4 =	vor.u32 v9, v4;
	v5 =	vadd.s32 $0x8000, v5  }
0x233: {  	v15 =	vld [tilespmem:s0+$0x410];
	v3 =	vshrl.u32 v3, $0x10;
	v7 =	vadd.s32 $0x8000, v7;
	v5 =	vand.u32 $0xFFFF0000, v5  }
0x234: {  	v9 =	vld [tilespmem:s0+$0x60];
	v7 =	vshrl.u32 v7, $0x10;
	v6 =	vadd.s32 $0x8000, v6;
	v3 =	vor.u32 v3, v5  }
0x235: {  	[tilespmem:s29+$0x4040] =	vst v8;
	v5 =	vld [tilespmem:s0+$0x400];
	v6 =	vand.u32 $0xFFFF0000, v6;
	v11 =	vadd.s32 $0x8000, v11;
	v12 =	vadd.s32 $0x8000, v12  }
0x236: {  	[tilespmem:s4+$0x4050] =	vst v4;
	v6 =	vor.u32 v7, v6;
	v7 =	vshrl.u32 v11, $0x10;
	v8 =	vand.u32 $0xFFFF0000, v12  }
0x237: {  	v4 =	vadd.s32 $0x8000, v13;
	[tilespmem:s4+$0x4060] =	vst v3;
	v7 =	vor.u32 v7, v8;
	v8 =	vadd.s32 $0x8000, v10  }
0x238: {  	v3 =	vshrl.u32 v4, $0x10;
	[tilespmem:s1+$0x14400] =	vst v6;
	v6 =	vadd.s32 $0x8000, v14;
	v4 =	vand.u32 $0xFFFF0000, v8  }
0x239: {  	v8 =	vadd.s32 $0x8000, v9;
	[tilespmem:s4+$0x4010] =	vst v7;
	v6 =	vand.u32 $0xFFFF0000, v6;
	v7 =	vadd.s32 $0x8000, v15  }
0x23a: {  	v3 =	vor.u32 v3, v4;
	v4 =	vshrl.u32 v8, $0x10;
	v5 =	vadd.s32 $0x8000, v5  }
0x23b: {  	[tilespmem:s4+$0x4020] =	vst v3;
	v3 =	vor.u32 v4, v6;
	v4 =	vshrl.u32 v5, $0x10;
	v5 =	vand.u32 $0xFFFF0000, v7  }
0x23c: {  	[tilespmem:s4+$0x4030] =	vst v3;
	v3 =	vor.u32 v4, v5  }
0x23d: {  	[tilespmem:s4+$0x4040] =	vst v3  }
0x23e: {  	s0 =	simm.s32 $0x0;
	s1 =	rddreg [dreg:$0x8]  }
0x23f: {  	[hbm4b:s1+s0] =	stream.linear.scatter [tilespmem:s23], [sflag:$0x4], $0x4000, $0x38;
	[tilespmem:$0x18400] =	vst v63  }
0x240: {  	v3 =	vld [tilespmem:$0x280];
	_ =	sdelay $0x4  }
0x241: {  	v4 =	vshll.u32 v3, $0x2  }
0x242: {  	v3 =	vand.u32 $0x7, v3;
	v4 =	vand.u32 $0xFFFFFFE0, v4  }
0x243: {  	v3 =	vor.u32 v3, v4  }
0x244: {  	v4 =	vperm.xlane v3, v0;
	_ =	sdelay $0x1  }
0x245: {  	v4 =	vadd.s32 v1, v4;
	_ =	sdelay $0x1  }
0x246: {  	v3 =	vperm.xlane v3, v2;
	_ =	sdelay $0x1  }
0x247: {  	s4 =	simm.s32 $0x8400;
	v3 =	vadd.s32 v1, v3  }
0x248: {  	[tilespmem:s4], [sflag:$0x2] =	stream.indirect_vreg.gather [hbm4b:s2+s0], $0x80, v4, vm0, $0xb8;
	[tilespmem:$0x18400] =	vst v63  }
0x249: {  	s7 =	simm.s32 $0x8C00  }
0x24a: {  	[tilespmem:s7], [sflag:$0x2] =	stream.indirect_vreg.gather [hbm4b:s5+s0], $0x80, v4, vm0, $0xb8;
	[tilespmem:$0x18400] =	vst v63  }
0x24b: {  	s8 =	simm.s32 $0x9400  }
0x24c: {  	[tilespmem:s8], [sflag:$0x2] =	stream.indirect_vreg.gather [hbm4b:s2+s0], $0x80, v3, vm0, $0xb8;
	[tilespmem:$0x18400] =	vst v63  }
0x24d: {  	s9 =	simm.s32 $0x9C00  }
0x24e: {  	[tilespmem:s9], [sflag:$0x2] =	stream.indirect_vreg.gather [hbm4b:s5+s0], $0x80, v3, vm0, $0xb8;
	[tilespmem:$0x18400] =	vst v63  }
0x24f: {  	v3 =	vld [tilespmem:$0x290];
	_ =	sdelay $0x4  }
0x250: {  	v4 =	vshll.u32 v3, $0x2  }
0x251: {  	v3 =	vand.u32 $0x7, v3;
	v4 =	vand.u32 $0xFFFFFFE0, v4  }
0x252: {  	v3 =	vor.u32 v3, v4  }
0x253: {  	v4 =	vperm.xlane v3, v0;
	_ =	sdelay $0x1  }
0x254: {  	v4 =	vadd.s32 v1, v4;
	_ =	sdelay $0x1  }
0x255: {  	v3 =	vperm.xlane v3, v2;
	_ =	sdelay $0x1  }
0x256: {  	s10 =	simm.s32 $0xA400;
	v3 =	vadd.s32 v1, v3  }
0x257: {  	[tilespmem:s10], [sflag:$0x2] =	stream.indirect_vreg.gather [hbm4b:s2+s0], $0x80, v4, vm0, $0xb8;
	[tilespmem:$0x18400] =	vst v63  }
0x258: {  	s4 =	simm.s32 $0xAC00  }
0x259: {  	[tilespmem:s4], [sflag:$0x2] =	stream.indirect_vreg.gather [hbm4b:s5+s0], $0x80, v4, vm0, $0xb8;
	[tilespmem:$0x18400] =	vst v63  }
0x25a: {  	_ = 	snop  }
0x25b: {  	[tilespmem:s11], [sflag:$0x2] =	stream.indirect_vreg.gather [hbm4b:s2+s0], $0x80, v3, vm0, $0xb8;
	[tilespmem:$0x18400] =	vst v63  }
0x25c: {  	_ = 	snop  }
0x25d: {  	[tilespmem:s12], [sflag:$0x2] =	stream.indirect_vreg.gather [hbm4b:s5+s0], $0x80, v3, vm0, $0xb8;
	[tilespmem:$0x18400] =	vst v63  }
0x25e: {  	v3 =	vld [tilespmem:$0x2A0];
	_ =	sdelay $0x4  }
0x25f: {  	v4 =	vshll.u32 v3, $0x2  }
0x260: {  	v3 =	vand.u32 $0x7, v3;
	v4 =	vand.u32 $0xFFFFFFE0, v4  }
0x261: {  	v3 =	vor.u32 v3, v4  }
0x262: {  	v4 =	vperm.xlane v3, v0;
	_ =	sdelay $0x1  }
0x263: {  	v4 =	vadd.s32 v1, v4;
	_ =	sdelay $0x1  }
0x264: {  	v3 =	vperm.xlane v3, v2;
	_ =	sdelay $0x1  }
0x265: {  	v3 =	vadd.s32 v1, v3  }
0x266: {  	[tilespmem:s13], [sflag:$0x2] =	stream.indirect_vreg.gather [hbm4b:s2+s0], $0x80, v4, vm0, $0xb8;
	[tilespmem:$0x18400] =	vst v63  }
0x267: {  	_ = 	snop  }
0x268: {  	[tilespmem:s14], [sflag:$0x2] =	stream.indirect_vreg.gather [hbm4b:s5+s0], $0x80, v4, vm0, $0xb8;
	[tilespmem:$0x18400] =	vst v63  }
0x269: {  	_ = 	snop  }
0x26a: {  	[tilespmem:s6], [sflag:$0x2] =	stream.indirect_vreg.gather [hbm4b:s2+s0], $0x80, v3, vm0, $0xb8;
	[tilespmem:$0x18400] =	vst v63  }
0x26b: {  	_ = 	snop  }
0x26c: {  	[tilespmem:s15], [sflag:$0x2] =	stream.indirect_vreg.gather [hbm4b:s5+s0], $0x80, v3, vm0, $0xb8;
	[tilespmem:$0x18400] =	vst v63  }
0x26d: {  	v3 =	vld [tilespmem:$0x2B0];
	_ =	sdelay $0x4  }
0x26e: {  	v4 =	vshll.u32 v3, $0x2  }
0x26f: {  	v3 =	vand.u32 $0x7, v3;
	v4 =	vand.u32 $0xFFFFFFE0, v4  }
0x270: {  	v3 =	vor.u32 v3, v4  }
0x271: {  	v4 =	vperm.xlane v3, v0;
	_ =	sdelay $0x1  }
0x272: {  	v4 =	vadd.s32 v1, v4;
	_ =	sdelay $0x1  }
0x273: {  	v3 =	vperm.xlane v3, v2;
	_ =	sdelay $0x1  }
0x274: {  	v3 =	vadd.s32 v1, v3  }
0x275: {  	[tilespmem:s16], [sflag:$0x2] =	stream.indirect_vreg.gather [hbm4b:s2+s0], $0x80, v4, vm0, $0xb8;
	[tilespmem:$0x18400] =	vst v63  }
0x276: {  	_ = 	snop  }
0x277: {  	[tilespmem:s17], [sflag:$0x2] =	stream.indirect_vreg.gather [hbm4b:s5+s0], $0x80, v4, vm0, $0xb8;
	[tilespmem:$0x18400] =	vst v63  }
0x278: {  	_ = 	snop  }
0x279: {  	[tilespmem:s18], [sflag:$0x2] =	stream.indirect_vreg.gather [hbm4b:s2+s0], $0x80, v3, vm0, $0xb8;
	[tilespmem:$0x18400] =	vst v63  }
0x27a: {  	_ = 	snop  }
0x27b: {  	[tilespmem:s19], [sflag:$0x2] =	stream.indirect_vreg.gather [hbm4b:s5+s0], $0x80, v3, vm0, $0xb8;
	[tilespmem:$0x18400] =	vst v63  }
0x27c: {  	_ =	swait.ge [sflag:s20], $0x8000  }
0x27d: {  	s7 =	simm.s32 $0x0;
	[sflag:s20] =	ssyncset.done $0x0  }
0x27e: {  	s1 =	sand.u32 $0x3FFFF000, s7;
	[sflag:s20] =	ssyncadd.s32 $0xFFFF8000  }
0x27f: {  	s1 =	sor.u32 $0x400, s1;
	s8 =	sand.u32 $0x800, s0;
	_ =	swait.ge [sflag:s24], $0x4000  }
0x280: {  	s4 =	sor.u32 s8, s1;
	s0 =	sand.u32 $0x380, s0;
	[sflag:s24] =	ssyncset.done $0x0  }
0x281: {  	s4 =	sor.u32 s0, s4;
	[sflag:s24] =	ssyncadd.s32 $0xFFFFC000  }
0x282: {  	s7 =	simm.s32 $0x0;
	v3 =	vld [tilespmem:s4+$0x460]  }
0x283: {  	s7 =	sand.u32 $0x8, s7;
	v4 =	vld [tilespmem:s4+$0x470]  }
0x284: {  	s8 =	sshll.u32 s7, $0x8;
	v5 =	vld [tilespmem:s4+$0x420]  }
0x285: {  	s1 =	sor.u32 s8, s1;
	v6 =	vld [tilespmem:s4+$0x430]  }
0x286: {  	s1 =	sor.u32 s0, s1;
	v7 =	vld [tilespmem:s4+$0x440]  }
0x287: {  	v9 =	vld [tilespmem:s1+$0x0]  }
0x288: {  	v10 =	vld [tilespmem:s1+$0x10]  }
0x289: {  	v8 =	vld [tilespmem:s4+$0x450]  }
0x28a: {  	s28 =	simm.s32 $0x800;
	s10 =	simm.s32 $0x100;
	v11 =	vld [tilespmem:s1+$0x20]  }
0x28b: {  	s30 =	simm.s32 $0x40;
	s9 =	simm.s32 $0x0;
	s8 =	sand.u32 $0x3FFFF000, s10;
	v59 =	vld [tilespmem:s1+$0x30];
	v3 =	vadd.s32 $0x8000, v3;
	v4 =	vadd.s32 $0x8000, v4;
	v5 =	vadd.s32 $0x8000, v5  }
0x28c: {  	s8 =	sor.u32 $0x400, s8;
	s4 =	sand.u32 $0x3FFFF800, s9;
	v60 =	vld [tilespmem:s1+$0x40];
	s9 =	sand.u32 $0x800, s28;
	v6 =	vadd.s32 $0x8000, v6;
	v7 =	vadd.s32 $0x8000, v7;
	v9 =	vadd.s32 $0x8000, v9  }
0x28d: {  	s7 =	sshll.u32 s7, $0x7;
	s10 =	sand.u32 $0x380, s30;
	v61 =	vld [tilespmem:s1+$0x70];
	s9 =	sor.u32 s9, s8;
	v10 =	vadd.s32 $0x8000, v10;
	v3 =	vshrl.u32 v3, $0x10;
	v4 =	vand.u32 $0xFFFF0000, v4  }
0x28e: {  	s4 =	sor.u32 s7, s4;
	s7 =	sor.u32 s10, s9;
	v3 =	vor.u32 v3, v4;
	v4 =	vshrl.u32 v5, $0x10;
	v5 =	vand.u32 $0xFFFF0000, v6;
	v6 =	vld [tilespmem:s1+$0x50]  }
0x28f: {  	s0 =	sor.u32 s0, s4;
	v62 =	vld [tilespmem:s7+$0x470];
	v11 =	vadd.s32 $0x8000, v11;
	v4 =	vor.u32 v4, v5;
	v5 =	vadd.s32 $0x8000, v8  }
0x290: {  	s29 =	sadd.s32 $0x10400, s0;
	v12 =	vadd.s32 $0x8000, v59;
	v7 =	vshrl.u32 v7, $0x10;
	v8 =	vld [tilespmem:s1+$0x60];
	v5 =	vand.u32 $0xFFFF0000, v5  }
0x291: {  	v9 =	vshrl.u32 v9, $0x10;
	v10 =	vand.u32 $0xFFFF0000, v10;
	[tilespmem:s29+$0x70] =	vst v3;
	v5 =	vor.u32 v7, v5;
	v7 =	vld [tilespmem:s7+$0x460]  }
0x292: {  	v3 =	vor.u32 v9, v10;
	v9 =	vshrl.u32 v11, $0x10;
	v10 =	vand.u32 $0xFFFF0000, v12;
	v11 =	vld [tilespmem:s1+$0x400];
	[tilespmem:s29+$0x50] =	vst v4  }
0x293: {  	s31 =	simm.s32 $0x8;
	v4 =	vadd.s32 $0x8000, v60;
	v9 =	vor.u32 v9, v10;
	v10 =	vld [tilespmem:s1+$0x410];
	[tilespmem:s0+$0x10400] =	vst v3;
	v6 =	vadd.s32 $0x8000, v6  }
0x294: {  	s4 =	simm.s32 $0x80;
	v63 =	vld [tilespmem:s7+$0x420];
	s1 =	sand.u32 $0x8, s31;
	v3 =	vadd.s32 $0x8000, v61;
	v4 =	vshrl.u32 v4, $0x10;
	[tilespmem:s29+$0x60] =	vst v5;
	v5 =	vand.u32 $0xFFFF0000, v6  }
0x295: {  	s4 =	sand.u32 $0x3FFFF800, s4;
	s9 =	sshll.u32 s1, $0x8;
	s1 =	sshll.u32 s1, $0x7;
	[tilespmem:s29+$0x10] =	vst v9;
	v9 =	vadd.s32 $0x8000, v62;
	v6 =	vadd.s32 $0x8000, v8;
	v5 =	vor.u32 v4, v5;
	v4 =	vld [tilespmem:s7+$0x430]  }
0x296: {  	s0 =	sor.u32 s9, s8;
	s1 =	sor.u32 s1, s4;
	v8 =	vand.u32 $0xFFFF0000, v3;
	v3 =	vld [tilespmem:s7+$0x440];
	v6 =	vshrl.u32 v6, $0x10;
	v7 =	vadd.s32 $0x8000, v7  }
0x297: {  	v9 =	vand.u32 $0xFFFF0000, v9;
	s0 =	sor.u32 s10, s0;
	s1 =	sor.u32 s10, s1;
	[tilespmem:s29+$0x20] =	vst v5;
	v6 =	vor.u32 v6, v8;
	v5 =	vld [tilespmem:s7+$0x450];
	v8 =	vshrl.u32 v7, $0x10  }
0x298: {  	s4 =	sadd.s32 $0x10400, s1;
	v10 =	vadd.s32 $0x8000, v10;
	[tilespmem:s29+$0x30] =	vst v6;
	v6 =	vadd.s32 $0x8000, v11;
	v7 =	vld [tilespmem:s0+$0x0];
	v11 =	vor.u32 v8, v9  }
0x299: {  	v10 =	vand.u32 $0xFFFF0000, v10;
	v8 =	vshrl.u32 v6, $0x10;
	v6 =	vld [tilespmem:s0+$0x10];
	v9 =	vadd.s32 $0x8000, v63;
	[tilespmem:s4+$0x70] =	vst v11  }
.LBB2_10:
0x29a: {  	s31 =	sadd.s32 $0x8, s31;
	v11 =	vld [tilespmem:s0+$0x20];
	v9 =	vshrl.u32 v9, $0x10;
	v4 =	vadd.s32 $0x8000, v4;
	v8 =	vor.u32 v8, v10  }
0x29b: {  	s7 =	sshll.u32 s31, $0x5;
	p0 =	slt.u32 s31, $0x3F8;
	v10 =	vld [tilespmem:s0+$0x30];
	v4 =	vand.u32 $0xFFFF0000, v4;
	v3 =	vadd.s32 $0x8000, v3;
	[tilespmem:s29+$0x40] =	vst v8;
	s29 =	smov.u32 s4  }
0x29c: {  	s28 =	sadd.s32 $0x800, s28;
	s4 =	sand.u32 $0x3FFFF000, s7;
	v8 =	vld [tilespmem:s0+$0x40];
	v4 =	vor.u32 v9, v4;
	v3 =	vshrl.u32 v3, $0x10;
	v5 =	vadd.s32 $0x8000, v5  }
0x29d: {  	s30 =	sadd.s32 $0x40, s30;
	s7 =	sand.u32 $0x800, s28;
	s4 =	sor.u32 $0x400, s4;
	v7 =	vadd.s32 $0x8000, v7;
	v9 =	vld [tilespmem:s0+$0x50];
	[tilespmem:s29+$0x50] =	vst v4;
	v4 =	vand.u32 $0xFFFF0000, v5  }
0x29e: {  	s8 =	sand.u32 $0x380, s30;
	s7 =	sor.u32 s7, s4;
	v5 =	vshrl.u32 v7, $0x10;
	v6 =	vadd.s32 $0x8000, v6;
	v7 =	vld [tilespmem:s0+$0x60];
	v3 =	vor.u32 v3, v4  }
0x29f: {  	s7 =	sor.u32 s8, s7;
	v4 =	vand.u32 $0xFFFF0000, v6;
	v6 =	vadd.s32 $0x8000, v11;
	v11 =	vld [tilespmem:s0+$0x70];
	[tilespmem:s29+$0x60] =	vst v3  }
0x2a0: {  	v12 =	vld [tilespmem:s7+$0x460];
	v3 =	vor.u32 v5, v4;
	v4 =	vshrl.u32 v6, $0x10;
	v5 =	vadd.s32 $0x8000, v10  }
0x2a1: {  	v6 =	vld [tilespmem:s7+$0x470];
	[tilespmem:s1+$0x10400] =	vst v3;
	v3 =	vand.u32 $0xFFFF0000, v5;
	v5 =	vadd.s32 $0x8000, v8  }
0x2a2: {  	v3 =	vor.u32 v4, v3;
	v4 =	vshrl.u32 v5, $0x10;
	v5 =	vadd.s32 $0x8000, v9;
	v8 =	vld [tilespmem:s0+$0x400]  }
0x2a3: {  	s1 =	sshll.u32 s31, $0x4;
	[tilespmem:s29+$0x10] =	vst v3;
	v3 =	vand.u32 $0xFFFF0000, v5;
	v5 =	vadd.s32 $0x8000, v7;
	v9 =	vld [tilespmem:s0+$0x410]  }
0x2a4: {  	s1 =	sand.u32 $0x3FFFF800, s1;
	s0 =	sand.u32 $0x8, s31;
	v10 =	vld [tilespmem:s7+$0x420];
	v3 =	vor.u32 v4, v3;
	v5 =	vshrl.u32 v5, $0x10;
	v7 =	vadd.s32 $0x8000, v11  }
.Ltmp4:
0x2a5: {  	s9 =	sshll.u32 s0, $0x8;
	s0 =	sshll.u32 s0, $0x7;
	v4 =	vld [tilespmem:s7+$0x430];
	[tilespmem:s29+$0x20] =	vst v3;
	v7 =	vand.u32 $0xFFFF0000, v7;
	(pc) =	sbr.rel @p0 .LBB2_10-.Ltmp4, $4  }
0x2a6: {  	s4 =	sor.u32 s9, s4;
	s1 =	sor.u32 s0, s1;
	v11 =	vadd.s32 $0x8000, v12;
	v3 =	vld [tilespmem:s7+$0x440];
	v6 =	vadd.s32 $0x8000, v6;
	v7 =	vor.u32 v5, v7  }
0x2a7: {  	s0 =	sor.u32 s8, s4;
	s1 =	sor.u32 s8, s1;
	v11 =	vshrl.u32 v11, $0x10;
	v5 =	vld [tilespmem:s7+$0x450];
	v6 =	vand.u32 $0xFFFF0000, v6;
	[tilespmem:s29+$0x30] =	vst v7;
	v8 =	vadd.s32 $0x8000, v8  }
0x2a8: {  	s4 =	sadd.s32 $0x10400, s1;
	v7 =	vld [tilespmem:s0+$0x0];
	v11 =	vor.u32 v11, v6;
	v8 =	vshrl.u32 v8, $0x10;
	v12 =	vadd.s32 $0x8000, v9  }
0x2a9: {  	v6 =	vld [tilespmem:s0+$0x10];
	v9 =	vadd.s32 $0x8000, v10;
	[tilespmem:s4+$0x70] =	vst v11;
	v10 =	vand.u32 $0xFFFF0000, v12  }
0x2aa: {  	v11 =	vld [tilespmem:s0+$0x20]  }
0x2ab: {  	v12 =	vld [tilespmem:s0+$0x30]  }
0x2ac: {  	v4 =	vadd.s32 $0x8000, v4;
	v13 =	vld [tilespmem:s0+$0x40]  }
0x2ad: {  	v9 =	vshrl.u32 v9, $0x10;
	v8 =	vor.u32 v8, v10;
	v10 =	vld [tilespmem:s0+$0x50];
	v4 =	vand.u32 $0xFFFF0000, v4  }
0x2ae: {  	v14 =	vld [tilespmem:s0+$0x70];
	v3 =	vadd.s32 $0x8000, v3;
	v4 =	vor.u32 v9, v4;
	v5 =	vadd.s32 $0x8000, v5  }
0x2af: {  	v15 =	vld [tilespmem:s0+$0x410];
	v3 =	vshrl.u32 v3, $0x10;
	v7 =	vadd.s32 $0x8000, v7;
	v5 =	vand.u32 $0xFFFF0000, v5  }
0x2b0: {  	v9 =	vld [tilespmem:s0+$0x60];
	v7 =	vshrl.u32 v7, $0x10;
	v6 =	vadd.s32 $0x8000, v6;
	v3 =	vor.u32 v3, v5  }
0x2b1: {  	[tilespmem:s29+$0x40] =	vst v8;
	v5 =	vld [tilespmem:s0+$0x400];
	v6 =	vand.u32 $0xFFFF0000, v6;
	v11 =	vadd.s32 $0x8000, v11;
	v12 =	vadd.s32 $0x8000, v12  }
0x2b2: {  	[tilespmem:s4+$0x50] =	vst v4;
	v6 =	vor.u32 v7, v6;
	v7 =	vshrl.u32 v11, $0x10;
	v8 =	vand.u32 $0xFFFF0000, v12  }
0x2b3: {  	v4 =	vadd.s32 $0x8000, v13;
	[tilespmem:s4+$0x60] =	vst v3;
	v7 =	vor.u32 v7, v8;
	v8 =	vadd.s32 $0x8000, v10  }
0x2b4: {  	v3 =	vshrl.u32 v4, $0x10;
	[tilespmem:s1+$0x10400] =	vst v6;
	v6 =	vadd.s32 $0x8000, v14;
	v4 =	vand.u32 $0xFFFF0000, v8  }
0x2b5: {  	v8 =	vadd.s32 $0x8000, v9;
	[tilespmem:s4+$0x10] =	vst v7;
	v6 =	vand.u32 $0xFFFF0000, v6;
	v7 =	vadd.s32 $0x8000, v15  }
0x2b6: {  	v3 =	vor.u32 v3, v4;
	v4 =	vshrl.u32 v8, $0x10;
	v5 =	vadd.s32 $0x8000, v5  }
0x2b7: {  	[tilespmem:s4+$0x20] =	vst v3;
	v3 =	vor.u32 v4, v6;
	v4 =	vshrl.u32 v5, $0x10;
	v5 =	vand.u32 $0xFFFF0000, v7  }
0x2b8: {  	[tilespmem:s4+$0x30] =	vst v3;
	v3 =	vor.u32 v4, v5  }
0x2b9: {  	[tilespmem:s4+$0x40] =	vst v3  }
0x2ba: {  	s0 =	simm.s32 $0x0;
	s1 =	rddreg [dreg:$0x9]  }
0x2bb: {  	[hbm4b:s1+s0] =	stream.linear.scatter [tilespmem:s21], [sflag:$0x3], $0x4000, $0x38;
	[tilespmem:$0x18400] =	vst v63  }
0x2bc: {  	v3 =	vld [tilespmem:$0x300];
	_ =	sdelay $0x4  }
0x2bd: {  	v4 =	vshll.u32 v3, $0x2  }
0x2be: {  	v3 =	vand.u32 $0x7, v3;
	v4 =	vand.u32 $0xFFFFFFE0, v4  }
0x2bf: {  	v3 =	vor.u32 v3, v4  }
0x2c0: {  	v4 =	vperm.xlane v3, v0;
	_ =	sdelay $0x1  }
0x2c1: {  	v4 =	vadd.s32 v1, v4;
	_ =	sdelay $0x1  }
0x2c2: {  	v3 =	vperm.xlane v3, v2;
	_ =	sdelay $0x1  }
0x2c3: {  	s4 =	simm.s32 $0x400;
	v3 =	vadd.s32 v1, v3  }
0x2c4: {  	[tilespmem:s4], [sflag:$0x1] =	stream.indirect_vreg.gather [hbm4b:s2+s0], $0x80, v4, vm0, $0xb8;
	[tilespmem:$0x18400] =	vst v63  }
0x2c5: {  	s7 =	simm.s32 $0xC00  }
0x2c6: {  	[tilespmem:s7], [sflag:$0x1] =	stream.indirect_vreg.gather [hbm4b:s5+s0], $0x80, v4, vm0, $0xb8;
	[tilespmem:$0x18400] =	vst v63  }
0x2c7: {  	s8 =	simm.s32 $0x1400  }
0x2c8: {  	[tilespmem:s8], [sflag:$0x1] =	stream.indirect_vreg.gather [hbm4b:s2+s0], $0x80, v3, vm0, $0xb8;
	[tilespmem:$0x18400] =	vst v63  }
0x2c9: {  	s9 =	simm.s32 $0x1C00  }
0x2ca: {  	[tilespmem:s9], [sflag:$0x1] =	stream.indirect_vreg.gather [hbm4b:s5+s0], $0x80, v3, vm0, $0xb8;
	[tilespmem:$0x18400] =	vst v63  }
0x2cb: {  	v3 =	vld [tilespmem:$0x310];
	_ =	sdelay $0x4  }
0x2cc: {  	v4 =	vshll.u32 v3, $0x2  }
0x2cd: {  	v3 =	vand.u32 $0x7, v3;
	v4 =	vand.u32 $0xFFFFFFE0, v4  }
0x2ce: {  	v3 =	vor.u32 v3, v4  }
0x2cf: {  	v4 =	vperm.xlane v3, v0;
	_ =	sdelay $0x1  }
0x2d0: {  	v4 =	vadd.s32 v1, v4;
	_ =	sdelay $0x1  }
0x2d1: {  	v3 =	vperm.xlane v3, v2;
	_ =	sdelay $0x1  }
0x2d2: {  	s10 =	simm.s32 $0x2400;
	v3 =	vadd.s32 v1, v3  }
0x2d3: {  	[tilespmem:s10], [sflag:$0x1] =	stream.indirect_vreg.gather [hbm4b:s2+s0], $0x80, v4, vm0, $0xb8;
	[tilespmem:$0x18400] =	vst v63  }
0x2d4: {  	s4 =	simm.s32 $0x2C00  }
0x2d5: {  	[tilespmem:s4], [sflag:$0x1] =	stream.indirect_vreg.gather [hbm4b:s5+s0], $0x80, v4, vm0, $0xb8;
	[tilespmem:$0x18400] =	vst v63  }
0x2d6: {  	s7 =	simm.s32 $0x3400  }
0x2d7: {  	[tilespmem:s7], [sflag:$0x1] =	stream.indirect_vreg.gather [hbm4b:s2+s0], $0x80, v3, vm0, $0xb8;
	[tilespmem:$0x18400] =	vst v63  }
0x2d8: {  	s8 =	simm.s32 $0x3C00  }
0x2d9: {  	[tilespmem:s8], [sflag:$0x1] =	stream.indirect_vreg.gather [hbm4b:s5+s0], $0x80, v3, vm0, $0xb8;
	[tilespmem:$0x18400] =	vst v63  }
0x2da: {  	v3 =	vld [tilespmem:$0x320];
	_ =	sdelay $0x4  }
0x2db: {  	v4 =	vshll.u32 v3, $0x2  }
0x2dc: {  	v3 =	vand.u32 $0x7, v3;
	v4 =	vand.u32 $0xFFFFFFE0, v4  }
0x2dd: {  	v3 =	vor.u32 v3, v4  }
0x2de: {  	v4 =	vperm.xlane v3, v0;
	_ =	sdelay $0x1  }
0x2df: {  	v4 =	vadd.s32 v1, v4;
	_ =	sdelay $0x1  }
0x2e0: {  	v3 =	vperm.xlane v3, v2;
	_ =	sdelay $0x1  }
0x2e1: {  	s9 =	simm.s32 $0x4400;
	v3 =	vadd.s32 v1, v3  }
0x2e2: {  	[tilespmem:s9], [sflag:$0x1] =	stream.indirect_vreg.gather [hbm4b:s2+s0], $0x80, v4, vm0, $0xb8;
	[tilespmem:$0x18400] =	vst v63  }
0x2e3: {  	s10 =	simm.s32 $0x4C00  }
0x2e4: {  	[tilespmem:s10], [sflag:$0x1] =	stream.indirect_vreg.gather [hbm4b:s5+s0], $0x80, v4, vm0, $0xb8;
	[tilespmem:$0x18400] =	vst v63  }
0x2e5: {  	s4 =	simm.s32 $0x5400  }
0x2e6: {  	[tilespmem:s4], [sflag:$0x1] =	stream.indirect_vreg.gather [hbm4b:s2+s0], $0x80, v3, vm0, $0xb8;
	[tilespmem:$0x18400] =	vst v63  }
0x2e7: {  	s7 =	simm.s32 $0x5C00  }
0x2e8: {  	[tilespmem:s7], [sflag:$0x1] =	stream.indirect_vreg.gather [hbm4b:s5+s0], $0x80, v3, vm0, $0xb8;
	[tilespmem:$0x18400] =	vst v63  }
0x2e9: {  	v3 =	vld [tilespmem:$0x330];
	_ =	sdelay $0x4  }
0x2ea: {  	v4 =	vshll.u32 v3, $0x2  }
0x2eb: {  	v3 =	vand.u32 $0x7, v3;
	v4 =	vand.u32 $0xFFFFFFE0, v4  }
0x2ec: {  	v3 =	vor.u32 v3, v4  }
0x2ed: {  	v4 =	vperm.xlane v3, v0;
	_ =	sdelay $0x1  }
0x2ee: {  	v4 =	vadd.s32 v1, v4;
	_ =	sdelay $0x1  }
0x2ef: {  	v3 =	vperm.xlane v3, v2;
	_ =	sdelay $0x1  }
0x2f0: {  	s8 =	simm.s32 $0x6400;
	v3 =	vadd.s32 v1, v3  }
0x2f1: {  	[tilespmem:s8], [sflag:$0x1] =	stream.indirect_vreg.gather [hbm4b:s2+s0], $0x80, v4, vm0, $0xb8;
	[tilespmem:$0x18400] =	vst v63  }
0x2f2: {  	s9 =	simm.s32 $0x6C00  }
0x2f3: {  	[tilespmem:s9], [sflag:$0x1] =	stream.indirect_vreg.gather [hbm4b:s5+s0], $0x80, v4, vm0, $0xb8;
	[tilespmem:$0x18400] =	vst v63  }
0x2f4: {  	s10 =	simm.s32 $0x7400  }
0x2f5: {  	[tilespmem:s10], [sflag:$0x1] =	stream.indirect_vreg.gather [hbm4b:s2+s0], $0x80, v3, vm0, $0xb8;
	[tilespmem:$0x18400] =	vst v63  }
0x2f6: {  	s4 =	simm.s32 $0x7C00  }
0x2f7: {  	[tilespmem:s4], [sflag:$0x1] =	stream.indirect_vreg.gather [hbm4b:s5+s0], $0x80, v3, vm0, $0xb8;
	[tilespmem:$0x18400] =	vst v63  }
0x2f8: {  	_ =	swait.ge [sflag:s22], $0x8000  }
0x2f9: {  	s7 =	simm.s32 $0x0;
	[sflag:s22] =	ssyncset.done $0x0  }
0x2fa: {  	s1 =	sand.u32 $0x3FFFF000, s7;
	[sflag:s22] =	ssyncadd.s32 $0xFFFF8000  }
0x2fb: {  	s1 =	sadd.s32 $0x8400, s1;
	s8 =	sand.u32 $0x800, s0;
	_ =	swait.ge [sflag:s25], $0x4000  }
0x2fc: {  	s0 =	sand.u32 $0x380, s0;
	s4 =	sor.u32 s8, s1;
	[sflag:s25] =	ssyncset.done $0x0  }
0x2fd: {  	s4 =	sor.u32 s0, s4;
	[sflag:s25] =	ssyncadd.s32 $0xFFFFC000  }
0x2fe: {  	s7 =	simm.s32 $0x0;
	v3 =	vld [tilespmem:s4+$0x460]  }
0x2ff: {  	s7 =	sand.u32 $0x8, s7;
	v4 =	vld [tilespmem:s4+$0x470]  }
0x300: {  	s8 =	sshll.u32 s7, $0x8;
	v5 =	vld [tilespmem:s4+$0x420]  }
0x301: {  	s1 =	sor.u32 s8, s1;
	v6 =	vld [tilespmem:s4+$0x430]  }
0x302: {  	s1 =	sor.u32 s0, s1;
	v7 =	vld [tilespmem:s4+$0x440]  }
0x303: {  	v9 =	vld [tilespmem:s1+$0x0]  }
0x304: {  	v10 =	vld [tilespmem:s1+$0x10]  }
0x305: {  	v8 =	vld [tilespmem:s4+$0x450]  }
0x306: {  	s28 =	simm.s32 $0x800;
	s10 =	simm.s32 $0x100;
	v11 =	vld [tilespmem:s1+$0x20]  }
0x307: {  	s30 =	simm.s32 $0x40;
	s9 =	simm.s32 $0x0;
	s8 =	sand.u32 $0x3FFFF000, s10;
	v59 =	vld [tilespmem:s1+$0x30];
	v3 =	vadd.s32 $0x8000, v3;
	v4 =	vadd.s32 $0x8000, v4;
	v5 =	vadd.s32 $0x8000, v5  }
0x308: {  	s8 =	sadd.s32 $0x8400, s8;
	s4 =	sand.u32 $0x3FFFF800, s9;
	v60 =	vld [tilespmem:s1+$0x40];
	s9 =	sand.u32 $0x800, s28;
	v6 =	vadd.s32 $0x8000, v6;
	v7 =	vadd.s32 $0x8000, v7;
	v9 =	vadd.s32 $0x8000, v9  }
0x309: {  	s7 =	sshll.u32 s7, $0x7;
	s10 =	sand.u32 $0x380, s30;
	v61 =	vld [tilespmem:s1+$0x70];
	s9 =	sor.u32 s9, s8;
	v10 =	vadd.s32 $0x8000, v10;
	v3 =	vshrl.u32 v3, $0x10;
	v4 =	vand.u32 $0xFFFF0000, v4  }
0x30a: {  	s4 =	sor.u32 s7, s4;
	s7 =	sor.u32 s10, s9;
	v3 =	vor.u32 v3, v4;
	v4 =	vshrl.u32 v5, $0x10;
	v5 =	vand.u32 $0xFFFF0000, v6;
	v6 =	vld [tilespmem:s1+$0x50]  }
0x30b: {  	s0 =	sor.u32 s0, s4;
	v62 =	vld [tilespmem:s7+$0x470];
	v11 =	vadd.s32 $0x8000, v11;
	v4 =	vor.u32 v4, v5;
	v5 =	vadd.s32 $0x8000, v8  }
0x30c: {  	s29 =	sadd.s32 $0x10400, s0;
	v12 =	vadd.s32 $0x8000, v59;
	v7 =	vshrl.u32 v7, $0x10;
	v8 =	vld [tilespmem:s1+$0x60];
	v5 =	vand.u32 $0xFFFF0000, v5  }
0x30d: {  	v9 =	vshrl.u32 v9, $0x10;
	v10 =	vand.u32 $0xFFFF0000, v10;
	[tilespmem:s29+$0x4070] =	vst v3;
	v5 =	vor.u32 v7, v5;
	v7 =	vld [tilespmem:s7+$0x460]  }
0x30e: {  	v3 =	vor.u32 v9, v10;
	v9 =	vshrl.u32 v11, $0x10;
	v10 =	vand.u32 $0xFFFF0000, v12;
	v11 =	vld [tilespmem:s1+$0x400];
	[tilespmem:s29+$0x4050] =	vst v4  }
0x30f: {  	s31 =	simm.s32 $0x8;
	v4 =	vadd.s32 $0x8000, v60;
	v9 =	vor.u32 v9, v10;
	v10 =	vld [tilespmem:s1+$0x410];
	[tilespmem:s0+$0x14400] =	vst v3;
	v6 =	vadd.s32 $0x8000, v6  }
0x310: {  	s4 =	simm.s32 $0x80;
	v63 =	vld [tilespmem:s7+$0x420];
	s1 =	sand.u32 $0x8, s31;
	v3 =	vadd.s32 $0x8000, v61;
	v4 =	vshrl.u32 v4, $0x10;
	[tilespmem:s29+$0x4060] =	vst v5;
	v5 =	vand.u32 $0xFFFF0000, v6  }
0x311: {  	s4 =	sand.u32 $0x3FFFF800, s4;
	s9 =	sshll.u32 s1, $0x8;
	s1 =	sshll.u32 s1, $0x7;
	[tilespmem:s29+$0x4010] =	vst v9;
	v9 =	vadd.s32 $0x8000, v62;
	v6 =	vadd.s32 $0x8000, v8;
	v5 =	vor.u32 v4, v5;
	v4 =	vld [tilespmem:s7+$0x430]  }
0x312: {  	s0 =	sor.u32 s9, s8;
	s1 =	sor.u32 s1, s4;
	v8 =	vand.u32 $0xFFFF0000, v3;
	v3 =	vld [tilespmem:s7+$0x440];
	v6 =	vshrl.u32 v6, $0x10;
	v7 =	vadd.s32 $0x8000, v7  }
0x313: {  	v9 =	vand.u32 $0xFFFF0000, v9;
	s0 =	sor.u32 s10, s0;
	s1 =	sor.u32 s10, s1;
	[tilespmem:s29+$0x4020] =	vst v5;
	v6 =	vor.u32 v6, v8;
	v5 =	vld [tilespmem:s7+$0x450];
	v8 =	vshrl.u32 v7, $0x10  }
0x314: {  	s4 =	sadd.s32 $0x10400, s1;
	v10 =	vadd.s32 $0x8000, v10;
	[tilespmem:s29+$0x4030] =	vst v6;
	v6 =	vadd.s32 $0x8000, v11;
	v7 =	vld [tilespmem:s0+$0x0];
	v11 =	vor.u32 v8, v9  }
0x315: {  	v10 =	vand.u32 $0xFFFF0000, v10;
	v8 =	vshrl.u32 v6, $0x10;
	v6 =	vld [tilespmem:s0+$0x10];
	v9 =	vadd.s32 $0x8000, v63;
	[tilespmem:s4+$0x4070] =	vst v11  }
.LBB2_12:
0x316: {  	s31 =	sadd.s32 $0x8, s31;
	v11 =	vld [tilespmem:s0+$0x20];
	v9 =	vshrl.u32 v9, $0x10;
	v4 =	vadd.s32 $0x8000, v4;
	v8 =	vor.u32 v8, v10  }
0x317: {  	s7 =	sshll.u32 s31, $0x5;
	p0 =	slt.u32 s31, $0x3F8;
	v10 =	vld [tilespmem:s0+$0x30];
	v4 =	vand.u32 $0xFFFF0000, v4;
	v3 =	vadd.s32 $0x8000, v3;
	[tilespmem:s29+$0x4040] =	vst v8;
	s29 =	smov.u32 s4  }
0x318: {  	s28 =	sadd.s32 $0x800, s28;
	s4 =	sand.u32 $0x3FFFF000, s7;
	v8 =	vld [tilespmem:s0+$0x40];
	v4 =	vor.u32 v9, v4;
	v3 =	vshrl.u32 v3, $0x10;
	v5 =	vadd.s32 $0x8000, v5  }
0x319: {  	s30 =	sadd.s32 $0x40, s30;
	s7 =	sand.u32 $0x800, s28;
	s4 =	sadd.s32 $0x8400, s4;
	v7 =	vadd.s32 $0x8000, v7;
	v9 =	vld [tilespmem:s0+$0x50];
	[tilespmem:s29+$0x4050] =	vst v4;
	v4 =	vand.u32 $0xFFFF0000, v5  }
0x31a: {  	s8 =	sand.u32 $0x380, s30;
	s7 =	sor.u32 s7, s4;
	v5 =	vshrl.u32 v7, $0x10;
	v6 =	vadd.s32 $0x8000, v6;
	v7 =	vld [tilespmem:s0+$0x60];
	v3 =	vor.u32 v3, v4  }
0x31b: {  	s7 =	sor.u32 s8, s7;
	v4 =	vand.u32 $0xFFFF0000, v6;
	v6 =	vadd.s32 $0x8000, v11;
	v11 =	vld [tilespmem:s0+$0x70];
	[tilespmem:s29+$0x4060] =	vst v3  }
0x31c: {  	v12 =	vld [tilespmem:s7+$0x460];
	v3 =	vor.u32 v5, v4;
	v4 =	vshrl.u32 v6, $0x10;
	v5 =	vadd.s32 $0x8000, v10  }
0x31d: {  	v6 =	vld [tilespmem:s7+$0x470];
	[tilespmem:s1+$0x14400] =	vst v3;
	v3 =	vand.u32 $0xFFFF0000, v5;
	v5 =	vadd.s32 $0x8000, v8  }
0x31e: {  	v3 =	vor.u32 v4, v3;
	v4 =	vshrl.u32 v5, $0x10;
	v5 =	vadd.s32 $0x8000, v9;
	v8 =	vld [tilespmem:s0+$0x400]  }
0x31f: {  	s1 =	sshll.u32 s31, $0x4;
	[tilespmem:s29+$0x4010] =	vst v3;
	v3 =	vand.u32 $0xFFFF0000, v5;
	v5 =	vadd.s32 $0x8000, v7;
	v9 =	vld [tilespmem:s0+$0x410]  }
0x320: {  	s1 =	sand.u32 $0x3FFFF800, s1;
	s0 =	sand.u32 $0x8, s31;
	v10 =	vld [tilespmem:s7+$0x420];
	v3 =	vor.u32 v4, v3;
	v5 =	vshrl.u32 v5, $0x10;
	v7 =	vadd.s32 $0x8000, v11  }
.Ltmp5:
0x321: {  	s9 =	sshll.u32 s0, $0x8;
	s0 =	sshll.u32 s0, $0x7;
	v4 =	vld [tilespmem:s7+$0x430];
	[tilespmem:s29+$0x4020] =	vst v3;
	v7 =	vand.u32 $0xFFFF0000, v7;
	(pc) =	sbr.rel @p0 .LBB2_12-.Ltmp5, $4  }
0x322: {  	s4 =	sor.u32 s9, s4;
	s1 =	sor.u32 s0, s1;
	v11 =	vadd.s32 $0x8000, v12;
	v3 =	vld [tilespmem:s7+$0x440];
	v6 =	vadd.s32 $0x8000, v6;
	v7 =	vor.u32 v5, v7  }
0x323: {  	s0 =	sor.u32 s8, s4;
	s1 =	sor.u32 s8, s1;
	v11 =	vshrl.u32 v11, $0x10;
	v5 =	vld [tilespmem:s7+$0x450];
	v6 =	vand.u32 $0xFFFF0000, v6;
	[tilespmem:s29+$0x4030] =	vst v7;
	v8 =	vadd.s32 $0x8000, v8  }
0x324: {  	s4 =	sadd.s32 $0x10400, s1;
	v7 =	vld [tilespmem:s0+$0x0];
	v11 =	vor.u32 v11, v6;
	v8 =	vshrl.u32 v8, $0x10;
	v12 =	vadd.s32 $0x8000, v9  }
0x325: {  	v6 =	vld [tilespmem:s0+$0x10];
	v9 =	vadd.s32 $0x8000, v10;
	[tilespmem:s4+$0x4070] =	vst v11;
	v10 =	vand.u32 $0xFFFF0000, v12  }
0x326: {  	v11 =	vld [tilespmem:s0+$0x20]  }
0x327: {  	v12 =	vld [tilespmem:s0+$0x30]  }
0x328: {  	v4 =	vadd.s32 $0x8000, v4;
	v13 =	vld [tilespmem:s0+$0x40]  }
0x329: {  	v9 =	vshrl.u32 v9, $0x10;
	v8 =	vor.u32 v8, v10;
	v10 =	vld [tilespmem:s0+$0x50];
	v4 =	vand.u32 $0xFFFF0000, v4  }
0x32a: {  	v14 =	vld [tilespmem:s0+$0x70];
	v3 =	vadd.s32 $0x8000, v3;
	v4 =	vor.u32 v9, v4;
	v5 =	vadd.s32 $0x8000, v5  }
0x32b: {  	v15 =	vld [tilespmem:s0+$0x410];
	v3 =	vshrl.u32 v3, $0x10;
	v7 =	vadd.s32 $0x8000, v7;
	v5 =	vand.u32 $0xFFFF0000, v5  }
0x32c: {  	v9 =	vld [tilespmem:s0+$0x60];
	v7 =	vshrl.u32 v7, $0x10;
	v6 =	vadd.s32 $0x8000, v6;
	v3 =	vor.u32 v3, v5  }
0x32d: {  	[tilespmem:s29+$0x4040] =	vst v8;
	v5 =	vld [tilespmem:s0+$0x400];
	v6 =	vand.u32 $0xFFFF0000, v6;
	v11 =	vadd.s32 $0x8000, v11;
	v12 =	vadd.s32 $0x8000, v12  }
0x32e: {  	[tilespmem:s4+$0x4050] =	vst v4;
	v6 =	vor.u32 v7, v6;
	v7 =	vshrl.u32 v11, $0x10;
	v8 =	vand.u32 $0xFFFF0000, v12  }
0x32f: {  	v4 =	vadd.s32 $0x8000, v13;
	[tilespmem:s4+$0x4060] =	vst v3;
	v7 =	vor.u32 v7, v8;
	v8 =	vadd.s32 $0x8000, v10  }
0x330: {  	v3 =	vshrl.u32 v4, $0x10;
	[tilespmem:s1+$0x14400] =	vst v6;
	v6 =	vadd.s32 $0x8000, v14;
	v4 =	vand.u32 $0xFFFF0000, v8  }
0x331: {  	v8 =	vadd.s32 $0x8000, v9;
	[tilespmem:s4+$0x4010] =	vst v7;
	v6 =	vand.u32 $0xFFFF0000, v6;
	v7 =	vadd.s32 $0x8000, v15  }
0x332: {  	v3 =	vor.u32 v3, v4;
	v4 =	vshrl.u32 v8, $0x10;
	v5 =	vadd.s32 $0x8000, v5  }
0x333: {  	[tilespmem:s4+$0x4020] =	vst v3;
	v3 =	vor.u32 v4, v6;
	v4 =	vshrl.u32 v5, $0x10;
	v5 =	vand.u32 $0xFFFF0000, v7  }
0x334: {  	[tilespmem:s4+$0x4030] =	vst v3;
	v3 =	vor.u32 v4, v5  }
0x335: {  	[tilespmem:s4+$0x4040] =	vst v3  }
0x336: {  	s0 =	simm.s32 $0x0;
	s1 =	rddreg [dreg:$0xa]  }
0x337: {  	[hbm4b:s1+s0] =	stream.linear.scatter [tilespmem:s23], [sflag:$0x4], $0x4000, $0x38;
	[tilespmem:$0x18400] =	vst v63  }
0x338: {  	v3 =	vld [tilespmem:$0x380];
	_ =	sdelay $0x4  }
0x339: {  	v4 =	vshll.u32 v3, $0x2  }
0x33a: {  	v3 =	vand.u32 $0x7, v3;
	v4 =	vand.u32 $0xFFFFFFE0, v4  }
0x33b: {  	v3 =	vor.u32 v3, v4  }
0x33c: {  	v4 =	vperm.xlane v3, v0;
	_ =	sdelay $0x1  }
0x33d: {  	v4 =	vadd.s32 v1, v4;
	_ =	sdelay $0x1  }
0x33e: {  	v3 =	vperm.xlane v3, v2;
	_ =	sdelay $0x1  }
0x33f: {  	s4 =	simm.s32 $0x8400;
	v3 =	vadd.s32 v1, v3  }
0x340: {  	[tilespmem:s4], [sflag:$0x2] =	stream.indirect_vreg.gather [hbm4b:s2+s0], $0x80, v4, vm0, $0xb8;
	[tilespmem:$0x18400] =	vst v63  }
0x341: {  	s7 =	simm.s32 $0x8C00  }
0x342: {  	[tilespmem:s7], [sflag:$0x2] =	stream.indirect_vreg.gather [hbm4b:s5+s0], $0x80, v4, vm0, $0xb8;
	[tilespmem:$0x18400] =	vst v63  }
0x343: {  	s8 =	simm.s32 $0x9400  }
0x344: {  	[tilespmem:s8], [sflag:$0x2] =	stream.indirect_vreg.gather [hbm4b:s2+s0], $0x80, v3, vm0, $0xb8;
	[tilespmem:$0x18400] =	vst v63  }
0x345: {  	s9 =	simm.s32 $0x9C00  }
0x346: {  	[tilespmem:s9], [sflag:$0x2] =	stream.indirect_vreg.gather [hbm4b:s5+s0], $0x80, v3, vm0, $0xb8;
	[tilespmem:$0x18400] =	vst v63  }
0x347: {  	v3 =	vld [tilespmem:$0x390];
	_ =	sdelay $0x4  }
0x348: {  	v4 =	vshll.u32 v3, $0x2  }
0x349: {  	v3 =	vand.u32 $0x7, v3;
	v4 =	vand.u32 $0xFFFFFFE0, v4  }
0x34a: {  	v3 =	vor.u32 v3, v4  }
0x34b: {  	v4 =	vperm.xlane v3, v0;
	_ =	sdelay $0x1  }
0x34c: {  	v4 =	vadd.s32 v1, v4;
	_ =	sdelay $0x1  }
0x34d: {  	v3 =	vperm.xlane v3, v2;
	_ =	sdelay $0x1  }
0x34e: {  	s10 =	simm.s32 $0xA400;
	v3 =	vadd.s32 v1, v3  }
0x34f: {  	[tilespmem:s10], [sflag:$0x2] =	stream.indirect_vreg.gather [hbm4b:s2+s0], $0x80, v4, vm0, $0xb8;
	[tilespmem:$0x18400] =	vst v63  }
0x350: {  	s4 =	simm.s32 $0xAC00  }
0x351: {  	[tilespmem:s4], [sflag:$0x2] =	stream.indirect_vreg.gather [hbm4b:s5+s0], $0x80, v4, vm0, $0xb8;
	[tilespmem:$0x18400] =	vst v63  }
0x352: {  	_ = 	snop  }
0x353: {  	[tilespmem:s11], [sflag:$0x2] =	stream.indirect_vreg.gather [hbm4b:s2+s0], $0x80, v3, vm0, $0xb8;
	[tilespmem:$0x18400] =	vst v63  }
0x354: {  	_ = 	snop  }
0x355: {  	[tilespmem:s12], [sflag:$0x2] =	stream.indirect_vreg.gather [hbm4b:s5+s0], $0x80, v3, vm0, $0xb8;
	[tilespmem:$0x18400] =	vst v63  }
0x356: {  	v3 =	vld [tilespmem:$0x3A0];
	_ =	sdelay $0x4  }
0x357: {  	v4 =	vshll.u32 v3, $0x2  }
0x358: {  	v3 =	vand.u32 $0x7, v3;
	v4 =	vand.u32 $0xFFFFFFE0, v4  }
0x359: {  	v3 =	vor.u32 v3, v4  }
0x35a: {  	v4 =	vperm.xlane v3, v0;
	_ =	sdelay $0x1  }
0x35b: {  	v4 =	vadd.s32 v1, v4;
	_ =	sdelay $0x1  }
0x35c: {  	v3 =	vperm.xlane v3, v2;
	_ =	sdelay $0x1  }
0x35d: {  	v3 =	vadd.s32 v1, v3  }
0x35e: {  	[tilespmem:s13], [sflag:$0x2] =	stream.indirect_vreg.gather [hbm4b:s2+s0], $0x80, v4, vm0, $0xb8;
	[tilespmem:$0x18400] =	vst v63  }
0x35f: {  	_ = 	snop  }
0x360: {  	[tilespmem:s14], [sflag:$0x2] =	stream.indirect_vreg.gather [hbm4b:s5+s0], $0x80, v4, vm0, $0xb8;
	[tilespmem:$0x18400] =	vst v63  }
0x361: {  	_ = 	snop  }
0x362: {  	[tilespmem:s6], [sflag:$0x2] =	stream.indirect_vreg.gather [hbm4b:s2+s0], $0x80, v3, vm0, $0xb8;
	[tilespmem:$0x18400] =	vst v63  }
0x363: {  	_ = 	snop  }
0x364: {  	[tilespmem:s15], [sflag:$0x2] =	stream.indirect_vreg.gather [hbm4b:s5+s0], $0x80, v3, vm0, $0xb8;
	[tilespmem:$0x18400] =	vst v63  }
0x365: {  	v3 =	vld [tilespmem:$0x3B0];
	_ =	sdelay $0x4  }
0x366: {  	v4 =	vshll.u32 v3, $0x2  }
0x367: {  	v3 =	vand.u32 $0x7, v3;
	v4 =	vand.u32 $0xFFFFFFE0, v4  }
0x368: {  	v3 =	vor.u32 v3, v4  }
0x369: {  	v4 =	vperm.xlane v3, v0;
	_ =	sdelay $0x1  }
0x36a: {  	v4 =	vadd.s32 v1, v4;
	_ =	sdelay $0x1  }
0x36b: {  	v3 =	vperm.xlane v3, v2;
	_ =	sdelay $0x1  }
0x36c: {  	v3 =	vadd.s32 v1, v3  }
0x36d: {  	[tilespmem:s16], [sflag:$0x2] =	stream.indirect_vreg.gather [hbm4b:s2+s0], $0x80, v4, vm0, $0xb8;
	[tilespmem:$0x18400] =	vst v63  }
0x36e: {  	_ = 	snop  }
0x36f: {  	[tilespmem:s17], [sflag:$0x2] =	stream.indirect_vreg.gather [hbm4b:s5+s0], $0x80, v4, vm0, $0xb8;
	[tilespmem:$0x18400] =	vst v63  }
0x370: {  	_ = 	snop  }
0x371: {  	[tilespmem:s18], [sflag:$0x2] =	stream.indirect_vreg.gather [hbm4b:s2+s0], $0x80, v3, vm0, $0xb8;
	[tilespmem:$0x18400] =	vst v63  }
0x372: {  	_ = 	snop  }
0x373: {  	[tilespmem:s19], [sflag:$0x2] =	stream.indirect_vreg.gather [hbm4b:s5+s0], $0x80, v3, vm0, $0xb8;
	[tilespmem:$0x18400] =	vst v63  }
0x374: {  	_ =	swait.ge [sflag:s20], $0x8000  }
0x375: {  	s7 =	simm.s32 $0x0;
	[sflag:s20] =	ssyncset.done $0x0  }
0x376: {  	s1 =	sand.u32 $0x3FFFF000, s7;
	[sflag:s20] =	ssyncadd.s32 $0xFFFF8000  }
0x377: {  	s1 =	sor.u32 $0x400, s1;
	s8 =	sand.u32 $0x800, s0;
	_ =	swait.ge [sflag:s24], $0x4000  }
0x378: {  	s4 =	sor.u32 s8, s1;
	s0 =	sand.u32 $0x380, s0;
	[sflag:s24] =	ssyncset.done $0x0  }
0x379: {  	s4 =	sor.u32 s0, s4;
	[sflag:s24] =	ssyncadd.s32 $0xFFFFC000  }
0x37a: {  	s7 =	simm.s32 $0x0;
	v3 =	vld [tilespmem:s4+$0x460]  }
0x37b: {  	s7 =	sand.u32 $0x8, s7;
	v4 =	vld [tilespmem:s4+$0x470]  }
0x37c: {  	s8 =	sshll.u32 s7, $0x8;
	v5 =	vld [tilespmem:s4+$0x420]  }
0x37d: {  	s1 =	sor.u32 s8, s1;
	v6 =	vld [tilespmem:s4+$0x430]  }
0x37e: {  	s1 =	sor.u32 s0, s1;
	v7 =	vld [tilespmem:s4+$0x440]  }
0x37f: {  	v9 =	vld [tilespmem:s1+$0x0]  }
0x380: {  	v10 =	vld [tilespmem:s1+$0x10]  }
0x381: {  	v8 =	vld [tilespmem:s4+$0x450]  }
0x382: {  	s28 =	simm.s32 $0x800;
	s10 =	simm.s32 $0x100;
	v11 =	vld [tilespmem:s1+$0x20]  }
0x383: {  	s30 =	simm.s32 $0x40;
	s9 =	simm.s32 $0x0;
	s8 =	sand.u32 $0x3FFFF000, s10;
	v59 =	vld [tilespmem:s1+$0x30];
	v3 =	vadd.s32 $0x8000, v3;
	v4 =	vadd.s32 $0x8000, v4;
	v5 =	vadd.s32 $0x8000, v5  }
0x384: {  	s8 =	sor.u32 $0x400, s8;
	s4 =	sand.u32 $0x3FFFF800, s9;
	v60 =	vld [tilespmem:s1+$0x40];
	s9 =	sand.u32 $0x800, s28;
	v6 =	vadd.s32 $0x8000, v6;
	v7 =	vadd.s32 $0x8000, v7;
	v9 =	vadd.s32 $0x8000, v9  }
0x385: {  	s7 =	sshll.u32 s7, $0x7;
	s10 =	sand.u32 $0x380, s30;
	v61 =	vld [tilespmem:s1+$0x70];
	s9 =	sor.u32 s9, s8;
	v10 =	vadd.s32 $0x8000, v10;
	v3 =	vshrl.u32 v3, $0x10;
	v4 =	vand.u32 $0xFFFF0000, v4  }
0x386: {  	s4 =	sor.u32 s7, s4;
	s7 =	sor.u32 s10, s9;
	v3 =	vor.u32 v3, v4;
	v4 =	vshrl.u32 v5, $0x10;
	v5 =	vand.u32 $0xFFFF0000, v6;
	v6 =	vld [tilespmem:s1+$0x50]  }
0x387: {  	s0 =	sor.u32 s0, s4;
	v62 =	vld [tilespmem:s7+$0x470];
	v11 =	vadd.s32 $0x8000, v11;
	v4 =	vor.u32 v4, v5;
	v5 =	vadd.s32 $0x8000, v8  }
0x388: {  	s29 =	sadd.s32 $0x10400, s0;
	v12 =	vadd.s32 $0x8000, v59;
	v7 =	vshrl.u32 v7, $0x10;
	v8 =	vld [tilespmem:s1+$0x60];
	v5 =	vand.u32 $0xFFFF0000, v5  }
0x389: {  	v9 =	vshrl.u32 v9, $0x10;
	v10 =	vand.u32 $0xFFFF0000, v10;
	[tilespmem:s29+$0x70] =	vst v3;
	v5 =	vor.u32 v7, v5;
	v7 =	vld [tilespmem:s7+$0x460]  }
0x38a: {  	v3 =	vor.u32 v9, v10;
	v9 =	vshrl.u32 v11, $0x10;
	v10 =	vand.u32 $0xFFFF0000, v12;
	v11 =	vld [tilespmem:s1+$0x400];
	[tilespmem:s29+$0x50] =	vst v4  }
0x38b: {  	s31 =	simm.s32 $0x8;
	v4 =	vadd.s32 $0x8000, v60;
	v9 =	vor.u32 v9, v10;
	v10 =	vld [tilespmem:s1+$0x410];
	[tilespmem:s0+$0x10400] =	vst v3;
	v6 =	vadd.s32 $0x8000, v6  }
0x38c: {  	s4 =	simm.s32 $0x80;
	v63 =	vld [tilespmem:s7+$0x420];
	s1 =	sand.u32 $0x8, s31;
	v3 =	vadd.s32 $0x8000, v61;
	v4 =	vshrl.u32 v4, $0x10;
	[tilespmem:s29+$0x60] =	vst v5;
	v5 =	vand.u32 $0xFFFF0000, v6  }
0x38d: {  	s4 =	sand.u32 $0x3FFFF800, s4;
	s9 =	sshll.u32 s1, $0x8;
	s1 =	sshll.u32 s1, $0x7;
	[tilespmem:s29+$0x10] =	vst v9;
	v9 =	vadd.s32 $0x8000, v62;
	v6 =	vadd.s32 $0x8000, v8;
	v5 =	vor.u32 v4, v5;
	v4 =	vld [tilespmem:s7+$0x430]  }
0x38e: {  	s0 =	sor.u32 s9, s8;
	s1 =	sor.u32 s1, s4;
	v8 =	vand.u32 $0xFFFF0000, v3;
	v3 =	vld [tilespmem:s7+$0x440];
	v6 =	vshrl.u32 v6, $0x10;
	v7 =	vadd.s32 $0x8000, v7  }
0x38f: {  	v9 =	vand.u32 $0xFFFF0000, v9;
	s0 =	sor.u32 s10, s0;
	s1 =	sor.u32 s10, s1;
	[tilespmem:s29+$0x20] =	vst v5;
	v6 =	vor.u32 v6, v8;
	v5 =	vld [tilespmem:s7+$0x450];
	v8 =	vshrl.u32 v7, $0x10  }
0x390: {  	s4 =	sadd.s32 $0x10400, s1;
	v10 =	vadd.s32 $0x8000, v10;
	[tilespmem:s29+$0x30] =	vst v6;
	v6 =	vadd.s32 $0x8000, v11;
	v7 =	vld [tilespmem:s0+$0x0];
	v11 =	vor.u32 v8, v9  }
0x391: {  	v10 =	vand.u32 $0xFFFF0000, v10;
	v8 =	vshrl.u32 v6, $0x10;
	v6 =	vld [tilespmem:s0+$0x10];
	v9 =	vadd.s32 $0x8000, v63;
	[tilespmem:s4+$0x70] =	vst v11  }
.LBB2_14:
0x392: {  	s31 =	sadd.s32 $0x8, s31;
	v11 =	vld [tilespmem:s0+$0x20];
	v9 =	vshrl.u32 v9, $0x10;
	v4 =	vadd.s32 $0x8000, v4;
	v8 =	vor.u32 v8, v10  }
0x393: {  	s7 =	sshll.u32 s31, $0x5;
	p0 =	slt.u32 s31, $0x3F8;
	v10 =	vld [tilespmem:s0+$0x30];
	v4 =	vand.u32 $0xFFFF0000, v4;
	v3 =	vadd.s32 $0x8000, v3;
	[tilespmem:s29+$0x40] =	vst v8;
	s29 =	smov.u32 s4  }
0x394: {  	s28 =	sadd.s32 $0x800, s28;
	s4 =	sand.u32 $0x3FFFF000, s7;
	v8 =	vld [tilespmem:s0+$0x40];
	v4 =	vor.u32 v9, v4;
	v3 =	vshrl.u32 v3, $0x10;
	v5 =	vadd.s32 $0x8000, v5  }
0x395: {  	s30 =	sadd.s32 $0x40, s30;
	s7 =	sand.u32 $0x800, s28;
	s4 =	sor.u32 $0x400, s4;
	v7 =	vadd.s32 $0x8000, v7;
	v9 =	vld [tilespmem:s0+$0x50];
	[tilespmem:s29+$0x50] =	vst v4;
	v4 =	vand.u32 $0xFFFF0000, v5  }
0x396: {  	s8 =	sand.u32 $0x380, s30;
	s7 =	sor.u32 s7, s4;
	v5 =	vshrl.u32 v7, $0x10;
	v6 =	vadd.s32 $0x8000, v6;
	v7 =	vld [tilespmem:s0+$0x60];
	v3 =	vor.u32 v3, v4  }
0x397: {  	s7 =	sor.u32 s8, s7;
	v4 =	vand.u32 $0xFFFF0000, v6;
	v6 =	vadd.s32 $0x8000, v11;
	v11 =	vld [tilespmem:s0+$0x70];
	[tilespmem:s29+$0x60] =	vst v3  }
0x398: {  	v12 =	vld [tilespmem:s7+$0x460];
	v3 =	vor.u32 v5, v4;
	v4 =	vshrl.u32 v6, $0x10;
	v5 =	vadd.s32 $0x8000, v10  }
0x399: {  	v6 =	vld [tilespmem:s7+$0x470];
	[tilespmem:s1+$0x10400] =	vst v3;
	v3 =	vand.u32 $0xFFFF0000, v5;
	v5 =	vadd.s32 $0x8000, v8  }
0x39a: {  	v3 =	vor.u32 v4, v3;
	v4 =	vshrl.u32 v5, $0x10;
	v5 =	vadd.s32 $0x8000, v9;
	v8 =	vld [tilespmem:s0+$0x400]  }
0x39b: {  	s1 =	sshll.u32 s31, $0x4;
	[tilespmem:s29+$0x10] =	vst v3;
	v3 =	vand.u32 $0xFFFF0000, v5;
	v5 =	vadd.s32 $0x8000, v7;
	v9 =	vld [tilespmem:s0+$0x410]  }
0x39c: {  	s1 =	sand.u32 $0x3FFFF800, s1;
	s0 =	sand.u32 $0x8, s31;
	v10 =	vld [tilespmem:s7+$0x420];
	v3 =	vor.u32 v4, v3;
	v5 =	vshrl.u32 v5, $0x10;
	v7 =	vadd.s32 $0x8000, v11  }
.Ltmp6:
0x39d: {  	s9 =	sshll.u32 s0, $0x8;
	s0 =	sshll.u32 s0, $0x7;
	v4 =	vld [tilespmem:s7+$0x430];
	[tilespmem:s29+$0x20] =	vst v3;
	v7 =	vand.u32 $0xFFFF0000, v7;
	(pc) =	sbr.rel @p0 .LBB2_14-.Ltmp6, $4  }
0x39e: {  	s4 =	sor.u32 s9, s4;
	s1 =	sor.u32 s0, s1;
	v11 =	vadd.s32 $0x8000, v12;
	v3 =	vld [tilespmem:s7+$0x440];
	v6 =	vadd.s32 $0x8000, v6;
	v7 =	vor.u32 v5, v7  }
0x39f: {  	s0 =	sor.u32 s8, s4;
	s1 =	sor.u32 s8, s1;
	v11 =	vshrl.u32 v11, $0x10;
	v5 =	vld [tilespmem:s7+$0x450];
	v6 =	vand.u32 $0xFFFF0000, v6;
	[tilespmem:s29+$0x30] =	vst v7;
	v8 =	vadd.s32 $0x8000, v8  }
0x3a0: {  	s4 =	sadd.s32 $0x10400, s1;
	v7 =	vld [tilespmem:s0+$0x0];
	v11 =	vor.u32 v11, v6;
	v8 =	vshrl.u32 v8, $0x10;
	v12 =	vadd.s32 $0x8000, v9  }
0x3a1: {  	v6 =	vld [tilespmem:s0+$0x10];
	v9 =	vadd.s32 $0x8000, v10;
	[tilespmem:s4+$0x70] =	vst v11;
	v10 =	vand.u32 $0xFFFF0000, v12  }
0x3a2: {  	v11 =	vld [tilespmem:s0+$0x20]  }
0x3a3: {  	v12 =	vld [tilespmem:s0+$0x30]  }
0x3a4: {  	v4 =	vadd.s32 $0x8000, v4;
	v13 =	vld [tilespmem:s0+$0x40]  }
0x3a5: {  	v9 =	vshrl.u32 v9, $0x10;
	v8 =	vor.u32 v8, v10;
	v10 =	vld [tilespmem:s0+$0x50];
	v4 =	vand.u32 $0xFFFF0000, v4  }
0x3a6: {  	v14 =	vld [tilespmem:s0+$0x70];
	v3 =	vadd.s32 $0x8000, v3;
	v4 =	vor.u32 v9, v4;
	v5 =	vadd.s32 $0x8000, v5  }
0x3a7: {  	v15 =	vld [tilespmem:s0+$0x410];
	v3 =	vshrl.u32 v3, $0x10;
	v7 =	vadd.s32 $0x8000, v7;
	v5 =	vand.u32 $0xFFFF0000, v5  }
0x3a8: {  	v9 =	vld [tilespmem:s0+$0x60];
	v7 =	vshrl.u32 v7, $0x10;
	v6 =	vadd.s32 $0x8000, v6;
	v3 =	vor.u32 v3, v5  }
0x3a9: {  	[tilespmem:s29+$0x40] =	vst v8;
	v5 =	vld [tilespmem:s0+$0x400];
	v6 =	vand.u32 $0xFFFF0000, v6;
	v11 =	vadd.s32 $0x8000, v11;
	v12 =	vadd.s32 $0x8000, v12  }
0x3aa: {  	[tilespmem:s4+$0x50] =	vst v4;
	v6 =	vor.u32 v7, v6;
	v7 =	vshrl.u32 v11, $0x10;
	v8 =	vand.u32 $0xFFFF0000, v12  }
0x3ab: {  	v4 =	vadd.s32 $0x8000, v13;
	[tilespmem:s4+$0x60] =	vst v3;
	v7 =	vor.u32 v7, v8;
	v8 =	vadd.s32 $0x8000, v10  }
0x3ac: {  	v3 =	vshrl.u32 v4, $0x10;
	[tilespmem:s1+$0x10400] =	vst v6;
	v6 =	vadd.s32 $0x8000, v14;
	v4 =	vand.u32 $0xFFFF0000, v8  }
0x3ad: {  	v8 =	vadd.s32 $0x8000, v9;
	[tilespmem:s4+$0x10] =	vst v7;
	v6 =	vand.u32 $0xFFFF0000, v6;
	v7 =	vadd.s32 $0x8000, v15  }
0x3ae: {  	v3 =	vor.u32 v3, v4;
	v4 =	vshrl.u32 v8, $0x10;
	v5 =	vadd.s32 $0x8000, v5  }
0x3af: {  	[tilespmem:s4+$0x20] =	vst v3;
	v3 =	vor.u32 v4, v6;
	v4 =	vshrl.u32 v5, $0x10;
	v5 =	vand.u32 $0xFFFF0000, v7  }
0x3b0: {  	[tilespmem:s4+$0x30] =	vst v3;
	v3 =	vor.u32 v4, v5  }
0x3b1: {  	[tilespmem:s4+$0x40] =	vst v3  }
0x3b2: {  	s4 =	simm.s32 $0x0;
	s1 =	rddreg [dreg:$0xb]  }
0x3b3: {  	[hbm4b:s1+s4] =	stream.linear.scatter [tilespmem:s21], [sflag:$0x3], $0x4000, $0x38;
	[tilespmem:$0x18400] =	vst v63  }
0x3b4: {  	_ =	swait.ge [sflag:s22], $0x8000  }
0x3b5: {  	s7 =	simm.s32 $0x0;
	[sflag:s22] =	ssyncset.done $0x0  }
0x3b6: {  	s1 =	sand.u32 $0x3FFFF000, s7;
	[sflag:s22] =	ssyncadd.s32 $0xFFFF8000  }
0x3b7: {  	s8 =	sand.u32 $0x800, s4;
	s1 =	sadd.s32 $0x8400, s1;
	_ =	swait.ge [sflag:s25], $0x4000  }
0x3b8: {  	s0 =	sand.u32 $0x380, s4;
	s4 =	sor.u32 s8, s1;
	[sflag:s25] =	ssyncset.done $0x0  }
0x3b9: {  	s4 =	sor.u32 s0, s4;
	[sflag:s25] =	ssyncadd.s32 $0xFFFFC000  }
0x3ba: {  	s7 =	simm.s32 $0x0;
	v3 =	vld [tilespmem:s4+$0x460]  }
0x3bb: {  	s7 =	sand.u32 $0x8, s7;
	v4 =	vld [tilespmem:s4+$0x470]  }
0x3bc: {  	s8 =	sshll.u32 s7, $0x8;
	v5 =	vld [tilespmem:s4+$0x420]  }
0x3bd: {  	s1 =	sor.u32 s8, s1;
	v6 =	vld [tilespmem:s4+$0x430]  }
0x3be: {  	s1 =	sor.u32 s0, s1;
	v7 =	vld [tilespmem:s4+$0x440]  }
0x3bf: {  	v9 =	vld [tilespmem:s1+$0x0]  }
0x3c0: {  	v10 =	vld [tilespmem:s1+$0x10]  }
0x3c1: {  	v8 =	vld [tilespmem:s4+$0x450]  }
0x3c2: {  	s9 =	simm.s32 $0x0;
	s10 =	simm.s32 $0x100;
	v11 =	vld [tilespmem:s1+$0x20]  }
0x3c3: {  	s28 =	simm.s32 $0x800;
	s30 =	simm.s32 $0x40;
	s8 =	sand.u32 $0x3FFFF000, s10;
	v59 =	vld [tilespmem:s1+$0x30];
	v3 =	vadd.s32 $0x8000, v3;
	v4 =	vadd.s32 $0x8000, v4;
	v5 =	vadd.s32 $0x8000, v5  }
0x3c4: {  	s8 =	sadd.s32 $0x8400, s8;
	s4 =	sand.u32 $0x3FFFF800, s9;
	v60 =	vld [tilespmem:s1+$0x40];
	s9 =	sand.u32 $0x800, s28;
	v6 =	vadd.s32 $0x8000, v6;
	v7 =	vadd.s32 $0x8000, v7;
	v9 =	vadd.s32 $0x8000, v9  }
0x3c5: {  	s7 =	sshll.u32 s7, $0x7;
	s10 =	sand.u32 $0x380, s30;
	v61 =	vld [tilespmem:s1+$0x70];
	s9 =	sor.u32 s9, s8;
	v10 =	vadd.s32 $0x8000, v10;
	v3 =	vshrl.u32 v3, $0x10;
	v4 =	vand.u32 $0xFFFF0000, v4  }
0x3c6: {  	s4 =	sor.u32 s7, s4;
	s7 =	sor.u32 s10, s9;
	v3 =	vor.u32 v3, v4;
	v4 =	vshrl.u32 v5, $0x10;
	v5 =	vand.u32 $0xFFFF0000, v6;
	v6 =	vld [tilespmem:s1+$0x50]  }
0x3c7: {  	s0 =	sor.u32 s0, s4;
	v62 =	vld [tilespmem:s7+$0x470];
	v11 =	vadd.s32 $0x8000, v11;
	v4 =	vor.u32 v4, v5;
	v5 =	vadd.s32 $0x8000, v8  }
0x3c8: {  	s29 =	sadd.s32 $0x10400, s0;
	v12 =	vadd.s32 $0x8000, v59;
	v7 =	vshrl.u32 v7, $0x10;
	v8 =	vld [tilespmem:s1+$0x60];
	v5 =	vand.u32 $0xFFFF0000, v5  }
0x3c9: {  	v9 =	vshrl.u32 v9, $0x10;
	v10 =	vand.u32 $0xFFFF0000, v10;
	[tilespmem:s29+$0x4070] =	vst v3;
	v5 =	vor.u32 v7, v5;
	v7 =	vld [tilespmem:s7+$0x460]  }
0x3ca: {  	v3 =	vor.u32 v9, v10;
	v9 =	vshrl.u32 v11, $0x10;
	v10 =	vand.u32 $0xFFFF0000, v12;
	v11 =	vld [tilespmem:s1+$0x400];
	[tilespmem:s29+$0x4050] =	vst v4  }
0x3cb: {  	s31 =	simm.s32 $0x8;
	v4 =	vadd.s32 $0x8000, v60;
	v9 =	vor.u32 v9, v10;
	v10 =	vld [tilespmem:s1+$0x410];
	[tilespmem:s0+$0x14400] =	vst v3;
	v6 =	vadd.s32 $0x8000, v6  }
0x3cc: {  	s4 =	simm.s32 $0x80;
	v63 =	vld [tilespmem:s7+$0x420];
	s1 =	sand.u32 $0x8, s31;
	v3 =	vadd.s32 $0x8000, v61;
	v4 =	vshrl.u32 v4, $0x10;
	[tilespmem:s29+$0x4060] =	vst v5;
	v5 =	vand.u32 $0xFFFF0000, v6  }
0x3cd: {  	s4 =	sand.u32 $0x3FFFF800, s4;
	s9 =	sshll.u32 s1, $0x8;
	s1 =	sshll.u32 s1, $0x7;
	[tilespmem:s29+$0x4010] =	vst v9;
	v9 =	vadd.s32 $0x8000, v62;
	v6 =	vadd.s32 $0x8000, v8;
	v5 =	vor.u32 v4, v5;
	v4 =	vld [tilespmem:s7+$0x430]  }
0x3ce: {  	s0 =	sor.u32 s9, s8;
	s1 =	sor.u32 s1, s4;
	v8 =	vand.u32 $0xFFFF0000, v3;
	v3 =	vld [tilespmem:s7+$0x440];
	v6 =	vshrl.u32 v6, $0x10;
	v7 =	vadd.s32 $0x8000, v7  }
0x3cf: {  	v9 =	vand.u32 $0xFFFF0000, v9;
	s0 =	sor.u32 s10, s0;
	s1 =	sor.u32 s10, s1;
	[tilespmem:s29+$0x4020] =	vst v5;
	v6 =	vor.u32 v6, v8;
	v5 =	vld [tilespmem:s7+$0x450];
	v8 =	vshrl.u32 v7, $0x10  }
0x3d0: {  	s4 =	sadd.s32 $0x10400, s1;
	v10 =	vadd.s32 $0x8000, v10;
	[tilespmem:s29+$0x4030] =	vst v6;
	v6 =	vadd.s32 $0x8000, v11;
	v7 =	vld [tilespmem:s0+$0x0];
	v11 =	vor.u32 v8, v9  }
0x3d1: {  	v10 =	vand.u32 $0xFFFF0000, v10;
	v8 =	vshrl.u32 v6, $0x10;
	v6 =	vld [tilespmem:s0+$0x10];
	v9 =	vadd.s32 $0x8000, v63;
	[tilespmem:s4+$0x4070] =	vst v11  }
.LBB2_16:
0x3d2: {  	s31 =	sadd.s32 $0x8, s31;
	v11 =	vld [tilespmem:s0+$0x20];
	v9 =	vshrl.u32 v9, $0x10;
	v4 =	vadd.s32 $0x8000, v4;
	v8 =	vor.u32 v8, v10  }
0x3d3: {  	s7 =	sshll.u32 s31, $0x5;
	p0 =	slt.u32 s31, $0x3F8;
	v10 =	vld [tilespmem:s0+$0x30];
	v4 =	vand.u32 $0xFFFF0000, v4;
	v3 =	vadd.s32 $0x8000, v3;
	[tilespmem:s29+$0x4040] =	vst v8;
	s29 =	smov.u32 s4  }
0x3d4: {  	s28 =	sadd.s32 $0x800, s28;
	s4 =	sand.u32 $0x3FFFF000, s7;
	v8 =	vld [tilespmem:s0+$0x40];
	v4 =	vor.u32 v9, v4;
	v3 =	vshrl.u32 v3, $0x10;
	v5 =	vadd.s32 $0x8000, v5  }
0x3d5: {  	s30 =	sadd.s32 $0x40, s30;
	s7 =	sand.u32 $0x800, s28;
	s4 =	sadd.s32 $0x8400, s4;
	v7 =	vadd.s32 $0x8000, v7;
	v9 =	vld [tilespmem:s0+$0x50];
	[tilespmem:s29+$0x4050] =	vst v4;
	v4 =	vand.u32 $0xFFFF0000, v5  }
0x3d6: {  	s8 =	sand.u32 $0x380, s30;
	s7 =	sor.u32 s7, s4;
	v5 =	vshrl.u32 v7, $0x10;
	v6 =	vadd.s32 $0x8000, v6;
	v7 =	vld [tilespmem:s0+$0x60];
	v3 =	vor.u32 v3, v4  }
0x3d7: {  	s7 =	sor.u32 s8, s7;
	v4 =	vand.u32 $0xFFFF0000, v6;
	v6 =	vadd.s32 $0x8000, v11;
	v11 =	vld [tilespmem:s0+$0x70];
	[tilespmem:s29+$0x4060] =	vst v3  }
0x3d8: {  	v12 =	vld [tilespmem:s7+$0x460];
	v3 =	vor.u32 v5, v4;
	v4 =	vshrl.u32 v6, $0x10;
	v5 =	vadd.s32 $0x8000, v10  }
0x3d9: {  	v6 =	vld [tilespmem:s7+$0x470];
	[tilespmem:s1+$0x14400] =	vst v3;
	v3 =	vand.u32 $0xFFFF0000, v5;
	v5 =	vadd.s32 $0x8000, v8  }
0x3da: {  	v3 =	vor.u32 v4, v3;
	v4 =	vshrl.u32 v5, $0x10;
	v5 =	vadd.s32 $0x8000, v9;
	v8 =	vld [tilespmem:s0+$0x400]  }
0x3db: {  	s1 =	sshll.u32 s31, $0x4;
	[tilespmem:s29+$0x4010] =	vst v3;
	v3 =	vand.u32 $0xFFFF0000, v5;
	v5 =	vadd.s32 $0x8000, v7;
	v9 =	vld [tilespmem:s0+$0x410]  }
0x3dc: {  	s1 =	sand.u32 $0x3FFFF800, s1;
	s0 =	sand.u32 $0x8, s31;
	v10 =	vld [tilespmem:s7+$0x420];
	v3 =	vor.u32 v4, v3;
	v5 =	vshrl.u32 v5, $0x10;
	v7 =	vadd.s32 $0x8000, v11  }
.Ltmp7:
0x3dd: {  	s9 =	sshll.u32 s0, $0x8;
	s0 =	sshll.u32 s0, $0x7;
	v4 =	vld [tilespmem:s7+$0x430];
	[tilespmem:s29+$0x4020] =	vst v3;
	v7 =	vand.u32 $0xFFFF0000, v7;
	(pc) =	sbr.rel @p0 .LBB2_16-.Ltmp7, $4  }
0x3de: {  	s4 =	sor.u32 s9, s4;
	s1 =	sor.u32 s0, s1;
	v11 =	vadd.s32 $0x8000, v12;
	v3 =	vld [tilespmem:s7+$0x440];
	v6 =	vadd.s32 $0x8000, v6;
	v7 =	vor.u32 v5, v7  }
0x3df: {  	s0 =	sor.u32 s8, s4;
	s1 =	sor.u32 s8, s1;
	v11 =	vshrl.u32 v11, $0x10;
	v5 =	vld [tilespmem:s7+$0x450];
	v6 =	vand.u32 $0xFFFF0000, v6;
	[tilespmem:s29+$0x4030] =	vst v7;
	v8 =	vadd.s32 $0x8000, v8  }
0x3e0: {  	s4 =	sadd.s32 $0x10400, s1;
	v7 =	vld [tilespmem:s0+$0x0];
	v11 =	vor.u32 v11, v6;
	v8 =	vshrl.u32 v8, $0x10;
	v12 =	vadd.s32 $0x8000, v9  }
0x3e1: {  	v6 =	vld [tilespmem:s0+$0x10];
	v9 =	vadd.s32 $0x8000, v10;
	[tilespmem:s4+$0x4070] =	vst v11;
	v10 =	vand.u32 $0xFFFF0000, v12  }
0x3e2: {  	v11 =	vld [tilespmem:s0+$0x20]  }
0x3e3: {  	v12 =	vld [tilespmem:s0+$0x30]  }
0x3e4: {  	v13 =	vld [tilespmem:s0+$0x40]  }
0x3e5: {  	v48 =	vld [tilespmem:s0+$0x50]  }
0x3e6: {  	v49 =	vld [tilespmem:s0+$0x60]  }
0x3e7: {  	v4 =	vadd.s32 $0x8000, v4;
	v14 =	vld [tilespmem:s0+$0x70]  }
0x3e8: {  	v9 =	vshrl.u32 v9, $0x10;
	v8 =	vor.u32 v8, v10;
	v50 =	vld [tilespmem:s0+$0x400];
	v4 =	vand.u32 $0xFFFF0000, v4  }
0x3e9: {  	v15 =	vld [tilespmem:s0+$0x410];
	v3 =	vadd.s32 $0x8000, v3;
	v4 =	vor.u32 v9, v4;
	v5 =	vadd.s32 $0x8000, v5  }
0x3ea: {  	v3 =	vshrl.u32 v3, $0x10;
	v7 =	vadd.s32 $0x8000, v7;
	v5 =	vand.u32 $0xFFFF0000, v5  }
0x3eb: {  	v7 =	vshrl.u32 v7, $0x10;
	v6 =	vadd.s32 $0x8000, v6;
	v3 =	vor.u32 v3, v5  }
0x3ec: {  	v6 =	vand.u32 $0xFFFF0000, v6;
	v11 =	vadd.s32 $0x8000, v11;
	v12 =	vadd.s32 $0x8000, v12  }
0x3ed: {  	[tilespmem:s29+$0x4040] =	vst v8;
	v54 =	vadd.s32 $0x8000, v13;
	v55 =	vadd.s32 $0x8000, v48;
	v57 =	vadd.s32 $0x8000, v49  }
0x3ee: {  	[tilespmem:s4+$0x4050] =	vst v4;
	v59 =	vadd.s32 $0x8000, v14;
	v5 =	vadd.s32 $0x8000, v50;
	v61 =	vadd.s32 $0x8000, v15  }
0x3ef: {  	[tilespmem:s4+$0x4060] =	vst v3;
	v6 =	vor.u32 v7, v6;
	v51 =	vshrl.u32 v11, $0x10;
	v52 =	vand.u32 $0xFFFF0000, v12  }
0x3f0: {  	v3 =	vshrl.u32 v54, $0x10;
	v56 =	vand.u32 $0xFFFF0000, v55;
	v53 =	vor.u32 v51, v52;
	[tilespmem:s1+$0x14400] =	vst v6  }
0x3f1: {  	v58 =	vshrl.u32 v57, $0x10;
	v60 =	vand.u32 $0xFFFF0000, v59;
	v3 =	vor.u32 v3, v56;
	[tilespmem:s4+$0x4010] =	vst v53  }
0x3f2: {  	v62 =	vshrl.u32 v5, $0x10;
	v63 =	vand.u32 $0xFFFF0000, v61;
	[tilespmem:s4+$0x4020] =	vst v3;
	v3 =	vor.u32 v58, v60  }
0x3f3: {  	[tilespmem:s4+$0x4030] =	vst v3;
	v3 =	vor.u32 v62, v63  }
0x3f4: {  	[tilespmem:s4+$0x4040] =	vst v3  }
0x3f5: {  	s30 =	rddreg [dreg:$0xc]  }
0x3f6: {  	[hbm4b:s30+s3] =	stream.linear.scatter [tilespmem:s23], [sflag:$0x4], $0x4000, $0x38;
	[tilespmem:$0x18400] =	vst v63  }
0x3f7: {  	_ =	swait.ge [sflag:s24], $0x4000  }
0x3f8: {  	[sflag:s24] =	ssyncset.done $0x0  }
0x3f9: {  	[sflag:s24] =	ssyncadd.s32 $0xFFFFC000  }
0x3fa: {  	_ =	swait.ge [sflag:s25], $0x4000  }
0x3fb: {  	s26 =	sadd.s32 $0x1, s26;
	s31 =	rddreg [dreg:$0xd]  }
0x3fc: {  	p0 =	sne.s32 s26, s31  }
.Ltmp8:
0x3fd: {  	_ = 	snop;
	(pc) =	sbr.rel @p0 .LBB2_1-.Ltmp8, $3  }
0x3fe: {  	_ =	sdelay $0x1  }
0x3ff: {  	[sflag:s25] =	ssyncset.done $0x0  }
0x400: {  	[sflag:s25] =	ssyncadd.s32 $0xFFFFC000  }
0x401: {  	_ =	sfence.sel $0x180000  }
0x402: {  	[bflag:$0x0] =	sbarrier.arrive $0xFFFF  }
0x403: {  	_ =	strace $0x90000047  }
0x404: {  	s0 =	stileid.u32;
	[bflag:$0x2] =	sbarrier.arrive $0xFFFF  }
0x405: {  	p0 =	sne.s32 s0, $0x0;
	s0 =	rddreg [dreg:$0x3]  }
0x406: {  	s0 =	sadd.s32 @!p0 $0x100000, s0  }
0x407: {  	[sflag:s0] =	ssyncadd.tile.s32 @!p0 $0x1;
	_ =	shalt  }
.Lfunc_end2:
_tile_overlayer_lowered:
.L_overlay_start_2:
0x408: {  	(tag) =	ssettag $0x2  }
0x409: {  	s0 =	rddreg [dreg:$0x0];
	s2 =	stileid.u32  }
0x40a: {  	s1 =	rddreg [dreg:$0x1];
	p0 =	sne.s32 s2, $0x0  }
0x40b: {  	s3 =	rddreg [dreg:$0x2];
	[bflag:$0x3] =	sbarrier.arrive $0xFFFF;
	s2 =	simm.s32 @!p0 $0x1C05  }
0x40c: {  	[timem:s3], [sflag:s2] =	dma.local @!p0 [hbm:s0], s1  }
0x40d: {  	s0 =	simm.s32 @!p0 $0x5  }
0x40e: {  	_ =	swait.ge @!p0 [sflag:s0], s1  }
0x40f: {  	s1 =	ssub.s32 @!p0 $0x0, s1;
	[sflag:s0] =	ssyncset.done @!p0 $0x0  }
0x410: {  	[sflag:s0] =	ssyncadd.s32 @!p0 s1  }
0x411: {  	[bflag:$0x3] =	sbarrier.arrive $0xFFFF  }
0x412: {  	_ =	shalt  }

// kernel: kernel.9.cloned.1.call-start
scs
__scs_entry_jumppad:
0x0: {  	(pc) =	sbr.rel $0x88, $3  }
0x1: {  	(tag) =	ssettag $0x0;
	lr =	simm.s32 $0x1  }
0x2: {  	[smem:$0x3F9D] =	sst lr;
	_ =	strace $0xD0000000  }
0x3: {  	_ = 	snop  }
0x4: {  	_ = 	snop  }
0x5: {  	_ = 	snop  }
0x6: {  	_ = 	snop  }
0x7: {  	_ = 	snop  }
__scs_overlays_trampoline_lowered:
0x8: {  	[smem:$0x3FAC] =	sst s0  }
0x9: {  	[smem:$0x3FAD] =	sst s1  }
0xa: {  	[smem:$0x3FAE] =	sst s2  }
0xb: {  	[smem:$0x3FAF] =	sst s3  }
0xc: {  	[smem:$0x3FB0] =	sst s4  }
0xd: {  	[smem:$0x3FB1] =	sst s5  }
0xe: {  	[smem:$0x3FB2] =	sst s6  }
0xf: {  	[smem:$0x3FB3] =	sst s7  }
0x10: {  	[smem:$0x3FB4] =	sst s8  }
0x11: {  	[smem:$0x3FB5] =	sst s9;
	s0 =	simm.s32 @!p0 $0x0  }
0x12: {  	s1 =	sld [smem:$0x3F9B];
	s0 =	simm.s32 @p0 $0x1  }
0x13: {  	[smem:$0x3FB6] =	sst s0;
	s0 =	simm.s32 @!p1 $0x0  }
0x14: {  	s2 =	sld [smem:$0x3F9A];
	s0 =	simm.s32 @p1 $0x1  }
0x15: {  	[smem:$0x3FB7] =	sst s0;
	s0 =	simm.s32 @!p2 $0x0  }
0x16: {  	s3 =	sld [smem:$0x3FDB];
	s0 =	simm.s32 @p2 $0x1  }
0x17: {  	s4 =	simm.s32 $0x1BF5;
	[smem:$0x3FB9] =	sst s0  }
0x18: {  	s0 =	sld [smem:$0x3F9C];
	_ =	swait.ge [sflag:s4], $0x0  }
0x19: {  	s7 =	sld [smem:$0x3F9D]  }
0x1a: {  	s8 =	sadd.s32 $0xFFFFE003, lr  }
0x1b: {  	s9 =	sadd.s32 $0xFFFFFEF7, lr;
	s5 =	simm.s32 $0xFFFFFFFF;
	p2 =	slt.u32 s8, $0xFFFFF086  }
0x1c: {  	p1 =	slt.u32 s9, $0xF7A;
	s5 =	simm.s32 @!p2 $0x0  }
0x1d: {  	s5 =	simm.s32 @p1 $0x1;
	p0 =	seq.s32 s7, s2  }
0x1e: {  	s7 =	smul.u32 @!p0 $0xF7A, s2;
	p2 =	seq.s32 @!p0 s5, $0x0  }
0x1f: {  	s9 =	smul.u32 $0xF7A, s1;
	s8 =	simm.s32 @!p0 $0x1BF5;
	p2 =	por !p2, p0  }
0x20: {  	[sflag:s8] =	ssyncset.s32 @!p0 $0xFFFFF086;
	s6 =	sadd.s32 @!p0 s3, s7;
	s7 =	simm.s32 @!p0 $0x108  }
0x21: {  	s3 =	sadd.s32 s3, s9;
	s6 =	sadd.s32 @!p0 $0x88, s6;
	s7 =	simm.s32 @p2 $0x1082  }
0x22: {  	[simem:s7], [sflag:s8] =	dma.local @!p0 [hbm:s6], $0xF7A  }
0x23: {  	s9 =	sor.u32 $0xD0000000, s2;
	s6 =	simm.s32 $0x108;
	_ =	swait.ge @!p0 [sflag:s8], $0x0  }
0x24: {  	s3 =	sadd.s32 $0x88, s3;
	s6 =	simm.s32 @!p1 $0x1082;
	[sflag:s4] =	ssyncset.s32 $0xFFFFF086  }
0x25: {  	[simem:s6], [sflag:s4] =	dma.local [hbm:s3], $0xF7A  }
0x26: {  	[smem:$0x3F9D] =	sst s1;
	(tag) =	ssettag s2;
	_ =	strace s9  }
0x27: {  	s1 =	sld [smem:$0x3FAD]  }
0x28: {  	s2 =	sld [smem:$0x3FAE]  }
0x29: {  	s4 =	sld [smem:$0x3FB0]  }
0x2a: {  	p0 =	seq.s32 s5, $0x0;
	s5 =	sld [smem:$0x3FB1]  }
0x2b: {  	s6 =	sld [smem:$0x3FB2]  }
0x2c: {  	s7 =	sld [smem:$0x3FB3]  }
0x2d: {  	s3 =	simm.s32 $0x108;
	s8 =	sld [smem:$0x3FB4]  }
0x2e: {  	s3 =	simm.s32 @!p0 $0x1082;
	s9 =	sld [smem:$0x3FB5]  }
0x2f: {  	lr =	sadd.s32 s0, s3;
	s0 =	sld [smem:$0x3FAC]  }
0x30: {  	s3 =	sld [smem:$0x3FAF]  }
0x31: {  	[smem:$0x3FB8] =	sst s10  }
0x32: {  	s10 =	sld [smem:$0x3FB6];
	_ =	sdelay $0x3  }
0x33: {  	p0 =	seq.s32 s10, $0x1;
	s10 =	sld [smem:$0x3FB8];
	_ =	sdelay $0x3  }
0x34: {  	[smem:$0x3FB8] =	sst s10  }
0x35: {  	s10 =	sld [smem:$0x3FB7];
	_ =	sdelay $0x3  }
0x36: {  	p1 =	seq.s32 s10, $0x1;
	s10 =	sld [smem:$0x3FB8];
	_ =	sdelay $0x3  }
0x37: {  	[smem:$0x3FB8] =	sst s10  }
0x38: {  	s10 =	sld [smem:$0x3FB9]  }
0x39: {  	_ = 	snop;
	(pc) =	sbr.ind lr, $3  }
0x3a: {  	_ = 	snop  }
0x3b: {  	_ = 	snop  }
0x3c: {  	p2 =	seq.s32 s10, $0x1;
	s10 =	sld [smem:$0x3FB8]  }
0x3d: {  	_ =	shalt  }
0x3e: {  	_ =	shalt  }
0x3f: {  	_ =	shalt  }
0x40: {  	_ =	shalt  }
0x41: {  	_ =	shalt  }
0x42: {  	_ =	shalt  }
0x43: {  	_ =	shalt  }
0x44: {  	_ =	shalt  }
0x45: {  	_ =	shalt  }
0x46: {  	_ =	shalt  }
0x47: {  	_ =	shalt  }
0x48: {  	_ =	shalt  }
0x49: {  	_ =	shalt  }
0x4a: {  	_ =	shalt  }
0x4b: {  	_ =	shalt  }
0x4c: {  	_ =	shalt  }
0x4d: {  	_ =	shalt  }
0x4e: {  	_ =	shalt  }
0x4f: {  	_ =	shalt  }
0x50: {  	_ =	shalt  }
0x51: {  	_ =	shalt  }
0x52: {  	_ =	shalt  }
0x53: {  	_ =	shalt  }
0x54: {  	_ =	shalt  }
0x55: {  	_ =	shalt  }
0x56: {  	_ =	shalt  }
0x57: {  	_ =	shalt  }
0x58: {  	_ =	shalt  }
0x59: {  	_ =	shalt  }
0x5a: {  	_ =	shalt  }
0x5b: {  	_ =	shalt  }
0x5c: {  	_ =	shalt  }
0x5d: {  	_ =	shalt  }
0x5e: {  	_ =	shalt  }
0x5f: {  	_ =	shalt  }
0x60: {  	_ =	shalt  }
0x61: {  	_ =	shalt  }
0x62: {  	_ =	shalt  }
0x63: {  	_ =	shalt  }
0x64: {  	_ =	shalt  }
0x65: {  	_ =	shalt  }
0x66: {  	_ =	shalt  }
0x67: {  	_ =	shalt  }
0x68: {  	_ =	shalt  }
0x69: {  	_ =	shalt  }
0x6a: {  	_ =	shalt  }
0x6b: {  	_ =	shalt  }
0x6c: {  	_ =	shalt  }
0x6d: {  	_ =	shalt  }
0x6e: {  	_ =	shalt  }
0x6f: {  	_ =	shalt  }
0x70: {  	_ =	shalt  }
0x71: {  	_ =	shalt  }
0x72: {  	_ =	shalt  }
0x73: {  	_ =	shalt  }
0x74: {  	_ =	shalt  }
0x75: {  	_ =	shalt  }
0x76: {  	_ =	shalt  }
0x77: {  	_ =	shalt  }
0x78: {  	_ =	shalt  }
0x79: {  	_ =	shalt  }
0x7a: {  	_ =	shalt  }
0x7b: {  	_ =	shalt  }
0x7c: {  	_ =	shalt  }
0x7d: {  	_ =	shalt  }
0x7e: {  	_ =	shalt  }
0x7f: {  	_ =	shalt  }
0x80: {  	_ =	shalt  }
0x81: {  	_ =	shalt  }
0x82: {  	_ =	shalt  }
0x83: {  	_ =	shalt  }
0x84: {  	_ =	shalt  }
0x85: {  	_ =	shalt  }
0x86: {  	_ =	shalt  }
0x87: {  	_ =	shalt  }
.Lfunc_end0:
.L_simem_size_0:
called_computation.1_lowered:
.L_overlay_start_0:
0x88: {  	s2 =	sld [smem:$0x3FD9]  }
0x89: {  	s3 =	sld [smem:$0x3FFE];
	_ =	sdelay $0x1  }
0x8a: {  	s1 =	srdreg.scid  }
0x8b: {  	s0 =	sand.u32 $0x1, s1  }
0x8c: {  	s17 =	sshll.u32 s0, $0xA;
	s2 =	sadd.s32 s3, s2  }
0x8d: {  	s2 =	sadd.s32 s2, s17  }
0x8e: {  	[smem:$0x3FC4] =	sst s2  }
0x8f: {  	_ = 	snop  }
0x90: {  	s18 =	sld [smem:$0x3FC8];
	(tm) =	ssettm $0x1  }
0x91: {  	s19 =	sld [smem:$0x3FFB];
	_ =	sdelay $0x3  }
0x92: {  	_ =	strace s19  }
0x93: {  	s2 =	sld [smem:$0x3FFC];
	_ =	sdelay $0x3  }
0x94: {  	_ =	strace s2  }
0x95: {  	s2 =	sld [smem:$0x3FFD];
	_ =	sdelay $0x3  }
0x96: {  	_ =	strace s2  }
0x97: {  	_ =	strace $0x8FFFFFFF  }
0x98: {  	s20 =	sld [smem:$0x3FDB];
	_ =	sdelay $0x1  }
0x99: {  	s4 =	simm.s32 $_scs_section_size  }
0x9a: {  	s5 =	simm.s32 $_size__tile_overlayer_lowered;
	s6 =	simm.s32 $_tile_overlayer_lowered  }
0x9b: {  	s7 =	simm.s32 $0x1BFF;
	s21 =	sshll.u32 s6, $0x1;
	s4 =	sadd.s32 s4, s20  }
0x9c: {  	s22 =	simm.s32 $0x0;
	s5 =	sshll.u32 s5, $0x1;
	s6 =	sadd.s32 s21, s4  }
0x9d: {  	[timem:s22], [sflag:s7] =	dma.local [hbm:s6], s5  }
0x9e: {  	_ =	swait.ge [sflag:s7], s5  }
0x9f: {  	s5 =	ssub.s32 $0x0, s5;
	[sflag:s7] =	ssyncset.done $0x0  }
0xa0: {  	[sflag:s7] =	ssyncadd.s32 s5;
	_ =	sdelay $0x1  }
0xa1: {  	s23 =	simm.s32 $0x1B8B  }
0xa2: {  	_ =	swait.ge [sflag:s23], $0x1  }
0xa3: {  	[sflag:s23] =	ssyncset.done $0x0  }
0xa4: {  	[sflag:s23] =	ssyncadd.s32 $0xFFFFFFFF  }
0xa5: {  	s5 =	sld [smem:$0x0]  }
0xa6: {  	s6 =	sand.u32 $0xFFFFFFFE, s1  }
0xa7: {  	p0 =	sne.s32 s1, s6  }
0xa8: {  	s6 =	sshll.u32 @p0 s6, $0xE  }
0xa9: {  	s6 =	sadd.s32 @p0 $0x11B8D, s6;
	s7 =	sshll.u32 @p0 s5, $0x11  }
0xaa: {  	s6 =	sor.u32 @p0 s7, s6  }
0xab: {  	[sflag:s6] =	ssyncadd.remote.s32 @p0 $0x1;
	_ =	sdelay $0x1  }
0xac: {  	s6 =	simm.s32 @p0 $0x1B8D  }
0xad: {  	_ =	swait.eq @p0 [sflag:s6], $0x1  }
0xae: {  	[sflag:s6] =	ssyncadd.s32 @p0 $0xFFFFFFFF  }
0xaf: {  	s7 =	sshll.u32 @!p0 s1, $0xE  }
0xb0: {  	s7 =	sor.u32 @!p0 $0x4000, s7;
	s6 =	simm.s32 @!p0 $0x1B8D  }
0xb1: {  	s5 =	sshll.u32 @!p0 s5, $0x11;
	s7 =	sadd.s32 @!p0 $0x11B8D, s7;
	_ =	swait.eq @!p0 [sflag:s6], $0x1  }
0xb2: {  	s5 =	sor.u32 @!p0 s5, s7;
	[sflag:s6] =	ssyncadd.s32 @!p0 $0xFFFFFFFF  }
0xb3: {  	s25 =	simm.s32 $0x1B8E;
	s24 =	sld [smem:$0x3FFE];
	[sflag:s5] =	ssyncadd.remote.s32 @!p0 $0x1  }
0xb4: {  	s26 =	simm.s32 $execute0_lowered;
	[smem:$0x3FD2] =	sst s25  }
0xb5: {  	s6 =	sshll.u32 s26, $0x1;
	_ =	strace $0x80000049;
	[dreg:$0x1] =	wrdreg $0xFFFFFFFF  }
0xb6: {  	s28 =	simm.s32 $_size_execute0_lowered;
	s4 =	sadd.s32 s4, s6;
	[dreg:$0x0] =	wrdreg $0x0  }
0xb7: {  	s6 =	sshll.u32 s28, $0x1;
	[dreg:$0x2] =	wrdreg s4  }
0xb8: {  	[dreg:$0x3] =	wrdreg s6  }
0xb9: {  	[dreg:$0x4] =	wrdreg $0xC0  }
0xba: {  	_ =	task [dreg:s22], $0x5FFFF  }
0xbb: {  	[dreg:$0x1] =	wrdreg $0xFFFFFFFF  }
0xbc: {  	[dreg:$0x0] =	wrdreg $0x60  }
0xbd: {  	[dreg:$0x2] =	wrdreg s24  }
0xbe: {  	[dreg:$0x3] =	wrdreg s18  }
0xbf: {  	[dreg:$0x4] =	wrdreg $0xA  }
0xc0: {  	_ =	task.clear_ibuf [dreg:s22], $0x5FFFF;
	_ =	strace $0x90000049  }
0xc1: {  	s29 =	simm.s32 $0xA;
	_ =	strace $0x8000004B  }
0xc2: {  	_ =	swait.ge [sflag:s29], $0x1  }
0xc3: {  	[sflag:s29] =	ssyncadd.s32 $0xFFFFFFFF  }
0xc4: {  	_ =	strace $0x9000004B  }
0xc5: {  	_ =	sfence  }
0xc6: {  	s30 =	sld [smem:$0x0];
	_ =	sdelay $0x2  }
0xc7: {  	s31 =	sshll.u32 s1, $0xD;
	s1 =	sshrl.u32 s1, $0x2  }
0xc8: {  	s4 =	sand.u32 $0x4000, s31;
	s1 =	sadd.s32 s1, s30  }
0xc9: {  	s0 =	sor.u32 s4, s0;
	s1 =	sshll.u32 s1, $0x11  }
0xca: {  	s0 =	sor.u32 s1, s0  }
0xcb: {  	s0 =	sadd.s32 $0x8F2B, s0  }
0xcc: {  	[sflag:s0] =	ssyncadd.remote.s32 $0x1  }
0xcd: {  	_ =	sfence.sel $0xFFFF  }
0xce: {  	[dreg:$0x0] =	wrdreg $0xFFFFFFFF;
	(pc) =	sbr.abs _section_cstart, $3  }
0xcf: {  	[dreg:$0x1] =	wrdreg $0xFFFFFFFF  }
0xd0: {  	_ =	task.clear_ibuf [dreg:s22], $0x2FFFF;
	_ =	strace $0x9FFFFFFF  }
0xd1: {  	(tm) =	ssettm $0x7FFFFFFF  }
tec
execute0_lowered:
.L_overlay_start_1:
0x0: {  	(tag) =	ssettag $0x1  }
0x1: {  	s0 =	rddreg [dreg:$0x0]  }
0x2: {  	s2 =	rddreg [dreg:$0x1];
	s3 =	simm.s32 $0x0;
	s1 =	srdreg.scid  }
0x3: {  	s4 =	stileid.u32;
	s10 =	simm.s32 $0xB400;
	s11 =	simm.s32 $0xBC00  }
0x4: {  	s12 =	simm.s32 $0xC400;
	s1 =	sand.u32 $0x1, s1;
	s4 =	sshll.u32 s4, $0x1  }
0x5: {  	s13 =	simm.s32 $0xCC00;
	s14 =	simm.s32 $0xD400;
	s4 =	sor.u32 s1, s4  }
0x6: {  	s15 =	simm.s32 $0xDC00;
	s16 =	simm.s32 $0xE400;
	s5 =	sshll.u32 s4, $0x7  }
0x7: {  	s17 =	simm.s32 $0xEC00;
	s4 =	sshll.u32 s4, $0xE;
	s5 =	sadd.s32 s5, s0  }
0x8: {  	[smem:$0x7FF] =	sst s3;
	s0 =	sadd.s32 s4, s0;
	s22 =	sadd.s32 $0x2400, s5  }
0x9: {  	_ =	strace $0x8000004A;
	s23 =	sadd.s32 $0x3400, s0;
	[dreg:$0x3] =	wrdreg s22  }
0xa: {  	s18 =	simm.s32 $0xF400;
	s24 =	sadd.s32 $0x3C00, s0;
	[dreg:$0x4] =	wrdreg s23  }
0xb: {  	s19 =	simm.s32 $0xFC00;
	s25 =	sadd.s32 $0x4400, s0;
	[dreg:$0x5] =	wrdreg s24  }
0xc: {  	s20 =	simm.s32 $0x1;
	s26 =	sadd.s32 $0x4C00, s0;
	[dreg:$0x6] =	wrdreg s25  }
0xd: {  	s21 =	simm.s32 $0x10400;
	s28 =	sadd.s32 $0x5400, s0;
	[dreg:$0x7] =	wrdreg s26  }
0xe: {  	s1 =	ssub.s32 $0x2, s1;
	s29 =	sadd.s32 $0x5C00, s0;
	[dreg:$0x8] =	wrdreg s28  }
0xf: {  	s6 =	sshrl.u32 s1, $0x1;
	s30 =	sadd.s32 $0x6400, s0;
	[dreg:$0x9] =	wrdreg s29  }
0x10: {  	s1 =	ssub.s32 s1, s6;
	s0 =	sadd.s32 $0x6C00, s0;
	[dreg:$0xa] =	wrdreg s30  }
0x11: {  	v2 =	vlaneseq.u32;
	s5 =	sadd.s32 $0x100, s2;
	s31 =	smax.u32 s1, $0x1;
	[dreg:$0xb] =	wrdreg s0  }
0x12: {  	vm0 =	vmmov $0xffff;
	v1 =	vshrl.u32 v2, $0x3;
	[dreg:$0xc] =	wrdreg s31;
	s22 =	simm.s32 $0x2;
	s23 =	simm.s32 $0x14400  }
0x13: {  	v0 =	vand.u32 $0x7, v2;
	v2 =	vor.u32 $0x8, v2;
	v1 =	vmul.u32 $0x8, v1;
	s24 =	simm.s32 $0x3;
	s25 =	simm.s32 $0x4;
	s26 =	simm.s32 $0x0  }
.LBB2_1:
0x14: {  	s0 =	rddreg [dreg:$0x3];
	s8 =	simm.s32 $0x5  }
0x15: {  	[tilespmem:s3], [sflag:$0x5] =	stream.linear.gather [hbm4b:s0+s3], $0x400, $0x38;
	[tilespmem:$0x18400] =	vst v63  }
0x16: {  	_ =	swait.ge [sflag:s8], $0x400  }
0x17: {  	[sflag:s8] =	ssyncset.done $0x0  }
0x18: {  	[sflag:s8] =	ssyncadd.s32 $0xFFFFFC00  }
0x19: {  	v3 =	vld [tilespmem:$0x0];
	_ =	sdelay $0x4  }
0x1a: {  	v4 =	vshll.u32 v3, $0x2  }
0x1b: {  	v3 =	vand.u32 $0x7, v3;
	v4 =	vand.u32 $0xFFFFFFE0, v4  }
0x1c: {  	v3 =	vor.u32 v3, v4  }
0x1d: {  	v4 =	vperm.xlane v3, v0;
	_ =	sdelay $0x1  }
0x1e: {  	v4 =	vadd.s32 v1, v4;
	_ =	sdelay $0x1  }
0x1f: {  	v3 =	vperm.xlane v3, v2;
	_ =	sdelay $0x1  }
0x20: {  	s9 =	simm.s32 $0x400;
	v3 =	vadd.s32 v1, v3  }
0x21: {  	[tilespmem:s9], [sflag:$0x1] =	stream.indirect_vreg.gather [hbm4b:s2+s3], $0x80, v4, vm0, $0xb8;
	[tilespmem:$0x18400] =	vst v63  }
0x22: {  	s1 =	simm.s32 $0xC00  }
0x23: {  	[tilespmem:s1], [sflag:$0x1] =	stream.indirect_vreg.gather [hbm4b:s5+s3], $0x80, v4, vm0, $0xb8;
	[tilespmem:$0x18400] =	vst v63  }
0x24: {  	s4 =	simm.s32 $0x1400  }
0x25: {  	[tilespmem:s4], [sflag:$0x1] =	stream.indirect_vreg.gather [hbm4b:s2+s3], $0x80, v3, vm0, $0xb8;
	[tilespmem:$0x18400] =	vst v63  }
0x26: {  	s6 =	simm.s32 $0x1C00  }
0x27: {  	[tilespmem:s6], [sflag:$0x1] =	stream.indirect_vreg.gather [hbm4b:s5+s3], $0x80, v3, vm0, $0xb8;
	[tilespmem:$0x18400] =	vst v63  }
0x28: {  	v3 =	vld [tilespmem:$0x10];
	_ =	sdelay $0x4  }
0x29: {  	v4 =	vshll.u32 v3, $0x2  }
0x2a: {  	v3 =	vand.u32 $0x7, v3;
	v4 =	vand.u32 $0xFFFFFFE0, v4  }
0x2b: {  	v3 =	vor.u32 v3, v4  }
0x2c: {  	v4 =	vperm.xlane v3, v0;
	_ =	sdelay $0x1  }
0x2d: {  	v4 =	vadd.s32 v1, v4;
	_ =	sdelay $0x1  }
0x2e: {  	v3 =	vperm.xlane v3, v2;
	_ =	sdelay $0x1  }
0x2f: {  	s7 =	simm.s32 $0x2400;
	v3 =	vadd.s32 v1, v3  }
0x30: {  	[tilespmem:s7], [sflag:$0x1] =	stream.indirect_vreg.gather [hbm4b:s2+s3], $0x80, v4, vm0, $0xb8;
	[tilespmem:$0x18400] =	vst v63  }
0x31: {  	s8 =	simm.s32 $0x2C00  }
0x32: {  	[tilespmem:s8], [sflag:$0x1] =	stream.indirect_vreg.gather [hbm4b:s5+s3], $0x80, v4, vm0, $0xb8;
	[tilespmem:$0x18400] =	vst v63  }
0x33: {  	s9 =	simm.s32 $0x3400  }
0x34: {  	[tilespmem:s9], [sflag:$0x1] =	stream.indirect_vreg.gather [hbm4b:s2+s3], $0x80, v3, vm0, $0xb8;
	[tilespmem:$0x18400] =	vst v63  }
0x35: {  	s1 =	simm.s32 $0x3C00  }
0x36: {  	[tilespmem:s1], [sflag:$0x1] =	stream.indirect_vreg.gather [hbm4b:s5+s3], $0x80, v3, vm0, $0xb8;
	[tilespmem:$0x18400] =	vst v63  }
0x37: {  	v3 =	vld [tilespmem:$0x20];
	_ =	sdelay $0x4  }
0x38: {  	v4 =	vshll.u32 v3, $0x2  }
0x39: {  	v3 =	vand.u32 $0x7, v3;
	v4 =	vand.u32 $0xFFFFFFE0, v4  }
0x3a: {  	v3 =	vor.u32 v3, v4  }
0x3b: {  	v4 =	vperm.xlane v3, v0;
	_ =	sdelay $0x1  }
0x3c: {  	v4 =	vadd.s32 v1, v4;
	_ =	sdelay $0x1  }
0x3d: {  	v3 =	vperm.xlane v3, v2;
	_ =	sdelay $0x1  }
0x3e: {  	s4 =	simm.s32 $0x4400;
	v3 =	vadd.s32 v1, v3  }
0x3f: {  	[tilespmem:s4], [sflag:$0x1] =	stream.indirect_vreg.gather [hbm4b:s2+s3], $0x80, v4, vm0, $0xb8;
	[tilespmem:$0x18400] =	vst v63  }
0x40: {  	s6 =	simm.s32 $0x4C00  }
0x41: {  	[tilespmem:s6], [sflag:$0x1] =	stream.indirect_vreg.gather [hbm4b:s5+s3], $0x80, v4, vm0, $0xb8;
	[tilespmem:$0x18400] =	vst v63  }
0x42: {  	s7 =	simm.s32 $0x5400  }
0x43: {  	[tilespmem:s7], [sflag:$0x1] =	stream.indirect_vreg.gather [hbm4b:s2+s3], $0x80, v3, vm0, $0xb8;
	[tilespmem:$0x18400] =	vst v63  }
0x44: {  	s8 =	simm.s32 $0x5C00  }
0x45: {  	[tilespmem:s8], [sflag:$0x1] =	stream.indirect_vreg.gather [hbm4b:s5+s3], $0x80, v3, vm0, $0xb8;
	[tilespmem:$0x18400] =	vst v63  }
0x46: {  	v3 =	vld [tilespmem:$0x30];
	_ =	sdelay $0x4  }
0x47: {  	v4 =	vshll.u32 v3, $0x2  }
0x48: {  	v3 =	vand.u32 $0x7, v3;
	v4 =	vand.u32 $0xFFFFFFE0, v4  }
0x49: {  	v3 =	vor.u32 v3, v4  }
0x4a: {  	v4 =	vperm.xlane v3, v0;
	_ =	sdelay $0x1  }
0x4b: {  	v4 =	vadd.s32 v1, v4;
	_ =	sdelay $0x1  }
0x4c: {  	v3 =	vperm.xlane v3, v2;
	_ =	sdelay $0x1  }
0x4d: {  	s9 =	simm.s32 $0x6400;
	v3 =	vadd.s32 v1, v3  }
0x4e: {  	[tilespmem:s9], [sflag:$0x1] =	stream.indirect_vreg.gather [hbm4b:s2+s3], $0x80, v4, vm0, $0xb8;
	[tilespmem:$0x18400] =	vst v63  }
0x4f: {  	s1 =	simm.s32 $0x6C00  }
0x50: {  	[tilespmem:s1], [sflag:$0x1] =	stream.indirect_vreg.gather [hbm4b:s5+s3], $0x80, v4, vm0, $0xb8;
	[tilespmem:$0x18400] =	vst v63  }
0x51: {  	s4 =	simm.s32 $0x7400  }
0x52: {  	[tilespmem:s4], [sflag:$0x1] =	stream.indirect_vreg.gather [hbm4b:s2+s3], $0x80, v3, vm0, $0xb8;
	[tilespmem:$0x18400] =	vst v63  }
0x53: {  	s6 =	simm.s32 $0x7C00  }
0x54: {  	[tilespmem:s6], [sflag:$0x1] =	stream.indirect_vreg.gather [hbm4b:s5+s3], $0x80, v3, vm0, $0xb8;
	[tilespmem:$0x18400] =	vst v63  }
0x55: {  	v3 =	vld [tilespmem:$0x80];
	_ =	sdelay $0x4  }
0x56: {  	v4 =	vshll.u32 v3, $0x2  }
0x57: {  	v3 =	vand.u32 $0x7, v3;
	v4 =	vand.u32 $0xFFFFFFE0, v4  }
0x58: {  	v3 =	vor.u32 v3, v4  }
0x59: {  	v4 =	vperm.xlane v3, v0;
	_ =	sdelay $0x1  }
0x5a: {  	v4 =	vadd.s32 v1, v4;
	_ =	sdelay $0x1  }
0x5b: {  	v3 =	vperm.xlane v3, v2;
	_ =	sdelay $0x1  }
0x5c: {  	s7 =	simm.s32 $0x8400;
	v3 =	vadd.s32 v1, v3  }
0x5d: {  	[tilespmem:s7], [sflag:$0x2] =	stream.indirect_vreg.gather [hbm4b:s2+s3], $0x80, v4, vm0, $0xb8;
	[tilespmem:$0x18400] =	vst v63  }
0x5e: {  	s8 =	simm.s32 $0x8C00  }
0x5f: {  	[tilespmem:s8], [sflag:$0x2] =	stream.indirect_vreg.gather [hbm4b:s5+s3], $0x80, v4, vm0, $0xb8;
	[tilespmem:$0x18400] =	vst v63  }
0x60: {  	s9 =	simm.s32 $0x9400  }
0x61: {  	[tilespmem:s9], [sflag:$0x2] =	stream.indirect_vreg.gather [hbm4b:s2+s3], $0x80, v3, vm0, $0xb8;
	[tilespmem:$0x18400] =	vst v63  }
0x62: {  	s1 =	simm.s32 $0x9C00  }
0x63: {  	[tilespmem:s1], [sflag:$0x2] =	stream.indirect_vreg.gather [hbm4b:s5+s3], $0x80, v3, vm0, $0xb8;
	[tilespmem:$0x18400] =	vst v63  }
0x64: {  	v3 =	vld [tilespmem:$0x90];
	_ =	sdelay $0x4  }
0x65: {  	v4 =	vshll.u32 v3, $0x2  }
0x66: {  	v3 =	vand.u32 $0x7, v3;
	v4 =	vand.u32 $0xFFFFFFE0, v4  }
0x67: {  	v3 =	vor.u32 v3, v4  }
0x68: {  	v4 =	vperm.xlane v3, v0;
	_ =	sdelay $0x1  }
0x69: {  	v4 =	vadd.s32 v1, v4;
	_ =	sdelay $0x1  }
0x6a: {  	v3 =	vperm.xlane v3, v2;
	_ =	sdelay $0x1  }
0x6b: {  	s4 =	simm.s32 $0xA400;
	v3 =	vadd.s32 v1, v3  }
0x6c: {  	[tilespmem:s4], [sflag:$0x2] =	stream.indirect_vreg.gather [hbm4b:s2+s3], $0x80, v4, vm0, $0xb8;
	[tilespmem:$0x18400] =	vst v63  }
0x6d: {  	s6 =	simm.s32 $0xAC00  }
0x6e: {  	[tilespmem:s6], [sflag:$0x2] =	stream.indirect_vreg.gather [hbm4b:s5+s3], $0x80, v4, vm0, $0xb8;
	[tilespmem:$0x18400] =	vst v63  }
0x6f: {  	_ = 	snop  }
0x70: {  	[tilespmem:s10], [sflag:$0x2] =	stream.indirect_vreg.gather [hbm4b:s2+s3], $0x80, v3, vm0, $0xb8;
	[tilespmem:$0x18400] =	vst v63  }
0x71: {  	_ = 	snop  }
0x72: {  	[tilespmem:s11], [sflag:$0x2] =	stream.indirect_vreg.gather [hbm4b:s5+s3], $0x80, v3, vm0, $0xb8;
	[tilespmem:$0x18400] =	vst v63  }
0x73: {  	v3 =	vld [tilespmem:$0xA0];
	_ =	sdelay $0x4  }
0x74: {  	v4 =	vshll.u32 v3, $0x2  }
0x75: {  	v3 =	vand.u32 $0x7, v3;
	v4 =	vand.u32 $0xFFFFFFE0, v4  }
0x76: {  	v3 =	vor.u32 v3, v4  }
0x77: {  	v4 =	vperm.xlane v3, v0;
	_ =	sdelay $0x1  }
0x78: {  	v4 =	vadd.s32 v1, v4;
	_ =	sdelay $0x1  }
0x79: {  	v3 =	vperm.xlane v3, v2;
	_ =	sdelay $0x1  }
0x7a: {  	v3 =	vadd.s32 v1, v3  }
0x7b: {  	[tilespmem:s12], [sflag:$0x2] =	stream.indirect_vreg.gather [hbm4b:s2+s3], $0x80, v4, vm0, $0xb8;
	[tilespmem:$0x18400] =	vst v63  }
0x7c: {  	_ = 	snop  }
0x7d: {  	[tilespmem:s13], [sflag:$0x2] =	stream.indirect_vreg.gather [hbm4b:s5+s3], $0x80, v4, vm0, $0xb8;
	[tilespmem:$0x18400] =	vst v63  }
0x7e: {  	_ = 	snop  }
0x7f: {  	[tilespmem:s14], [sflag:$0x2] =	stream.indirect_vreg.gather [hbm4b:s2+s3], $0x80, v3, vm0, $0xb8;
	[tilespmem:$0x18400] =	vst v63  }
0x80: {  	_ = 	snop  }
0x81: {  	[tilespmem:s15], [sflag:$0x2] =	stream.indirect_vreg.gather [hbm4b:s5+s3], $0x80, v3, vm0, $0xb8;
	[tilespmem:$0x18400] =	vst v63  }
0x82: {  	v3 =	vld [tilespmem:$0xB0];
	_ =	sdelay $0x4  }
0x83: {  	v4 =	vshll.u32 v3, $0x2  }
0x84: {  	v3 =	vand.u32 $0x7, v3;
	v4 =	vand.u32 $0xFFFFFFE0, v4  }
0x85: {  	v3 =	vor.u32 v3, v4  }
0x86: {  	v4 =	vperm.xlane v3, v0;
	_ =	sdelay $0x1  }
0x87: {  	v4 =	vadd.s32 v1, v4;
	_ =	sdelay $0x1  }
0x88: {  	v3 =	vperm.xlane v3, v2;
	_ =	sdelay $0x1  }
0x89: {  	v3 =	vadd.s32 v1, v3  }
0x8a: {  	[tilespmem:s16], [sflag:$0x2] =	stream.indirect_vreg.gather [hbm4b:s2+s3], $0x80, v4, vm0, $0xb8;
	[tilespmem:$0x18400] =	vst v63  }
0x8b: {  	_ = 	snop  }
0x8c: {  	[tilespmem:s17], [sflag:$0x2] =	stream.indirect_vreg.gather [hbm4b:s5+s3], $0x80, v4, vm0, $0xb8;
	[tilespmem:$0x18400] =	vst v63  }
0x8d: {  	s7 =	simm.s32 $0x0  }
0x8e: {  	[tilespmem:s18], [sflag:$0x2] =	stream.indirect_vreg.gather [hbm4b:s2+s3], $0x80, v3, vm0, $0xb8;
	[tilespmem:$0x18400] =	vst v63  }
0x8f: {  	s0 =	sand.u32 $0x3FFFF000, s7  }
0x90: {  	[tilespmem:s19], [sflag:$0x2] =	stream.indirect_vreg.gather [hbm4b:s5+s3], $0x80, v3, vm0, $0xb8;
	[tilespmem:$0x18400] =	vst v63  }
0x91: {  	s0 =	sor.u32 $0x400, s0;
	s1 =	sand.u32 $0x800, s3;
	_ =	swait.ge [sflag:s20], $0x8000  }
0x92: {  	s1 =	sor.u32 s1, s0;
	s4 =	sand.u32 $0x380, s3;
	[sflag:s20] =	ssyncset.done $0x0  }
0x93: {  	s1 =	sor.u32 s4, s1;
	[sflag:s20] =	ssyncadd.s32 $0xFFFF8000  }
0x94: {  	s28 =	simm.s32 $0x0;
	v3 =	vld [tilespmem:s1+$0x460]  }
0x95: {  	s29 =	sand.u32 $0x8, s28;
	v4 =	vld [tilespmem:s1+$0x470]  }
0x96: {  	s28 =	sshll.u32 s29, $0x8;
	v5 =	vld [tilespmem:s1+$0x420]  }
0x97: {  	s0 =	sor.u32 s28, s0;
	v6 =	vld [tilespmem:s1+$0x430]  }
0x98: {  	s0 =	sor.u32 s4, s0;
	v7 =	vld [tilespmem:s1+$0x440]  }
0x99: {  	v9 =	vld [tilespmem:s0+$0x0]  }
0x9a: {  	v10 =	vld [tilespmem:s0+$0x10]  }
0x9b: {  	s28 =	simm.s32 $0x100;
	v8 =	vld [tilespmem:s1+$0x450]  }
0x9c: {  	s30 =	sand.u32 $0x3FFFF000, s28;
	v11 =	vld [tilespmem:s0+$0x20]  }
0x9d: {  	s28 =	simm.s32 $0x800;
	s6 =	sor.u32 $0x400, s30;
	s30 =	simm.s32 $0x40;
	v12 =	vld [tilespmem:s0+$0x30];
	v3 =	vadd.s32 $0x8000, v3;
	v4 =	vadd.s32 $0x8000, v4;
	v5 =	vadd.s32 $0x8000, v5  }
0x9e: {  	s8 =	simm.s32 $0x0;
	s31 =	sand.u32 $0x800, s28;
	s7 =	sand.u32 $0x380, s30;
	v13 =	vld [tilespmem:s0+$0x40];
	v6 =	vadd.s32 $0x8000, v6;
	v7 =	vadd.s32 $0x8000, v7;
	v9 =	vadd.s32 $0x8000, v9  }
0x9f: {  	s29 =	sshll.u32 s29, $0x7;
	s31 =	sor.u32 s31, s6;
	s1 =	sand.u32 $0x3FFFF800, s8;
	v14 =	vld [tilespmem:s0+$0x70];
	v10 =	vadd.s32 $0x8000, v10;
	v3 =	vshrl.u32 v3, $0x10;
	v4 =	vand.u32 $0xFFFF0000, v4  }
0xa0: {  	s8 =	sor.u32 s7, s31;
	s1 =	sor.u32 s29, s1;
	v3 =	vor.u32 v3, v4;
	v4 =	vshrl.u32 v5, $0x10;
	v5 =	vand.u32 $0xFFFF0000, v6;
	v6 =	vld [tilespmem:s0+$0x50]  }
0xa1: {  	v15 =	vld [tilespmem:s8+$0x470];
	s1 =	sor.u32 s4, s1;
	v11 =	vadd.s32 $0x8000, v11;
	v4 =	vor.u32 v4, v5;
	v5 =	vadd.s32 $0x8000, v8  }
0xa2: {  	s29 =	sadd.s32 $0x10400, s1;
	v12 =	vadd.s32 $0x8000, v12;
	v7 =	vshrl.u32 v7, $0x10;
	v8 =	vld [tilespmem:s0+$0x60];
	v5 =	vand.u32 $0xFFFF0000, v5  }
0xa3: {  	v9 =	vshrl.u32 v9, $0x10;
	v10 =	vand.u32 $0xFFFF0000, v10;
	[tilespmem:s29+$0x70] =	vst v3;
	v5 =	vor.u32 v7, v5;
	v7 =	vld [tilespmem:s8+$0x460]  }
0xa4: {  	v3 =	vor.u32 v9, v10;
	v9 =	vshrl.u32 v11, $0x10;
	v10 =	vand.u32 $0xFFFF0000, v12;
	v11 =	vld [tilespmem:s0+$0x400];
	[tilespmem:s29+$0x50] =	vst v4  }
0xa5: {  	s31 =	simm.s32 $0x8;
	v4 =	vadd.s32 $0x8000, v13;
	v9 =	vor.u32 v9, v10;
	v10 =	vld [tilespmem:s0+$0x410];
	[tilespmem:s1+$0x10400] =	vst v3;
	v6 =	vadd.s32 $0x8000, v6  }
0xa6: {  	v63 =	vld [tilespmem:s8+$0x420];
	s4 =	simm.s32 $0x80;
	s0 =	sand.u32 $0x8, s31;
	v3 =	vadd.s32 $0x8000, v14;
	v4 =	vshrl.u32 v4, $0x10;
	[tilespmem:s29+$0x60] =	vst v5;
	v5 =	vand.u32 $0xFFFF0000, v6  }
0xa7: {  	s4 =	sand.u32 $0x3FFFF800, s4;
	s9 =	sshll.u32 s0, $0x8;
	s0 =	sshll.u32 s0, $0x7;
	[tilespmem:s29+$0x10] =	vst v9;
	v9 =	vadd.s32 $0x8000, v15;
	v6 =	vadd.s32 $0x8000, v8;
	v5 =	vor.u32 v4, v5;
	v4 =	vld [tilespmem:s8+$0x430]  }
0xa8: {  	s1 =	sor.u32 s9, s6;
	s4 =	sor.u32 s0, s4;
	v8 =	vand.u32 $0xFFFF0000, v3;
	v3 =	vld [tilespmem:s8+$0x440];
	v6 =	vshrl.u32 v6, $0x10;
	v7 =	vadd.s32 $0x8000, v7  }
0xa9: {  	v9 =	vand.u32 $0xFFFF0000, v9;
	s0 =	sor.u32 s7, s1;
	s1 =	sor.u32 s7, s4;
	[tilespmem:s29+$0x20] =	vst v5;
	v6 =	vor.u32 v6, v8;
	v5 =	vld [tilespmem:s8+$0x450];
	v8 =	vshrl.u32 v7, $0x10  }
0xaa: {  	s4 =	sadd.s32 $0x10400, s1;
	v10 =	vadd.s32 $0x8000, v10;
	[tilespmem:s29+$0x30] =	vst v6;
	v6 =	vadd.s32 $0x8000, v11;
	v7 =	vld [tilespmem:s0+$0x0];
	v11 =	vor.u32 v8, v9  }
0xab: {  	v10 =	vand.u32 $0xFFFF0000, v10;
	v8 =	vshrl.u32 v6, $0x10;
	v6 =	vld [tilespmem:s0+$0x10];
	v9 =	vadd.s32 $0x8000, v63;
	[tilespmem:s4+$0x70] =	vst v11  }
.LBB2_2:
0xac: {  	s31 =	sadd.s32 $0x8, s31;
	v11 =	vld [tilespmem:s0+$0x20];
	v9 =	vshrl.u32 v9, $0x10;
	v4 =	vadd.s32 $0x8000, v4;
	v8 =	vor.u32 v8, v10  }
0xad: {  	s6 =	sshll.u32 s31, $0x5;
	p0 =	slt.u32 s31, $0x3F8;
	v10 =	vld [tilespmem:s0+$0x30];
	v4 =	vand.u32 $0xFFFF0000, v4;
	v3 =	vadd.s32 $0x8000, v3;
	[tilespmem:s29+$0x40] =	vst v8;
	s29 =	smov.u32 s4  }
0xae: {  	s28 =	sadd.s32 $0x800, s28;
	s4 =	sand.u32 $0x3FFFF000, s6;
	v8 =	vld [tilespmem:s0+$0x40];
	v4 =	vor.u32 v9, v4;
	v3 =	vshrl.u32 v3, $0x10;
	v5 =	vadd.s32 $0x8000, v5  }
0xaf: {  	s30 =	sadd.s32 $0x40, s30;
	s6 =	sand.u32 $0x800, s28;
	s4 =	sor.u32 $0x400, s4;
	v7 =	vadd.s32 $0x8000, v7;
	v9 =	vld [tilespmem:s0+$0x50];
	[tilespmem:s29+$0x50] =	vst v4;
	v4 =	vand.u32 $0xFFFF0000, v5  }
0xb0: {  	s7 =	sand.u32 $0x380, s30;
	s6 =	sor.u32 s6, s4;
	v5 =	vshrl.u32 v7, $0x10;
	v6 =	vadd.s32 $0x8000, v6;
	v7 =	vld [tilespmem:s0+$0x60];
	v3 =	vor.u32 v3, v4  }
0xb1: {  	s6 =	sor.u32 s7, s6;
	v4 =	vand.u32 $0xFFFF0000, v6;
	v6 =	vadd.s32 $0x8000, v11;
	v11 =	vld [tilespmem:s0+$0x70];
	[tilespmem:s29+$0x60] =	vst v3  }
0xb2: {  	v12 =	vld [tilespmem:s6+$0x460];
	v3 =	vor.u32 v5, v4;
	v4 =	vshrl.u32 v6, $0x10;
	v5 =	vadd.s32 $0x8000, v10  }
0xb3: {  	v6 =	vld [tilespmem:s6+$0x470];
	[tilespmem:s1+$0x10400] =	vst v3;
	v3 =	vand.u32 $0xFFFF0000, v5;
	v5 =	vadd.s32 $0x8000, v8  }
0xb4: {  	v3 =	vor.u32 v4, v3;
	v4 =	vshrl.u32 v5, $0x10;
	v5 =	vadd.s32 $0x8000, v9;
	v8 =	vld [tilespmem:s0+$0x400]  }
0xb5: {  	s1 =	sshll.u32 s31, $0x4;
	[tilespmem:s29+$0x10] =	vst v3;
	v3 =	vand.u32 $0xFFFF0000, v5;
	v5 =	vadd.s32 $0x8000, v7;
	v9 =	vld [tilespmem:s0+$0x410]  }
0xb6: {  	s1 =	sand.u32 $0x3FFFF800, s1;
	s0 =	sand.u32 $0x8, s31;
	v10 =	vld [tilespmem:s6+$0x420];
	v3 =	vor.u32 v4, v3;
	v5 =	vshrl.u32 v5, $0x10;
	v7 =	vadd.s32 $0x8000, v11  }
.Ltmp0:
0xb7: {  	s8 =	sshll.u32 s0, $0x8;
	s0 =	sshll.u32 s0, $0x7;
	v4 =	vld [tilespmem:s6+$0x430];
	[tilespmem:s29+$0x20] =	vst v3;
	v7 =	vand.u32 $0xFFFF0000, v7;
	(pc) =	sbr.rel @p0 .LBB2_2-.Ltmp0, $4  }
0xb8: {  	s4 =	sor.u32 s8, s4;
	s1 =	sor.u32 s0, s1;
	v11 =	vadd.s32 $0x8000, v12;
	v3 =	vld [tilespmem:s6+$0x440];
	v6 =	vadd.s32 $0x8000, v6;
	v7 =	vor.u32 v5, v7  }
0xb9: {  	s0 =	sor.u32 s7, s4;
	s1 =	sor.u32 s7, s1;
	v11 =	vshrl.u32 v11, $0x10;
	v5 =	vld [tilespmem:s6+$0x450];
	v6 =	vand.u32 $0xFFFF0000, v6;
	[tilespmem:s29+$0x30] =	vst v7;
	v8 =	vadd.s32 $0x8000, v8  }
0xba: {  	s4 =	sadd.s32 $0x10400, s1;
	v7 =	vld [tilespmem:s0+$0x0];
	v11 =	vor.u32 v11, v6;
	v8 =	vshrl.u32 v8, $0x10;
	v12 =	vadd.s32 $0x8000, v9  }
0xbb: {  	v6 =	vld [tilespmem:s0+$0x10];
	v9 =	vadd.s32 $0x8000, v10;
	[tilespmem:s4+$0x70] =	vst v11;
	v10 =	vand.u32 $0xFFFF0000, v12  }
0xbc: {  	v11 =	vld [tilespmem:s0+$0x20]  }
0xbd: {  	v12 =	vld [tilespmem:s0+$0x30]  }
0xbe: {  	v4 =	vadd.s32 $0x8000, v4;
	v13 =	vld [tilespmem:s0+$0x40]  }
0xbf: {  	v9 =	vshrl.u32 v9, $0x10;
	v8 =	vor.u32 v8, v10;
	v10 =	vld [tilespmem:s0+$0x50];
	v4 =	vand.u32 $0xFFFF0000, v4  }
0xc0: {  	v14 =	vld [tilespmem:s0+$0x70];
	v3 =	vadd.s32 $0x8000, v3;
	v4 =	vor.u32 v9, v4;
	v5 =	vadd.s32 $0x8000, v5  }
0xc1: {  	v15 =	vld [tilespmem:s0+$0x410];
	v3 =	vshrl.u32 v3, $0x10;
	v7 =	vadd.s32 $0x8000, v7;
	v5 =	vand.u32 $0xFFFF0000, v5  }
0xc2: {  	v9 =	vld [tilespmem:s0+$0x60];
	v7 =	vshrl.u32 v7, $0x10;
	v6 =	vadd.s32 $0x8000, v6;
	v3 =	vor.u32 v3, v5  }
0xc3: {  	[tilespmem:s29+$0x40] =	vst v8;
	v5 =	vld [tilespmem:s0+$0x400];
	v6 =	vand.u32 $0xFFFF0000, v6;
	v11 =	vadd.s32 $0x8000, v11;
	v12 =	vadd.s32 $0x8000, v12  }
0xc4: {  	[tilespmem:s4+$0x50] =	vst v4;
	v6 =	vor.u32 v7, v6;
	v7 =	vshrl.u32 v11, $0x10;
	v8 =	vand.u32 $0xFFFF0000, v12  }
0xc5: {  	v4 =	vadd.s32 $0x8000, v13;
	[tilespmem:s4+$0x60] =	vst v3;
	v7 =	vor.u32 v7, v8;
	v8 =	vadd.s32 $0x8000, v10  }
0xc6: {  	v3 =	vshrl.u32 v4, $0x10;
	[tilespmem:s1+$0x10400] =	vst v6;
	v6 =	vadd.s32 $0x8000, v14;
	v4 =	vand.u32 $0xFFFF0000, v8  }
0xc7: {  	v8 =	vadd.s32 $0x8000, v9;
	[tilespmem:s4+$0x10] =	vst v7;
	v6 =	vand.u32 $0xFFFF0000, v6;
	v7 =	vadd.s32 $0x8000, v15  }
0xc8: {  	v3 =	vor.u32 v3, v4;
	v4 =	vshrl.u32 v8, $0x10;
	v5 =	vadd.s32 $0x8000, v5  }
0xc9: {  	[tilespmem:s4+$0x20] =	vst v3;
	v3 =	vor.u32 v4, v6;
	v4 =	vshrl.u32 v5, $0x10;
	v5 =	vand.u32 $0xFFFF0000, v7  }
0xca: {  	[tilespmem:s4+$0x30] =	vst v3;
	v3 =	vor.u32 v4, v5  }
0xcb: {  	[tilespmem:s4+$0x40] =	vst v3  }
0xcc: {  	s0 =	simm.s32 $0x0;
	s1 =	rddreg [dreg:$0x4]  }
0xcd: {  	[hbm4b:s1+s0] =	stream.linear.scatter [tilespmem:s21], [sflag:$0x3], $0x4000, $0x38;
	[tilespmem:$0x18400] =	vst v63  }
0xce: {  	v3 =	vld [tilespmem:$0x100];
	_ =	sdelay $0x4  }
0xcf: {  	v4 =	vshll.u32 v3, $0x2  }
0xd0: {  	v3 =	vand.u32 $0x7, v3;
	v4 =	vand.u32 $0xFFFFFFE0, v4  }
0xd1: {  	v3 =	vor.u32 v3, v4  }
0xd2: {  	v4 =	vperm.xlane v3, v0;
	_ =	sdelay $0x1  }
0xd3: {  	v4 =	vadd.s32 v1, v4;
	_ =	sdelay $0x1  }
0xd4: {  	v3 =	vperm.xlane v3, v2;
	_ =	sdelay $0x1  }
0xd5: {  	s4 =	simm.s32 $0x400;
	v3 =	vadd.s32 v1, v3  }
0xd6: {  	[tilespmem:s4], [sflag:$0x1] =	stream.indirect_vreg.gather [hbm4b:s2+s0], $0x80, v4, vm0, $0xb8;
	[tilespmem:$0x18400] =	vst v63  }
0xd7: {  	s6 =	simm.s32 $0xC00  }
0xd8: {  	[tilespmem:s6], [sflag:$0x1] =	stream.indirect_vreg.gather [hbm4b:s5+s0], $0x80, v4, vm0, $0xb8;
	[tilespmem:$0x18400] =	vst v63  }
0xd9: {  	s7 =	simm.s32 $0x1400  }
0xda: {  	[tilespmem:s7], [sflag:$0x1] =	stream.indirect_vreg.gather [hbm4b:s2+s0], $0x80, v3, vm0, $0xb8;
	[tilespmem:$0x18400] =	vst v63  }
0xdb: {  	s8 =	simm.s32 $0x1C00  }
0xdc: {  	[tilespmem:s8], [sflag:$0x1] =	stream.indirect_vreg.gather [hbm4b:s5+s0], $0x80, v3, vm0, $0xb8;
	[tilespmem:$0x18400] =	vst v63  }
0xdd: {  	v3 =	vld [tilespmem:$0x110];
	_ =	sdelay $0x4  }
0xde: {  	v4 =	vshll.u32 v3, $0x2  }
0xdf: {  	v3 =	vand.u32 $0x7, v3;
	v4 =	vand.u32 $0xFFFFFFE0, v4  }
0xe0: {  	v3 =	vor.u32 v3, v4  }
0xe1: {  	v4 =	vperm.xlane v3, v0;
	_ =	sdelay $0x1  }
0xe2: {  	v4 =	vadd.s32 v1, v4;
	_ =	sdelay $0x1  }
0xe3: {  	v3 =	vperm.xlane v3, v2;
	_ =	sdelay $0x1  }
0xe4: {  	s9 =	simm.s32 $0x2400;
	v3 =	vadd.s32 v1, v3  }
0xe5: {  	[tilespmem:s9], [sflag:$0x1] =	stream.indirect_vreg.gather [hbm4b:s2+s0], $0x80, v4, vm0, $0xb8;
	[tilespmem:$0x18400] =	vst v63  }
0xe6: {  	s4 =	simm.s32 $0x2C00  }
0xe7: {  	[tilespmem:s4], [sflag:$0x1] =	stream.indirect_vreg.gather [hbm4b:s5+s0], $0x80, v4, vm0, $0xb8;
	[tilespmem:$0x18400] =	vst v63  }
0xe8: {  	s6 =	simm.s32 $0x3400  }
0xe9: {  	[tilespmem:s6], [sflag:$0x1] =	stream.indirect_vreg.gather [hbm4b:s2+s0], $0x80, v3, vm0, $0xb8;
	[tilespmem:$0x18400] =	vst v63  }
0xea: {  	s7 =	simm.s32 $0x3C00  }
0xeb: {  	[tilespmem:s7], [sflag:$0x1] =	stream.indirect_vreg.gather [hbm4b:s5+s0], $0x80, v3, vm0, $0xb8;
	[tilespmem:$0x18400] =	vst v63  }
0xec: {  	v3 =	vld [tilespmem:$0x120];
	_ =	sdelay $0x4  }
0xed: {  	v4 =	vshll.u32 v3, $0x2  }
0xee: {  	v3 =	vand.u32 $0x7, v3;
	v4 =	vand.u32 $0xFFFFFFE0, v4  }
0xef: {  	v3 =	vor.u32 v3, v4  }
0xf0: {  	v4 =	vperm.xlane v3, v0;
	_ =	sdelay $0x1  }
0xf1: {  	v4 =	vadd.s32 v1, v4;
	_ =	sdelay $0x1  }
0xf2: {  	v3 =	vperm.xlane v3, v2;
	_ =	sdelay $0x1  }
0xf3: {  	s8 =	simm.s32 $0x4400;
	v3 =	vadd.s32 v1, v3  }
0xf4: {  	[tilespmem:s8], [sflag:$0x1] =	stream.indirect_vreg.gather [hbm4b:s2+s0], $0x80, v4, vm0, $0xb8;
	[tilespmem:$0x18400] =	vst v63  }
0xf5: {  	s9 =	simm.s32 $0x4C00  }
0xf6: {  	[tilespmem:s9], [sflag:$0x1] =	stream.indirect_vreg.gather [hbm4b:s5+s0], $0x80, v4, vm0, $0xb8;
	[tilespmem:$0x18400] =	vst v63  }
0xf7: {  	s4 =	simm.s32 $0x5400  }
0xf8: {  	[tilespmem:s4], [sflag:$0x1] =	stream.indirect_vreg.gather [hbm4b:s2+s0], $0x80, v3, vm0, $0xb8;
	[tilespmem:$0x18400] =	vst v63  }
0xf9: {  	s6 =	simm.s32 $0x5C00  }
0xfa: {  	[tilespmem:s6], [sflag:$0x1] =	stream.indirect_vreg.gather [hbm4b:s5+s0], $0x80, v3, vm0, $0xb8;
	[tilespmem:$0x18400] =	vst v63  }
0xfb: {  	v3 =	vld [tilespmem:$0x130];
	_ =	sdelay $0x4  }
0xfc: {  	v4 =	vshll.u32 v3, $0x2  }
0xfd: {  	v3 =	vand.u32 $0x7, v3;
	v4 =	vand.u32 $0xFFFFFFE0, v4  }
0xfe: {  	v3 =	vor.u32 v3, v4  }
0xff: {  	v4 =	vperm.xlane v3, v0;
	_ =	sdelay $0x1  }
0x100: {  	v4 =	vadd.s32 v1, v4;
	_ =	sdelay $0x1  }
0x101: {  	v3 =	vperm.xlane v3, v2;
	_ =	sdelay $0x1  }
0x102: {  	s7 =	simm.s32 $0x6400;
	v3 =	vadd.s32 v1, v3  }
0x103: {  	[tilespmem:s7], [sflag:$0x1] =	stream.indirect_vreg.gather [hbm4b:s2+s0], $0x80, v4, vm0, $0xb8;
	[tilespmem:$0x18400] =	vst v63  }
0x104: {  	s8 =	simm.s32 $0x6C00  }
0x105: {  	[tilespmem:s8], [sflag:$0x1] =	stream.indirect_vreg.gather [hbm4b:s5+s0], $0x80, v4, vm0, $0xb8;
	[tilespmem:$0x18400] =	vst v63  }
0x106: {  	s9 =	simm.s32 $0x7400;
	s6 =	simm.s32 $0x0  }
0x107: {  	[tilespmem:s9], [sflag:$0x1] =	stream.indirect_vreg.gather [hbm4b:s2+s0], $0x80, v3, vm0, $0xb8;
	[tilespmem:$0x18400] =	vst v63  }
0x108: {  	s4 =	simm.s32 $0x7C00;
	s1 =	sand.u32 $0x3FFFF000, s6  }
0x109: {  	[tilespmem:s4], [sflag:$0x1] =	stream.indirect_vreg.gather [hbm4b:s5+s0], $0x80, v3, vm0, $0xb8;
	[tilespmem:$0x18400] =	vst v63  }
0x10a: {  	s1 =	sadd.s32 $0x8400, s1;
	s7 =	sand.u32 $0x800, s0;
	_ =	swait.ge [sflag:s22], $0x8000  }
0x10b: {  	s0 =	sand.u32 $0x380, s0;
	s4 =	sor.u32 s7, s1;
	[sflag:s22] =	ssyncset.done $0x0  }
0x10c: {  	s4 =	sor.u32 s0, s4;
	[sflag:s22] =	ssyncadd.s32 $0xFFFF8000  }
0x10d: {  	s6 =	simm.s32 $0x0;
	v3 =	vld [tilespmem:s4+$0x460]  }
0x10e: {  	s6 =	sand.u32 $0x8, s6;
	v4 =	vld [tilespmem:s4+$0x470]  }
0x10f: {  	s7 =	sshll.u32 s6, $0x8;
	v5 =	vld [tilespmem:s4+$0x420]  }
0x110: {  	s1 =	sor.u32 s7, s1;
	v6 =	vld [tilespmem:s4+$0x430]  }
0x111: {  	s1 =	sor.u32 s0, s1;
	v7 =	vld [tilespmem:s4+$0x440]  }
0x112: {  	v9 =	vld [tilespmem:s1+$0x0]  }
0x113: {  	v10 =	vld [tilespmem:s1+$0x10]  }
0x114: {  	v8 =	vld [tilespmem:s4+$0x450]  }
0x115: {  	s28 =	simm.s32 $0x800;
	s9 =	simm.s32 $0x100;
	v11 =	vld [tilespmem:s1+$0x20]  }
0x116: {  	s30 =	simm.s32 $0x40;
	s8 =	simm.s32 $0x0;
	s7 =	sand.u32 $0x3FFFF000, s9;
	v59 =	vld [tilespmem:s1+$0x30];
	v3 =	vadd.s32 $0x8000, v3;
	v4 =	vadd.s32 $0x8000, v4;
	v5 =	vadd.s32 $0x8000, v5  }
0x117: {  	s7 =	sadd.s32 $0x8400, s7;
	s4 =	sand.u32 $0x3FFFF800, s8;
	v60 =	vld [tilespmem:s1+$0x40];
	s8 =	sand.u32 $0x800, s28;
	v6 =	vadd.s32 $0x8000, v6;
	v7 =	vadd.s32 $0x8000, v7;
	v9 =	vadd.s32 $0x8000, v9  }
0x118: {  	s6 =	sshll.u32 s6, $0x7;
	s9 =	sand.u32 $0x380, s30;
	v61 =	vld [tilespmem:s1+$0x70];
	s8 =	sor.u32 s8, s7;
	v10 =	vadd.s32 $0x8000, v10;
	v3 =	vshrl.u32 v3, $0x10;
	v4 =	vand.u32 $0xFFFF0000, v4  }
0x119: {  	s4 =	sor.u32 s6, s4;
	s6 =	sor.u32 s9, s8;
	v3 =	vor.u32 v3, v4;
	v4 =	vshrl.u32 v5, $0x10;
	v5 =	vand.u32 $0xFFFF0000, v6;
	v6 =	vld [tilespmem:s1+$0x50]  }
0x11a: {  	s0 =	sor.u32 s0, s4;
	v62 =	vld [tilespmem:s6+$0x470];
	v11 =	vadd.s32 $0x8000, v11;
	v4 =	vor.u32 v4, v5;
	v5 =	vadd.s32 $0x8000, v8  }
0x11b: {  	s29 =	sadd.s32 $0x10400, s0;
	v12 =	vadd.s32 $0x8000, v59;
	v7 =	vshrl.u32 v7, $0x10;
	v8 =	vld [tilespmem:s1+$0x60];
	v5 =	vand.u32 $0xFFFF0000, v5  }
0x11c: {  	v9 =	vshrl.u32 v9, $0x10;
	v10 =	vand.u32 $0xFFFF0000, v10;
	[tilespmem:s29+$0x4070] =	vst v3;
	v5 =	vor.u32 v7, v5;
	v7 =	vld [tilespmem:s6+$0x460]  }
0x11d: {  	v3 =	vor.u32 v9, v10;
	v9 =	vshrl.u32 v11, $0x10;
	v10 =	vand.u32 $0xFFFF0000, v12;
	v11 =	vld [tilespmem:s1+$0x400];
	[tilespmem:s29+$0x4050] =	vst v4  }
0x11e: {  	s31 =	simm.s32 $0x8;
	v4 =	vadd.s32 $0x8000, v60;
	v9 =	vor.u32 v9, v10;
	v10 =	vld [tilespmem:s1+$0x410];
	[tilespmem:s0+$0x14400] =	vst v3;
	v6 =	vadd.s32 $0x8000, v6  }
0x11f: {  	s4 =	simm.s32 $0x80;
	v63 =	vld [tilespmem:s6+$0x420];
	s1 =	sand.u32 $0x8, s31;
	v3 =	vadd.s32 $0x8000, v61;
	v4 =	vshrl.u32 v4, $0x10;
	[tilespmem:s29+$0x4060] =	vst v5;
	v5 =	vand.u32 $0xFFFF0000, v6  }
0x120: {  	s4 =	sand.u32 $0x3FFFF800, s4;
	s8 =	sshll.u32 s1, $0x8;
	s1 =	sshll.u32 s1, $0x7;
	[tilespmem:s29+$0x4010] =	vst v9;
	v9 =	vadd.s32 $0x8000, v62;
	v6 =	vadd.s32 $0x8000, v8;
	v5 =	vor.u32 v4, v5;
	v4 =	vld [tilespmem:s6+$0x430]  }
0x121: {  	s0 =	sor.u32 s8, s7;
	s1 =	sor.u32 s1, s4;
	v8 =	vand.u32 $0xFFFF0000, v3;
	v3 =	vld [tilespmem:s6+$0x440];
	v6 =	vshrl.u32 v6, $0x10;
	v7 =	vadd.s32 $0x8000, v7  }
0x122: {  	v9 =	vand.u32 $0xFFFF0000, v9;
	s0 =	sor.u32 s9, s0;
	s1 =	sor.u32 s9, s1;
	[tilespmem:s29+$0x4020] =	vst v5;
	v6 =	vor.u32 v6, v8;
	v5 =	vld [tilespmem:s6+$0x450];
	v8 =	vshrl.u32 v7, $0x10  }
0x123: {  	s4 =	sadd.s32 $0x10400, s1;
	v10 =	vadd.s32 $0x8000, v10;
	[tilespmem:s29+$0x4030] =	vst v6;
	v6 =	vadd.s32 $0x8000, v11;
	v7 =	vld [tilespmem:s0+$0x0];
	v11 =	vor.u32 v8, v9  }
0x124: {  	v10 =	vand.u32 $0xFFFF0000, v10;
	v8 =	vshrl.u32 v6, $0x10;
	v6 =	vld [tilespmem:s0+$0x10];
	v9 =	vadd.s32 $0x8000, v63;
	[tilespmem:s4+$0x4070] =	vst v11  }
.LBB2_4:
0x125: {  	s31 =	sadd.s32 $0x8, s31;
	v11 =	vld [tilespmem:s0+$0x20];
	v9 =	vshrl.u32 v9, $0x10;
	v4 =	vadd.s32 $0x8000, v4;
	v8 =	vor.u32 v8, v10  }
0x126: {  	s6 =	sshll.u32 s31, $0x5;
	p0 =	slt.u32 s31, $0x3F8;
	v10 =	vld [tilespmem:s0+$0x30];
	v4 =	vand.u32 $0xFFFF0000, v4;
	v3 =	vadd.s32 $0x8000, v3;
	[tilespmem:s29+$0x4040] =	vst v8;
	s29 =	smov.u32 s4  }
0x127: {  	s28 =	sadd.s32 $0x800, s28;
	s4 =	sand.u32 $0x3FFFF000, s6;
	v8 =	vld [tilespmem:s0+$0x40];
	v4 =	vor.u32 v9, v4;
	v3 =	vshrl.u32 v3, $0x10;
	v5 =	vadd.s32 $0x8000, v5  }
0x128: {  	s30 =	sadd.s32 $0x40, s30;
	s6 =	sand.u32 $0x800, s28;
	s4 =	sadd.s32 $0x8400, s4;
	v7 =	vadd.s32 $0x8000, v7;
	v9 =	vld [tilespmem:s0+$0x50];
	[tilespmem:s29+$0x4050] =	vst v4;
	v4 =	vand.u32 $0xFFFF0000, v5  }
0x129: {  	s7 =	sand.u32 $0x380, s30;
	s6 =	sor.u32 s6, s4;
	v5 =	vshrl.u32 v7, $0x10;
	v6 =	vadd.s32 $0x8000, v6;
	v7 =	vld [tilespmem:s0+$0x60];
	v3 =	vor.u32 v3, v4  }
0x12a: {  	s6 =	sor.u32 s7, s6;
	v4 =	vand.u32 $0xFFFF0000, v6;
	v6 =	vadd.s32 $0x8000, v11;
	v11 =	vld [tilespmem:s0+$0x70];
	[tilespmem:s29+$0x4060] =	vst v3  }
0x12b: {  	v12 =	vld [tilespmem:s6+$0x460];
	v3 =	vor.u32 v5, v4;
	v4 =	vshrl.u32 v6, $0x10;
	v5 =	vadd.s32 $0x8000, v10  }
0x12c: {  	v6 =	vld [tilespmem:s6+$0x470];
	[tilespmem:s1+$0x14400] =	vst v3;
	v3 =	vand.u32 $0xFFFF0000, v5;
	v5 =	vadd.s32 $0x8000, v8  }
0x12d: {  	v3 =	vor.u32 v4, v3;
	v4 =	vshrl.u32 v5, $0x10;
	v5 =	vadd.s32 $0x8000, v9;
	v8 =	vld [tilespmem:s0+$0x400]  }
0x12e: {  	s1 =	sshll.u32 s31, $0x4;
	[tilespmem:s29+$0x4010] =	vst v3;
	v3 =	vand.u32 $0xFFFF0000, v5;
	v5 =	vadd.s32 $0x8000, v7;
	v9 =	vld [tilespmem:s0+$0x410]  }
0x12f: {  	s1 =	sand.u32 $0x3FFFF800, s1;
	s0 =	sand.u32 $0x8, s31;
	v10 =	vld [tilespmem:s6+$0x420];
	v3 =	vor.u32 v4, v3;
	v5 =	vshrl.u32 v5, $0x10;
	v7 =	vadd.s32 $0x8000, v11  }
.Ltmp1:
0x130: {  	s8 =	sshll.u32 s0, $0x8;
	s0 =	sshll.u32 s0, $0x7;
	v4 =	vld [tilespmem:s6+$0x430];
	[tilespmem:s29+$0x4020] =	vst v3;
	v7 =	vand.u32 $0xFFFF0000, v7;
	(pc) =	sbr.rel @p0 .LBB2_4-.Ltmp1, $4  }
0x131: {  	s4 =	sor.u32 s8, s4;
	s1 =	sor.u32 s0, s1;
	v11 =	vadd.s32 $0x8000, v12;
	v3 =	vld [tilespmem:s6+$0x440];
	v6 =	vadd.s32 $0x8000, v6;
	v7 =	vor.u32 v5, v7  }
0x132: {  	s0 =	sor.u32 s7, s4;
	s1 =	sor.u32 s7, s1;
	v11 =	vshrl.u32 v11, $0x10;
	v5 =	vld [tilespmem:s6+$0x450];
	v6 =	vand.u32 $0xFFFF0000, v6;
	[tilespmem:s29+$0x4030] =	vst v7;
	v8 =	vadd.s32 $0x8000, v8  }
0x133: {  	s4 =	sadd.s32 $0x10400, s1;
	v7 =	vld [tilespmem:s0+$0x0];
	v11 =	vor.u32 v11, v6;
	v8 =	vshrl.u32 v8, $0x10;
	v12 =	vadd.s32 $0x8000, v9  }
0x134: {  	v6 =	vld [tilespmem:s0+$0x10];
	v9 =	vadd.s32 $0x8000, v10;
	[tilespmem:s4+$0x4070] =	vst v11;
	v10 =	vand.u32 $0xFFFF0000, v12  }
0x135: {  	v11 =	vld [tilespmem:s0+$0x20]  }
0x136: {  	v12 =	vld [tilespmem:s0+$0x30]  }
0x137: {  	v4 =	vadd.s32 $0x8000, v4;
	v13 =	vld [tilespmem:s0+$0x40]  }
0x138: {  	v9 =	vshrl.u32 v9, $0x10;
	v8 =	vor.u32 v8, v10;
	v10 =	vld [tilespmem:s0+$0x50];
	v4 =	vand.u32 $0xFFFF0000, v4  }
0x139: {  	v14 =	vld [tilespmem:s0+$0x70];
	v3 =	vadd.s32 $0x8000, v3;
	v4 =	vor.u32 v9, v4;
	v5 =	vadd.s32 $0x8000, v5  }
0x13a: {  	v15 =	vld [tilespmem:s0+$0x410];
	v3 =	vshrl.u32 v3, $0x10;
	v7 =	vadd.s32 $0x8000, v7;
	v5 =	vand.u32 $0xFFFF0000, v5  }
0x13b: {  	v9 =	vld [tilespmem:s0+$0x60];
	v7 =	vshrl.u32 v7, $0x10;
	v6 =	vadd.s32 $0x8000, v6;
	v3 =	vor.u32 v3, v5  }
0x13c: {  	[tilespmem:s29+$0x4040] =	vst v8;
	v5 =	vld [tilespmem:s0+$0x400];
	v6 =	vand.u32 $0xFFFF0000, v6;
	v11 =	vadd.s32 $0x8000, v11;
	v12 =	vadd.s32 $0x8000, v12  }
0x13d: {  	[tilespmem:s4+$0x4050] =	vst v4;
	v6 =	vor.u32 v7, v6;
	v7 =	vshrl.u32 v11, $0x10;
	v8 =	vand.u32 $0xFFFF0000, v12  }
0x13e: {  	v4 =	vadd.s32 $0x8000, v13;
	[tilespmem:s4+$0x4060] =	vst v3;
	v7 =	vor.u32 v7, v8;
	v8 =	vadd.s32 $0x8000, v10  }
0x13f: {  	v3 =	vshrl.u32 v4, $0x10;
	[tilespmem:s1+$0x14400] =	vst v6;
	v6 =	vadd.s32 $0x8000, v14;
	v4 =	vand.u32 $0xFFFF0000, v8  }
0x140: {  	v8 =	vadd.s32 $0x8000, v9;
	[tilespmem:s4+$0x4010] =	vst v7;
	v6 =	vand.u32 $0xFFFF0000, v6;
	v7 =	vadd.s32 $0x8000, v15  }
0x141: {  	v3 =	vor.u32 v3, v4;
	v4 =	vshrl.u32 v8, $0x10;
	v5 =	vadd.s32 $0x8000, v5  }
0x142: {  	[tilespmem:s4+$0x4020] =	vst v3;
	v3 =	vor.u32 v4, v6;
	v4 =	vshrl.u32 v5, $0x10;
	v5 =	vand.u32 $0xFFFF0000, v7  }
0x143: {  	[tilespmem:s4+$0x4030] =	vst v3;
	v3 =	vor.u32 v4, v5  }
0x144: {  	[tilespmem:s4+$0x4040] =	vst v3  }
0x145: {  	s0 =	simm.s32 $0x0;
	s1 =	rddreg [dreg:$0x5]  }
0x146: {  	[hbm4b:s1+s0] =	stream.linear.scatter [tilespmem:s23], [sflag:$0x4], $0x4000, $0x38;
	[tilespmem:$0x18400] =	vst v63  }
0x147: {  	v3 =	vld [tilespmem:$0x180];
	_ =	sdelay $0x4  }
0x148: {  	v4 =	vshll.u32 v3, $0x2  }
0x149: {  	v3 =	vand.u32 $0x7, v3;
	v4 =	vand.u32 $0xFFFFFFE0, v4  }
0x14a: {  	v3 =	vor.u32 v3, v4  }
0x14b: {  	v4 =	vperm.xlane v3, v0;
	_ =	sdelay $0x1  }
0x14c: {  	v4 =	vadd.s32 v1, v4;
	_ =	sdelay $0x1  }
0x14d: {  	v3 =	vperm.xlane v3, v2;
	_ =	sdelay $0x1  }
0x14e: {  	s4 =	simm.s32 $0x8400;
	v3 =	vadd.s32 v1, v3  }
0x14f: {  	[tilespmem:s4], [sflag:$0x2] =	stream.indirect_vreg.gather [hbm4b:s2+s0], $0x80, v4, vm0, $0xb8;
	[tilespmem:$0x18400] =	vst v63  }
0x150: {  	s6 =	simm.s32 $0x8C00  }
0x151: {  	[tilespmem:s6], [sflag:$0x2] =	stream.indirect_vreg.gather [hbm4b:s5+s0], $0x80, v4, vm0, $0xb8;
	[tilespmem:$0x18400] =	vst v63  }
0x152: {  	s7 =	simm.s32 $0x9400  }
0x153: {  	[tilespmem:s7], [sflag:$0x2] =	stream.indirect_vreg.gather [hbm4b:s2+s0], $0x80, v3, vm0, $0xb8;
	[tilespmem:$0x18400] =	vst v63  }
0x154: {  	s8 =	simm.s32 $0x9C00  }
0x155: {  	[tilespmem:s8], [sflag:$0x2] =	stream.indirect_vreg.gather [hbm4b:s5+s0], $0x80, v3, vm0, $0xb8;
	[tilespmem:$0x18400] =	vst v63  }
0x156: {  	v3 =	vld [tilespmem:$0x190];
	_ =	sdelay $0x4  }
0x157: {  	v4 =	vshll.u32 v3, $0x2  }
0x158: {  	v3 =	vand.u32 $0x7, v3;
	v4 =	vand.u32 $0xFFFFFFE0, v4  }
0x159: {  	v3 =	vor.u32 v3, v4  }
0x15a: {  	v4 =	vperm.xlane v3, v0;
	_ =	sdelay $0x1  }
0x15b: {  	v4 =	vadd.s32 v1, v4;
	_ =	sdelay $0x1  }
0x15c: {  	v3 =	vperm.xlane v3, v2;
	_ =	sdelay $0x1  }
0x15d: {  	s9 =	simm.s32 $0xA400;
	v3 =	vadd.s32 v1, v3  }
0x15e: {  	[tilespmem:s9], [sflag:$0x2] =	stream.indirect_vreg.gather [hbm4b:s2+s0], $0x80, v4, vm0, $0xb8;
	[tilespmem:$0x18400] =	vst v63  }
0x15f: {  	s4 =	simm.s32 $0xAC00  }
0x160: {  	[tilespmem:s4], [sflag:$0x2] =	stream.indirect_vreg.gather [hbm4b:s5+s0], $0x80, v4, vm0, $0xb8;
	[tilespmem:$0x18400] =	vst v63  }
0x161: {  	_ = 	snop  }
0x162: {  	[tilespmem:s10], [sflag:$0x2] =	stream.indirect_vreg.gather [hbm4b:s2+s0], $0x80, v3, vm0, $0xb8;
	[tilespmem:$0x18400] =	vst v63  }
0x163: {  	_ = 	snop  }
0x164: {  	[tilespmem:s11], [sflag:$0x2] =	stream.indirect_vreg.gather [hbm4b:s5+s0], $0x80, v3, vm0, $0xb8;
	[tilespmem:$0x18400] =	vst v63  }
0x165: {  	v3 =	vld [tilespmem:$0x1A0];
	_ =	sdelay $0x4  }
0x166: {  	v4 =	vshll.u32 v3, $0x2  }
0x167: {  	v3 =	vand.u32 $0x7, v3;
	v4 =	vand.u32 $0xFFFFFFE0, v4  }
0x168: {  	v3 =	vor.u32 v3, v4  }
0x169: {  	v4 =	vperm.xlane v3, v0;
	_ =	sdelay $0x1  }
0x16a: {  	v4 =	vadd.s32 v1, v4;
	_ =	sdelay $0x1  }
0x16b: {  	v3 =	vperm.xlane v3, v2;
	_ =	sdelay $0x1  }
0x16c: {  	v3 =	vadd.s32 v1, v3  }
0x16d: {  	[tilespmem:s12], [sflag:$0x2] =	stream.indirect_vreg.gather [hbm4b:s2+s0], $0x80, v4, vm0, $0xb8;
	[tilespmem:$0x18400] =	vst v63  }
0x16e: {  	_ = 	snop  }
0x16f: {  	[tilespmem:s13], [sflag:$0x2] =	stream.indirect_vreg.gather [hbm4b:s5+s0], $0x80, v4, vm0, $0xb8;
	[tilespmem:$0x18400] =	vst v63  }
0x170: {  	_ = 	snop  }
0x171: {  	[tilespmem:s14], [sflag:$0x2] =	stream.indirect_vreg.gather [hbm4b:s2+s0], $0x80, v3, vm0, $0xb8;
	[tilespmem:$0x18400] =	vst v63  }
0x172: {  	_ = 	snop  }
0x173: {  	[tilespmem:s15], [sflag:$0x2] =	stream.indirect_vreg.gather [hbm4b:s5+s0], $0x80, v3, vm0, $0xb8;
	[tilespmem:$0x18400] =	vst v63  }
0x174: {  	v3 =	vld [tilespmem:$0x1B0];
	_ =	sdelay $0x4  }
0x175: {  	v4 =	vshll.u32 v3, $0x2  }
0x176: {  	v3 =	vand.u32 $0x7, v3;
	v4 =	vand.u32 $0xFFFFFFE0, v4  }
0x177: {  	v3 =	vor.u32 v3, v4  }
0x178: {  	v4 =	vperm.xlane v3, v0;
	_ =	sdelay $0x1  }
0x179: {  	v4 =	vadd.s32 v1, v4;
	_ =	sdelay $0x1  }
0x17a: {  	v3 =	vperm.xlane v3, v2;
	_ =	sdelay $0x1  }
0x17b: {  	v3 =	vadd.s32 v1, v3  }
0x17c: {  	[tilespmem:s16], [sflag:$0x2] =	stream.indirect_vreg.gather [hbm4b:s2+s0], $0x80, v4, vm0, $0xb8;
	[tilespmem:$0x18400] =	vst v63  }
0x17d: {  	_ = 	snop  }
0x17e: {  	[tilespmem:s17], [sflag:$0x2] =	stream.indirect_vreg.gather [hbm4b:s5+s0], $0x80, v4, vm0, $0xb8;
	[tilespmem:$0x18400] =	vst v63  }
0x17f: {  	_ = 	snop  }
0x180: {  	[tilespmem:s18], [sflag:$0x2] =	stream.indirect_vreg.gather [hbm4b:s2+s0], $0x80, v3, vm0, $0xb8;
	[tilespmem:$0x18400] =	vst v63  }
0x181: {  	_ = 	snop  }
0x182: {  	[tilespmem:s19], [sflag:$0x2] =	stream.indirect_vreg.gather [hbm4b:s5+s0], $0x80, v3, vm0, $0xb8;
	[tilespmem:$0x18400] =	vst v63  }
0x183: {  	_ =	swait.ge [sflag:s20], $0x8000  }
0x184: {  	s6 =	simm.s32 $0x0;
	[sflag:s20] =	ssyncset.done $0x0  }
0x185: {  	s1 =	sand.u32 $0x3FFFF000, s6;
	[sflag:s20] =	ssyncadd.s32 $0xFFFF8000  }
0x186: {  	s1 =	sor.u32 $0x400, s1;
	s7 =	sand.u32 $0x800, s0;
	_ =	swait.ge [sflag:s24], $0x4000  }
0x187: {  	s4 =	sor.u32 s7, s1;
	s0 =	sand.u32 $0x380, s0;
	[sflag:s24] =	ssyncset.done $0x0  }
0x188: {  	s4 =	sor.u32 s0, s4;
	[sflag:s24] =	ssyncadd.s32 $0xFFFFC000  }
0x189: {  	s6 =	simm.s32 $0x0;
	v3 =	vld [tilespmem:s4+$0x460]  }
0x18a: {  	s6 =	sand.u32 $0x8, s6;
	v4 =	vld [tilespmem:s4+$0x470]  }
0x18b: {  	s7 =	sshll.u32 s6, $0x8;
	v5 =	vld [tilespmem:s4+$0x420]  }
0x18c: {  	s1 =	sor.u32 s7, s1;
	v6 =	vld [tilespmem:s4+$0x430]  }
0x18d: {  	s1 =	sor.u32 s0, s1;
	v7 =	vld [tilespmem:s4+$0x440]  }
0x18e: {  	v9 =	vld [tilespmem:s1+$0x0]  }
0x18f: {  	v10 =	vld [tilespmem:s1+$0x10]  }
0x190: {  	v8 =	vld [tilespmem:s4+$0x450]  }
0x191: {  	s28 =	simm.s32 $0x800;
	s9 =	simm.s32 $0x100;
	v11 =	vld [tilespmem:s1+$0x20]  }
0x192: {  	s30 =	simm.s32 $0x40;
	s8 =	simm.s32 $0x0;
	s7 =	sand.u32 $0x3FFFF000, s9;
	v59 =	vld [tilespmem:s1+$0x30];
	v3 =	vadd.s32 $0x8000, v3;
	v4 =	vadd.s32 $0x8000, v4;
	v5 =	vadd.s32 $0x8000, v5  }
0x193: {  	s7 =	sor.u32 $0x400, s7;
	s4 =	sand.u32 $0x3FFFF800, s8;
	v60 =	vld [tilespmem:s1+$0x40];
	s8 =	sand.u32 $0x800, s28;
	v6 =	vadd.s32 $0x8000, v6;
	v7 =	vadd.s32 $0x8000, v7;
	v9 =	vadd.s32 $0x8000, v9  }
0x194: {  	s6 =	sshll.u32 s6, $0x7;
	s9 =	sand.u32 $0x380, s30;
	v61 =	vld [tilespmem:s1+$0x70];
	s8 =	sor.u32 s8, s7;
	v10 =	vadd.s32 $0x8000, v10;
	v3 =	vshrl.u32 v3, $0x10;
	v4 =	vand.u32 $0xFFFF0000, v4  }
0x195: {  	s4 =	sor.u32 s6, s4;
	s6 =	sor.u32 s9, s8;
	v3 =	vor.u32 v3, v4;
	v4 =	vshrl.u32 v5, $0x10;
	v5 =	vand.u32 $0xFFFF0000, v6;
	v6 =	vld [tilespmem:s1+$0x50]  }
0x196: {  	s0 =	sor.u32 s0, s4;
	v62 =	vld [tilespmem:s6+$0x470];
	v11 =	vadd.s32 $0x8000, v11;
	v4 =	vor.u32 v4, v5;
	v5 =	vadd.s32 $0x8000, v8  }
0x197: {  	s29 =	sadd.s32 $0x10400, s0;
	v12 =	vadd.s32 $0x8000, v59;
	v7 =	vshrl.u32 v7, $0x10;
	v8 =	vld [tilespmem:s1+$0x60];
	v5 =	vand.u32 $0xFFFF0000, v5  }
0x198: {  	v9 =	vshrl.u32 v9, $0x10;
	v10 =	vand.u32 $0xFFFF0000, v10;
	[tilespmem:s29+$0x70] =	vst v3;
	v5 =	vor.u32 v7, v5;
	v7 =	vld [tilespmem:s6+$0x460]  }
0x199: {  	v3 =	vor.u32 v9, v10;
	v9 =	vshrl.u32 v11, $0x10;
	v10 =	vand.u32 $0xFFFF0000, v12;
	v11 =	vld [tilespmem:s1+$0x400];
	[tilespmem:s29+$0x50] =	vst v4  }
0x19a: {  	s31 =	simm.s32 $0x8;
	v4 =	vadd.s32 $0x8000, v60;
	v9 =	vor.u32 v9, v10;
	v10 =	vld [tilespmem:s1+$0x410];
	[tilespmem:s0+$0x10400] =	vst v3;
	v6 =	vadd.s32 $0x8000, v6  }
0x19b: {  	s4 =	simm.s32 $0x80;
	v63 =	vld [tilespmem:s6+$0x420];
	s1 =	sand.u32 $0x8, s31;
	v3 =	vadd.s32 $0x8000, v61;
	v4 =	vshrl.u32 v4, $0x10;
	[tilespmem:s29+$0x60] =	vst v5;
	v5 =	vand.u32 $0xFFFF0000, v6  }
0x19c: {  	s4 =	sand.u32 $0x3FFFF800, s4;
	s8 =	sshll.u32 s1, $0x8;
	s1 =	sshll.u32 s1, $0x7;
	[tilespmem:s29+$0x10] =	vst v9;
	v9 =	vadd.s32 $0x8000, v62;
	v6 =	vadd.s32 $0x8000, v8;
	v5 =	vor.u32 v4, v5;
	v4 =	vld [tilespmem:s6+$0x430]  }
0x19d: {  	s0 =	sor.u32 s8, s7;
	s1 =	sor.u32 s1, s4;
	v8 =	vand.u32 $0xFFFF0000, v3;
	v3 =	vld [tilespmem:s6+$0x440];
	v6 =	vshrl.u32 v6, $0x10;
	v7 =	vadd.s32 $0x8000, v7  }
0x19e: {  	v9 =	vand.u32 $0xFFFF0000, v9;
	s0 =	sor.u32 s9, s0;
	s1 =	sor.u32 s9, s1;
	[tilespmem:s29+$0x20] =	vst v5;
	v6 =	vor.u32 v6, v8;
	v5 =	vld [tilespmem:s6+$0x450];
	v8 =	vshrl.u32 v7, $0x10  }
0x19f: {  	s4 =	sadd.s32 $0x10400, s1;
	v10 =	vadd.s32 $0x8000, v10;
	[tilespmem:s29+$0x30] =	vst v6;
	v6 =	vadd.s32 $0x8000, v11;
	v7 =	vld [tilespmem:s0+$0x0];
	v11 =	vor.u32 v8, v9  }
0x1a0: {  	v10 =	vand.u32 $0xFFFF0000, v10;
	v8 =	vshrl.u32 v6, $0x10;
	v6 =	vld [tilespmem:s0+$0x10];
	v9 =	vadd.s32 $0x8000, v63;
	[tilespmem:s4+$0x70] =	vst v11  }
.LBB2_6:
0x1a1: {  	s31 =	sadd.s32 $0x8, s31;
	v11 =	vld [tilespmem:s0+$0x20];
	v9 =	vshrl.u32 v9, $0x10;
	v4 =	vadd.s32 $0x8000, v4;
	v8 =	vor.u32 v8, v10  }
0x1a2: {  	s6 =	sshll.u32 s31, $0x5;
	p0 =	slt.u32 s31, $0x3F8;
	v10 =	vld [tilespmem:s0+$0x30];
	v4 =	vand.u32 $0xFFFF0000, v4;
	v3 =	vadd.s32 $0x8000, v3;
	[tilespmem:s29+$0x40] =	vst v8;
	s29 =	smov.u32 s4  }
0x1a3: {  	s28 =	sadd.s32 $0x800, s28;
	s4 =	sand.u32 $0x3FFFF000, s6;
	v8 =	vld [tilespmem:s0+$0x40];
	v4 =	vor.u32 v9, v4;
	v3 =	vshrl.u32 v3, $0x10;
	v5 =	vadd.s32 $0x8000, v5  }
0x1a4: {  	s30 =	sadd.s32 $0x40, s30;
	s6 =	sand.u32 $0x800, s28;
	s4 =	sor.u32 $0x400, s4;
	v7 =	vadd.s32 $0x8000, v7;
	v9 =	vld [tilespmem:s0+$0x50];
	[tilespmem:s29+$0x50] =	vst v4;
	v4 =	vand.u32 $0xFFFF0000, v5  }
0x1a5: {  	s7 =	sand.u32 $0x380, s30;
	s6 =	sor.u32 s6, s4;
	v5 =	vshrl.u32 v7, $0x10;
	v6 =	vadd.s32 $0x8000, v6;
	v7 =	vld [tilespmem:s0+$0x60];
	v3 =	vor.u32 v3, v4  }
0x1a6: {  	s6 =	sor.u32 s7, s6;
	v4 =	vand.u32 $0xFFFF0000, v6;
	v6 =	vadd.s32 $0x8000, v11;
	v11 =	vld [tilespmem:s0+$0x70];
	[tilespmem:s29+$0x60] =	vst v3  }
0x1a7: {  	v12 =	vld [tilespmem:s6+$0x460];
	v3 =	vor.u32 v5, v4;
	v4 =	vshrl.u32 v6, $0x10;
	v5 =	vadd.s32 $0x8000, v10  }
0x1a8: {  	v6 =	vld [tilespmem:s6+$0x470];
	[tilespmem:s1+$0x10400] =	vst v3;
	v3 =	vand.u32 $0xFFFF0000, v5;
	v5 =	vadd.s32 $0x8000, v8  }
0x1a9: {  	v3 =	vor.u32 v4, v3;
	v4 =	vshrl.u32 v5, $0x10;
	v5 =	vadd.s32 $0x8000, v9;
	v8 =	vld [tilespmem:s0+$0x400]  }
0x1aa: {  	s1 =	sshll.u32 s31, $0x4;
	[tilespmem:s29+$0x10] =	vst v3;
	v3 =	vand.u32 $0xFFFF0000, v5;
	v5 =	vadd.s32 $0x8000, v7;
	v9 =	vld [tilespmem:s0+$0x410]  }
0x1ab: {  	s1 =	sand.u32 $0x3FFFF800, s1;
	s0 =	sand.u32 $0x8, s31;
	v10 =	vld [tilespmem:s6+$0x420];
	v3 =	vor.u32 v4, v3;
	v5 =	vshrl.u32 v5, $0x10;
	v7 =	vadd.s32 $0x8000, v11  }
.Ltmp2:
0x1ac: {  	s8 =	sshll.u32 s0, $0x8;
	s0 =	sshll.u32 s0, $0x7;
	v4 =	vld [tilespmem:s6+$0x430];
	[tilespmem:s29+$0x20] =	vst v3;
	v7 =	vand.u32 $0xFFFF0000, v7;
	(pc) =	sbr.rel @p0 .LBB2_6-.Ltmp2, $4  }
0x1ad: {  	s4 =	sor.u32 s8, s4;
	s1 =	sor.u32 s0, s1;
	v11 =	vadd.s32 $0x8000, v12;
	v3 =	vld [tilespmem:s6+$0x440];
	v6 =	vadd.s32 $0x8000, v6;
	v7 =	vor.u32 v5, v7  }
0x1ae: {  	s0 =	sor.u32 s7, s4;
	s1 =	sor.u32 s7, s1;
	v11 =	vshrl.u32 v11, $0x10;
	v5 =	vld [tilespmem:s6+$0x450];
	v6 =	vand.u32 $0xFFFF0000, v6;
	[tilespmem:s29+$0x30] =	vst v7;
	v8 =	vadd.s32 $0x8000, v8  }
0x1af: {  	s4 =	sadd.s32 $0x10400, s1;
	v7 =	vld [tilespmem:s0+$0x0];
	v11 =	vor.u32 v11, v6;
	v8 =	vshrl.u32 v8, $0x10;
	v12 =	vadd.s32 $0x8000, v9  }
0x1b0: {  	v6 =	vld [tilespmem:s0+$0x10];
	v9 =	vadd.s32 $0x8000, v10;
	[tilespmem:s4+$0x70] =	vst v11;
	v10 =	vand.u32 $0xFFFF0000, v12  }
0x1b1: {  	v11 =	vld [tilespmem:s0+$0x20]  }
0x1b2: {  	v12 =	vld [tilespmem:s0+$0x30]  }
0x1b3: {  	v4 =	vadd.s32 $0x8000, v4;
	v13 =	vld [tilespmem:s0+$0x40]  }
0x1b4: {  	v9 =	vshrl.u32 v9, $0x10;
	v8 =	vor.u32 v8, v10;
	v10 =	vld [tilespmem:s0+$0x50];
	v4 =	vand.u32 $0xFFFF0000, v4  }
0x1b5: {  	v14 =	vld [tilespmem:s0+$0x70];
	v3 =	vadd.s32 $0x8000, v3;
	v4 =	vor.u32 v9, v4;
	v5 =	vadd.s32 $0x8000, v5  }
0x1b6: {  	v15 =	vld [tilespmem:s0+$0x410];
	v3 =	vshrl.u32 v3, $0x10;
	v7 =	vadd.s32 $0x8000, v7;
	v5 =	vand.u32 $0xFFFF0000, v5  }
0x1b7: {  	v9 =	vld [tilespmem:s0+$0x60];
	v7 =	vshrl.u32 v7, $0x10;
	v6 =	vadd.s32 $0x8000, v6;
	v3 =	vor.u32 v3, v5  }
0x1b8: {  	[tilespmem:s29+$0x40] =	vst v8;
	v5 =	vld [tilespmem:s0+$0x400];
	v6 =	vand.u32 $0xFFFF0000, v6;
	v11 =	vadd.s32 $0x8000, v11;
	v12 =	vadd.s32 $0x8000, v12  }
0x1b9: {  	[tilespmem:s4+$0x50] =	vst v4;
	v6 =	vor.u32 v7, v6;
	v7 =	vshrl.u32 v11, $0x10;
	v8 =	vand.u32 $0xFFFF0000, v12  }
0x1ba: {  	v4 =	vadd.s32 $0x8000, v13;
	[tilespmem:s4+$0x60] =	vst v3;
	v7 =	vor.u32 v7, v8;
	v8 =	vadd.s32 $0x8000, v10  }
0x1bb: {  	v3 =	vshrl.u32 v4, $0x10;
	[tilespmem:s1+$0x10400] =	vst v6;
	v6 =	vadd.s32 $0x8000, v14;
	v4 =	vand.u32 $0xFFFF0000, v8  }
0x1bc: {  	v8 =	vadd.s32 $0x8000, v9;
	[tilespmem:s4+$0x10] =	vst v7;
	v6 =	vand.u32 $0xFFFF0000, v6;
	v7 =	vadd.s32 $0x8000, v15  }
0x1bd: {  	v3 =	vor.u32 v3, v4;
	v4 =	vshrl.u32 v8, $0x10;
	v5 =	vadd.s32 $0x8000, v5  }
0x1be: {  	[tilespmem:s4+$0x20] =	vst v3;
	v3 =	vor.u32 v4, v6;
	v4 =	vshrl.u32 v5, $0x10;
	v5 =	vand.u32 $0xFFFF0000, v7  }
0x1bf: {  	[tilespmem:s4+$0x30] =	vst v3;
	v3 =	vor.u32 v4, v5  }
0x1c0: {  	[tilespmem:s4+$0x40] =	vst v3  }
0x1c1: {  	s0 =	simm.s32 $0x0;
	s1 =	rddreg [dreg:$0x6]  }
0x1c2: {  	[hbm4b:s1+s0] =	stream.linear.scatter [tilespmem:s21], [sflag:$0x3], $0x4000, $0x38;
	[tilespmem:$0x18400] =	vst v63  }
0x1c3: {  	v3 =	vld [tilespmem:$0x200];
	_ =	sdelay $0x4  }
0x1c4: {  	v4 =	vshll.u32 v3, $0x2  }
0x1c5: {  	v3 =	vand.u32 $0x7, v3;
	v4 =	vand.u32 $0xFFFFFFE0, v4  }
0x1c6: {  	v3 =	vor.u32 v3, v4  }
0x1c7: {  	v4 =	vperm.xlane v3, v0;
	_ =	sdelay $0x1  }
0x1c8: {  	v4 =	vadd.s32 v1, v4;
	_ =	sdelay $0x1  }
0x1c9: {  	v3 =	vperm.xlane v3, v2;
	_ =	sdelay $0x1  }
0x1ca: {  	s4 =	simm.s32 $0x400;
	v3 =	vadd.s32 v1, v3  }
0x1cb: {  	[tilespmem:s4], [sflag:$0x1] =	stream.indirect_vreg.gather [hbm4b:s2+s0], $0x80, v4, vm0, $0xb8;
	[tilespmem:$0x18400] =	vst v63  }
0x1cc: {  	s6 =	simm.s32 $0xC00  }
0x1cd: {  	[tilespmem:s6], [sflag:$0x1] =	stream.indirect_vreg.gather [hbm4b:s5+s0], $0x80, v4, vm0, $0xb8;
	[tilespmem:$0x18400] =	vst v63  }
0x1ce: {  	s7 =	simm.s32 $0x1400  }
0x1cf: {  	[tilespmem:s7], [sflag:$0x1] =	stream.indirect_vreg.gather [hbm4b:s2+s0], $0x80, v3, vm0, $0xb8;
	[tilespmem:$0x18400] =	vst v63  }
0x1d0: {  	s8 =	simm.s32 $0x1C00  }
0x1d1: {  	[tilespmem:s8], [sflag:$0x1] =	stream.indirect_vreg.gather [hbm4b:s5+s0], $0x80, v3, vm0, $0xb8;
	[tilespmem:$0x18400] =	vst v63  }
0x1d2: {  	v3 =	vld [tilespmem:$0x210];
	_ =	sdelay $0x4  }
0x1d3: {  	v4 =	vshll.u32 v3, $0x2  }
0x1d4: {  	v3 =	vand.u32 $0x7, v3;
	v4 =	vand.u32 $0xFFFFFFE0, v4  }
0x1d5: {  	v3 =	vor.u32 v3, v4  }
0x1d6: {  	v4 =	vperm.xlane v3, v0;
	_ =	sdelay $0x1  }
0x1d7: {  	v4 =	vadd.s32 v1, v4;
	_ =	sdelay $0x1  }
0x1d8: {  	v3 =	vperm.xlane v3, v2;
	_ =	sdelay $0x1  }
0x1d9: {  	s9 =	simm.s32 $0x2400;
	v3 =	vadd.s32 v1, v3  }
0x1da: {  	[tilespmem:s9], [sflag:$0x1] =	stream.indirect_vreg.gather [hbm4b:s2+s0], $0x80, v4, vm0, $0xb8;
	[tilespmem:$0x18400] =	vst v63  }
0x1db: {  	s4 =	simm.s32 $0x2C00  }
0x1dc: {  	[tilespmem:s4], [sflag:$0x1] =	stream.indirect_vreg.gather [hbm4b:s5+s0], $0x80, v4, vm0, $0xb8;
	[tilespmem:$0x18400] =	vst v63  }
0x1dd: {  	s6 =	simm.s32 $0x3400  }
0x1de: {  	[tilespmem:s6], [sflag:$0x1] =	stream.indirect_vreg.gather [hbm4b:s2+s0], $0x80, v3, vm0, $0xb8;
	[tilespmem:$0x18400] =	vst v63  }
0x1df: {  	s7 =	simm.s32 $0x3C00  }
0x1e0: {  	[tilespmem:s7], [sflag:$0x1] =	stream.indirect_vreg.gather [hbm4b:s5+s0], $0x80, v3, vm0, $0xb8;
	[tilespmem:$0x18400] =	vst v63  }
0x1e1: {  	v3 =	vld [tilespmem:$0x220];
	_ =	sdelay $0x4  }
0x1e2: {  	v4 =	vshll.u32 v3, $0x2  }
0x1e3: {  	v3 =	vand.u32 $0x7, v3;
	v4 =	vand.u32 $0xFFFFFFE0, v4  }
0x1e4: {  	v3 =	vor.u32 v3, v4  }
0x1e5: {  	v4 =	vperm.xlane v3, v0;
	_ =	sdelay $0x1  }
0x1e6: {  	v4 =	vadd.s32 v1, v4;
	_ =	sdelay $0x1  }
0x1e7: {  	v3 =	vperm.xlane v3, v2;
	_ =	sdelay $0x1  }
0x1e8: {  	s8 =	simm.s32 $0x4400;
	v3 =	vadd.s32 v1, v3  }
0x1e9: {  	[tilespmem:s8], [sflag:$0x1] =	stream.indirect_vreg.gather [hbm4b:s2+s0], $0x80, v4, vm0, $0xb8;
	[tilespmem:$0x18400] =	vst v63  }
0x1ea: {  	s9 =	simm.s32 $0x4C00  }
0x1eb: {  	[tilespmem:s9], [sflag:$0x1] =	stream.indirect_vreg.gather [hbm4b:s5+s0], $0x80, v4, vm0, $0xb8;
	[tilespmem:$0x18400] =	vst v63  }
0x1ec: {  	s4 =	simm.s32 $0x5400  }
0x1ed: {  	[tilespmem:s4], [sflag:$0x1] =	stream.indirect_vreg.gather [hbm4b:s2+s0], $0x80, v3, vm0, $0xb8;
	[tilespmem:$0x18400] =	vst v63  }
0x1ee: {  	s6 =	simm.s32 $0x5C00  }
0x1ef: {  	[tilespmem:s6], [sflag:$0x1] =	stream.indirect_vreg.gather [hbm4b:s5+s0], $0x80, v3, vm0, $0xb8;
	[tilespmem:$0x18400] =	vst v63  }
0x1f0: {  	v3 =	vld [tilespmem:$0x230];
	_ =	sdelay $0x4  }
0x1f1: {  	v4 =	vshll.u32 v3, $0x2  }
0x1f2: {  	v3 =	vand.u32 $0x7, v3;
	v4 =	vand.u32 $0xFFFFFFE0, v4  }
0x1f3: {  	v3 =	vor.u32 v3, v4  }
0x1f4: {  	v4 =	vperm.xlane v3, v0;
	_ =	sdelay $0x1  }
0x1f5: {  	v4 =	vadd.s32 v1, v4;
	_ =	sdelay $0x1  }
0x1f6: {  	v3 =	vperm.xlane v3, v2;
	_ =	sdelay $0x1  }
0x1f7: {  	s7 =	simm.s32 $0x6400;
	v3 =	vadd.s32 v1, v3  }
0x1f8: {  	[tilespmem:s7], [sflag:$0x1] =	stream.indirect_vreg.gather [hbm4b:s2+s0], $0x80, v4, vm0, $0xb8;
	[tilespmem:$0x18400] =	vst v63  }
0x1f9: {  	s8 =	simm.s32 $0x6C00  }
0x1fa: {  	[tilespmem:s8], [sflag:$0x1] =	stream.indirect_vreg.gather [hbm4b:s5+s0], $0x80, v4, vm0, $0xb8;
	[tilespmem:$0x18400] =	vst v63  }
0x1fb: {  	s9 =	simm.s32 $0x7400  }
0x1fc: {  	[tilespmem:s9], [sflag:$0x1] =	stream.indirect_vreg.gather [hbm4b:s2+s0], $0x80, v3, vm0, $0xb8;
	[tilespmem:$0x18400] =	vst v63  }
0x1fd: {  	s4 =	simm.s32 $0x7C00  }
0x1fe: {  	[tilespmem:s4], [sflag:$0x1] =	stream.indirect_vreg.gather [hbm4b:s5+s0], $0x80, v3, vm0, $0xb8;
	[tilespmem:$0x18400] =	vst v63  }
0x1ff: {  	_ =	swait.ge [sflag:s22], $0x8000  }
0x200: {  	s6 =	simm.s32 $0x0;
	[sflag:s22] =	ssyncset.done $0x0  }
0x201: {  	s1 =	sand.u32 $0x3FFFF000, s6;
	[sflag:s22] =	ssyncadd.s32 $0xFFFF8000  }
0x202: {  	s1 =	sadd.s32 $0x8400, s1;
	s7 =	sand.u32 $0x800, s0;
	_ =	swait.ge [sflag:s25], $0x4000  }
0x203: {  	s0 =	sand.u32 $0x380, s0;
	s4 =	sor.u32 s7, s1;
	[sflag:s25] =	ssyncset.done $0x0  }
0x204: {  	s4 =	sor.u32 s0, s4;
	[sflag:s25] =	ssyncadd.s32 $0xFFFFC000  }
0x205: {  	s6 =	simm.s32 $0x0;
	v3 =	vld [tilespmem:s4+$0x460]  }
0x206: {  	s6 =	sand.u32 $0x8, s6;
	v4 =	vld [tilespmem:s4+$0x470]  }
0x207: {  	s7 =	sshll.u32 s6, $0x8;
	v5 =	vld [tilespmem:s4+$0x420]  }
0x208: {  	s1 =	sor.u32 s7, s1;
	v6 =	vld [tilespmem:s4+$0x430]  }
0x209: {  	s1 =	sor.u32 s0, s1;
	v7 =	vld [tilespmem:s4+$0x440]  }
0x20a: {  	v9 =	vld [tilespmem:s1+$0x0]  }
0x20b: {  	v10 =	vld [tilespmem:s1+$0x10]  }
0x20c: {  	v8 =	vld [tilespmem:s4+$0x450]  }
0x20d: {  	s28 =	simm.s32 $0x800;
	s9 =	simm.s32 $0x100;
	v11 =	vld [tilespmem:s1+$0x20]  }
0x20e: {  	s30 =	simm.s32 $0x40;
	s8 =	simm.s32 $0x0;
	s7 =	sand.u32 $0x3FFFF000, s9;
	v59 =	vld [tilespmem:s1+$0x30];
	v3 =	vadd.s32 $0x8000, v3;
	v4 =	vadd.s32 $0x8000, v4;
	v5 =	vadd.s32 $0x8000, v5  }
0x20f: {  	s7 =	sadd.s32 $0x8400, s7;
	s4 =	sand.u32 $0x3FFFF800, s8;
	v60 =	vld [tilespmem:s1+$0x40];
	s8 =	sand.u32 $0x800, s28;
	v6 =	vadd.s32 $0x8000, v6;
	v7 =	vadd.s32 $0x8000, v7;
	v9 =	vadd.s32 $0x8000, v9  }
0x210: {  	s6 =	sshll.u32 s6, $0x7;
	s9 =	sand.u32 $0x380, s30;
	v61 =	vld [tilespmem:s1+$0x70];
	s8 =	sor.u32 s8, s7;
	v10 =	vadd.s32 $0x8000, v10;
	v3 =	vshrl.u32 v3, $0x10;
	v4 =	vand.u32 $0xFFFF0000, v4  }
0x211: {  	s4 =	sor.u32 s6, s4;
	s6 =	sor.u32 s9, s8;
	v3 =	vor.u32 v3, v4;
	v4 =	vshrl.u32 v5, $0x10;
	v5 =	vand.u32 $0xFFFF0000, v6;
	v6 =	vld [tilespmem:s1+$0x50]  }
0x212: {  	s0 =	sor.u32 s0, s4;
	v62 =	vld [tilespmem:s6+$0x470];
	v11 =	vadd.s32 $0x8000, v11;
	v4 =	vor.u32 v4, v5;
	v5 =	vadd.s32 $0x8000, v8  }
0x213: {  	s29 =	sadd.s32 $0x10400, s0;
	v12 =	vadd.s32 $0x8000, v59;
	v7 =	vshrl.u32 v7, $0x10;
	v8 =	vld [tilespmem:s1+$0x60];
	v5 =	vand.u32 $0xFFFF0000, v5  }
0x214: {  	v9 =	vshrl.u32 v9, $0x10;
	v10 =	vand.u32 $0xFFFF0000, v10;
	[tilespmem:s29+$0x4070] =	vst v3;
	v5 =	vor.u32 v7, v5;
	v7 =	vld [tilespmem:s6+$0x460]  }
0x215: {  	v3 =	vor.u32 v9, v10;
	v9 =	vshrl.u32 v11, $0x10;
	v10 =	vand.u32 $0xFFFF0000, v12;
	v11 =	vld [tilespmem:s1+$0x400];
	[tilespmem:s29+$0x4050] =	vst v4  }
0x216: {  	s31 =	simm.s32 $0x8;
	v4 =	vadd.s32 $0x8000, v60;
	v9 =	vor.u32 v9, v10;
	v10 =	vld [tilespmem:s1+$0x410];
	[tilespmem:s0+$0x14400] =	vst v3;
	v6 =	vadd.s32 $0x8000, v6  }
0x217: {  	s4 =	simm.s32 $0x80;
	v63 =	vld [tilespmem:s6+$0x420];
	s1 =	sand.u32 $0x8, s31;
	v3 =	vadd.s32 $0x8000, v61;
	v4 =	vshrl.u32 v4, $0x10;
	[tilespmem:s29+$0x4060] =	vst v5;
	v5 =	vand.u32 $0xFFFF0000, v6  }
0x218: {  	s4 =	sand.u32 $0x3FFFF800, s4;
	s8 =	sshll.u32 s1, $0x8;
	s1 =	sshll.u32 s1, $0x7;
	[tilespmem:s29+$0x4010] =	vst v9;
	v9 =	vadd.s32 $0x8000, v62;
	v6 =	vadd.s32 $0x8000, v8;
	v5 =	vor.u32 v4, v5;
	v4 =	vld [tilespmem:s6+$0x430]  }
0x219: {  	s0 =	sor.u32 s8, s7;
	s1 =	sor.u32 s1, s4;
	v8 =	vand.u32 $0xFFFF0000, v3;
	v3 =	vld [tilespmem:s6+$0x440];
	v6 =	vshrl.u32 v6, $0x10;
	v7 =	vadd.s32 $0x8000, v7  }
0x21a: {  	v9 =	vand.u32 $0xFFFF0000, v9;
	s0 =	sor.u32 s9, s0;
	s1 =	sor.u32 s9, s1;
	[tilespmem:s29+$0x4020] =	vst v5;
	v6 =	vor.u32 v6, v8;
	v5 =	vld [tilespmem:s6+$0x450];
	v8 =	vshrl.u32 v7, $0x10  }
0x21b: {  	s4 =	sadd.s32 $0x10400, s1;
	v10 =	vadd.s32 $0x8000, v10;
	[tilespmem:s29+$0x4030] =	vst v6;
	v6 =	vadd.s32 $0x8000, v11;
	v7 =	vld [tilespmem:s0+$0x0];
	v11 =	vor.u32 v8, v9  }
0x21c: {  	v10 =	vand.u32 $0xFFFF0000, v10;
	v8 =	vshrl.u32 v6, $0x10;
	v6 =	vld [tilespmem:s0+$0x10];
	v9 =	vadd.s32 $0x8000, v63;
	[tilespmem:s4+$0x4070] =	vst v11  }
.LBB2_8:
0x21d: {  	s31 =	sadd.s32 $0x8, s31;
	v11 =	vld [tilespmem:s0+$0x20];
	v9 =	vshrl.u32 v9, $0x10;
	v4 =	vadd.s32 $0x8000, v4;
	v8 =	vor.u32 v8, v10  }
0x21e: {  	s6 =	sshll.u32 s31, $0x5;
	p0 =	slt.u32 s31, $0x3F8;
	v10 =	vld [tilespmem:s0+$0x30];
	v4 =	vand.u32 $0xFFFF0000, v4;
	v3 =	vadd.s32 $0x8000, v3;
	[tilespmem:s29+$0x4040] =	vst v8;
	s29 =	smov.u32 s4  }
0x21f: {  	s28 =	sadd.s32 $0x800, s28;
	s4 =	sand.u32 $0x3FFFF000, s6;
	v8 =	vld [tilespmem:s0+$0x40];
	v4 =	vor.u32 v9, v4;
	v3 =	vshrl.u32 v3, $0x10;
	v5 =	vadd.s32 $0x8000, v5  }
0x220: {  	s30 =	sadd.s32 $0x40, s30;
	s6 =	sand.u32 $0x800, s28;
	s4 =	sadd.s32 $0x8400, s4;
	v7 =	vadd.s32 $0x8000, v7;
	v9 =	vld [tilespmem:s0+$0x50];
	[tilespmem:s29+$0x4050] =	vst v4;
	v4 =	vand.u32 $0xFFFF0000, v5  }
0x221: {  	s7 =	sand.u32 $0x380, s30;
	s6 =	sor.u32 s6, s4;
	v5 =	vshrl.u32 v7, $0x10;
	v6 =	vadd.s32 $0x8000, v6;
	v7 =	vld [tilespmem:s0+$0x60];
	v3 =	vor.u32 v3, v4  }
0x222: {  	s6 =	sor.u32 s7, s6;
	v4 =	vand.u32 $0xFFFF0000, v6;
	v6 =	vadd.s32 $0x8000, v11;
	v11 =	vld [tilespmem:s0+$0x70];
	[tilespmem:s29+$0x4060] =	vst v3  }
0x223: {  	v12 =	vld [tilespmem:s6+$0x460];
	v3 =	vor.u32 v5, v4;
	v4 =	vshrl.u32 v6, $0x10;
	v5 =	vadd.s32 $0x8000, v10  }
0x224: {  	v6 =	vld [tilespmem:s6+$0x470];
	[tilespmem:s1+$0x14400] =	vst v3;
	v3 =	vand.u32 $0xFFFF0000, v5;
	v5 =	vadd.s32 $0x8000, v8  }
0x225: {  	v3 =	vor.u32 v4, v3;
	v4 =	vshrl.u32 v5, $0x10;
	v5 =	vadd.s32 $0x8000, v9;
	v8 =	vld [tilespmem:s0+$0x400]  }
0x226: {  	s1 =	sshll.u32 s31, $0x4;
	[tilespmem:s29+$0x4010] =	vst v3;
	v3 =	vand.u32 $0xFFFF0000, v5;
	v5 =	vadd.s32 $0x8000, v7;
	v9 =	vld [tilespmem:s0+$0x410]  }
0x227: {  	s1 =	sand.u32 $0x3FFFF800, s1;
	s0 =	sand.u32 $0x8, s31;
	v10 =	vld [tilespmem:s6+$0x420];
	v3 =	vor.u32 v4, v3;
	v5 =	vshrl.u32 v5, $0x10;
	v7 =	vadd.s32 $0x8000, v11  }
.Ltmp3:
0x228: {  	s8 =	sshll.u32 s0, $0x8;
	s0 =	sshll.u32 s0, $0x7;
	v4 =	vld [tilespmem:s6+$0x430];
	[tilespmem:s29+$0x4020] =	vst v3;
	v7 =	vand.u32 $0xFFFF0000, v7;
	(pc) =	sbr.rel @p0 .LBB2_8-.Ltmp3, $4  }
0x229: {  	s4 =	sor.u32 s8, s4;
	s1 =	sor.u32 s0, s1;
	v11 =	vadd.s32 $0x8000, v12;
	v3 =	vld [tilespmem:s6+$0x440];
	v6 =	vadd.s32 $0x8000, v6;
	v7 =	vor.u32 v5, v7  }
0x22a: {  	s0 =	sor.u32 s7, s4;
	s1 =	sor.u32 s7, s1;
	v11 =	vshrl.u32 v11, $0x10;
	v5 =	vld [tilespmem:s6+$0x450];
	v6 =	vand.u32 $0xFFFF0000, v6;
	[tilespmem:s29+$0x4030] =	vst v7;
	v8 =	vadd.s32 $0x8000, v8  }
0x22b: {  	s4 =	sadd.s32 $0x10400, s1;
	v7 =	vld [tilespmem:s0+$0x0];
	v11 =	vor.u32 v11, v6;
	v8 =	vshrl.u32 v8, $0x10;
	v12 =	vadd.s32 $0x8000, v9  }
0x22c: {  	v6 =	vld [tilespmem:s0+$0x10];
	v9 =	vadd.s32 $0x8000, v10;
	[tilespmem:s4+$0x4070] =	vst v11;
	v10 =	vand.u32 $0xFFFF0000, v12  }
0x22d: {  	v11 =	vld [tilespmem:s0+$0x20]  }
0x22e: {  	v12 =	vld [tilespmem:s0+$0x30]  }
0x22f: {  	v4 =	vadd.s32 $0x8000, v4;
	v13 =	vld [tilespmem:s0+$0x40]  }
0x230: {  	v9 =	vshrl.u32 v9, $0x10;
	v8 =	vor.u32 v8, v10;
	v10 =	vld [tilespmem:s0+$0x50];
	v4 =	vand.u32 $0xFFFF0000, v4  }
0x231: {  	v14 =	vld [tilespmem:s0+$0x70];
	v3 =	vadd.s32 $0x8000, v3;
	v4 =	vor.u32 v9, v4;
	v5 =	vadd.s32 $0x8000, v5  }
0x232: {  	v15 =	vld [tilespmem:s0+$0x410];
	v3 =	vshrl.u32 v3, $0x10;
	v7 =	vadd.s32 $0x8000, v7;
	v5 =	vand.u32 $0xFFFF0000, v5  }
0x233: {  	v9 =	vld [tilespmem:s0+$0x60];
	v7 =	vshrl.u32 v7, $0x10;
	v6 =	vadd.s32 $0x8000, v6;
	v3 =	vor.u32 v3, v5  }
0x234: {  	[tilespmem:s29+$0x4040] =	vst v8;
	v5 =	vld [tilespmem:s0+$0x400];
	v6 =	vand.u32 $0xFFFF0000, v6;
	v11 =	vadd.s32 $0x8000, v11;
	v12 =	vadd.s32 $0x8000, v12  }
0x235: {  	[tilespmem:s4+$0x4050] =	vst v4;
	v6 =	vor.u32 v7, v6;
	v7 =	vshrl.u32 v11, $0x10;
	v8 =	vand.u32 $0xFFFF0000, v12  }
0x236: {  	v4 =	vadd.s32 $0x8000, v13;
	[tilespmem:s4+$0x4060] =	vst v3;
	v7 =	vor.u32 v7, v8;
	v8 =	vadd.s32 $0x8000, v10  }
0x237: {  	v3 =	vshrl.u32 v4, $0x10;
	[tilespmem:s1+$0x14400] =	vst v6;
	v6 =	vadd.s32 $0x8000, v14;
	v4 =	vand.u32 $0xFFFF0000, v8  }
0x238: {  	v8 =	vadd.s32 $0x8000, v9;
	[tilespmem:s4+$0x4010] =	vst v7;
	v6 =	vand.u32 $0xFFFF0000, v6;
	v7 =	vadd.s32 $0x8000, v15  }
0x239: {  	v3 =	vor.u32 v3, v4;
	v4 =	vshrl.u32 v8, $0x10;
	v5 =	vadd.s32 $0x8000, v5  }
0x23a: {  	[tilespmem:s4+$0x4020] =	vst v3;
	v3 =	vor.u32 v4, v6;
	v4 =	vshrl.u32 v5, $0x10;
	v5 =	vand.u32 $0xFFFF0000, v7  }
0x23b: {  	[tilespmem:s4+$0x4030] =	vst v3;
	v3 =	vor.u32 v4, v5  }
0x23c: {  	[tilespmem:s4+$0x4040] =	vst v3  }
0x23d: {  	s0 =	simm.s32 $0x0;
	s1 =	rddreg [dreg:$0x7]  }
0x23e: {  	[hbm4b:s1+s0] =	stream.linear.scatter [tilespmem:s23], [sflag:$0x4], $0x4000, $0x38;
	[tilespmem:$0x18400] =	vst v63  }
0x23f: {  	v3 =	vld [tilespmem:$0x280];
	_ =	sdelay $0x4  }
0x240: {  	v4 =	vshll.u32 v3, $0x2  }
0x241: {  	v3 =	vand.u32 $0x7, v3;
	v4 =	vand.u32 $0xFFFFFFE0, v4  }
0x242: {  	v3 =	vor.u32 v3, v4  }
0x243: {  	v4 =	vperm.xlane v3, v0;
	_ =	sdelay $0x1  }
0x244: {  	v4 =	vadd.s32 v1, v4;
	_ =	sdelay $0x1  }
0x245: {  	v3 =	vperm.xlane v3, v2;
	_ =	sdelay $0x1  }
0x246: {  	s4 =	simm.s32 $0x8400;
	v3 =	vadd.s32 v1, v3  }
0x247: {  	[tilespmem:s4], [sflag:$0x2] =	stream.indirect_vreg.gather [hbm4b:s2+s0], $0x80, v4, vm0, $0xb8;
	[tilespmem:$0x18400] =	vst v63  }
0x248: {  	s6 =	simm.s32 $0x8C00  }
0x249: {  	[tilespmem:s6], [sflag:$0x2] =	stream.indirect_vreg.gather [hbm4b:s5+s0], $0x80, v4, vm0, $0xb8;
	[tilespmem:$0x18400] =	vst v63  }
0x24a: {  	s7 =	simm.s32 $0x9400  }
0x24b: {  	[tilespmem:s7], [sflag:$0x2] =	stream.indirect_vreg.gather [hbm4b:s2+s0], $0x80, v3, vm0, $0xb8;
	[tilespmem:$0x18400] =	vst v63  }
0x24c: {  	s8 =	simm.s32 $0x9C00  }
0x24d: {  	[tilespmem:s8], [sflag:$0x2] =	stream.indirect_vreg.gather [hbm4b:s5+s0], $0x80, v3, vm0, $0xb8;
	[tilespmem:$0x18400] =	vst v63  }
0x24e: {  	v3 =	vld [tilespmem:$0x290];
	_ =	sdelay $0x4  }
0x24f: {  	v4 =	vshll.u32 v3, $0x2  }
0x250: {  	v3 =	vand.u32 $0x7, v3;
	v4 =	vand.u32 $0xFFFFFFE0, v4  }
0x251: {  	v3 =	vor.u32 v3, v4  }
0x252: {  	v4 =	vperm.xlane v3, v0;
	_ =	sdelay $0x1  }
0x253: {  	v4 =	vadd.s32 v1, v4;
	_ =	sdelay $0x1  }
0x254: {  	v3 =	vperm.xlane v3, v2;
	_ =	sdelay $0x1  }
0x255: {  	s9 =	simm.s32 $0xA400;
	v3 =	vadd.s32 v1, v3  }
0x256: {  	[tilespmem:s9], [sflag:$0x2] =	stream.indirect_vreg.gather [hbm4b:s2+s0], $0x80, v4, vm0, $0xb8;
	[tilespmem:$0x18400] =	vst v63  }
0x257: {  	s4 =	simm.s32 $0xAC00  }
0x258: {  	[tilespmem:s4], [sflag:$0x2] =	stream.indirect_vreg.gather [hbm4b:s5+s0], $0x80, v4, vm0, $0xb8;
	[tilespmem:$0x18400] =	vst v63  }
0x259: {  	_ = 	snop  }
0x25a: {  	[tilespmem:s10], [sflag:$0x2] =	stream.indirect_vreg.gather [hbm4b:s2+s0], $0x80, v3, vm0, $0xb8;
	[tilespmem:$0x18400] =	vst v63  }
0x25b: {  	_ = 	snop  }
0x25c: {  	[tilespmem:s11], [sflag:$0x2] =	stream.indirect_vreg.gather [hbm4b:s5+s0], $0x80, v3, vm0, $0xb8;
	[tilespmem:$0x18400] =	vst v63  }
0x25d: {  	v3 =	vld [tilespmem:$0x2A0];
	_ =	sdelay $0x4  }
0x25e: {  	v4 =	vshll.u32 v3, $0x2  }
0x25f: {  	v3 =	vand.u32 $0x7, v3;
	v4 =	vand.u32 $0xFFFFFFE0, v4  }
0x260: {  	v3 =	vor.u32 v3, v4  }
0x261: {  	v4 =	vperm.xlane v3, v0;
	_ =	sdelay $0x1  }
0x262: {  	v4 =	vadd.s32 v1, v4;
	_ =	sdelay $0x1  }
0x263: {  	v3 =	vperm.xlane v3, v2;
	_ =	sdelay $0x1  }
0x264: {  	v3 =	vadd.s32 v1, v3  }
0x265: {  	[tilespmem:s12], [sflag:$0x2] =	stream.indirect_vreg.gather [hbm4b:s2+s0], $0x80, v4, vm0, $0xb8;
	[tilespmem:$0x18400] =	vst v63  }
0x266: {  	_ = 	snop  }
0x267: {  	[tilespmem:s13], [sflag:$0x2] =	stream.indirect_vreg.gather [hbm4b:s5+s0], $0x80, v4, vm0, $0xb8;
	[tilespmem:$0x18400] =	vst v63  }
0x268: {  	_ = 	snop  }
0x269: {  	[tilespmem:s14], [sflag:$0x2] =	stream.indirect_vreg.gather [hbm4b:s2+s0], $0x80, v3, vm0, $0xb8;
	[tilespmem:$0x18400] =	vst v63  }
0x26a: {  	_ = 	snop  }
0x26b: {  	[tilespmem:s15], [sflag:$0x2] =	stream.indirect_vreg.gather [hbm4b:s5+s0], $0x80, v3, vm0, $0xb8;
	[tilespmem:$0x18400] =	vst v63  }
0x26c: {  	v3 =	vld [tilespmem:$0x2B0];
	_ =	sdelay $0x4  }
0x26d: {  	v4 =	vshll.u32 v3, $0x2  }
0x26e: {  	v3 =	vand.u32 $0x7, v3;
	v4 =	vand.u32 $0xFFFFFFE0, v4  }
0x26f: {  	v3 =	vor.u32 v3, v4  }
0x270: {  	v4 =	vperm.xlane v3, v0;
	_ =	sdelay $0x1  }
0x271: {  	v4 =	vadd.s32 v1, v4;
	_ =	sdelay $0x1  }
0x272: {  	v3 =	vperm.xlane v3, v2;
	_ =	sdelay $0x1  }
0x273: {  	v3 =	vadd.s32 v1, v3  }
0x274: {  	[tilespmem:s16], [sflag:$0x2] =	stream.indirect_vreg.gather [hbm4b:s2+s0], $0x80, v4, vm0, $0xb8;
	[tilespmem:$0x18400] =	vst v63  }
0x275: {  	_ = 	snop  }
0x276: {  	[tilespmem:s17], [sflag:$0x2] =	stream.indirect_vreg.gather [hbm4b:s5+s0], $0x80, v4, vm0, $0xb8;
	[tilespmem:$0x18400] =	vst v63  }
0x277: {  	_ = 	snop  }
0x278: {  	[tilespmem:s18], [sflag:$0x2] =	stream.indirect_vreg.gather [hbm4b:s2+s0], $0x80, v3, vm0, $0xb8;
	[tilespmem:$0x18400] =	vst v63  }
0x279: {  	_ = 	snop  }
0x27a: {  	[tilespmem:s19], [sflag:$0x2] =	stream.indirect_vreg.gather [hbm4b:s5+s0], $0x80, v3, vm0, $0xb8;
	[tilespmem:$0x18400] =	vst v63  }
0x27b: {  	_ =	swait.ge [sflag:s20], $0x8000  }
0x27c: {  	s6 =	simm.s32 $0x0;
	[sflag:s20] =	ssyncset.done $0x0  }
0x27d: {  	s1 =	sand.u32 $0x3FFFF000, s6;
	[sflag:s20] =	ssyncadd.s32 $0xFFFF8000  }
0x27e: {  	s1 =	sor.u32 $0x400, s1;
	s7 =	sand.u32 $0x800, s0;
	_ =	swait.ge [sflag:s24], $0x4000  }
0x27f: {  	s4 =	sor.u32 s7, s1;
	s0 =	sand.u32 $0x380, s0;
	[sflag:s24] =	ssyncset.done $0x0  }
0x280: {  	s4 =	sor.u32 s0, s4;
	[sflag:s24] =	ssyncadd.s32 $0xFFFFC000  }
0x281: {  	s6 =	simm.s32 $0x0;
	v3 =	vld [tilespmem:s4+$0x460]  }
0x282: {  	s6 =	sand.u32 $0x8, s6;
	v4 =	vld [tilespmem:s4+$0x470]  }
0x283: {  	s7 =	sshll.u32 s6, $0x8;
	v5 =	vld [tilespmem:s4+$0x420]  }
0x284: {  	s1 =	sor.u32 s7, s1;
	v6 =	vld [tilespmem:s4+$0x430]  }
0x285: {  	s1 =	sor.u32 s0, s1;
	v7 =	vld [tilespmem:s4+$0x440]  }
0x286: {  	v9 =	vld [tilespmem:s1+$0x0]  }
0x287: {  	v10 =	vld [tilespmem:s1+$0x10]  }
0x288: {  	v8 =	vld [tilespmem:s4+$0x450]  }
0x289: {  	s28 =	simm.s32 $0x800;
	s9 =	simm.s32 $0x100;
	v11 =	vld [tilespmem:s1+$0x20]  }
0x28a: {  	s30 =	simm.s32 $0x40;
	s8 =	simm.s32 $0x0;
	s7 =	sand.u32 $0x3FFFF000, s9;
	v59 =	vld [tilespmem:s1+$0x30];
	v3 =	vadd.s32 $0x8000, v3;
	v4 =	vadd.s32 $0x8000, v4;
	v5 =	vadd.s32 $0x8000, v5  }
0x28b: {  	s7 =	sor.u32 $0x400, s7;
	s4 =	sand.u32 $0x3FFFF800, s8;
	v60 =	vld [tilespmem:s1+$0x40];
	s8 =	sand.u32 $0x800, s28;
	v6 =	vadd.s32 $0x8000, v6;
	v7 =	vadd.s32 $0x8000, v7;
	v9 =	vadd.s32 $0x8000, v9  }
0x28c: {  	s6 =	sshll.u32 s6, $0x7;
	s9 =	sand.u32 $0x380, s30;
	v61 =	vld [tilespmem:s1+$0x70];
	s8 =	sor.u32 s8, s7;
	v10 =	vadd.s32 $0x8000, v10;
	v3 =	vshrl.u32 v3, $0x10;
	v4 =	vand.u32 $0xFFFF0000, v4  }
0x28d: {  	s4 =	sor.u32 s6, s4;
	s6 =	sor.u32 s9, s8;
	v3 =	vor.u32 v3, v4;
	v4 =	vshrl.u32 v5, $0x10;
	v5 =	vand.u32 $0xFFFF0000, v6;
	v6 =	vld [tilespmem:s1+$0x50]  }
0x28e: {  	s0 =	sor.u32 s0, s4;
	v62 =	vld [tilespmem:s6+$0x470];
	v11 =	vadd.s32 $0x8000, v11;
	v4 =	vor.u32 v4, v5;
	v5 =	vadd.s32 $0x8000, v8  }
0x28f: {  	s29 =	sadd.s32 $0x10400, s0;
	v12 =	vadd.s32 $0x8000, v59;
	v7 =	vshrl.u32 v7, $0x10;
	v8 =	vld [tilespmem:s1+$0x60];
	v5 =	vand.u32 $0xFFFF0000, v5  }
0x290: {  	v9 =	vshrl.u32 v9, $0x10;
	v10 =	vand.u32 $0xFFFF0000, v10;
	[tilespmem:s29+$0x70] =	vst v3;
	v5 =	vor.u32 v7, v5;
	v7 =	vld [tilespmem:s6+$0x460]  }
0x291: {  	v3 =	vor.u32 v9, v10;
	v9 =	vshrl.u32 v11, $0x10;
	v10 =	vand.u32 $0xFFFF0000, v12;
	v11 =	vld [tilespmem:s1+$0x400];
	[tilespmem:s29+$0x50] =	vst v4  }
0x292: {  	s31 =	simm.s32 $0x8;
	v4 =	vadd.s32 $0x8000, v60;
	v9 =	vor.u32 v9, v10;
	v10 =	vld [tilespmem:s1+$0x410];
	[tilespmem:s0+$0x10400] =	vst v3;
	v6 =	vadd.s32 $0x8000, v6  }
0x293: {  	s4 =	simm.s32 $0x80;
	v63 =	vld [tilespmem:s6+$0x420];
	s1 =	sand.u32 $0x8, s31;
	v3 =	vadd.s32 $0x8000, v61;
	v4 =	vshrl.u32 v4, $0x10;
	[tilespmem:s29+$0x60] =	vst v5;
	v5 =	vand.u32 $0xFFFF0000, v6  }
0x294: {  	s4 =	sand.u32 $0x3FFFF800, s4;
	s8 =	sshll.u32 s1, $0x8;
	s1 =	sshll.u32 s1, $0x7;
	[tilespmem:s29+$0x10] =	vst v9;
	v9 =	vadd.s32 $0x8000, v62;
	v6 =	vadd.s32 $0x8000, v8;
	v5 =	vor.u32 v4, v5;
	v4 =	vld [tilespmem:s6+$0x430]  }
0x295: {  	s0 =	sor.u32 s8, s7;
	s1 =	sor.u32 s1, s4;
	v8 =	vand.u32 $0xFFFF0000, v3;
	v3 =	vld [tilespmem:s6+$0x440];
	v6 =	vshrl.u32 v6, $0x10;
	v7 =	vadd.s32 $0x8000, v7  }
0x296: {  	v9 =	vand.u32 $0xFFFF0000, v9;
	s0 =	sor.u32 s9, s0;
	s1 =	sor.u32 s9, s1;
	[tilespmem:s29+$0x20] =	vst v5;
	v6 =	vor.u32 v6, v8;
	v5 =	vld [tilespmem:s6+$0x450];
	v8 =	vshrl.u32 v7, $0x10  }
0x297: {  	s4 =	sadd.s32 $0x10400, s1;
	v10 =	vadd.s32 $0x8000, v10;
	[tilespmem:s29+$0x30] =	vst v6;
	v6 =	vadd.s32 $0x8000, v11;
	v7 =	vld [tilespmem:s0+$0x0];
	v11 =	vor.u32 v8, v9  }
0x298: {  	v10 =	vand.u32 $0xFFFF0000, v10;
	v8 =	vshrl.u32 v6, $0x10;
	v6 =	vld [tilespmem:s0+$0x10];
	v9 =	vadd.s32 $0x8000, v63;
	[tilespmem:s4+$0x70] =	vst v11  }
.LBB2_10:
0x299: {  	s31 =	sadd.s32 $0x8, s31;
	v11 =	vld [tilespmem:s0+$0x20];
	v9 =	vshrl.u32 v9, $0x10;
	v4 =	vadd.s32 $0x8000, v4;
	v8 =	vor.u32 v8, v10  }
0x29a: {  	s6 =	sshll.u32 s31, $0x5;
	p0 =	slt.u32 s31, $0x3F8;
	v10 =	vld [tilespmem:s0+$0x30];
	v4 =	vand.u32 $0xFFFF0000, v4;
	v3 =	vadd.s32 $0x8000, v3;
	[tilespmem:s29+$0x40] =	vst v8;
	s29 =	smov.u32 s4  }
0x29b: {  	s28 =	sadd.s32 $0x800, s28;
	s4 =	sand.u32 $0x3FFFF000, s6;
	v8 =	vld [tilespmem:s0+$0x40];
	v4 =	vor.u32 v9, v4;
	v3 =	vshrl.u32 v3, $0x10;
	v5 =	vadd.s32 $0x8000, v5  }
0x29c: {  	s30 =	sadd.s32 $0x40, s30;
	s6 =	sand.u32 $0x800, s28;
	s4 =	sor.u32 $0x400, s4;
	v7 =	vadd.s32 $0x8000, v7;
	v9 =	vld [tilespmem:s0+$0x50];
	[tilespmem:s29+$0x50] =	vst v4;
	v4 =	vand.u32 $0xFFFF0000, v5  }
0x29d: {  	s7 =	sand.u32 $0x380, s30;
	s6 =	sor.u32 s6, s4;
	v5 =	vshrl.u32 v7, $0x10;
	v6 =	vadd.s32 $0x8000, v6;
	v7 =	vld [tilespmem:s0+$0x60];
	v3 =	vor.u32 v3, v4  }
0x29e: {  	s6 =	sor.u32 s7, s6;
	v4 =	vand.u32 $0xFFFF0000, v6;
	v6 =	vadd.s32 $0x8000, v11;
	v11 =	vld [tilespmem:s0+$0x70];
	[tilespmem:s29+$0x60] =	vst v3  }
0x29f: {  	v12 =	vld [tilespmem:s6+$0x460];
	v3 =	vor.u32 v5, v4;
	v4 =	vshrl.u32 v6, $0x10;
	v5 =	vadd.s32 $0x8000, v10  }
0x2a0: {  	v6 =	vld [tilespmem:s6+$0x470];
	[tilespmem:s1+$0x10400] =	vst v3;
	v3 =	vand.u32 $0xFFFF0000, v5;
	v5 =	vadd.s32 $0x8000, v8  }
0x2a1: {  	v3 =	vor.u32 v4, v3;
	v4 =	vshrl.u32 v5, $0x10;
	v5 =	vadd.s32 $0x8000, v9;
	v8 =	vld [tilespmem:s0+$0x400]  }
0x2a2: {  	s1 =	sshll.u32 s31, $0x4;
	[tilespmem:s29+$0x10] =	vst v3;
	v3 =	vand.u32 $0xFFFF0000, v5;
	v5 =	vadd.s32 $0x8000, v7;
	v9 =	vld [tilespmem:s0+$0x410]  }
0x2a3: {  	s1 =	sand.u32 $0x3FFFF800, s1;
	s0 =	sand.u32 $0x8, s31;
	v10 =	vld [tilespmem:s6+$0x420];
	v3 =	vor.u32 v4, v3;
	v5 =	vshrl.u32 v5, $0x10;
	v7 =	vadd.s32 $0x8000, v11  }
.Ltmp4:
0x2a4: {  	s8 =	sshll.u32 s0, $0x8;
	s0 =	sshll.u32 s0, $0x7;
	v4 =	vld [tilespmem:s6+$0x430];
	[tilespmem:s29+$0x20] =	vst v3;
	v7 =	vand.u32 $0xFFFF0000, v7;
	(pc) =	sbr.rel @p0 .LBB2_10-.Ltmp4, $4  }
0x2a5: {  	s4 =	sor.u32 s8, s4;
	s1 =	sor.u32 s0, s1;
	v11 =	vadd.s32 $0x8000, v12;
	v3 =	vld [tilespmem:s6+$0x440];
	v6 =	vadd.s32 $0x8000, v6;
	v7 =	vor.u32 v5, v7  }
0x2a6: {  	s0 =	sor.u32 s7, s4;
	s1 =	sor.u32 s7, s1;
	v11 =	vshrl.u32 v11, $0x10;
	v5 =	vld [tilespmem:s6+$0x450];
	v6 =	vand.u32 $0xFFFF0000, v6;
	[tilespmem:s29+$0x30] =	vst v7;
	v8 =	vadd.s32 $0x8000, v8  }
0x2a7: {  	s4 =	sadd.s32 $0x10400, s1;
	v7 =	vld [tilespmem:s0+$0x0];
	v11 =	vor.u32 v11, v6;
	v8 =	vshrl.u32 v8, $0x10;
	v12 =	vadd.s32 $0x8000, v9  }
0x2a8: {  	v6 =	vld [tilespmem:s0+$0x10];
	v9 =	vadd.s32 $0x8000, v10;
	[tilespmem:s4+$0x70] =	vst v11;
	v10 =	vand.u32 $0xFFFF0000, v12  }
0x2a9: {  	v11 =	vld [tilespmem:s0+$0x20]  }
0x2aa: {  	v12 =	vld [tilespmem:s0+$0x30]  }
0x2ab: {  	v4 =	vadd.s32 $0x8000, v4;
	v13 =	vld [tilespmem:s0+$0x40]  }
0x2ac: {  	v9 =	vshrl.u32 v9, $0x10;
	v8 =	vor.u32 v8, v10;
	v10 =	vld [tilespmem:s0+$0x50];
	v4 =	vand.u32 $0xFFFF0000, v4  }
0x2ad: {  	v14 =	vld [tilespmem:s0+$0x70];
	v3 =	vadd.s32 $0x8000, v3;
	v4 =	vor.u32 v9, v4;
	v5 =	vadd.s32 $0x8000, v5  }
0x2ae: {  	v15 =	vld [tilespmem:s0+$0x410];
	v3 =	vshrl.u32 v3, $0x10;
	v7 =	vadd.s32 $0x8000, v7;
	v5 =	vand.u32 $0xFFFF0000, v5  }
0x2af: {  	v9 =	vld [tilespmem:s0+$0x60];
	v7 =	vshrl.u32 v7, $0x10;
	v6 =	vadd.s32 $0x8000, v6;
	v3 =	vor.u32 v3, v5  }
0x2b0: {  	[tilespmem:s29+$0x40] =	vst v8;
	v5 =	vld [tilespmem:s0+$0x400];
	v6 =	vand.u32 $0xFFFF0000, v6;
	v11 =	vadd.s32 $0x8000, v11;
	v12 =	vadd.s32 $0x8000, v12  }
0x2b1: {  	[tilespmem:s4+$0x50] =	vst v4;
	v6 =	vor.u32 v7, v6;
	v7 =	vshrl.u32 v11, $0x10;
	v8 =	vand.u32 $0xFFFF0000, v12  }
0x2b2: {  	v4 =	vadd.s32 $0x8000, v13;
	[tilespmem:s4+$0x60] =	vst v3;
	v7 =	vor.u32 v7, v8;
	v8 =	vadd.s32 $0x8000, v10  }
0x2b3: {  	v3 =	vshrl.u32 v4, $0x10;
	[tilespmem:s1+$0x10400] =	vst v6;
	v6 =	vadd.s32 $0x8000, v14;
	v4 =	vand.u32 $0xFFFF0000, v8  }
0x2b4: {  	v8 =	vadd.s32 $0x8000, v9;
	[tilespmem:s4+$0x10] =	vst v7;
	v6 =	vand.u32 $0xFFFF0000, v6;
	v7 =	vadd.s32 $0x8000, v15  }
0x2b5: {  	v3 =	vor.u32 v3, v4;
	v4 =	vshrl.u32 v8, $0x10;
	v5 =	vadd.s32 $0x8000, v5  }
0x2b6: {  	[tilespmem:s4+$0x20] =	vst v3;
	v3 =	vor.u32 v4, v6;
	v4 =	vshrl.u32 v5, $0x10;
	v5 =	vand.u32 $0xFFFF0000, v7  }
0x2b7: {  	[tilespmem:s4+$0x30] =	vst v3;
	v3 =	vor.u32 v4, v5  }
0x2b8: {  	[tilespmem:s4+$0x40] =	vst v3  }
0x2b9: {  	s0 =	simm.s32 $0x0;
	s1 =	rddreg [dreg:$0x8]  }
0x2ba: {  	[hbm4b:s1+s0] =	stream.linear.scatter [tilespmem:s21], [sflag:$0x3], $0x4000, $0x38;
	[tilespmem:$0x18400] =	vst v63  }
0x2bb: {  	v3 =	vld [tilespmem:$0x300];
	_ =	sdelay $0x4  }
0x2bc: {  	v4 =	vshll.u32 v3, $0x2  }
0x2bd: {  	v3 =	vand.u32 $0x7, v3;
	v4 =	vand.u32 $0xFFFFFFE0, v4  }
0x2be: {  	v3 =	vor.u32 v3, v4  }
0x2bf: {  	v4 =	vperm.xlane v3, v0;
	_ =	sdelay $0x1  }
0x2c0: {  	v4 =	vadd.s32 v1, v4;
	_ =	sdelay $0x1  }
0x2c1: {  	v3 =	vperm.xlane v3, v2;
	_ =	sdelay $0x1  }
0x2c2: {  	s4 =	simm.s32 $0x400;
	v3 =	vadd.s32 v1, v3  }
0x2c3: {  	[tilespmem:s4], [sflag:$0x1] =	stream.indirect_vreg.gather [hbm4b:s2+s0], $0x80, v4, vm0, $0xb8;
	[tilespmem:$0x18400] =	vst v63  }
0x2c4: {  	s6 =	simm.s32 $0xC00  }
0x2c5: {  	[tilespmem:s6], [sflag:$0x1] =	stream.indirect_vreg.gather [hbm4b:s5+s0], $0x80, v4, vm0, $0xb8;
	[tilespmem:$0x18400] =	vst v63  }
0x2c6: {  	s7 =	simm.s32 $0x1400  }
0x2c7: {  	[tilespmem:s7], [sflag:$0x1] =	stream.indirect_vreg.gather [hbm4b:s2+s0], $0x80, v3, vm0, $0xb8;
	[tilespmem:$0x18400] =	vst v63  }
0x2c8: {  	s8 =	simm.s32 $0x1C00  }
0x2c9: {  	[tilespmem:s8], [sflag:$0x1] =	stream.indirect_vreg.gather [hbm4b:s5+s0], $0x80, v3, vm0, $0xb8;
	[tilespmem:$0x18400] =	vst v63  }
0x2ca: {  	v3 =	vld [tilespmem:$0x310];
	_ =	sdelay $0x4  }
0x2cb: {  	v4 =	vshll.u32 v3, $0x2  }
0x2cc: {  	v3 =	vand.u32 $0x7, v3;
	v4 =	vand.u32 $0xFFFFFFE0, v4  }
0x2cd: {  	v3 =	vor.u32 v3, v4  }
0x2ce: {  	v4 =	vperm.xlane v3, v0;
	_ =	sdelay $0x1  }
0x2cf: {  	v4 =	vadd.s32 v1, v4;
	_ =	sdelay $0x1  }
0x2d0: {  	v3 =	vperm.xlane v3, v2;
	_ =	sdelay $0x1  }
0x2d1: {  	s9 =	simm.s32 $0x2400;
	v3 =	vadd.s32 v1, v3  }
0x2d2: {  	[tilespmem:s9], [sflag:$0x1] =	stream.indirect_vreg.gather [hbm4b:s2+s0], $0x80, v4, vm0, $0xb8;
	[tilespmem:$0x18400] =	vst v63  }
0x2d3: {  	s4 =	simm.s32 $0x2C00  }
0x2d4: {  	[tilespmem:s4], [sflag:$0x1] =	stream.indirect_vreg.gather [hbm4b:s5+s0], $0x80, v4, vm0, $0xb8;
	[tilespmem:$0x18400] =	vst v63  }
0x2d5: {  	s6 =	simm.s32 $0x3400  }
0x2d6: {  	[tilespmem:s6], [sflag:$0x1] =	stream.indirect_vreg.gather [hbm4b:s2+s0], $0x80, v3, vm0, $0xb8;
	[tilespmem:$0x18400] =	vst v63  }
0x2d7: {  	s7 =	simm.s32 $0x3C00  }
0x2d8: {  	[tilespmem:s7], [sflag:$0x1] =	stream.indirect_vreg.gather [hbm4b:s5+s0], $0x80, v3, vm0, $0xb8;
	[tilespmem:$0x18400] =	vst v63  }
0x2d9: {  	v3 =	vld [tilespmem:$0x320];
	_ =	sdelay $0x4  }
0x2da: {  	v4 =	vshll.u32 v3, $0x2  }
0x2db: {  	v3 =	vand.u32 $0x7, v3;
	v4 =	vand.u32 $0xFFFFFFE0, v4  }
0x2dc: {  	v3 =	vor.u32 v3, v4  }
0x2dd: {  	v4 =	vperm.xlane v3, v0;
	_ =	sdelay $0x1  }
0x2de: {  	v4 =	vadd.s32 v1, v4;
	_ =	sdelay $0x1  }
0x2df: {  	v3 =	vperm.xlane v3, v2;
	_ =	sdelay $0x1  }
0x2e0: {  	s8 =	simm.s32 $0x4400;
	v3 =	vadd.s32 v1, v3  }
0x2e1: {  	[tilespmem:s8], [sflag:$0x1] =	stream.indirect_vreg.gather [hbm4b:s2+s0], $0x80, v4, vm0, $0xb8;
	[tilespmem:$0x18400] =	vst v63  }
0x2e2: {  	s9 =	simm.s32 $0x4C00  }
0x2e3: {  	[tilespmem:s9], [sflag:$0x1] =	stream.indirect_vreg.gather [hbm4b:s5+s0], $0x80, v4, vm0, $0xb8;
	[tilespmem:$0x18400] =	vst v63  }
0x2e4: {  	s4 =	simm.s32 $0x5400  }
0x2e5: {  	[tilespmem:s4], [sflag:$0x1] =	stream.indirect_vreg.gather [hbm4b:s2+s0], $0x80, v3, vm0, $0xb8;
	[tilespmem:$0x18400] =	vst v63  }
0x2e6: {  	s6 =	simm.s32 $0x5C00  }
0x2e7: {  	[tilespmem:s6], [sflag:$0x1] =	stream.indirect_vreg.gather [hbm4b:s5+s0], $0x80, v3, vm0, $0xb8;
	[tilespmem:$0x18400] =	vst v63  }
0x2e8: {  	v3 =	vld [tilespmem:$0x330];
	_ =	sdelay $0x4  }
0x2e9: {  	v4 =	vshll.u32 v3, $0x2  }
0x2ea: {  	v3 =	vand.u32 $0x7, v3;
	v4 =	vand.u32 $0xFFFFFFE0, v4  }
0x2eb: {  	v3 =	vor.u32 v3, v4  }
0x2ec: {  	v4 =	vperm.xlane v3, v0;
	_ =	sdelay $0x1  }
0x2ed: {  	v4 =	vadd.s32 v1, v4;
	_ =	sdelay $0x1  }
0x2ee: {  	v3 =	vperm.xlane v3, v2;
	_ =	sdelay $0x1  }
0x2ef: {  	s7 =	simm.s32 $0x6400;
	v3 =	vadd.s32 v1, v3  }
0x2f0: {  	[tilespmem:s7], [sflag:$0x1] =	stream.indirect_vreg.gather [hbm4b:s2+s0], $0x80, v4, vm0, $0xb8;
	[tilespmem:$0x18400] =	vst v63  }
0x2f1: {  	s8 =	simm.s32 $0x6C00  }
0x2f2: {  	[tilespmem:s8], [sflag:$0x1] =	stream.indirect_vreg.gather [hbm4b:s5+s0], $0x80, v4, vm0, $0xb8;
	[tilespmem:$0x18400] =	vst v63  }
0x2f3: {  	s9 =	simm.s32 $0x7400  }
0x2f4: {  	[tilespmem:s9], [sflag:$0x1] =	stream.indirect_vreg.gather [hbm4b:s2+s0], $0x80, v3, vm0, $0xb8;
	[tilespmem:$0x18400] =	vst v63  }
0x2f5: {  	s4 =	simm.s32 $0x7C00  }
0x2f6: {  	[tilespmem:s4], [sflag:$0x1] =	stream.indirect_vreg.gather [hbm4b:s5+s0], $0x80, v3, vm0, $0xb8;
	[tilespmem:$0x18400] =	vst v63  }
0x2f7: {  	_ =	swait.ge [sflag:s22], $0x8000  }
0x2f8: {  	s6 =	simm.s32 $0x0;
	[sflag:s22] =	ssyncset.done $0x0  }
0x2f9: {  	s1 =	sand.u32 $0x3FFFF000, s6;
	[sflag:s22] =	ssyncadd.s32 $0xFFFF8000  }
0x2fa: {  	s1 =	sadd.s32 $0x8400, s1;
	s7 =	sand.u32 $0x800, s0;
	_ =	swait.ge [sflag:s25], $0x4000  }
0x2fb: {  	s0 =	sand.u32 $0x380, s0;
	s4 =	sor.u32 s7, s1;
	[sflag:s25] =	ssyncset.done $0x0  }
0x2fc: {  	s4 =	sor.u32 s0, s4;
	[sflag:s25] =	ssyncadd.s32 $0xFFFFC000  }
0x2fd: {  	s6 =	simm.s32 $0x0;
	v3 =	vld [tilespmem:s4+$0x460]  }
0x2fe: {  	s6 =	sand.u32 $0x8, s6;
	v4 =	vld [tilespmem:s4+$0x470]  }
0x2ff: {  	s7 =	sshll.u32 s6, $0x8;
	v5 =	vld [tilespmem:s4+$0x420]  }
0x300: {  	s1 =	sor.u32 s7, s1;
	v6 =	vld [tilespmem:s4+$0x430]  }
0x301: {  	s1 =	sor.u32 s0, s1;
	v7 =	vld [tilespmem:s4+$0x440]  }
0x302: {  	v9 =	vld [tilespmem:s1+$0x0]  }
0x303: {  	v10 =	vld [tilespmem:s1+$0x10]  }
0x304: {  	v8 =	vld [tilespmem:s4+$0x450]  }
0x305: {  	s28 =	simm.s32 $0x800;
	s9 =	simm.s32 $0x100;
	v11 =	vld [tilespmem:s1+$0x20]  }
0x306: {  	s30 =	simm.s32 $0x40;
	s8 =	simm.s32 $0x0;
	s7 =	sand.u32 $0x3FFFF000, s9;
	v59 =	vld [tilespmem:s1+$0x30];
	v3 =	vadd.s32 $0x8000, v3;
	v4 =	vadd.s32 $0x8000, v4;
	v5 =	vadd.s32 $0x8000, v5  }
0x307: {  	s7 =	sadd.s32 $0x8400, s7;
	s4 =	sand.u32 $0x3FFFF800, s8;
	v60 =	vld [tilespmem:s1+$0x40];
	s8 =	sand.u32 $0x800, s28;
	v6 =	vadd.s32 $0x8000, v6;
	v7 =	vadd.s32 $0x8000, v7;
	v9 =	vadd.s32 $0x8000, v9  }
0x308: {  	s6 =	sshll.u32 s6, $0x7;
	s9 =	sand.u32 $0x380, s30;
	v61 =	vld [tilespmem:s1+$0x70];
	s8 =	sor.u32 s8, s7;
	v10 =	vadd.s32 $0x8000, v10;
	v3 =	vshrl.u32 v3, $0x10;
	v4 =	vand.u32 $0xFFFF0000, v4  }
0x309: {  	s4 =	sor.u32 s6, s4;
	s6 =	sor.u32 s9, s8;
	v3 =	vor.u32 v3, v4;
	v4 =	vshrl.u32 v5, $0x10;
	v5 =	vand.u32 $0xFFFF0000, v6;
	v6 =	vld [tilespmem:s1+$0x50]  }
0x30a: {  	s0 =	sor.u32 s0, s4;
	v62 =	vld [tilespmem:s6+$0x470];
	v11 =	vadd.s32 $0x8000, v11;
	v4 =	vor.u32 v4, v5;
	v5 =	vadd.s32 $0x8000, v8  }
0x30b: {  	s29 =	sadd.s32 $0x10400, s0;
	v12 =	vadd.s32 $0x8000, v59;
	v7 =	vshrl.u32 v7, $0x10;
	v8 =	vld [tilespmem:s1+$0x60];
	v5 =	vand.u32 $0xFFFF0000, v5  }
0x30c: {  	v9 =	vshrl.u32 v9, $0x10;
	v10 =	vand.u32 $0xFFFF0000, v10;
	[tilespmem:s29+$0x4070] =	vst v3;
	v5 =	vor.u32 v7, v5;
	v7 =	vld [tilespmem:s6+$0x460]  }
0x30d: {  	v3 =	vor.u32 v9, v10;
	v9 =	vshrl.u32 v11, $0x10;
	v10 =	vand.u32 $0xFFFF0000, v12;
	v11 =	vld [tilespmem:s1+$0x400];
	[tilespmem:s29+$0x4050] =	vst v4  }
0x30e: {  	s31 =	simm.s32 $0x8;
	v4 =	vadd.s32 $0x8000, v60;
	v9 =	vor.u32 v9, v10;
	v10 =	vld [tilespmem:s1+$0x410];
	[tilespmem:s0+$0x14400] =	vst v3;
	v6 =	vadd.s32 $0x8000, v6  }
0x30f: {  	s4 =	simm.s32 $0x80;
	v63 =	vld [tilespmem:s6+$0x420];
	s1 =	sand.u32 $0x8, s31;
	v3 =	vadd.s32 $0x8000, v61;
	v4 =	vshrl.u32 v4, $0x10;
	[tilespmem:s29+$0x4060] =	vst v5;
	v5 =	vand.u32 $0xFFFF0000, v6  }
0x310: {  	s4 =	sand.u32 $0x3FFFF800, s4;
	s8 =	sshll.u32 s1, $0x8;
	s1 =	sshll.u32 s1, $0x7;
	[tilespmem:s29+$0x4010] =	vst v9;
	v9 =	vadd.s32 $0x8000, v62;
	v6 =	vadd.s32 $0x8000, v8;
	v5 =	vor.u32 v4, v5;
	v4 =	vld [tilespmem:s6+$0x430]  }
0x311: {  	s0 =	sor.u32 s8, s7;
	s1 =	sor.u32 s1, s4;
	v8 =	vand.u32 $0xFFFF0000, v3;
	v3 =	vld [tilespmem:s6+$0x440];
	v6 =	vshrl.u32 v6, $0x10;
	v7 =	vadd.s32 $0x8000, v7  }
0x312: {  	v9 =	vand.u32 $0xFFFF0000, v9;
	s0 =	sor.u32 s9, s0;
	s1 =	sor.u32 s9, s1;
	[tilespmem:s29+$0x4020] =	vst v5;
	v6 =	vor.u32 v6, v8;
	v5 =	vld [tilespmem:s6+$0x450];
	v8 =	vshrl.u32 v7, $0x10  }
0x313: {  	s4 =	sadd.s32 $0x10400, s1;
	v10 =	vadd.s32 $0x8000, v10;
	[tilespmem:s29+$0x4030] =	vst v6;
	v6 =	vadd.s32 $0x8000, v11;
	v7 =	vld [tilespmem:s0+$0x0];
	v11 =	vor.u32 v8, v9  }
0x314: {  	v10 =	vand.u32 $0xFFFF0000, v10;
	v8 =	vshrl.u32 v6, $0x10;
	v6 =	vld [tilespmem:s0+$0x10];
	v9 =	vadd.s32 $0x8000, v63;
	[tilespmem:s4+$0x4070] =	vst v11  }
.LBB2_12:
0x315: {  	s31 =	sadd.s32 $0x8, s31;
	v11 =	vld [tilespmem:s0+$0x20];
	v9 =	vshrl.u32 v9, $0x10;
	v4 =	vadd.s32 $0x8000, v4;
	v8 =	vor.u32 v8, v10  }
0x316: {  	s6 =	sshll.u32 s31, $0x5;
	p0 =	slt.u32 s31, $0x3F8;
	v10 =	vld [tilespmem:s0+$0x30];
	v4 =	vand.u32 $0xFFFF0000, v4;
	v3 =	vadd.s32 $0x8000, v3;
	[tilespmem:s29+$0x4040] =	vst v8;
	s29 =	smov.u32 s4  }
0x317: {  	s28 =	sadd.s32 $0x800, s28;
	s4 =	sand.u32 $0x3FFFF000, s6;
	v8 =	vld [tilespmem:s0+$0x40];
	v4 =	vor.u32 v9, v4;
	v3 =	vshrl.u32 v3, $0x10;
	v5 =	vadd.s32 $0x8000, v5  }
0x318: {  	s30 =	sadd.s32 $0x40, s30;
	s6 =	sand.u32 $0x800, s28;
	s4 =	sadd.s32 $0x8400, s4;
	v7 =	vadd.s32 $0x8000, v7;
	v9 =	vld [tilespmem:s0+$0x50];
	[tilespmem:s29+$0x4050] =	vst v4;
	v4 =	vand.u32 $0xFFFF0000, v5  }
0x319: {  	s7 =	sand.u32 $0x380, s30;
	s6 =	sor.u32 s6, s4;
	v5 =	vshrl.u32 v7, $0x10;
	v6 =	vadd.s32 $0x8000, v6;
	v7 =	vld [tilespmem:s0+$0x60];
	v3 =	vor.u32 v3, v4  }
0x31a: {  	s6 =	sor.u32 s7, s6;
	v4 =	vand.u32 $0xFFFF0000, v6;
	v6 =	vadd.s32 $0x8000, v11;
	v11 =	vld [tilespmem:s0+$0x70];
	[tilespmem:s29+$0x4060] =	vst v3  }
0x31b: {  	v12 =	vld [tilespmem:s6+$0x460];
	v3 =	vor.u32 v5, v4;
	v4 =	vshrl.u32 v6, $0x10;
	v5 =	vadd.s32 $0x8000, v10  }
0x31c: {  	v6 =	vld [tilespmem:s6+$0x470];
	[tilespmem:s1+$0x14400] =	vst v3;
	v3 =	vand.u32 $0xFFFF0000, v5;
	v5 =	vadd.s32 $0x8000, v8  }
0x31d: {  	v3 =	vor.u32 v4, v3;
	v4 =	vshrl.u32 v5, $0x10;
	v5 =	vadd.s32 $0x8000, v9;
	v8 =	vld [tilespmem:s0+$0x400]  }
0x31e: {  	s1 =	sshll.u32 s31, $0x4;
	[tilespmem:s29+$0x4010] =	vst v3;
	v3 =	vand.u32 $0xFFFF0000, v5;
	v5 =	vadd.s32 $0x8000, v7;
	v9 =	vld [tilespmem:s0+$0x410]  }
0x31f: {  	s1 =	sand.u32 $0x3FFFF800, s1;
	s0 =	sand.u32 $0x8, s31;
	v10 =	vld [tilespmem:s6+$0x420];
	v3 =	vor.u32 v4, v3;
	v5 =	vshrl.u32 v5, $0x10;
	v7 =	vadd.s32 $0x8000, v11  }
.Ltmp5:
0x320: {  	s8 =	sshll.u32 s0, $0x8;
	s0 =	sshll.u32 s0, $0x7;
	v4 =	vld [tilespmem:s6+$0x430];
	[tilespmem:s29+$0x4020] =	vst v3;
	v7 =	vand.u32 $0xFFFF0000, v7;
	(pc) =	sbr.rel @p0 .LBB2_12-.Ltmp5, $4  }
0x321: {  	s4 =	sor.u32 s8, s4;
	s1 =	sor.u32 s0, s1;
	v11 =	vadd.s32 $0x8000, v12;
	v3 =	vld [tilespmem:s6+$0x440];
	v6 =	vadd.s32 $0x8000, v6;
	v7 =	vor.u32 v5, v7  }
0x322: {  	s0 =	sor.u32 s7, s4;
	s1 =	sor.u32 s7, s1;
	v11 =	vshrl.u32 v11, $0x10;
	v5 =	vld [tilespmem:s6+$0x450];
	v6 =	vand.u32 $0xFFFF0000, v6;
	[tilespmem:s29+$0x4030] =	vst v7;
	v8 =	vadd.s32 $0x8000, v8  }
0x323: {  	s4 =	sadd.s32 $0x10400, s1;
	v7 =	vld [tilespmem:s0+$0x0];
	v11 =	vor.u32 v11, v6;
	v8 =	vshrl.u32 v8, $0x10;
	v12 =	vadd.s32 $0x8000, v9  }
0x324: {  	v6 =	vld [tilespmem:s0+$0x10];
	v9 =	vadd.s32 $0x8000, v10;
	[tilespmem:s4+$0x4070] =	vst v11;
	v10 =	vand.u32 $0xFFFF0000, v12  }
0x325: {  	v11 =	vld [tilespmem:s0+$0x20]  }
0x326: {  	v12 =	vld [tilespmem:s0+$0x30]  }
0x327: {  	v4 =	vadd.s32 $0x8000, v4;
	v13 =	vld [tilespmem:s0+$0x40]  }
0x328: {  	v9 =	vshrl.u32 v9, $0x10;
	v8 =	vor.u32 v8, v10;
	v10 =	vld [tilespmem:s0+$0x50];
	v4 =	vand.u32 $0xFFFF0000, v4  }
0x329: {  	v14 =	vld [tilespmem:s0+$0x70];
	v3 =	vadd.s32 $0x8000, v3;
	v4 =	vor.u32 v9, v4;
	v5 =	vadd.s32 $0x8000, v5  }
0x32a: {  	v15 =	vld [tilespmem:s0+$0x410];
	v3 =	vshrl.u32 v3, $0x10;
	v7 =	vadd.s32 $0x8000, v7;
	v5 =	vand.u32 $0xFFFF0000, v5  }
0x32b: {  	v9 =	vld [tilespmem:s0+$0x60];
	v7 =	vshrl.u32 v7, $0x10;
	v6 =	vadd.s32 $0x8000, v6;
	v3 =	vor.u32 v3, v5  }
0x32c: {  	[tilespmem:s29+$0x4040] =	vst v8;
	v5 =	vld [tilespmem:s0+$0x400];
	v6 =	vand.u32 $0xFFFF0000, v6;
	v11 =	vadd.s32 $0x8000, v11;
	v12 =	vadd.s32 $0x8000, v12  }
0x32d: {  	[tilespmem:s4+$0x4050] =	vst v4;
	v6 =	vor.u32 v7, v6;
	v7 =	vshrl.u32 v11, $0x10;
	v8 =	vand.u32 $0xFFFF0000, v12  }
0x32e: {  	v4 =	vadd.s32 $0x8000, v13;
	[tilespmem:s4+$0x4060] =	vst v3;
	v7 =	vor.u32 v7, v8;
	v8 =	vadd.s32 $0x8000, v10  }
0x32f: {  	v3 =	vshrl.u32 v4, $0x10;
	[tilespmem:s1+$0x14400] =	vst v6;
	v6 =	vadd.s32 $0x8000, v14;
	v4 =	vand.u32 $0xFFFF0000, v8  }
0x330: {  	v8 =	vadd.s32 $0x8000, v9;
	[tilespmem:s4+$0x4010] =	vst v7;
	v6 =	vand.u32 $0xFFFF0000, v6;
	v7 =	vadd.s32 $0x8000, v15  }
0x331: {  	v3 =	vor.u32 v3, v4;
	v4 =	vshrl.u32 v8, $0x10;
	v5 =	vadd.s32 $0x8000, v5  }
0x332: {  	[tilespmem:s4+$0x4020] =	vst v3;
	v3 =	vor.u32 v4, v6;
	v4 =	vshrl.u32 v5, $0x10;
	v5 =	vand.u32 $0xFFFF0000, v7  }
0x333: {  	[tilespmem:s4+$0x4030] =	vst v3;
	v3 =	vor.u32 v4, v5  }
0x334: {  	[tilespmem:s4+$0x4040] =	vst v3  }
0x335: {  	s0 =	simm.s32 $0x0;
	s1 =	rddreg [dreg:$0x9]  }
0x336: {  	[hbm4b:s1+s0] =	stream.linear.scatter [tilespmem:s23], [sflag:$0x4], $0x4000, $0x38;
	[tilespmem:$0x18400] =	vst v63  }
0x337: {  	v3 =	vld [tilespmem:$0x380];
	_ =	sdelay $0x4  }
0x338: {  	v4 =	vshll.u32 v3, $0x2  }
0x339: {  	v3 =	vand.u32 $0x7, v3;
	v4 =	vand.u32 $0xFFFFFFE0, v4  }
0x33a: {  	v3 =	vor.u32 v3, v4  }
0x33b: {  	v4 =	vperm.xlane v3, v0;
	_ =	sdelay $0x1  }
0x33c: {  	v4 =	vadd.s32 v1, v4;
	_ =	sdelay $0x1  }
0x33d: {  	v3 =	vperm.xlane v3, v2;
	_ =	sdelay $0x1  }
0x33e: {  	s4 =	simm.s32 $0x8400;
	v3 =	vadd.s32 v1, v3  }
0x33f: {  	[tilespmem:s4], [sflag:$0x2] =	stream.indirect_vreg.gather [hbm4b:s2+s0], $0x80, v4, vm0, $0xb8;
	[tilespmem:$0x18400] =	vst v63  }
0x340: {  	s6 =	simm.s32 $0x8C00  }
0x341: {  	[tilespmem:s6], [sflag:$0x2] =	stream.indirect_vreg.gather [hbm4b:s5+s0], $0x80, v4, vm0, $0xb8;
	[tilespmem:$0x18400] =	vst v63  }
0x342: {  	s7 =	simm.s32 $0x9400  }
0x343: {  	[tilespmem:s7], [sflag:$0x2] =	stream.indirect_vreg.gather [hbm4b:s2+s0], $0x80, v3, vm0, $0xb8;
	[tilespmem:$0x18400] =	vst v63  }
0x344: {  	s8 =	simm.s32 $0x9C00  }
0x345: {  	[tilespmem:s8], [sflag:$0x2] =	stream.indirect_vreg.gather [hbm4b:s5+s0], $0x80, v3, vm0, $0xb8;
	[tilespmem:$0x18400] =	vst v63  }
0x346: {  	v3 =	vld [tilespmem:$0x390];
	_ =	sdelay $0x4  }
0x347: {  	v4 =	vshll.u32 v3, $0x2  }
0x348: {  	v3 =	vand.u32 $0x7, v3;
	v4 =	vand.u32 $0xFFFFFFE0, v4  }
0x349: {  	v3 =	vor.u32 v3, v4  }
0x34a: {  	v4 =	vperm.xlane v3, v0;
	_ =	sdelay $0x1  }
0x34b: {  	v4 =	vadd.s32 v1, v4;
	_ =	sdelay $0x1  }
0x34c: {  	v3 =	vperm.xlane v3, v2;
	_ =	sdelay $0x1  }
0x34d: {  	s9 =	simm.s32 $0xA400;
	v3 =	vadd.s32 v1, v3  }
0x34e: {  	[tilespmem:s9], [sflag:$0x2] =	stream.indirect_vreg.gather [hbm4b:s2+s0], $0x80, v4, vm0, $0xb8;
	[tilespmem:$0x18400] =	vst v63  }
0x34f: {  	s4 =	simm.s32 $0xAC00  }
0x350: {  	[tilespmem:s4], [sflag:$0x2] =	stream.indirect_vreg.gather [hbm4b:s5+s0], $0x80, v4, vm0, $0xb8;
	[tilespmem:$0x18400] =	vst v63  }
0x351: {  	_ = 	snop  }
0x352: {  	[tilespmem:s10], [sflag:$0x2] =	stream.indirect_vreg.gather [hbm4b:s2+s0], $0x80, v3, vm0, $0xb8;
	[tilespmem:$0x18400] =	vst v63  }
0x353: {  	_ = 	snop  }
0x354: {  	[tilespmem:s11], [sflag:$0x2] =	stream.indirect_vreg.gather [hbm4b:s5+s0], $0x80, v3, vm0, $0xb8;
	[tilespmem:$0x18400] =	vst v63  }
0x355: {  	v3 =	vld [tilespmem:$0x3A0];
	_ =	sdelay $0x4  }
0x356: {  	v4 =	vshll.u32 v3, $0x2  }
0x357: {  	v3 =	vand.u32 $0x7, v3;
	v4 =	vand.u32 $0xFFFFFFE0, v4  }
0x358: {  	v3 =	vor.u32 v3, v4  }
0x359: {  	v4 =	vperm.xlane v3, v0;
	_ =	sdelay $0x1  }
0x35a: {  	v4 =	vadd.s32 v1, v4;
	_ =	sdelay $0x1  }
0x35b: {  	v3 =	vperm.xlane v3, v2;
	_ =	sdelay $0x1  }
0x35c: {  	v3 =	vadd.s32 v1, v3  }
0x35d: {  	[tilespmem:s12], [sflag:$0x2] =	stream.indirect_vreg.gather [hbm4b:s2+s0], $0x80, v4, vm0, $0xb8;
	[tilespmem:$0x18400] =	vst v63  }
0x35e: {  	_ = 	snop  }
0x35f: {  	[tilespmem:s13], [sflag:$0x2] =	stream.indirect_vreg.gather [hbm4b:s5+s0], $0x80, v4, vm0, $0xb8;
	[tilespmem:$0x18400] =	vst v63  }
0x360: {  	_ = 	snop  }
0x361: {  	[tilespmem:s14], [sflag:$0x2] =	stream.indirect_vreg.gather [hbm4b:s2+s0], $0x80, v3, vm0, $0xb8;
	[tilespmem:$0x18400] =	vst v63  }
0x362: {  	_ = 	snop  }
0x363: {  	[tilespmem:s15], [sflag:$0x2] =	stream.indirect_vreg.gather [hbm4b:s5+s0], $0x80, v3, vm0, $0xb8;
	[tilespmem:$0x18400] =	vst v63  }
0x364: {  	v3 =	vld [tilespmem:$0x3B0];
	_ =	sdelay $0x4  }
0x365: {  	v4 =	vshll.u32 v3, $0x2  }
0x366: {  	v3 =	vand.u32 $0x7, v3;
	v4 =	vand.u32 $0xFFFFFFE0, v4  }
0x367: {  	v3 =	vor.u32 v3, v4  }
0x368: {  	v4 =	vperm.xlane v3, v0;
	_ =	sdelay $0x1  }
0x369: {  	v4 =	vadd.s32 v1, v4;
	_ =	sdelay $0x1  }
0x36a: {  	v3 =	vperm.xlane v3, v2;
	_ =	sdelay $0x1  }
0x36b: {  	v3 =	vadd.s32 v1, v3  }
0x36c: {  	[tilespmem:s16], [sflag:$0x2] =	stream.indirect_vreg.gather [hbm4b:s2+s0], $0x80, v4, vm0, $0xb8;
	[tilespmem:$0x18400] =	vst v63  }
0x36d: {  	_ = 	snop  }
0x36e: {  	[tilespmem:s17], [sflag:$0x2] =	stream.indirect_vreg.gather [hbm4b:s5+s0], $0x80, v4, vm0, $0xb8;
	[tilespmem:$0x18400] =	vst v63  }
0x36f: {  	_ = 	snop  }
0x370: {  	[tilespmem:s18], [sflag:$0x2] =	stream.indirect_vreg.gather [hbm4b:s2+s0], $0x80, v3, vm0, $0xb8;
	[tilespmem:$0x18400] =	vst v63  }
0x371: {  	_ = 	snop  }
0x372: {  	[tilespmem:s19], [sflag:$0x2] =	stream.indirect_vreg.gather [hbm4b:s5+s0], $0x80, v3, vm0, $0xb8;
	[tilespmem:$0x18400] =	vst v63  }
0x373: {  	_ =	swait.ge [sflag:s20], $0x8000  }
0x374: {  	s6 =	simm.s32 $0x0;
	[sflag:s20] =	ssyncset.done $0x0  }
0x375: {  	s1 =	sand.u32 $0x3FFFF000, s6;
	[sflag:s20] =	ssyncadd.s32 $0xFFFF8000  }
0x376: {  	s1 =	sor.u32 $0x400, s1;
	s7 =	sand.u32 $0x800, s0;
	_ =	swait.ge [sflag:s24], $0x4000  }
0x377: {  	s4 =	sor.u32 s7, s1;
	s0 =	sand.u32 $0x380, s0;
	[sflag:s24] =	ssyncset.done $0x0  }
0x378: {  	s4 =	sor.u32 s0, s4;
	[sflag:s24] =	ssyncadd.s32 $0xFFFFC000  }
0x379: {  	s6 =	simm.s32 $0x0;
	v3 =	vld [tilespmem:s4+$0x460]  }
0x37a: {  	s6 =	sand.u32 $0x8, s6;
	v4 =	vld [tilespmem:s4+$0x470]  }
0x37b: {  	s7 =	sshll.u32 s6, $0x8;
	v5 =	vld [tilespmem:s4+$0x420]  }
0x37c: {  	s1 =	sor.u32 s7, s1;
	v6 =	vld [tilespmem:s4+$0x430]  }
0x37d: {  	s1 =	sor.u32 s0, s1;
	v7 =	vld [tilespmem:s4+$0x440]  }
0x37e: {  	v9 =	vld [tilespmem:s1+$0x0]  }
0x37f: {  	v10 =	vld [tilespmem:s1+$0x10]  }
0x380: {  	v8 =	vld [tilespmem:s4+$0x450]  }
0x381: {  	s28 =	simm.s32 $0x800;
	s9 =	simm.s32 $0x100;
	v11 =	vld [tilespmem:s1+$0x20]  }
0x382: {  	s30 =	simm.s32 $0x40;
	s8 =	simm.s32 $0x0;
	s7 =	sand.u32 $0x3FFFF000, s9;
	v59 =	vld [tilespmem:s1+$0x30];
	v3 =	vadd.s32 $0x8000, v3;
	v4 =	vadd.s32 $0x8000, v4;
	v5 =	vadd.s32 $0x8000, v5  }
0x383: {  	s7 =	sor.u32 $0x400, s7;
	s4 =	sand.u32 $0x3FFFF800, s8;
	v60 =	vld [tilespmem:s1+$0x40];
	s8 =	sand.u32 $0x800, s28;
	v6 =	vadd.s32 $0x8000, v6;
	v7 =	vadd.s32 $0x8000, v7;
	v9 =	vadd.s32 $0x8000, v9  }
0x384: {  	s6 =	sshll.u32 s6, $0x7;
	s9 =	sand.u32 $0x380, s30;
	v61 =	vld [tilespmem:s1+$0x70];
	s8 =	sor.u32 s8, s7;
	v10 =	vadd.s32 $0x8000, v10;
	v3 =	vshrl.u32 v3, $0x10;
	v4 =	vand.u32 $0xFFFF0000, v4  }
0x385: {  	s4 =	sor.u32 s6, s4;
	s6 =	sor.u32 s9, s8;
	v3 =	vor.u32 v3, v4;
	v4 =	vshrl.u32 v5, $0x10;
	v5 =	vand.u32 $0xFFFF0000, v6;
	v6 =	vld [tilespmem:s1+$0x50]  }
0x386: {  	s0 =	sor.u32 s0, s4;
	v62 =	vld [tilespmem:s6+$0x470];
	v11 =	vadd.s32 $0x8000, v11;
	v4 =	vor.u32 v4, v5;
	v5 =	vadd.s32 $0x8000, v8  }
0x387: {  	s29 =	sadd.s32 $0x10400, s0;
	v12 =	vadd.s32 $0x8000, v59;
	v7 =	vshrl.u32 v7, $0x10;
	v8 =	vld [tilespmem:s1+$0x60];
	v5 =	vand.u32 $0xFFFF0000, v5  }
0x388: {  	v9 =	vshrl.u32 v9, $0x10;
	v10 =	vand.u32 $0xFFFF0000, v10;
	[tilespmem:s29+$0x70] =	vst v3;
	v5 =	vor.u32 v7, v5;
	v7 =	vld [tilespmem:s6+$0x460]  }
0x389: {  	v3 =	vor.u32 v9, v10;
	v9 =	vshrl.u32 v11, $0x10;
	v10 =	vand.u32 $0xFFFF0000, v12;
	v11 =	vld [tilespmem:s1+$0x400];
	[tilespmem:s29+$0x50] =	vst v4  }
0x38a: {  	s31 =	simm.s32 $0x8;
	v4 =	vadd.s32 $0x8000, v60;
	v9 =	vor.u32 v9, v10;
	v10 =	vld [tilespmem:s1+$0x410];
	[tilespmem:s0+$0x10400] =	vst v3;
	v6 =	vadd.s32 $0x8000, v6  }
0x38b: {  	s4 =	simm.s32 $0x80;
	v63 =	vld [tilespmem:s6+$0x420];
	s1 =	sand.u32 $0x8, s31;
	v3 =	vadd.s32 $0x8000, v61;
	v4 =	vshrl.u32 v4, $0x10;
	[tilespmem:s29+$0x60] =	vst v5;
	v5 =	vand.u32 $0xFFFF0000, v6  }
0x38c: {  	s4 =	sand.u32 $0x3FFFF800, s4;
	s8 =	sshll.u32 s1, $0x8;
	s1 =	sshll.u32 s1, $0x7;
	[tilespmem:s29+$0x10] =	vst v9;
	v9 =	vadd.s32 $0x8000, v62;
	v6 =	vadd.s32 $0x8000, v8;
	v5 =	vor.u32 v4, v5;
	v4 =	vld [tilespmem:s6+$0x430]  }
0x38d: {  	s0 =	sor.u32 s8, s7;
	s1 =	sor.u32 s1, s4;
	v8 =	vand.u32 $0xFFFF0000, v3;
	v3 =	vld [tilespmem:s6+$0x440];
	v6 =	vshrl.u32 v6, $0x10;
	v7 =	vadd.s32 $0x8000, v7  }
0x38e: {  	v9 =	vand.u32 $0xFFFF0000, v9;
	s0 =	sor.u32 s9, s0;
	s1 =	sor.u32 s9, s1;
	[tilespmem:s29+$0x20] =	vst v5;
	v6 =	vor.u32 v6, v8;
	v5 =	vld [tilespmem:s6+$0x450];
	v8 =	vshrl.u32 v7, $0x10  }
0x38f: {  	s4 =	sadd.s32 $0x10400, s1;
	v10 =	vadd.s32 $0x8000, v10;
	[tilespmem:s29+$0x30] =	vst v6;
	v6 =	vadd.s32 $0x8000, v11;
	v7 =	vld [tilespmem:s0+$0x0];
	v11 =	vor.u32 v8, v9  }
0x390: {  	v10 =	vand.u32 $0xFFFF0000, v10;
	v8 =	vshrl.u32 v6, $0x10;
	v6 =	vld [tilespmem:s0+$0x10];
	v9 =	vadd.s32 $0x8000, v63;
	[tilespmem:s4+$0x70] =	vst v11  }
.LBB2_14:
0x391: {  	s31 =	sadd.s32 $0x8, s31;
	v11 =	vld [tilespmem:s0+$0x20];
	v9 =	vshrl.u32 v9, $0x10;
	v4 =	vadd.s32 $0x8000, v4;
	v8 =	vor.u32 v8, v10  }
0x392: {  	s6 =	sshll.u32 s31, $0x5;
	p0 =	slt.u32 s31, $0x3F8;
	v10 =	vld [tilespmem:s0+$0x30];
	v4 =	vand.u32 $0xFFFF0000, v4;
	v3 =	vadd.s32 $0x8000, v3;
	[tilespmem:s29+$0x40] =	vst v8;
	s29 =	smov.u32 s4  }
0x393: {  	s28 =	sadd.s32 $0x800, s28;
	s4 =	sand.u32 $0x3FFFF000, s6;
	v8 =	vld [tilespmem:s0+$0x40];
	v4 =	vor.u32 v9, v4;
	v3 =	vshrl.u32 v3, $0x10;
	v5 =	vadd.s32 $0x8000, v5  }
0x394: {  	s30 =	sadd.s32 $0x40, s30;
	s6 =	sand.u32 $0x800, s28;
	s4 =	sor.u32 $0x400, s4;
	v7 =	vadd.s32 $0x8000, v7;
	v9 =	vld [tilespmem:s0+$0x50];
	[tilespmem:s29+$0x50] =	vst v4;
	v4 =	vand.u32 $0xFFFF0000, v5  }
0x395: {  	s7 =	sand.u32 $0x380, s30;
	s6 =	sor.u32 s6, s4;
	v5 =	vshrl.u32 v7, $0x10;
	v6 =	vadd.s32 $0x8000, v6;
	v7 =	vld [tilespmem:s0+$0x60];
	v3 =	vor.u32 v3, v4  }
0x396: {  	s6 =	sor.u32 s7, s6;
	v4 =	vand.u32 $0xFFFF0000, v6;
	v6 =	vadd.s32 $0x8000, v11;
	v11 =	vld [tilespmem:s0+$0x70];
	[tilespmem:s29+$0x60] =	vst v3  }
0x397: {  	v12 =	vld [tilespmem:s6+$0x460];
	v3 =	vor.u32 v5, v4;
	v4 =	vshrl.u32 v6, $0x10;
	v5 =	vadd.s32 $0x8000, v10  }
0x398: {  	v6 =	vld [tilespmem:s6+$0x470];
	[tilespmem:s1+$0x10400] =	vst v3;
	v3 =	vand.u32 $0xFFFF0000, v5;
	v5 =	vadd.s32 $0x8000, v8  }
0x399: {  	v3 =	vor.u32 v4, v3;
	v4 =	vshrl.u32 v5, $0x10;
	v5 =	vadd.s32 $0x8000, v9;
	v8 =	vld [tilespmem:s0+$0x400]  }
0x39a: {  	s1 =	sshll.u32 s31, $0x4;
	[tilespmem:s29+$0x10] =	vst v3;
	v3 =	vand.u32 $0xFFFF0000, v5;
	v5 =	vadd.s32 $0x8000, v7;
	v9 =	vld [tilespmem:s0+$0x410]  }
0x39b: {  	s1 =	sand.u32 $0x3FFFF800, s1;
	s0 =	sand.u32 $0x8, s31;
	v10 =	vld [tilespmem:s6+$0x420];
	v3 =	vor.u32 v4, v3;
	v5 =	vshrl.u32 v5, $0x10;
	v7 =	vadd.s32 $0x8000, v11  }
.Ltmp6:
0x39c: {  	s8 =	sshll.u32 s0, $0x8;
	s0 =	sshll.u32 s0, $0x7;
	v4 =	vld [tilespmem:s6+$0x430];
	[tilespmem:s29+$0x20] =	vst v3;
	v7 =	vand.u32 $0xFFFF0000, v7;
	(pc) =	sbr.rel @p0 .LBB2_14-.Ltmp6, $4  }
0x39d: {  	s4 =	sor.u32 s8, s4;
	s1 =	sor.u32 s0, s1;
	v11 =	vadd.s32 $0x8000, v12;
	v3 =	vld [tilespmem:s6+$0x440];
	v6 =	vadd.s32 $0x8000, v6;
	v7 =	vor.u32 v5, v7  }
0x39e: {  	s0 =	sor.u32 s7, s4;
	s1 =	sor.u32 s7, s1;
	v11 =	vshrl.u32 v11, $0x10;
	v5 =	vld [tilespmem:s6+$0x450];
	v6 =	vand.u32 $0xFFFF0000, v6;
	[tilespmem:s29+$0x30] =	vst v7;
	v8 =	vadd.s32 $0x8000, v8  }
0x39f: {  	s4 =	sadd.s32 $0x10400, s1;
	v7 =	vld [tilespmem:s0+$0x0];
	v11 =	vor.u32 v11, v6;
	v8 =	vshrl.u32 v8, $0x10;
	v12 =	vadd.s32 $0x8000, v9  }
0x3a0: {  	v6 =	vld [tilespmem:s0+$0x10];
	v9 =	vadd.s32 $0x8000, v10;
	[tilespmem:s4+$0x70] =	vst v11;
	v10 =	vand.u32 $0xFFFF0000, v12  }
0x3a1: {  	v11 =	vld [tilespmem:s0+$0x20]  }
0x3a2: {  	v12 =	vld [tilespmem:s0+$0x30]  }
0x3a3: {  	v4 =	vadd.s32 $0x8000, v4;
	v13 =	vld [tilespmem:s0+$0x40]  }
0x3a4: {  	v9 =	vshrl.u32 v9, $0x10;
	v8 =	vor.u32 v8, v10;
	v10 =	vld [tilespmem:s0+$0x50];
	v4 =	vand.u32 $0xFFFF0000, v4  }
0x3a5: {  	v14 =	vld [tilespmem:s0+$0x70];
	v3 =	vadd.s32 $0x8000, v3;
	v4 =	vor.u32 v9, v4;
	v5 =	vadd.s32 $0x8000, v5  }
0x3a6: {  	v15 =	vld [tilespmem:s0+$0x410];
	v3 =	vshrl.u32 v3, $0x10;
	v7 =	vadd.s32 $0x8000, v7;
	v5 =	vand.u32 $0xFFFF0000, v5  }
0x3a7: {  	v9 =	vld [tilespmem:s0+$0x60];
	v7 =	vshrl.u32 v7, $0x10;
	v6 =	vadd.s32 $0x8000, v6;
	v3 =	vor.u32 v3, v5  }
0x3a8: {  	[tilespmem:s29+$0x40] =	vst v8;
	v5 =	vld [tilespmem:s0+$0x400];
	v6 =	vand.u32 $0xFFFF0000, v6;
	v11 =	vadd.s32 $0x8000, v11;
	v12 =	vadd.s32 $0x8000, v12  }
0x3a9: {  	[tilespmem:s4+$0x50] =	vst v4;
	v6 =	vor.u32 v7, v6;
	v7 =	vshrl.u32 v11, $0x10;
	v8 =	vand.u32 $0xFFFF0000, v12  }
0x3aa: {  	v4 =	vadd.s32 $0x8000, v13;
	[tilespmem:s4+$0x60] =	vst v3;
	v7 =	vor.u32 v7, v8;
	v8 =	vadd.s32 $0x8000, v10  }
0x3ab: {  	v3 =	vshrl.u32 v4, $0x10;
	[tilespmem:s1+$0x10400] =	vst v6;
	v6 =	vadd.s32 $0x8000, v14;
	v4 =	vand.u32 $0xFFFF0000, v8  }
0x3ac: {  	v8 =	vadd.s32 $0x8000, v9;
	[tilespmem:s4+$0x10] =	vst v7;
	v6 =	vand.u32 $0xFFFF0000, v6;
	v7 =	vadd.s32 $0x8000, v15  }
0x3ad: {  	v3 =	vor.u32 v3, v4;
	v4 =	vshrl.u32 v8, $0x10;
	v5 =	vadd.s32 $0x8000, v5  }
0x3ae: {  	[tilespmem:s4+$0x20] =	vst v3;
	v3 =	vor.u32 v4, v6;
	v4 =	vshrl.u32 v5, $0x10;
	v5 =	vand.u32 $0xFFFF0000, v7  }
0x3af: {  	[tilespmem:s4+$0x30] =	vst v3;
	v3 =	vor.u32 v4, v5  }
0x3b0: {  	[tilespmem:s4+$0x40] =	vst v3  }
0x3b1: {  	s4 =	simm.s32 $0x0;
	s1 =	rddreg [dreg:$0xa]  }
0x3b2: {  	[hbm4b:s1+s4] =	stream.linear.scatter [tilespmem:s21], [sflag:$0x3], $0x4000, $0x38;
	[tilespmem:$0x18400] =	vst v63  }
0x3b3: {  	_ =	swait.ge [sflag:s22], $0x8000  }
0x3b4: {  	s6 =	simm.s32 $0x0;
	[sflag:s22] =	ssyncset.done $0x0  }
0x3b5: {  	s1 =	sand.u32 $0x3FFFF000, s6;
	[sflag:s22] =	ssyncadd.s32 $0xFFFF8000  }
0x3b6: {  	s7 =	sand.u32 $0x800, s4;
	s1 =	sadd.s32 $0x8400, s1;
	_ =	swait.ge [sflag:s25], $0x4000  }
0x3b7: {  	s0 =	sand.u32 $0x380, s4;
	s4 =	sor.u32 s7, s1;
	[sflag:s25] =	ssyncset.done $0x0  }
0x3b8: {  	s4 =	sor.u32 s0, s4;
	[sflag:s25] =	ssyncadd.s32 $0xFFFFC000  }
0x3b9: {  	s6 =	simm.s32 $0x0;
	v3 =	vld [tilespmem:s4+$0x460]  }
0x3ba: {  	s6 =	sand.u32 $0x8, s6;
	v4 =	vld [tilespmem:s4+$0x470]  }
0x3bb: {  	s7 =	sshll.u32 s6, $0x8;
	v5 =	vld [tilespmem:s4+$0x420]  }
0x3bc: {  	s1 =	sor.u32 s7, s1;
	v6 =	vld [tilespmem:s4+$0x430]  }
0x3bd: {  	s1 =	sor.u32 s0, s1;
	v7 =	vld [tilespmem:s4+$0x440]  }
0x3be: {  	v9 =	vld [tilespmem:s1+$0x0]  }
0x3bf: {  	v10 =	vld [tilespmem:s1+$0x10]  }
0x3c0: {  	v8 =	vld [tilespmem:s4+$0x450]  }
0x3c1: {  	s8 =	simm.s32 $0x0;
	s9 =	simm.s32 $0x100;
	v11 =	vld [tilespmem:s1+$0x20]  }
0x3c2: {  	s28 =	simm.s32 $0x800;
	s30 =	simm.s32 $0x40;
	s7 =	sand.u32 $0x3FFFF000, s9;
	v59 =	vld [tilespmem:s1+$0x30];
	v3 =	vadd.s32 $0x8000, v3;
	v4 =	vadd.s32 $0x8000, v4;
	v5 =	vadd.s32 $0x8000, v5  }
0x3c3: {  	s7 =	sadd.s32 $0x8400, s7;
	s4 =	sand.u32 $0x3FFFF800, s8;
	v60 =	vld [tilespmem:s1+$0x40];
	s8 =	sand.u32 $0x800, s28;
	v6 =	vadd.s32 $0x8000, v6;
	v7 =	vadd.s32 $0x8000, v7;
	v9 =	vadd.s32 $0x8000, v9  }
0x3c4: {  	s6 =	sshll.u32 s6, $0x7;
	s9 =	sand.u32 $0x380, s30;
	v61 =	vld [tilespmem:s1+$0x70];
	s8 =	sor.u32 s8, s7;
	v10 =	vadd.s32 $0x8000, v10;
	v3 =	vshrl.u32 v3, $0x10;
	v4 =	vand.u32 $0xFFFF0000, v4  }
0x3c5: {  	s4 =	sor.u32 s6, s4;
	s6 =	sor.u32 s9, s8;
	v3 =	vor.u32 v3, v4;
	v4 =	vshrl.u32 v5, $0x10;
	v5 =	vand.u32 $0xFFFF0000, v6;
	v6 =	vld [tilespmem:s1+$0x50]  }
0x3c6: {  	s0 =	sor.u32 s0, s4;
	v62 =	vld [tilespmem:s6+$0x470];
	v11 =	vadd.s32 $0x8000, v11;
	v4 =	vor.u32 v4, v5;
	v5 =	vadd.s32 $0x8000, v8  }
0x3c7: {  	s29 =	sadd.s32 $0x10400, s0;
	v12 =	vadd.s32 $0x8000, v59;
	v7 =	vshrl.u32 v7, $0x10;
	v8 =	vld [tilespmem:s1+$0x60];
	v5 =	vand.u32 $0xFFFF0000, v5  }
0x3c8: {  	v9 =	vshrl.u32 v9, $0x10;
	v10 =	vand.u32 $0xFFFF0000, v10;
	[tilespmem:s29+$0x4070] =	vst v3;
	v5 =	vor.u32 v7, v5;
	v7 =	vld [tilespmem:s6+$0x460]  }
0x3c9: {  	v3 =	vor.u32 v9, v10;
	v9 =	vshrl.u32 v11, $0x10;
	v10 =	vand.u32 $0xFFFF0000, v12;
	v11 =	vld [tilespmem:s1+$0x400];
	[tilespmem:s29+$0x4050] =	vst v4  }
0x3ca: {  	s31 =	simm.s32 $0x8;
	v4 =	vadd.s32 $0x8000, v60;
	v9 =	vor.u32 v9, v10;
	v10 =	vld [tilespmem:s1+$0x410];
	[tilespmem:s0+$0x14400] =	vst v3;
	v6 =	vadd.s32 $0x8000, v6  }
0x3cb: {  	s4 =	simm.s32 $0x80;
	v63 =	vld [tilespmem:s6+$0x420];
	s1 =	sand.u32 $0x8, s31;
	v3 =	vadd.s32 $0x8000, v61;
	v4 =	vshrl.u32 v4, $0x10;
	[tilespmem:s29+$0x4060] =	vst v5;
	v5 =	vand.u32 $0xFFFF0000, v6  }
0x3cc: {  	s4 =	sand.u32 $0x3FFFF800, s4;
	s8 =	sshll.u32 s1, $0x8;
	s1 =	sshll.u32 s1, $0x7;
	[tilespmem:s29+$0x4010] =	vst v9;
	v9 =	vadd.s32 $0x8000, v62;
	v6 =	vadd.s32 $0x8000, v8;
	v5 =	vor.u32 v4, v5;
	v4 =	vld [tilespmem:s6+$0x430]  }
0x3cd: {  	s0 =	sor.u32 s8, s7;
	s1 =	sor.u32 s1, s4;
	v8 =	vand.u32 $0xFFFF0000, v3;
	v3 =	vld [tilespmem:s6+$0x440];
	v6 =	vshrl.u32 v6, $0x10;
	v7 =	vadd.s32 $0x8000, v7  }
0x3ce: {  	v9 =	vand.u32 $0xFFFF0000, v9;
	s0 =	sor.u32 s9, s0;
	s1 =	sor.u32 s9, s1;
	[tilespmem:s29+$0x4020] =	vst v5;
	v6 =	vor.u32 v6, v8;
	v5 =	vld [tilespmem:s6+$0x450];
	v8 =	vshrl.u32 v7, $0x10  }
0x3cf: {  	s4 =	sadd.s32 $0x10400, s1;
	v10 =	vadd.s32 $0x8000, v10;
	[tilespmem:s29+$0x4030] =	vst v6;
	v6 =	vadd.s32 $0x8000, v11;
	v7 =	vld [tilespmem:s0+$0x0];
	v11 =	vor.u32 v8, v9  }
0x3d0: {  	v10 =	vand.u32 $0xFFFF0000, v10;
	v8 =	vshrl.u32 v6, $0x10;
	v6 =	vld [tilespmem:s0+$0x10];
	v9 =	vadd.s32 $0x8000, v63;
	[tilespmem:s4+$0x4070] =	vst v11  }
.LBB2_16:
0x3d1: {  	s31 =	sadd.s32 $0x8, s31;
	v11 =	vld [tilespmem:s0+$0x20];
	v9 =	vshrl.u32 v9, $0x10;
	v4 =	vadd.s32 $0x8000, v4;
	v8 =	vor.u32 v8, v10  }
0x3d2: {  	s6 =	sshll.u32 s31, $0x5;
	p0 =	slt.u32 s31, $0x3F8;
	v10 =	vld [tilespmem:s0+$0x30];
	v4 =	vand.u32 $0xFFFF0000, v4;
	v3 =	vadd.s32 $0x8000, v3;
	[tilespmem:s29+$0x4040] =	vst v8;
	s29 =	smov.u32 s4  }
0x3d3: {  	s28 =	sadd.s32 $0x800, s28;
	s4 =	sand.u32 $0x3FFFF000, s6;
	v8 =	vld [tilespmem:s0+$0x40];
	v4 =	vor.u32 v9, v4;
	v3 =	vshrl.u32 v3, $0x10;
	v5 =	vadd.s32 $0x8000, v5  }
0x3d4: {  	s30 =	sadd.s32 $0x40, s30;
	s6 =	sand.u32 $0x800, s28;
	s4 =	sadd.s32 $0x8400, s4;
	v7 =	vadd.s32 $0x8000, v7;
	v9 =	vld [tilespmem:s0+$0x50];
	[tilespmem:s29+$0x4050] =	vst v4;
	v4 =	vand.u32 $0xFFFF0000, v5  }
0x3d5: {  	s7 =	sand.u32 $0x380, s30;
	s6 =	sor.u32 s6, s4;
	v5 =	vshrl.u32 v7, $0x10;
	v6 =	vadd.s32 $0x8000, v6;
	v7 =	vld [tilespmem:s0+$0x60];
	v3 =	vor.u32 v3, v4  }
0x3d6: {  	s6 =	sor.u32 s7, s6;
	v4 =	vand.u32 $0xFFFF0000, v6;
	v6 =	vadd.s32 $0x8000, v11;
	v11 =	vld [tilespmem:s0+$0x70];
	[tilespmem:s29+$0x4060] =	vst v3  }
0x3d7: {  	v12 =	vld [tilespmem:s6+$0x460];
	v3 =	vor.u32 v5, v4;
	v4 =	vshrl.u32 v6, $0x10;
	v5 =	vadd.s32 $0x8000, v10  }
0x3d8: {  	v6 =	vld [tilespmem:s6+$0x470];
	[tilespmem:s1+$0x14400] =	vst v3;
	v3 =	vand.u32 $0xFFFF0000, v5;
	v5 =	vadd.s32 $0x8000, v8  }
0x3d9: {  	v3 =	vor.u32 v4, v3;
	v4 =	vshrl.u32 v5, $0x10;
	v5 =	vadd.s32 $0x8000, v9;
	v8 =	vld [tilespmem:s0+$0x400]  }
0x3da: {  	s1 =	sshll.u32 s31, $0x4;
	[tilespmem:s29+$0x4010] =	vst v3;
	v3 =	vand.u32 $0xFFFF0000, v5;
	v5 =	vadd.s32 $0x8000, v7;
	v9 =	vld [tilespmem:s0+$0x410]  }
0x3db: {  	s1 =	sand.u32 $0x3FFFF800, s1;
	s0 =	sand.u32 $0x8, s31;
	v10 =	vld [tilespmem:s6+$0x420];
	v3 =	vor.u32 v4, v3;
	v5 =	vshrl.u32 v5, $0x10;
	v7 =	vadd.s32 $0x8000, v11  }
.Ltmp7:
0x3dc: {  	s8 =	sshll.u32 s0, $0x8;
	s0 =	sshll.u32 s0, $0x7;
	v4 =	vld [tilespmem:s6+$0x430];
	[tilespmem:s29+$0x4020] =	vst v3;
	v7 =	vand.u32 $0xFFFF0000, v7;
	(pc) =	sbr.rel @p0 .LBB2_16-.Ltmp7, $4  }
0x3dd: {  	s4 =	sor.u32 s8, s4;
	s1 =	sor.u32 s0, s1;
	v11 =	vadd.s32 $0x8000, v12;
	v3 =	vld [tilespmem:s6+$0x440];
	v6 =	vadd.s32 $0x8000, v6;
	v7 =	vor.u32 v5, v7  }
0x3de: {  	s0 =	sor.u32 s7, s4;
	s1 =	sor.u32 s7, s1;
	v11 =	vshrl.u32 v11, $0x10;
	v5 =	vld [tilespmem:s6+$0x450];
	v6 =	vand.u32 $0xFFFF0000, v6;
	[tilespmem:s29+$0x4030] =	vst v7;
	v8 =	vadd.s32 $0x8000, v8  }
0x3df: {  	s4 =	sadd.s32 $0x10400, s1;
	v7 =	vld [tilespmem:s0+$0x0];
	v11 =	vor.u32 v11, v6;
	v8 =	vshrl.u32 v8, $0x10;
	v12 =	vadd.s32 $0x8000, v9  }
0x3e0: {  	v6 =	vld [tilespmem:s0+$0x10];
	v9 =	vadd.s32 $0x8000, v10;
	[tilespmem:s4+$0x4070] =	vst v11;
	v10 =	vand.u32 $0xFFFF0000, v12  }
0x3e1: {  	v11 =	vld [tilespmem:s0+$0x20]  }
0x3e2: {  	v12 =	vld [tilespmem:s0+$0x30]  }
0x3e3: {  	v13 =	vld [tilespmem:s0+$0x40]  }
0x3e4: {  	v48 =	vld [tilespmem:s0+$0x50]  }
0x3e5: {  	v49 =	vld [tilespmem:s0+$0x60]  }
0x3e6: {  	v4 =	vadd.s32 $0x8000, v4;
	v14 =	vld [tilespmem:s0+$0x70]  }
0x3e7: {  	v9 =	vshrl.u32 v9, $0x10;
	v8 =	vor.u32 v8, v10;
	v50 =	vld [tilespmem:s0+$0x400];
	v4 =	vand.u32 $0xFFFF0000, v4  }
0x3e8: {  	v15 =	vld [tilespmem:s0+$0x410];
	v3 =	vadd.s32 $0x8000, v3;
	v4 =	vor.u32 v9, v4;
	v5 =	vadd.s32 $0x8000, v5  }
0x3e9: {  	v3 =	vshrl.u32 v3, $0x10;
	v7 =	vadd.s32 $0x8000, v7;
	v5 =	vand.u32 $0xFFFF0000, v5  }
0x3ea: {  	v7 =	vshrl.u32 v7, $0x10;
	v6 =	vadd.s32 $0x8000, v6;
	v3 =	vor.u32 v3, v5  }
0x3eb: {  	v6 =	vand.u32 $0xFFFF0000, v6;
	v11 =	vadd.s32 $0x8000, v11;
	v12 =	vadd.s32 $0x8000, v12  }
0x3ec: {  	[tilespmem:s29+$0x4040] =	vst v8;
	v54 =	vadd.s32 $0x8000, v13;
	v55 =	vadd.s32 $0x8000, v48;
	v57 =	vadd.s32 $0x8000, v49  }
0x3ed: {  	[tilespmem:s4+$0x4050] =	vst v4;
	v59 =	vadd.s32 $0x8000, v14;
	v5 =	vadd.s32 $0x8000, v50;
	v61 =	vadd.s32 $0x8000, v15  }
0x3ee: {  	[tilespmem:s4+$0x4060] =	vst v3;
	v6 =	vor.u32 v7, v6;
	v51 =	vshrl.u32 v11, $0x10;
	v52 =	vand.u32 $0xFFFF0000, v12  }
0x3ef: {  	v3 =	vshrl.u32 v54, $0x10;
	v56 =	vand.u32 $0xFFFF0000, v55;
	v53 =	vor.u32 v51, v52;
	[tilespmem:s1+$0x14400] =	vst v6  }
0x3f0: {  	v58 =	vshrl.u32 v57, $0x10;
	v60 =	vand.u32 $0xFFFF0000, v59;
	v3 =	vor.u32 v3, v56;
	[tilespmem:s4+$0x4010] =	vst v53  }
0x3f1: {  	v62 =	vshrl.u32 v5, $0x10;
	v63 =	vand.u32 $0xFFFF0000, v61;
	[tilespmem:s4+$0x4020] =	vst v3;
	v3 =	vor.u32 v58, v60  }
0x3f2: {  	[tilespmem:s4+$0x4030] =	vst v3;
	v3 =	vor.u32 v62, v63  }
0x3f3: {  	[tilespmem:s4+$0x4040] =	vst v3  }
0x3f4: {  	s30 =	rddreg [dreg:$0xb]  }
0x3f5: {  	[hbm4b:s30+s3] =	stream.linear.scatter [tilespmem:s23], [sflag:$0x4], $0x4000, $0x38;
	[tilespmem:$0x18400] =	vst v63  }
0x3f6: {  	_ =	swait.ge [sflag:s24], $0x4000  }
0x3f7: {  	[sflag:s24] =	ssyncset.done $0x0  }
0x3f8: {  	[sflag:s24] =	ssyncadd.s32 $0xFFFFC000  }
0x3f9: {  	_ =	swait.ge [sflag:s25], $0x4000  }
0x3fa: {  	s26 =	sadd.s32 $0x1, s26;
	s31 =	rddreg [dreg:$0xc]  }
0x3fb: {  	p0 =	sne.s32 s26, s31  }
.Ltmp8:
0x3fc: {  	_ = 	snop;
	(pc) =	sbr.rel @p0 .LBB2_1-.Ltmp8, $3  }
0x3fd: {  	_ =	sdelay $0x1  }
0x3fe: {  	[sflag:s25] =	ssyncset.done $0x0  }
0x3ff: {  	[sflag:s25] =	ssyncadd.s32 $0xFFFFC000  }
0x400: {  	_ =	sfence.sel $0x180000  }
0x401: {  	[bflag:$0x0] =	sbarrier.arrive $0xFFFF  }
0x402: {  	_ =	strace $0x9000004A  }
0x403: {  	s0 =	stileid.u32;
	[bflag:$0x2] =	sbarrier.arrive $0xFFFF  }
0x404: {  	p0 =	sne.s32 s0, $0x0;
	s0 =	rddreg [dreg:$0x2]  }
0x405: {  	s0 =	sadd.s32 @!p0 $0x100000, s0  }
0x406: {  	[sflag:s0] =	ssyncadd.tile.s32 @!p0 $0x1;
	_ =	shalt  }
.Lfunc_end2:
_tile_overlayer_lowered:
.L_overlay_start_2:
0x407: {  	(tag) =	ssettag $0x2  }
0x408: {  	s0 =	rddreg [dreg:$0x0];
	s2 =	stileid.u32  }
0x409: {  	s1 =	rddreg [dreg:$0x1];
	p0 =	sne.s32 s2, $0x0  }
0x40a: {  	s3 =	rddreg [dreg:$0x2];
	[bflag:$0x3] =	sbarrier.arrive $0xFFFF;
	s2 =	simm.s32 @!p0 $0x1C05  }
0x40b: {  	[timem:s3], [sflag:s2] =	dma.local @!p0 [hbm:s0], s1  }
0x40c: {  	s0 =	simm.s32 @!p0 $0x5  }
0x40d: {  	_ =	swait.ge @!p0 [sflag:s0], s1  }
0x40e: {  	s1 =	ssub.s32 @!p0 $0x0, s1;
	[sflag:s0] =	ssyncset.done @!p0 $0x0  }
0x40f: {  	[sflag:s0] =	ssyncadd.s32 @!p0 s1  }
0x410: {  	[bflag:$0x3] =	sbarrier.arrive $0xFFFF  }
0x411: {  	_ =	shalt  }

</sc_bundles>
